<compile_context>
chip_gen: v7x
topology: tpu7x:2x2x1
jax: 0.10.2.dev20260603
libtpu: 0.0.44.dev20260713+nightly
codegen_flags: <defaults>
</compile_context>

<pallas_src>
import functools

import jax
import jax.numpy as jnp
from jax import lax
from jax.experimental import pallas as pl
from jax.experimental.pallas import tpu as pltpu
from jax.experimental.pallas import tpu_sc as plsc

DIM = 64
NNEG = 20
LANES = 16
NSLICE = DIM // LANES
NPAD = 32


def _make_sc_scores(vocab, batch, dim, nneg):
    info = plsc.get_sparse_core_info()
    nw = info.num_cores * info.num_subcores
    bw = batch // nw
    egrp = 16
    ngrp = bw // egrp
    rows_g = egrp * nneg
    mesh = plsc.VectorSubcoreMesh(core_axis_name="c", subcore_axis_name="s")

    @functools.partial(
        pl.kernel,
        out_type=[
            jax.ShapeDtypeStruct((batch,), jnp.float32),
            jax.ShapeDtypeStruct((batch, NPAD), jnp.float32),
        ],
        mesh=mesh,
        scratch_types=[
            pltpu.VMEM((bw,), jnp.int32),
            pltpu.VMEM((bw,), jnp.int32),
            pltpu.VMEM((bw * nneg,), jnp.int32),
            pltpu.VMEM((bw, dim), jnp.float32),
            pltpu.VMEM((bw, dim), jnp.float32),
            pltpu.VMEM((rows_g, dim), jnp.float32),
            pltpu.VMEM((bw,), jnp.float32),
            pltpu.VMEM((bw, NPAD), jnp.float32),
            pltpu.SemaphoreType.DMA,
        ],
        compiler_params=pltpu.CompilerParams(use_tc_tiling_on_sc=False),
    )
    def sc_scores(c_hbm, p_hbm, n_hbm, in_hbm, out_hbm, pos_o, neg_o,
                  cidx, pidx, nidx, crow, prow, nrow, ps, ns, sem):
        wid = lax.axis_index("s") * info.num_cores + lax.axis_index("c")
        base = wid * bw
        lane = lax.iota(jnp.int32, LANES)

        pltpu.sync_copy(c_hbm.at[pl.ds(base, bw)], cidx)
        pltpu.sync_copy(p_hbm.at[pl.ds(base, bw)], pidx)
        pltpu.sync_copy(n_hbm.at[pl.ds(base * nneg, bw * nneg)], nidx)

        pltpu.async_copy(in_hbm.at[cidx], crow, sem).wait()
        pltpu.async_copy(out_hbm.at[pidx], prow, sem).wait()

        def dot_row(a_ref, i, b_ref, j):
            acc = a_ref[i, pl.ds(0, LANES)] * b_ref[j, pl.ds(0, LANES)]
            for k in range(1, NSLICE):
                acc += (a_ref[i, pl.ds(k * LANES, LANES)]
                        * b_ref[j, pl.ds(k * LANES, LANES)])
            for sh in (8, 4, 2, 1):
                acc = acc + jnp.take(acc, lane ^ sh)
            return acc

        def pos_body(v, _):
            vec = jnp.zeros((LANES,), jnp.float32)
            for e in range(LANES):
                s = dot_row(crow, v * LANES + e, prow, v * LANES + e)
                vec = jnp.where(lane == e, s, vec)
            ps[pl.ds(v * LANES, LANES)] = vec
            return 0
        lax.fori_loop(0, bw // LANES, pos_body, 0)

        def grp_body(g, _):
            pltpu.async_copy(
                out_hbm.at[nidx.at[pl.ds(g * rows_g, rows_g)]], nrow, sem
            ).wait()

            def elem_body(e, _):
                i = g * egrp + e
                lo = jnp.zeros((LANES,), jnp.float32)
                hi = jnp.zeros((LANES,), jnp.float32)
                for j in range(nneg):
                    s = dot_row(crow, i, nrow, e * nneg + j)
                    if j < LANES:
                        lo = jnp.where(lane == j, s, lo)
                    else:
                        hi = jnp.where(lane == j - LANES, s, hi)
                ns[i, pl.ds(0, LANES)] = lo
                ns[i, pl.ds(LANES, LANES)] = hi
                return 0
            lax.fori_loop(0, egrp, elem_body, 0)
            return 0
        lax.fori_loop(0, ngrp, grp_body, 0)

        pltpu.sync_copy(ps, pos_o.at[pl.ds(base, bw)])
        pltpu.sync_copy(ns, neg_o.at[pl.ds(base, bw)])

    return sc_scores


def _loss_body(pos_ref, neg_ref, out_ref, *, batch, nneg):
    def ls(x):
        return jnp.minimum(x, 0.0) - jnp.log1p(jnp.exp(-jnp.abs(x)))
    col = lax.broadcasted_iota(jnp.int32, neg_ref.shape, 1)
    neg_ls = jnp.where(col < nneg, ls(-neg_ref[...]), 0.0)
    total = jnp.sum(ls(pos_ref[...])) + jnp.sum(neg_ls)
    out_ref[...] = jnp.broadcast_to(-total / batch, (1, 1))


def kernel(center_words, context_words, negative_words, in_emb, out_emb):
    vocab, dim = in_emb.shape
    batch = center_words.shape[0]
    nneg = negative_words.shape[1]

    sc_scores = _make_sc_scores(vocab, batch, dim, nneg)
    pos_s, neg_s = sc_scores(
        center_words, context_words, negative_words.reshape(-1),
        in_emb, out_emb)

    pos2 = pos_s.reshape(batch // 128, 128)
    loss = pl.pallas_call(
        functools.partial(_loss_body, batch=batch, nneg=nneg),
        out_shape=jax.ShapeDtypeStruct((1, 1), jnp.float32),
    )(pos2, neg_s)
    return loss.reshape(())

# --- scband reference (transcript-rebuilt; emitter-appended) ---
"""Pipeline reference for scband-item2-vec-22282290332251 (READ-ONLY COPY).

The authoritative reference and input builder live on the scoring server;
editing this copy changes nothing except your own understanding.
"""

import jax, jax.numpy as jnp
import numpy as np

VOCAB = 1000000
DIM = 64
B = 16384
NNEG = 20


def setup_inputs(seed: int = 0) -> dict:
    key = jax.random.key(seed)
    k1, k2, k3, k4, k5 = jax.random.split(key, 5)
    init_range = 0.5 / DIM
    in_emb = jax.random.uniform(k1, (VOCAB, DIM), minval=-init_range, maxval=init_range, dtype=jnp.float32)
    out_emb = jax.random.uniform(k2, (VOCAB, DIM), minval=-init_range, maxval=init_range, dtype=jnp.float32)
    center_words = jax.random.randint(k3, (B,), 0, VOCAB, dtype=jnp.int32)
    context_words = jax.random.randint(k4, (B,), 0, VOCAB, dtype=jnp.int32)
    negative_words = jax.random.randint(k5, (B, NNEG), 0, VOCAB, dtype=jnp.int32)
    return {
        "center_words": center_words,
        "context_words": context_words,
        "negative_words": negative_words,
        "in_emb": in_emb,
        "out_emb": out_emb,
    }


def reference(center_words, context_words, negative_words, in_emb, out_emb):
    # center = self.in_embeddings(center_words)
    center = jnp.take(in_emb, center_words, axis=0)            # [B, D]
    # pos = self.out_embeddings(context_words)
    pos = jnp.take(out_emb, context_words, axis=0)             # [B, D]
    pos_score = jnp.sum(center * pos, axis=1)                  # [B]
    pos_loss = jax.nn.log_sigmoid(pos_score)                   # [B]
    # neg = self.out_embeddings(negative_words)
    neg = jnp.take(out_emb, negative_words, axis=0)            # [B, NNEG, D]
    neg_score = jnp.sum(neg * center[:, None, :], axis=2)      # [B, NNEG]
    neg_loss = jnp.sum(jax.nn.log_sigmoid(-neg_score), axis=1) # [B]
    return -jnp.mean(pos_loss + neg_loss)

if __name__ == "__main__":
    import jax
    _d = setup_inputs()
    print(jax.jit(kernel)(*tuple(_d.values())))

</pallas_src>

<mosaic_0001>
#map = affine_map<(d0, d1) -> (0)>
#map1 = affine_map<(d0, d1) -> (0, 0)>
module attributes {stable_mosaic.version = 14 : i64} {
  func.func @sc_scores(%arg0: i32, %arg1: i32, %arg2: memref<16384xi32, #tpu.memory_space<hbm>>, %arg3: memref<16384xi32, #tpu.memory_space<hbm>>, %arg4: memref<327680xi32, #tpu.memory_space<hbm>>, %arg5: memref<1000000x64xf32, #tpu.memory_space<hbm>>, %arg6: memref<1000000x64xf32, #tpu.memory_space<hbm>>, %arg7: memref<16384xf32, #tpu.memory_space<hbm>>, %arg8: memref<16384x32xf32, #tpu.memory_space<hbm>>, %arg9: memref<512xi32, #tpu.memory_space<vmem>>, %arg10: memref<512xi32, #tpu.memory_space<vmem>>, %arg11: memref<10240xi32, #tpu.memory_space<vmem>>, %arg12: memref<512x64xf32, #tpu.memory_space<vmem>>, %arg13: memref<512x64xf32, #tpu.memory_space<vmem>>, %arg14: memref<320x64xf32, #tpu.memory_space<vmem>>, %arg15: memref<512xf32, #tpu.memory_space<vmem>>, %arg16: memref<512x32xf32, #tpu.memory_space<vmem>>, %arg17: memref<!tpu.dma_semaphore, #tpu.memory_space<semaphore_mem>>) attributes {dimension_semantics = [#tpu.dimension_semantics<core_parallel>, #tpu.dimension_semantics<subcore_parallel>], iteration_bounds = array<i64: 2, 16>, scalar_prefetch = 0 : i64, scratch_operands = 9 : i64, tpu.core_type = #tpu.core_type<sc_vector_subcore>, window_params = [{transform_indices = #map}, {transform_indices = #map}, {transform_indices = #map}, {transform_indices = #map1}, {transform_indices = #map1}, {transform_indices = #map}, {transform_indices = #map1}]} {
    %mul3A = arith.constant 2 : i32
    %mul3A_0 = arith.muli %arg1, %mul3A : i32
    %add3A = arith.addi %mul3A_0, %arg0 : i32
    %mul3A_1 = arith.constant 512 : i32
    %mul3A_2 = arith.muli %add3A, %mul3A_1 : i32
    %iota3A = tpu.iota {dimensions = array<i32: 0>} : vector<16xi32>
    "tpu.region"() ({
      %run_scoped3A = tpu.sem_alloc : memref<!tpu.dma_semaphore, #tpu.memory_space<semaphore_mem>>
      %dma_start3A_28 = tpu.memref_slice %arg2[%mul3A_2] : memref<16384xi32, #tpu.memory_space<hbm>> -> memref<512xi32, #tpu.memory_space<hbm>>
      %dma_start3A_29 = tpu.memref_slice %arg2[%mul3A_2] : memref<16384xi32, #tpu.memory_space<hbm>> -> memref<512xi32, #tpu.memory_space<hbm>>
      tpu.enqueue_dma source(%dma_start3A_29 : memref<512xi32, #tpu.memory_space<hbm>>) target(%arg9 : memref<512xi32, #tpu.memory_space<vmem>>) target_semaphore(%run_scoped3A : memref<!tpu.dma_semaphore, #tpu.memory_space<semaphore_mem>>)
      %dma_wait3A_30 = tpu.memref_slice %arg2[%mul3A_2] : memref<16384xi32, #tpu.memory_space<hbm>> -> memref<512xi32, #tpu.memory_space<hbm>>
      %dma_wait3A_31 = tpu.memref_slice %arg2[%mul3A_2] : memref<16384xi32, #tpu.memory_space<hbm>> -> memref<512xi32, #tpu.memory_space<hbm>>
      tpu.wait_dma2 semaphore(%run_scoped3A : memref<!tpu.dma_semaphore, #tpu.memory_space<semaphore_mem>>) src(%dma_wait3A_31 : memref<512xi32, #tpu.memory_space<hbm>>) dst(%arg9 : memref<512xi32, #tpu.memory_space<vmem>>)
      tpu.yield
    }) : () -> ()
    "tpu.region"() ({
      %run_scoped3A = tpu.sem_alloc : memref<!tpu.dma_semaphore, #tpu.memory_space<semaphore_mem>>
      %dma_start3A_28 = tpu.memref_slice %arg3[%mul3A_2] : memref<16384xi32, #tpu.memory_space<hbm>> -> memref<512xi32, #tpu.memory_space<hbm>>
      %dma_start3A_29 = tpu.memref_slice %arg3[%mul3A_2] : memref<16384xi32, #tpu.memory_space<hbm>> -> memref<512xi32, #tpu.memory_space<hbm>>
      tpu.enqueue_dma source(%dma_start3A_29 : memref<512xi32, #tpu.memory_space<hbm>>) target(%arg10 : memref<512xi32, #tpu.memory_space<vmem>>) target_semaphore(%run_scoped3A : memref<!tpu.dma_semaphore, #tpu.memory_space<semaphore_mem>>)
      %dma_wait3A_30 = tpu.memref_slice %arg3[%mul3A_2] : memref<16384xi32, #tpu.memory_space<hbm>> -> memref<512xi32, #tpu.memory_space<hbm>>
      %dma_wait3A_31 = tpu.memref_slice %arg3[%mul3A_2] : memref<16384xi32, #tpu.memory_space<hbm>> -> memref<512xi32, #tpu.memory_space<hbm>>
      tpu.wait_dma2 semaphore(%run_scoped3A : memref<!tpu.dma_semaphore, #tpu.memory_space<semaphore_mem>>) src(%dma_wait3A_31 : memref<512xi32, #tpu.memory_space<hbm>>) dst(%arg10 : memref<512xi32, #tpu.memory_space<vmem>>)
      tpu.yield
    }) : () -> ()
    %mul3A_3 = arith.constant 20 : i32
    %mul3A_4 = arith.muli %mul3A_2, %mul3A_3 : i32
    "tpu.region"() ({
      %run_scoped3A = tpu.sem_alloc : memref<!tpu.dma_semaphore, #tpu.memory_space<semaphore_mem>>
      %dma_start3A_28 = tpu.memref_slice %arg4[%mul3A_4] : memref<327680xi32, #tpu.memory_space<hbm>> -> memref<10240xi32, #tpu.memory_space<hbm>>
      %dma_start3A_29 = tpu.memref_slice %arg4[%mul3A_4] : memref<327680xi32, #tpu.memory_space<hbm>> -> memref<10240xi32, #tpu.memory_space<hbm>>
      tpu.enqueue_dma source(%dma_start3A_29 : memref<10240xi32, #tpu.memory_space<hbm>>) target(%arg11 : memref<10240xi32, #tpu.memory_space<vmem>>) target_semaphore(%run_scoped3A : memref<!tpu.dma_semaphore, #tpu.memory_space<semaphore_mem>>)
      %dma_wait3A_30 = tpu.memref_slice %arg4[%mul3A_4] : memref<327680xi32, #tpu.memory_space<hbm>> -> memref<10240xi32, #tpu.memory_space<hbm>>
      %dma_wait3A_31 = tpu.memref_slice %arg4[%mul3A_4] : memref<327680xi32, #tpu.memory_space<hbm>> -> memref<10240xi32, #tpu.memory_space<hbm>>
      tpu.wait_dma2 semaphore(%run_scoped3A : memref<!tpu.dma_semaphore, #tpu.memory_space<semaphore_mem>>) src(%dma_wait3A_31 : memref<10240xi32, #tpu.memory_space<hbm>>) dst(%arg11 : memref<10240xi32, #tpu.memory_space<vmem>>)
      tpu.yield
    }) : () -> ()
    %dma_start3A = arith.constant 0 : i32
    %dma_start3A_5 = arith.constant 0 : i32
    %dma_start3A_6 = tpu.memref_slice %arg5[%dma_start3A, %dma_start3A_5] : memref<1000000x64xf32, #tpu.memory_space<hbm>> -> memref<1000000x64xf32, #tpu.memory_space<hbm>>
    tpu.enqueue_indirect_dma source(%dma_start3A_6 : memref<1000000x64xf32, #tpu.memory_space<hbm>>) target(%arg12 : memref<512x64xf32, #tpu.memory_space<vmem>>) offsets(%arg9 : memref<512xi32, #tpu.memory_space<vmem>>) semaphore(%arg17 : memref<!tpu.dma_semaphore, #tpu.memory_space<semaphore_mem>>)
    %dma_wait3A = arith.constant 0 : i32
    %dma_wait3A_7 = arith.constant 0 : i32
    %dma_wait3A_8 = tpu.memref_slice %arg5[%dma_wait3A, %dma_wait3A_7] : memref<1000000x64xf32, #tpu.memory_space<hbm>> -> memref<1000000x64xf32, #tpu.memory_space<hbm>>
    tpu.wait_indirect_dma semaphore(%arg17 : memref<!tpu.dma_semaphore, #tpu.memory_space<semaphore_mem>>) src(%dma_wait3A_8 : memref<1000000x64xf32, #tpu.memory_space<hbm>>) dst(%arg12 : memref<512x64xf32, #tpu.memory_space<vmem>>)
    %dma_start3A_9 = arith.constant 0 : i32
    %dma_start3A_10 = arith.constant 0 : i32
    %dma_start3A_11 = tpu.memref_slice %arg6[%dma_start3A_9, %dma_start3A_10] : memref<1000000x64xf32, #tpu.memory_space<hbm>> -> memref<1000000x64xf32, #tpu.memory_space<hbm>>
    tpu.enqueue_indirect_dma source(%dma_start3A_11 : memref<1000000x64xf32, #tpu.memory_space<hbm>>) target(%arg13 : memref<512x64xf32, #tpu.memory_space<vmem>>) offsets(%arg10 : memref<512xi32, #tpu.memory_space<vmem>>) semaphore(%arg17 : memref<!tpu.dma_semaphore, #tpu.memory_space<semaphore_mem>>)
    %dma_wait3A_12 = arith.constant 0 : i32
    %dma_wait3A_13 = arith.constant 0 : i32
    %dma_wait3A_14 = tpu.memref_slice %arg6[%dma_wait3A_12, %dma_wait3A_13] : memref<1000000x64xf32, #tpu.memory_space<hbm>> -> memref<1000000x64xf32, #tpu.memory_space<hbm>>
    tpu.wait_indirect_dma semaphore(%arg17 : memref<!tpu.dma_semaphore, #tpu.memory_space<semaphore_mem>>) src(%dma_wait3A_14 : memref<1000000x64xf32, #tpu.memory_space<hbm>>) dst(%arg13 : memref<512x64xf32, #tpu.memory_space<vmem>>)
    %scan3A = arith.constant 0 : i32
    %scan3A_15 = arith.constant 0 : i32
    %scan3A_16 = arith.constant 32 : i32
    %scan3A_17 = arith.addi %scan3A_15, %scan3A_16 : i32
    %scan3A_18 = arith.constant 1 : i32
    %scan3A_19 = scf.for %scan3A_28 = %scan3A_15 to %scan3A_17 step %scan3A_18 iter_args(%scan3A_29 = %scan3A) -> (i32)  : i32 {
      %broadcast_in_dim3A = arith.constant 0.000000e+00 : f32
      %broadcast_in_dim3A_30 = vector.broadcast %broadcast_in_dim3A : f32 to vector<16xf32>
      %mul3A_31 = arith.constant 16 : i32
      %mul3A_32 = arith.muli %scan3A_28, %mul3A_31 : i32
      %add3A_33 = arith.constant 0 : i32
      %add3A_34 = arith.addi %mul3A_32, %add3A_33 : i32
      %mul3A_35 = arith.constant 16 : i32
      %mul3A_36 = arith.muli %scan3A_28, %mul3A_35 : i32
      %add3A_37 = arith.constant 0 : i32
      %add3A_38 = arith.addi %mul3A_36, %add3A_37 : i32
      %get3A = arith.index_cast %add3A_34 : i32 to index
      %get3A_39 = arith.constant 0 : index
      %get3A_40 = tpu.vector_load %arg12[%get3A, %get3A_39] {strides = array<i32>} : memref<512x64xf32, #tpu.memory_space<vmem>>, vector<1x16xf32>,
      %get3A_41 = vector.shape_cast %get3A_40 : vector<1x16xf32> to vector<16xf32>
      %get3A_42 = arith.index_cast %add3A_38 : i32 to index
      %get3A_43 = arith.constant 0 : index
      %get3A_44 = tpu.vector_load %arg13[%get3A_42, %get3A_43] {strides = array<i32>} : memref<512x64xf32, #tpu.memory_space<vmem>>, vector<1x16xf32>,
      %get3A_45 = vector.shape_cast %get3A_44 : vector<1x16xf32> to vector<16xf32>
      %mul3A_46 = arith.mulf %get3A_41, %get3A_45 : vector<16xf32>
      %get3A_47 = arith.index_cast %add3A_34 : i32 to index
      %get3A_48 = arith.constant 16 : index
      %get3A_49 = tpu.vector_load %arg12[%get3A_47, %get3A_48] {strides = array<i32>} : memref<512x64xf32, #tpu.memory_space<vmem>>, vector<1x16xf32>,
      %get3A_50 = vector.shape_cast %get3A_49 : vector<1x16xf32> to vector<16xf32>
      %get3A_51 = arith.index_cast %add3A_38 : i32 to index
      %get3A_52 = arith.constant 16 : index
      %get3A_53 = tpu.vector_load %arg13[%get3A_51, %get3A_52] {strides = array<i32>} : memref<512x64xf32, #tpu.memory_space<vmem>>, vector<1x16xf32>,
      %get3A_54 = vector.shape_cast %get3A_53 : vector<1x16xf32> to vector<16xf32>
      %mul3A_55 = arith.mulf %get3A_50, %get3A_54 : vector<16xf32>
      %add3A_56 = arith.addf %mul3A_46, %mul3A_55 : vector<16xf32>
      %get3A_57 = arith.index_cast %add3A_34 : i32 to index
      %get3A_58 = arith.constant 32 : index
      %get3A_59 = tpu.vector_load %arg12[%get3A_57, %get3A_58] {strides = array<i32>} : memref<512x64xf32, #tpu.memory_space<vmem>>, vector<1x16xf32>,
      %get3A_60 = vector.shape_cast %get3A_59 : vector<1x16xf32> to vector<16xf32>
      %get3A_61 = arith.index_cast %add3A_38 : i32 to index
      %get3A_62 = arith.constant 32 : index
      %get3A_63 = tpu.vector_load %arg13[%get3A_61, %get3A_62] {strides = array<i32>} : memref<512x64xf32, #tpu.memory_space<vmem>>, vector<1x16xf32>,
      %get3A_64 = vector.shape_cast %get3A_63 : vector<1x16xf32> to vector<16xf32>
      %mul3A_65 = arith.mulf %get3A_60, %get3A_64 : vector<16xf32>
      %add3A_66 = arith.addf %add3A_56, %mul3A_65 : vector<16xf32>
      %get3A_67 = arith.index_cast %add3A_34 : i32 to index
      %get3A_68 = arith.constant 48 : index
      %get3A_69 = tpu.vector_load %arg12[%get3A_67, %get3A_68] {strides = array<i32>} : memref<512x64xf32, #tpu.memory_space<vmem>>, vector<1x16xf32>,
      %get3A_70 = vector.shape_cast %get3A_69 : vector<1x16xf32> to vector<16xf32>
      %get3A_71 = arith.index_cast %add3A_38 : i32 to index
      %get3A_72 = arith.constant 48 : index
      %get3A_73 = tpu.vector_load %arg13[%get3A_71, %get3A_72] {strides = array<i32>} : memref<512x64xf32, #tpu.memory_space<vmem>>, vector<1x16xf32>,
      %get3A_74 = vector.shape_cast %get3A_73 : vector<1x16xf32> to vector<16xf32>
      %mul3A_75 = arith.mulf %get3A_70, %get3A_74 : vector<16xf32>
      %add3A_76 = arith.addf %add3A_66, %mul3A_75 : vector<16xf32>
      %xor3A = arith.constant 8 : i32
      %xor3A_77 = vector.broadcast %xor3A : i32 to vector<16xi32>
      %xor3A_78 = arith.xori %iota3A, %xor3A_77 : vector<16xi32>
      %lt3A = arith.constant 0 : i32
      %lt3A_79 = vector.broadcast %lt3A : i32 to vector<16xi32>
      %lt3A_80 = arith.cmpi slt, %xor3A_78, %lt3A_79 : vector<16xi32>
      %add3A_81 = arith.constant 16 : i32
      %add3A_82 = vector.broadcast %add3A_81 : i32 to vector<16xi32>
      %add3A_83 = arith.addi %xor3A_78, %add3A_82 : vector<16xi32>
      %select_n3A = arith.select %lt3A_80, %add3A_83, %xor3A_78 : vector<16xi1>, vector<16xi32>
      %broadcast_in_dim3A_84 = vector.shape_cast %select_n3A : vector<16xi32> to vector<16x1xi32>
      %gather3A = vector.shape_cast %broadcast_in_dim3A_84 : vector<16x1xi32> to vector<16xi32>
      %gather3A_85 = tpu.dynamic_gather %add3A_76[%gather3A] in [0] : vector<16xf32>, vector<16xi32> -> vector<16xf32>
      %add3A_86 = arith.addf %add3A_76, %gather3A_85 : vector<16xf32>
      %xor3A_87 = arith.constant 4 : i32
      %xor3A_88 = vector.broadcast %xor3A_87 : i32 to vector<16xi32>
      %xor3A_89 = arith.xori %iota3A, %xor3A_88 : vector<16xi32>
      %lt3A_90 = arith.constant 0 : i32
      %lt3A_91 = vector.broadcast %lt3A_90 : i32 to vector<16xi32>
      %lt3A_92 = arith.cmpi slt, %xor3A_89, %lt3A_91 : vector<16xi32>
      %add3A_93 = arith.constant 16 : i32
      %add3A_94 = vector.broadcast %add3A_93 : i32 to vector<16xi32>
      %add3A_95 = arith.addi %xor3A_89, %add3A_94 : vector<16xi32>
      %select_n3A_96 = arith.select %lt3A_92, %add3A_95, %xor3A_89 : vector<16xi1>, vector<16xi32>
      %broadcast_in_dim3A_97 = vector.shape_cast %select_n3A_96 : vector<16xi32> to vector<16x1xi32>
      %gather3A_98 = vector.shape_cast %broadcast_in_dim3A_97 : vector<16x1xi32> to vector<16xi32>
      %gather3A_99 = tpu.dynamic_gather %add3A_86[%gather3A_98] in [0] : vector<16xf32>, vector<16xi32> -> vector<16xf32>
      %add3A_100 = arith.addf %add3A_86, %gather3A_99 : vector<16xf32>
      %xor3A_101 = arith.constant 2 : i32
      %xor3A_102 = vector.broadcast %xor3A_101 : i32 to vector<16xi32>
      %xor3A_103 = arith.xori %iota3A, %xor3A_102 : vector<16xi32>
      %lt3A_104 = arith.constant 0 : i32
      %lt3A_105 = vector.broadcast %lt3A_104 : i32 to vector<16xi32>
      %lt3A_106 = arith.cmpi slt, %xor3A_103, %lt3A_105 : vector<16xi32>
      %add3A_107 = arith.constant 16 : i32
      %add3A_108 = vector.broadcast %add3A_107 : i32 to vector<16xi32>
      %add3A_109 = arith.addi %xor3A_103, %add3A_108 : vector<16xi32>
      %select_n3A_110 = arith.select %lt3A_106, %add3A_109, %xor3A_103 : vector<16xi1>, vector<16xi32>
      %broadcast_in_dim3A_111 = vector.shape_cast %select_n3A_110 : vector<16xi32> to vector<16x1xi32>
      %gather3A_112 = vector.shape_cast %broadcast_in_dim3A_111 : vector<16x1xi32> to vector<16xi32>
      %gather3A_113 = tpu.dynamic_gather %add3A_100[%gather3A_112] in [0] : vector<16xf32>, vector<16xi32> -> vector<16xf32>
      %add3A_114 = arith.addf %add3A_100, %gather3A_113 : vector<16xf32>
      %xor3A_115 = arith.constant 1 : i32
      %xor3A_116 = vector.broadcast %xor3A_115 : i32 to vector<16xi32>
      %xor3A_117 = arith.xori %iota3A, %xor3A_116 : vector<16xi32>
      %lt3A_118 = arith.constant 0 : i32
      %lt3A_119 = vector.broadcast %lt3A_118 : i32 to vector<16xi32>
      %lt3A_120 = arith.cmpi slt, %xor3A_117, %lt3A_119 : vector<16xi32>
      %add3A_121 = arith.constant 16 : i32
      %add3A_122 = vector.broadcast %add3A_121 : i32 to vector<16xi32>
      %add3A_123 = arith.addi %xor3A_117, %add3A_122 : vector<16xi32>
      %select_n3A_124 = arith.select %lt3A_120, %add3A_123, %xor3A_117 : vector<16xi1>, vector<16xi32>
      %broadcast_in_dim3A_125 = vector.shape_cast %select_n3A_124 : vector<16xi32> to vector<16x1xi32>
      %gather3A_126 = vector.shape_cast %broadcast_in_dim3A_125 : vector<16x1xi32> to vector<16xi32>
      %gather3A_127 = tpu.dynamic_gather %add3A_114[%gather3A_126] in [0] : vector<16xf32>, vector<16xi32> -> vector<16xf32>
      %add3A_128 = arith.addf %add3A_114, %gather3A_127 : vector<16xf32>
      %eq3A = arith.constant 0 : i32
      %eq3A_129 = vector.broadcast %eq3A : i32 to vector<16xi32>
      %eq3A_130 = arith.cmpi eq, %iota3A, %eq3A_129 : vector<16xi32>
      %select_n3A_131 = arith.select %eq3A_130, %add3A_128, %broadcast_in_dim3A_30 : vector<16xi1>, vector<16xf32>
      %mul3A_132 = arith.constant 16 : i32
      %mul3A_133 = arith.muli %scan3A_28, %mul3A_132 : i32
      %add3A_134 = arith.constant 1 : i32
      %add3A_135 = arith.addi %mul3A_133, %add3A_134 : i32
      %mul3A_136 = arith.constant 16 : i32
      %mul3A_137 = arith.muli %scan3A_28, %mul3A_136 : i32
      %add3A_138 = arith.constant 1 : i32
      %add3A_139 = arith.addi %mul3A_137, %add3A_138 : i32
      %get3A_140 = arith.index_cast %add3A_135 : i32 to index
      %get3A_141 = arith.constant 0 : index
      %get3A_142 = tpu.vector_load %arg12[%get3A_140, %get3A_141] {strides = array<i32>} : memref<512x64xf32, #tpu.memory_space<vmem>>, vector<1x16xf32>,
      %get3A_143 = vector.shape_cast %get3A_142 : vector<1x16xf32> to vector<16xf32>
      %get3A_144 = arith.index_cast %add3A_139 : i32 to index
      %get3A_145 = arith.constant 0 : index
      %get3A_146 = tpu.vector_load %arg13[%get3A_144, %get3A_145] {strides = array<i32>} : memref<512x64xf32, #tpu.memory_space<vmem>>, vector<1x16xf32>,
      %get3A_147 = vector.shape_cast %get3A_146 : vector<1x16xf32> to vector<16xf32>
      %mul3A_148 = arith.mulf %get3A_143, %get3A_147 : vector<16xf32>
      %get3A_149 = arith.index_cast %add3A_135 : i32 to index
      %get3A_150 = arith.constant 16 : index
      %get3A_151 = tpu.vector_load %arg12[%get3A_149, %get3A_150] {strides = array<i32>} : memref<512x64xf32, #tpu.memory_space<vmem>>, vector<1x16xf32>,
      %get3A_152 = vector.shape_cast %get3A_151 : vector<1x16xf32> to vector<16xf32>
      %get3A_153 = arith.index_cast %add3A_139 : i32 to index
      %get3A_154 = arith.constant 16 : index
      %get3A_155 = tpu.vector_load %arg13[%get3A_153, %get3A_154] {strides = array<i32>} : memref<512x64xf32, #tpu.memory_space<vmem>>, vector<1x16xf32>,
      %get3A_156 = vector.shape_cast %get3A_155 : vector<1x16xf32> to vector<16xf32>
      %mul3A_157 = arith.mulf %get3A_152, %get3A_156 : vector<16xf32>
      %add3A_158 = arith.addf %mul3A_148, %mul3A_157 : vector<16xf32>
      %get3A_159 = arith.index_cast %add3A_135 : i32 to index
      %get3A_160 = arith.constant 32 : index
      %get3A_161 = tpu.vector_load %arg12[%get3A_159, %get3A_160] {strides = array<i32>} : memref<512x64xf32, #tpu.memory_space<vmem>>, vector<1x16xf32>,
      %get3A_162 = vector.shape_cast %get3A_161 : vector<1x16xf32> to vector<16xf32>
      %get3A_163 = arith.index_cast %add3A_139 : i32 to index
      %get3A_164 = arith.constant 32 : index
      %get3A_165 = tpu.vector_load %arg13[%get3A_163, %get3A_164] {strides = array<i32>} : memref<512x64xf32, #tpu.memory_space<vmem>>, vector<1x16xf32>,
      %get3A_166 = vector.shape_cast %get3A_165 : vector<1x16xf32> to vector<16xf32>
      %mul3A_167 = arith.mulf %get3A_162, %get3A_166 : vector<16xf32>
      %add3A_168 = arith.addf %add3A_158, %mul3A_167 : vector<16xf32>
      %get3A_169 = arith.index_cast %add3A_135 : i32 to index
      %get3A_170 = arith.constant 48 : index
      %get3A_171 = tpu.vector_load %arg12[%get3A_169, %get3A_170] {strides = array<i32>} : memref<512x64xf32, #tpu.memory_space<vmem>>, vector<1x16xf32>,
      %get3A_172 = vector.shape_cast %get3A_171 : vector<1x16xf32> to vector<16xf32>
      %get3A_173 = arith.index_cast %add3A_139 : i32 to index
      %get3A_174 = arith.constant 48 : index
      %get3A_175 = tpu.vector_load %arg13[%get3A_173, %get3A_174] {strides = array<i32>} : memref<512x64xf32, #tpu.memory_space<vmem>>, vector<1x16xf32>,
      %get3A_176 = vector.shape_cast %get3A_175 : vector<1x16xf32> to vector<16xf32>
      %mul3A_177 = arith.mulf %get3A_172, %get3A_176 : vector<16xf32>
      %add3A_178 = arith.addf %add3A_168, %mul3A_177 : vector<16xf32>
      %xor3A_179 = arith.constant 8 : i32
      %xor3A_180 = vector.broadcast %xor3A_179 : i32 to vector<16xi32>
      %xor3A_181 = arith.xori %iota3A, %xor3A_180 : vector<16xi32>
      %lt3A_182 = arith.constant 0 : i32
      %lt3A_183 = vector.broadcast %lt3A_182 : i32 to vector<16xi32>
      %lt3A_184 = arith.cmpi slt, %xor3A_181, %lt3A_183 : vector<16xi32>
      %add3A_185 = arith.constant 16 : i32
      %add3A_186 = vector.broadcast %add3A_185 : i32 to vector<16xi32>
      %add3A_187 = arith.addi %xor3A_181, %add3A_186 : vector<16xi32>
      %select_n3A_188 = arith.select %lt3A_184, %add3A_187, %xor3A_181 : vector<16xi1>, vector<16xi32>
      %broadcast_in_dim3A_189 = vector.shape_cast %select_n3A_188 : vector<16xi32> to vector<16x1xi32>
      %gather3A_190 = vector.shape_cast %broadcast_in_dim3A_189 : vector<16x1xi32> to vector<16xi32>
      %gather3A_191 = tpu.dynamic_gather %add3A_178[%gather3A_190] in [0] : vector<16xf32>, vector<16xi32> -> vector<16xf32>
      %add3A_192 = arith.addf %add3A_178, %gather3A_191 : vector<16xf32>
      %xor3A_193 = arith.constant 4 : i32
      %xor3A_194 = vector.broadcast %xor3A_193 : i32 to vector<16xi32>
      %xor3A_195 = arith.xori %iota3A, %xor3A_194 : vector<16xi32>
      %lt3A_196 = arith.constant 0 : i32
      %lt3A_197 = vector.broadcast %lt3A_196 : i32 to vector<16xi32>
      %lt3A_198 = arith.cmpi slt, %xor3A_195, %lt3A_197 : vector<16xi32>
      %add3A_199 = arith.constant 16 : i32
      %add3A_200 = vector.broadcast %add3A_199 : i32 to vector<16xi32>
      %add3A_201 = arith.addi %xor3A_195, %add3A_200 : vector<16xi32>
      %select_n3A_202 = arith.select %lt3A_198, %add3A_201, %xor3A_195 : vector<16xi1>, vector<16xi32>
      %broadcast_in_dim3A_203 = vector.shape_cast %select_n3A_202 : vector<16xi32> to vector<16x1xi32>
      %gather3A_204 = vector.shape_cast %broadcast_in_dim3A_203 : vector<16x1xi32> to vector<16xi32>
      %gather3A_205 = tpu.dynamic_gather %add3A_192[%gather3A_204] in [0] : vector<16xf32>, vector<16xi32> -> vector<16xf32>
      %add3A_206 = arith.addf %add3A_192, %gather3A_205 : vector<16xf32>
      %xor3A_207 = arith.constant 2 : i32
      %xor3A_208 = vector.broadcast %xor3A_207 : i32 to vector<16xi32>
      %xor3A_209 = arith.xori %iota3A, %xor3A_208 : vector<16xi32>
      %lt3A_210 = arith.constant 0 : i32
      %lt3A_211 = vector.broadcast %lt3A_210 : i32 to vector<16xi32>
      %lt3A_212 = arith.cmpi slt, %xor3A_209, %lt3A_211 : vector<16xi32>
      %add3A_213 = arith.constant 16 : i32
      %add3A_214 = vector.broadcast %add3A_213 : i32 to vector<16xi32>
      %add3A_215 = arith.addi %xor3A_209, %add3A_214 : vector<16xi32>
      %select_n3A_216 = arith.select %lt3A_212, %add3A_215, %xor3A_209 : vector<16xi1>, vector<16xi32>
      %broadcast_in_dim3A_217 = vector.shape_cast %select_n3A_216 : vector<16xi32> to vector<16x1xi32>
      %gather3A_218 = vector.shape_cast %broadcast_in_dim3A_217 : vector<16x1xi32> to vector<16xi32>
      %gather3A_219 = tpu.dynamic_gather %add3A_206[%gather3A_218] in [0] : vector<16xf32>, vector<16xi32> -> vector<16xf32>
      %add3A_220 = arith.addf %add3A_206, %gather3A_219 : vector<16xf32>
      %xor3A_221 = arith.constant 1 : i32
      %xor3A_222 = vector.broadcast %xor3A_221 : i32 to vector<16xi32>
      %xor3A_223 = arith.xori %iota3A, %xor3A_222 : vector<16xi32>
      %lt3A_224 = arith.constant 0 : i32
      %lt3A_225 = vector.broadcast %lt3A_224 : i32 to vector<16xi32>
      %lt3A_226 = arith.cmpi slt, %xor3A_223, %lt3A_225 : vector<16xi32>
      %add3A_227 = arith.constant 16 : i32
      %add3A_228 = vector.broadcast %add3A_227 : i32 to vector<16xi32>
      %add3A_229 = arith.addi %xor3A_223, %add3A_228 : vector<16xi32>
      %select_n3A_230 = arith.select %lt3A_226, %add3A_229, %xor3A_223 : vector<16xi1>, vector<16xi32>
      %broadcast_in_dim3A_231 = vector.shape_cast %select_n3A_230 : vector<16xi32> to vector<16x1xi32>
      %gather3A_232 = vector.shape_cast %broadcast_in_dim3A_231 : vector<16x1xi32> to vector<16xi32>
      %gather3A_233 = tpu.dynamic_gather %add3A_220[%gather3A_232] in [0] : vector<16xf32>, vector<16xi32> -> vector<16xf32>
      %add3A_234 = arith.addf %add3A_220, %gather3A_233 : vector<16xf32>
      %eq3A_235 = arith.constant 1 : i32
      %eq3A_236 = vector.broadcast %eq3A_235 : i32 to vector<16xi32>
      %eq3A_237 = arith.cmpi eq, %iota3A, %eq3A_236 : vector<16xi32>
      %select_n3A_238 = arith.select %eq3A_237, %add3A_234, %select_n3A_131 : vector<16xi1>, vector<16xf32>
      %mul3A_239 = arith.constant 16 : i32
      %mul3A_240 = arith.muli %scan3A_28, %mul3A_239 : i32
      %add3A_241 = arith.constant 2 : i32
      %add3A_242 = arith.addi %mul3A_240, %add3A_241 : i32
      %mul3A_243 = arith.constant 16 : i32
      %mul3A_244 = arith.muli %scan3A_28, %mul3A_243 : i32
      %add3A_245 = arith.constant 2 : i32
      %add3A_246 = arith.addi %mul3A_244, %add3A_245 : i32
      %get3A_247 = arith.index_cast %add3A_242 : i32 to index
      %get3A_248 = arith.constant 0 : index
      %get3A_249 = tpu.vector_load %arg12[%get3A_247, %get3A_248] {strides = array<i32>} : memref<512x64xf32, #tpu.memory_space<vmem>>, vector<1x16xf32>,
      %get3A_250 = vector.shape_cast %get3A_249 : vector<1x16xf32> to vector<16xf32>
      %get3A_251 = arith.index_cast %add3A_246 : i32 to index
      %get3A_252 = arith.constant 0 : index
      %get3A_253 = tpu.vector_load %arg13[%get3A_251, %get3A_252] {strides = array<i32>} : memref<512x64xf32, #tpu.memory_space<vmem>>, vector<1x16xf32>,
      %get3A_254 = vector.shape_cast %get3A_253 : vector<1x16xf32> to vector<16xf32>
      %mul3A_255 = arith.mulf %get3A_250, %get3A_254 : vector<16xf32>
      %get3A_256 = arith.index_cast %add3A_242 : i32 to index
      %get3A_257 = arith.constant 16 : index
      %get3A_258 = tpu.vector_load %arg12[%get3A_256, %get3A_257] {strides = array<i32>} : memref<512x64xf32, #tpu.memory_space<vmem>>, vector<1x16xf32>,
      %get3A_259 = vector.shape_cast %get3A_258 : vector<1x16xf32> to vector<16xf32>
      %get3A_260 = arith.index_cast %add3A_246 : i32 to index
      %get3A_261 = arith.constant 16 : index
      %get3A_262 = tpu.vector_load %arg13[%get3A_260, %get3A_261] {strides = array<i32>} : memref<512x64xf32, #tpu.memory_space<vmem>>, vector<1x16xf32>,
      %get3A_263 = vector.shape_cast %get3A_262 : vector<1x16xf32> to vector<16xf32>
      %mul3A_264 = arith.mulf %get3A_259, %get3A_263 : vector<16xf32>
      %add3A_265 = arith.addf %mul3A_255, %mul3A_264 : vector<16xf32>
      %get3A_266 = arith.index_cast %add3A_242 : i32 to index
      %get3A_267 = arith.constant 32 : index
      %get3A_268 = tpu.vector_load %arg12[%get3A_266, %get3A_267] {strides = array<i32>} : memref<512x64xf32, #tpu.memory_space<vmem>>, vector<1x16xf32>,
      %get3A_269 = vector.shape_cast %get3A_268 : vector<1x16xf32> to vector<16xf32>
      %get3A_270 = arith.index_cast %add3A_246 : i32 to index
      %get3A_271 = arith.constant 32 : index
      %get3A_272 = tpu.vector_load %arg13[%get3A_270, %get3A_271] {strides = array<i32>} : memref<512x64xf32, #tpu.memory_space<vmem>>, vector<1x16xf32>,
      %get3A_273 = vector.shape_cast %get3A_272 : vector<1x16xf32> to vector<16xf32>
      %mul3A_274 = arith.mulf %get3A_269, %get3A_273 : vector<16xf32>
      %add3A_275 = arith.addf %add3A_265, %mul3A_274 : vector<16xf32>
      %get3A_276 = arith.index_cast %add3A_242 : i32 to index
      %get3A_277 = arith.constant 48 : index
      %get3A_278 = tpu.vector_load %arg12[%get3A_276, %get3A_277] {strides = array<i32>} : memref<512x64xf32, #tpu.memory_space<vmem>>, vector<1x16xf32>,
      %get3A_279 = vector.shape_cast %get3A_278 : vector<1x16xf32> to vector<16xf32>
      %get3A_280 = arith.index_cast %add3A_246 : i32 to index
      %get3A_281 = arith.constant 48 : index
      %get3A_282 = tpu.vector_load %arg13[%get3A_280, %get3A_281] {strides = array<i32>} : memref<512x64xf32, #tpu.memory_space<vmem>>, vector<1x16xf32>,
      %get3A_283 = vector.shape_cast %get3A_282 : vector<1x16xf32> to vector<16xf32>
      %mul3A_284 = arith.mulf %get3A_279, %get3A_283 : vector<16xf32>
      %add3A_285 = arith.addf %add3A_275, %mul3A_284 : vector<16xf32>
      %xor3A_286 = arith.constant 8 : i32
      %xor3A_287 = vector.broadcast %xor3A_286 : i32 to vector<16xi32>
      %xor3A_288 = arith.xori %iota3A, %xor3A_287 : vector<16xi32>
      %lt3A_289 = arith.constant 0 : i32
      %lt3A_290 = vector.broadcast %lt3A_289 : i32 to vector<16xi32>
      %lt3A_291 = arith.cmpi slt, %xor3A_288, %lt3A_290 : vector<16xi32>
      %add3A_292 = arith.constant 16 : i32
      %add3A_293 = vector.broadcast %add3A_292 : i32 to vector<16xi32>
      %add3A_294 = arith.addi %xor3A_288, %add3A_293 : vector<16xi32>
      %select_n3A_295 = arith.select %lt3A_291, %add3A_294, %xor3A_288 : vector<16xi1>, vector<16xi32>
      %broadcast_in_dim3A_296 = vector.shape_cast %select_n3A_295 : vector<16xi32> to vector<16x1xi32>
      %gather3A_297 = vector.shape_cast %broadcast_in_dim3A_296 : vector<16x1xi32> to vector<16xi32>
      %gather3A_298 = tpu.dynamic_gather %add3A_285[%gather3A_297] in [0] : vector<16xf32>, vector<16xi32> -> vector<16xf32>
      %add3A_299 = arith.addf %add3A_285, %gather3A_298 : vector<16xf32>
      %xor3A_300 = arith.constant 4 : i32
      %xor3A_301 = vector.broadcast %xor3A_300 : i32 to vector<16xi32>
      %xor3A_302 = arith.xori %iota3A, %xor3A_301 : vector<16xi32>
      %lt3A_303 = arith.constant 0 : i32
      %lt3A_304 = vector.broadcast %lt3A_303 : i32 to vector<16xi32>
      %lt3A_305 = arith.cmpi slt, %xor3A_302, %lt3A_304 : vector<16xi32>
      %add3A_306 = arith.constant 16 : i32
      %add3A_307 = vector.broadcast %add3A_306 : i32 to vector<16xi32>
      %add3A_308 = arith.addi %xor3A_302, %add3A_307 : vector<16xi32>
      %select_n3A_309 = arith.select %lt3A_305, %add3A_308, %xor3A_302 : vector<16xi1>, vector<16xi32>
      %broadcast_in_dim3A_310 = vector.shape_cast %select_n3A_309 : vector<16xi32> to vector<16x1xi32>
      %gather3A_311 = vector.shape_cast %broadcast_in_dim3A_310 : vector<16x1xi32> to vector<16xi32>
      %gather3A_312 = tpu.dynamic_gather %add3A_299[%gather3A_311] in [0] : vector<16xf32>, vector<16xi32> -> vector<16xf32>
      %add3A_313 = arith.addf %add3A_299, %gather3A_312 : vector<16xf32>
      %xor3A_314 = arith.constant 2 : i32
      %xor3A_315 = vector.broadcast %xor3A_314 : i32 to vector<16xi32>
      %xor3A_316 = arith.xori %iota3A, %xor3A_315 : vector<16xi32>
      %lt3A_317 = arith.constant 0 : i32
      %lt3A_318 = vector.broadcast %lt3A_317 : i32 to vector<16xi32>
      %lt3A_319 = arith.cmpi slt, %xor3A_316, %lt3A_318 : vector<16xi32>
      %add3A_320 = arith.constant 16 : i32
      %add3A_321 = vector.broadcast %add3A_320 : i32 to vector<16xi32>
      %add3A_322 = arith.addi %xor3A_316, %add3A_321 : vector<16xi32>
      %select_n3A_323 = arith.select %lt3A_319, %add3A_322, %xor3A_316 : vector<16xi1>, vector<16xi32>
      %broadcast_in_dim3A_324 = vector.shape_cast %select_n3A_323 : vector<16xi32> to vector<16x1xi32>
      %gather3A_325 = vector.shape_cast %broadcast_in_dim3A_324 : vector<16x1xi32> to vector<16xi32>
      %gather3A_326 = tpu.dynamic_gather %add3A_313[%gather3A_325] in [0] : vector<16xf32>, vector<16xi32> -> vector<16xf32>
      %add3A_327 = arith.addf %add3A_313, %gather3A_326 : vector<16xf32>
      %xor3A_328 = arith.constant 1 : i32
      %xor3A_329 = vector.broadcast %xor3A_328 : i32 to vector<16xi32>
      %xor3A_330 = arith.xori %iota3A, %xor3A_329 : vector<16xi32>
      %lt3A_331 = arith.constant 0 : i32
      %lt3A_332 = vector.broadcast %lt3A_331 : i32 to vector<16xi32>
      %lt3A_333 = arith.cmpi slt, %xor3A_330, %lt3A_332 : vector<16xi32>
      %add3A_334 = arith.constant 16 : i32
      %add3A_335 = vector.broadcast %add3A_334 : i32 to vector<16xi32>
      %add3A_336 = arith.addi %xor3A_330, %add3A_335 : vector<16xi32>
      %select_n3A_337 = arith.select %lt3A_333, %add3A_336, %xor3A_330 : vector<16xi1>, vector<16xi32>
      %broadcast_in_dim3A_338 = vector.shape_cast %select_n3A_337 : vector<16xi32> to vector<16x1xi32>
      %gather3A_339 = vector.shape_cast %broadcast_in_dim3A_338 : vector<16x1xi32> to vector<16xi32>
      %gather3A_340 = tpu.dynamic_gather %add3A_327[%gather3A_339] in [0] : vector<16xf32>, vector<16xi32> -> vector<16xf32>
      %add3A_341 = arith.addf %add3A_327, %gather3A_340 : vector<16xf32>
      %eq3A_342 = arith.constant 2 : i32
      %eq3A_343 = vector.broadcast %eq3A_342 : i32 to vector<16xi32>
      %eq3A_344 = arith.cmpi eq, %iota3A, %eq3A_343 : vector<16xi32>
      %select_n3A_345 = arith.select %eq3A_344, %add3A_341, %select_n3A_238 : vector<16xi1>, vector<16xf32>
      %mul3A_346 = arith.constant 16 : i32
      %mul3A_347 = arith.muli %scan3A_28, %mul3A_346 : i32
      %add3A_348 = arith.constant 3 : i32
      %add3A_349 = arith.addi %mul3A_347, %add3A_348 : i32
      %mul3A_350 = arith.constant 16 : i32
      %mul3A_351 = arith.muli %scan3A_28, %mul3A_350 : i32
      %add3A_352 = arith.constant 3 : i32
      %add3A_353 = arith.addi %mul3A_351, %add3A_352 : i32
      %get3A_354 = arith.index_cast %add3A_349 : i32 to index
      %get3A_355 = arith.constant 0 : index
      %get3A_356 = tpu.vector_load %arg12[%get3A_354, %get3A_355] {strides = array<i32>} : memref<512x64xf32, #tpu.memory_space<vmem>>, vector<1x16xf32>,
      %get3A_357 = vector.shape_cast %get3A_356 : vector<1x16xf32> to vector<16xf32>
      %get3A_358 = arith.index_cast %add3A_353 : i32 to index
      %get3A_359 = arith.constant 0 : index
      %get3A_360 = tpu.vector_load %arg13[%get3A_358, %get3A_359] {strides = array<i32>} : memref<512x64xf32, #tpu.memory_space<vmem>>, vector<1x16xf32>,
      %get3A_361 = vector.shape_cast %get3A_360 : vector<1x16xf32> to vector<16xf32>
      %mul3A_362 = arith.mulf %get3A_357, %get3A_361 : vector<16xf32>
      %get3A_363 = arith.index_cast %add3A_349 : i32 to index
      %get3A_364 = arith.constant 16 : index
      %get3A_365 = tpu.vector_load %arg12[%get3A_363, %get3A_364] {strides = array<i32>} : memref<512x64xf32, #tpu.memory_space<vmem>>, vector<1x16xf32>,
      %get3A_366 = vector.shape_cast %get3A_365 : vector<1x16xf32> to vector<16xf32>
      %get3A_367 = arith.index_cast %add3A_353 : i32 to index
      %get3A_368 = arith.constant 16 : index
      %get3A_369 = tpu.vector_load %arg13[%get3A_367, %get3A_368] {strides = array<i32>} : memref<512x64xf32, #tpu.memory_space<vmem>>, vector<1x16xf32>,
      %get3A_370 = vector.shape_cast %get3A_369 : vector<1x16xf32> to vector<16xf32>
      %mul3A_371 = arith.mulf %get3A_366, %get3A_370 : vector<16xf32>
      %add3A_372 = arith.addf %mul3A_362, %mul3A_371 : vector<16xf32>
      %get3A_373 = arith.index_cast %add3A_349 : i32 to index
      %get3A_374 = arith.constant 32 : index
      %get3A_375 = tpu.vector_load %arg12[%get3A_373, %get3A_374] {strides = array<i32>} : memref<512x64xf32, #tpu.memory_space<vmem>>, vector<1x16xf32>,
      %get3A_376 = vector.shape_cast %get3A_375 : vector<1x16xf32> to vector<16xf32>
      %get3A_377 = arith.index_cast %add3A_353 : i32 to index
      %get3A_378 = arith.constant 32 : index
      %get3A_379 = tpu.vector_load %arg13[%get3A_377, %get3A_378] {strides = array<i32>} : memref<512x64xf32, #tpu.memory_space<vmem>>, vector<1x16xf32>,
      %get3A_380 = vector.shape_cast %get3A_379 : vector<1x16xf32> to vector<16xf32>
      %mul3A_381 = arith.mulf %get3A_376, %get3A_380 : vector<16xf32>
      %add3A_382 = arith.addf %add3A_372, %mul3A_381 : vector<16xf32>
      %get3A_383 = arith.index_cast %add3A_349 : i32 to index
      %get3A_384 = arith.constant 48 : index
      %get3A_385 = tpu.vector_load %arg12[%get3A_383, %get3A_384] {strides = array<i32>} : memref<512x64xf32, #tpu.memory_space<vmem>>, vector<1x16xf32>,
      %get3A_386 = vector.shape_cast %get3A_385 : vector<1x16xf32> to vector<16xf32>
      %get3A_387 = arith.index_cast %add3A_353 : i32 to index
      %get3A_388 = arith.constant 48 : index
      %get3A_389 = tpu.vector_load %arg13[%get3A_387, %get3A_388] {strides = array<i32>} : memref<512x64xf32, #tpu.memory_space<vmem>>, vector<1x16xf32>,
      %get3A_390 = vector.shape_cast %get3A_389 : vector<1x16xf32> to vector<16xf32>
      %mul3A_391 = arith.mulf %get3A_386, %get3A_390 : vector<16xf32>
      %add3A_392 = arith.addf %add3A_382, %mul3A_391 : vector<16xf32>
      %xor3A_393 = arith.constant 8 : i32
      %xor3A_394 = vector.broadcast %xor3A_393 : i32 to vector<16xi32>
      %xor3A_395 = arith.xori %iota3A, %xor3A_394 : vector<16xi32>
      %lt3A_396 = arith.constant 0 : i32
      %lt3A_397 = vector.broadcast %lt3A_396 : i32 to vector<16xi32>
      %lt3A_398 = arith.cmpi slt, %xor3A_395, %lt3A_397 : vector<16xi32>
      %add3A_399 = arith.constant 16 : i32
      %add3A_400 = vector.broadcast %add3A_399 : i32 to vector<16xi32>
      %add3A_401 = arith.addi %xor3A_395, %add3A_400 : vector<16xi32>
      %select_n3A_402 = arith.select %lt3A_398, %add3A_401, %xor3A_395 : vector<16xi1>, vector<16xi32>
      %broadcast_in_dim3A_403 = vector.shape_cast %select_n3A_402 : vector<16xi32> to vector<16x1xi32>
      %gather3A_404 = vector.shape_cast %broadcast_in_dim3A_403 : vector<16x1xi32> to vector<16xi32>
      %gather3A_405 = tpu.dynamic_gather %add3A_392[%gather3A_404] in [0] : vector<16xf32>, vector<16xi32> -> vector<16xf32>
      %add3A_406 = arith.addf %add3A_392, %gather3A_405 : vector<16xf32>
      %xor3A_407 = arith.constant 4 : i32
      %xor3A_408 = vector.broadcast %xor3A_407 : i32 to vector<16xi32>
      %xor3A_409 = arith.xori %iota3A, %xor3A_408 : vector<16xi32>
      %lt3A_410 = arith.constant 0 : i32
      %lt3A_411 = vector.broadcast %lt3A_410 : i32 to vector<16xi32>
      %lt3A_412 = arith.cmpi slt, %xor3A_409, %lt3A_411 : vector<16xi32>
      %add3A_413 = arith.constant 16 : i32
      %add3A_414 = vector.broadcast %add3A_413 : i32 to vector<16xi32>
      %add3A_415 = arith.addi %xor3A_409, %add3A_414 : vector<16xi32>
      %select_n3A_416 = arith.select %lt3A_412, %add3A_415, %xor3A_409 : vector<16xi1>, vector<16xi32>
      %broadcast_in_dim3A_417 = vector.shape_cast %select_n3A_416 : vector<16xi32> to vector<16x1xi32>
      %gather3A_418 = vector.shape_cast %broadcast_in_dim3A_417 : vector<16x1xi32> to vector<16xi32>
      %gather3A_419 = tpu.dynamic_gather %add3A_406[%gather3A_418] in [0] : vector<16xf32>, vector<16xi32> -> vector<16xf32>
      %add3A_420 = arith.addf %add3A_406, %gather3A_419 : vector<16xf32>
      %xor3A_421 = arith.constant 2 : i32
      %xor3A_422 = vector.broadcast %xor3A_421 : i32 to vector<16xi32>
      %xor3A_423 = arith.xori %iota3A, %xor3A_422 : vector<16xi32>
      %lt3A_424 = arith.constant 0 : i32
      %lt3A_425 = vector.broadcast %lt3A_424 : i32 to vector<16xi32>
      %lt3A_426 = arith.cmpi slt, %xor3A_423, %lt3A_425 : vector<16xi32>
      %add3A_427 = arith.constant 16 : i32
      %add3A_428 = vector.broadcast %add3A_427 : i32 to vector<16xi32>
      %add3A_429 = arith.addi %xor3A_423, %add3A_428 : vector<16xi32>
      %select_n3A_430 = arith.select %lt3A_426, %add3A_429, %xor3A_423 : vector<16xi1>, vector<16xi32>
      %broadcast_in_dim3A_431 = vector.shape_cast %select_n3A_430 : vector<16xi32> to vector<16x1xi32>
      %gather3A_432 = vector.shape_cast %broadcast_in_dim3A_431 : vector<16x1xi32> to vector<16xi32>
      %gather3A_433 = tpu.dynamic_gather %add3A_420[%gather3A_432] in [0] : vector<16xf32>, vector<16xi32> -> vector<16xf32>
      %add3A_434 = arith.addf %add3A_420, %gather3A_433 : vector<16xf32>
      %xor3A_435 = arith.constant 1 : i32
      %xor3A_436 = vector.broadcast %xor3A_435 : i32 to vector<16xi32>
      %xor3A_437 = arith.xori %iota3A, %xor3A_436 : vector<16xi32>
      %lt3A_438 = arith.constant 0 : i32
      %lt3A_439 = vector.broadcast %lt3A_438 : i32 to vector<16xi32>
      %lt3A_440 = arith.cmpi slt, %xor3A_437, %lt3A_439 : vector<16xi32>
      %add3A_441 = arith.constant 16 : i32
      %add3A_442 = vector.broadcast %add3A_441 : i32 to vector<16xi32>
      %add3A_443 = arith.addi %xor3A_437, %add3A_442 : vector<16xi32>
      %select_n3A_444 = arith.select %lt3A_440, %add3A_443, %xor3A_437 : vector<16xi1>, vector<16xi32>
      %broadcast_in_dim3A_445 = vector.shape_cast %select_n3A_444 : vector<16xi32> to vector<16x1xi32>
      %gather3A_446 = vector.shape_cast %broadcast_in_dim3A_445 : vector<16x1xi32> to vector<16xi32>
      %gather3A_447 = tpu.dynamic_gather %add3A_434[%gather3A_446] in [0] : vector<16xf32>, vector<16xi32> -> vector<16xf32>
      %add3A_448 = arith.addf %add3A_434, %gather3A_447 : vector<16xf32>
      %eq3A_449 = arith.constant 3 : i32
      %eq3A_450 = vector.broadcast %eq3A_449 : i32 to vector<16xi32>
      %eq3A_451 = arith.cmpi eq, %iota3A, %eq3A_450 : vector<16xi32>
      %select_n3A_452 = arith.select %eq3A_451, %add3A_448, %select_n3A_345 : vector<16xi1>, vector<16xf32>
      %mul3A_453 = arith.constant 16 : i32
      %mul3A_454 = arith.muli %scan3A_28, %mul3A_453 : i32
      %add3A_455 = arith.constant 4 : i32
      %add3A_456 = arith.addi %mul3A_454, %add3A_455 : i32
      %mul3A_457 = arith.constant 16 : i32
      %mul3A_458 = arith.muli %scan3A_28, %mul3A_457 : i32
      %add3A_459 = arith.constant 4 : i32
      %add3A_460 = arith.addi %mul3A_458, %add3A_459 : i32
      %get3A_461 = arith.index_cast %add3A_456 : i32 to index
      %get3A_462 = arith.constant 0 : index
      %get3A_463 = tpu.vector_load %arg12[%get3A_461, %get3A_462] {strides = array<i32>} : memref<512x64xf32, #tpu.memory_space<vmem>>, vector<1x16xf32>,
      %get3A_464 = vector.shape_cast %get3A_463 : vector<1x16xf32> to vector<16xf32>
      %get3A_465 = arith.index_cast %add3A_460 : i32 to index
      %get3A_466 = arith.constant 0 : index
      %get3A_467 = tpu.vector_load %arg13[%get3A_465, %get3A_466] {strides = array<i32>} : memref<512x64xf32, #tpu.memory_space<vmem>>, vector<1x16xf32>,
      %get3A_468 = vector.shape_cast %get3A_467 : vector<1x16xf32> to vector<16xf32>
      %mul3A_469 = arith.mulf %get3A_464, %get3A_468 : vector<16xf32>
      %get3A_470 = arith.index_cast %add3A_456 : i32 to index
      %get3A_471 = arith.constant 16 : index
      %get3A_472 = tpu.vector_load %arg12[%get3A_470, %get3A_471] {strides = array<i32>} : memref<512x64xf32, #tpu.memory_space<vmem>>, vector<1x16xf32>,
      %get3A_473 = vector.shape_cast %get3A_472 : vector<1x16xf32> to vector<16xf32>
      %get3A_474 = arith.index_cast %add3A_460 : i32 to index
      %get3A_475 = arith.constant 16 : index
      %get3A_476 = tpu.vector_load %arg13[%get3A_474, %get3A_475] {strides = array<i32>} : memref<512x64xf32, #tpu.memory_space<vmem>>, vector<1x16xf32>,
      %get3A_477 = vector.shape_cast %get3A_476 : vector<1x16xf32> to vector<16xf32>
      %mul3A_478 = arith.mulf %get3A_473, %get3A_477 : vector<16xf32>
      %add3A_479 = arith.addf %mul3A_469, %mul3A_478 : vector<16xf32>
      %get3A_480 = arith.index_cast %add3A_456 : i32 to index
      %get3A_481 = arith.constant 32 : index
      %get3A_482 = tpu.vector_load %arg12[%get3A_480, %get3A_481] {strides = array<i32>} : memref<512x64xf32, #tpu.memory_space<vmem>>, vector<1x16xf32>,
      %get3A_483 = vector.shape_cast %get3A_482 : vector<1x16xf32> to vector<16xf32>
      %get3A_484 = arith.index_cast %add3A_460 : i32 to index
      %get3A_485 = arith.constant 32 : index
      %get3A_486 = tpu.vector_load %arg13[%get3A_484, %get3A_485] {strides = array<i32>} : memref<512x64xf32, #tpu.memory_space<vmem>>, vector<1x16xf32>,
      %get3A_487 = vector.shape_cast %get3A_486 : vector<1x16xf32> to vector<16xf32>
      %mul3A_488 = arith.mulf %get3A_483, %get3A_487 : vector<16xf32>
      %add3A_489 = arith.addf %add3A_479, %mul3A_488 : vector<16xf32>
      %get3A_490 = arith.index_cast %add3A_456 : i32 to index
      %get3A_491 = arith.constant 48 : index
      %get3A_492 = tpu.vector_load %arg12[%get3A_490, %get3A_491] {strides = array<i32>} : memref<512x64xf32, #tpu.memory_space<vmem>>, vector<1x16xf32>,
      %get3A_493 = vector.shape_cast %get3A_492 : vector<1x16xf32> to vector<16xf32>
      %get3A_494 = arith.index_cast %add3A_460 : i32 to index
      %get3A_495 = arith.constant 48 : index
      %get3A_496 = tpu.vector_load %arg13[%get3A_494, %get3A_495] {strides = array<i32>} : memref<512x64xf32, #tpu.memory_space<vmem>>, vector<1x16xf32>,
      %get3A_497 = vector.shape_cast %get3A_496 : vector<1x16xf32> to vector<16xf32>
      %mul3A_498 = arith.mulf %get3A_493, %get3A_497 : vector<16xf32>
      %add3A_499 = arith.addf %add3A_489, %mul3A_498 : vector<16xf32>
      %xor3A_500 = arith.constant 8 : i32
      %xor3A_501 = vector.broadcast %xor3A_500 : i32 to vector<16xi32>
      %xor3A_502 = arith.xori %iota3A, %xor3A_501 : vector<16xi32>
      %lt3A_503 = arith.constant 0 : i32
      %lt3A_504 = vector.broadcast %lt3A_503 : i32 to vector<16xi32>
      %lt3A_505 = arith.cmpi slt, %xor3A_502, %lt3A_504 : vector<16xi32>
      %add3A_506 = arith.constant 16 : i32
      %add3A_507 = vector.broadcast %add3A_506 : i32 to vector<16xi32>
      %add3A_508 = arith.addi %xor3A_502, %add3A_507 : vector<16xi32>
      %select_n3A_509 = arith.select %lt3A_505, %add3A_508, %xor3A_502 : vector<16xi1>, vector<16xi32>
      %broadcast_in_dim3A_510 = vector.shape_cast %select_n3A_509 : vector<16xi32> to vector<16x1xi32>
      %gather3A_511 = vector.shape_cast %broadcast_in_dim3A_510 : vector<16x1xi32> to vector<16xi32>
      %gather3A_512 = tpu.dynamic_gather %add3A_499[%gather3A_511] in [0] : vector<16xf32>, vector<16xi32> -> vector<16xf32>
      %add3A_513 = arith.addf %add3A_499, %gather3A_512 : vector<16xf32>
      %xor3A_514 = arith.constant 4 : i32
      %xor3A_515 = vector.broadcast %xor3A_514 : i32 to vector<16xi32>
      %xor3A_516 = arith.xori %iota3A, %xor3A_515 : vector<16xi32>
      %lt3A_517 = arith.constant 0 : i32
      %lt3A_518 = vector.broadcast %lt3A_517 : i32 to vector<16xi32>
      %lt3A_519 = arith.cmpi slt, %xor3A_516, %lt3A_518 : vector<16xi32>
      %add3A_520 = arith.constant 16 : i32
      %add3A_521 = vector.broadcast %add3A_520 : i32 to vector<16xi32>
      %add3A_522 = arith.addi %xor3A_516, %add3A_521 : vector<16xi32>
      %select_n3A_523 = arith.select %lt3A_519, %add3A_522, %xor3A_516 : vector<16xi1>, vector<16xi32>
      %broadcast_in_dim3A_524 = vector.shape_cast %select_n3A_523 : vector<16xi32> to vector<16x1xi32>
      %gather3A_525 = vector.shape_cast %broadcast_in_dim3A_524 : vector<16x1xi32> to vector<16xi32>
      %gather3A_526 = tpu.dynamic_gather %add3A_513[%gather3A_525] in [0] : vector<16xf32>, vector<16xi32> -> vector<16xf32>
      %add3A_527 = arith.addf %add3A_513, %gather3A_526 : vector<16xf32>
      %xor3A_528 = arith.constant 2 : i32
      %xor3A_529 = vector.broadcast %xor3A_528 : i32 to vector<16xi32>
      %xor3A_530 = arith.xori %iota3A, %xor3A_529 : vector<16xi32>
      %lt3A_531 = arith.constant 0 : i32
      %lt3A_532 = vector.broadcast %lt3A_531 : i32 to vector<16xi32>
      %lt3A_533 = arith.cmpi slt, %xor3A_530, %lt3A_532 : vector<16xi32>
      %add3A_534 = arith.constant 16 : i32
      %add3A_535 = vector.broadcast %add3A_534 : i32 to vector<16xi32>
      %add3A_536 = arith.addi %xor3A_530, %add3A_535 : vector<16xi32>
      %select_n3A_537 = arith.select %lt3A_533, %add3A_536, %xor3A_530 : vector<16xi1>, vector<16xi32>
      %broadcast_in_dim3A_538 = vector.shape_cast %select_n3A_537 : vector<16xi32> to vector<16x1xi32>
      %gather3A_539 = vector.shape_cast %broadcast_in_dim3A_538 : vector<16x1xi32> to vector<16xi32>
      %gather3A_540 = tpu.dynamic_gather %add3A_527[%gather3A_539] in [0] : vector<16xf32>, vector<16xi32> -> vector<16xf32>
      %add3A_541 = arith.addf %add3A_527, %gather3A_540 : vector<16xf32>
      %xor3A_542 = arith.constant 1 : i32
      %xor3A_543 = vector.broadcast %xor3A_542 : i32 to vector<16xi32>
      %xor3A_544 = arith.xori %iota3A, %xor3A_543 : vector<16xi32>
      %lt3A_545 = arith.constant 0 : i32
      %lt3A_546 = vector.broadcast %lt3A_545 : i32 to vector<16xi32>
      %lt3A_547 = arith.cmpi slt, %xor3A_544, %lt3A_546 : vector<16xi32>
      %add3A_548 = arith.constant 16 : i32
      %add3A_549 = vector.broadcast %add3A_548 : i32 to vector<16xi32>
      %add3A_550 = arith.addi %xor3A_544, %add3A_549 : vector<16xi32>
      %select_n3A_551 = arith.select %lt3A_547, %add3A_550, %xor3A_544 : vector<16xi1>, vector<16xi32>
      %broadcast_in_dim3A_552 = vector.shape_cast %select_n3A_551 : vector<16xi32> to vector<16x1xi32>
      %gather3A_553 = vector.shape_cast %broadcast_in_dim3A_552 : vector<16x1xi32> to vector<16xi32>
      %gather3A_554 = tpu.dynamic_gather %add3A_541[%gather3A_553] in [0] : vector<16xf32>, vector<16xi32> -> vector<16xf32>
      %add3A_555 = arith.addf %add3A_541, %gather3A_554 : vector<16xf32>
      %eq3A_556 = arith.constant 4 : i32
      %eq3A_557 = vector.broadcast %eq3A_556 : i32 to vector<16xi32>
      %eq3A_558 = arith.cmpi eq, %iota3A, %eq3A_557 : vector<16xi32>
      %select_n3A_559 = arith.select %eq3A_558, %add3A_555, %select_n3A_452 : vector<16xi1>, vector<16xf32>
      %mul3A_560 = arith.constant 16 : i32
      %mul3A_561 = arith.muli %scan3A_28, %mul3A_560 : i32
      %add3A_562 = arith.constant 5 : i32
      %add3A_563 = arith.addi %mul3A_561, %add3A_562 : i32
      %mul3A_564 = arith.constant 16 : i32
      %mul3A_565 = arith.muli %scan3A_28, %mul3A_564 : i32
      %add3A_566 = arith.constant 5 : i32
      %add3A_567 = arith.addi %mul3A_565, %add3A_566 : i32
      %get3A_568 = arith.index_cast %add3A_563 : i32 to index
      %get3A_569 = arith.constant 0 : index
      %get3A_570 = tpu.vector_load %arg12[%get3A_568, %get3A_569] {strides = array<i32>} : memref<512x64xf32, #tpu.memory_space<vmem>>, vector<1x16xf32>,
      %get3A_571 = vector.shape_cast %get3A_570 : vector<1x16xf32> to vector<16xf32>
      %get3A_572 = arith.index_cast %add3A_567 : i32 to index
      %get3A_573 = arith.constant 0 : index
      %get3A_574 = tpu.vector_load %arg13[%get3A_572, %get3A_573] {strides = array<i32>} : memref<512x64xf32, #tpu.memory_space<vmem>>, vector<1x16xf32>,
      %get3A_575 = vector.shape_cast %get3A_574 : vector<1x16xf32> to vector<16xf32>
      %mul3A_576 = arith.mulf %get3A_571, %get3A_575 : vector<16xf32>
      %get3A_577 = arith.index_cast %add3A_563 : i32 to index
      %get3A_578 = arith.constant 16 : index
      %get3A_579 = tpu.vector_load %arg12[%get3A_577, %get3A_578] {strides = array<i32>} : memref<512x64xf32, #tpu.memory_space<vmem>>, vector<1x16xf32>,
      %get3A_580 = vector.shape_cast %get3A_579 : vector<1x16xf32> to vector<16xf32>
      %get3A_581 = arith.index_cast %add3A_567 : i32 to index
      %get3A_582 = arith.constant 16 : index
      %get3A_583 = tpu.vector_load %arg13[%get3A_581, %get3A_582] {strides = array<i32>} : memref<512x64xf32, #tpu.memory_space<vmem>>, vector<1x16xf32>,
      %get3A_584 = vector.shape_cast %get3A_583 : vector<1x16xf32> to vector<16xf32>
      %mul3A_585 = arith.mulf %get3A_580, %get3A_584 : vector<16xf32>
      %add3A_586 = arith.addf %mul3A_576, %mul3A_585 : vector<16xf32>
      %get3A_587 = arith.index_cast %add3A_563 : i32 to index
      %get3A_588 = arith.constant 32 : index
      %get3A_589 = tpu.vector_load %arg12[%get3A_587, %get3A_588] {strides = array<i32>} : memref<512x64xf32, #tpu.memory_space<vmem>>, vector<1x16xf32>,
      %get3A_590 = vector.shape_cast %get3A_589 : vector<1x16xf32> to vector<16xf32>
      %get3A_591 = arith.index_cast %add3A_567 : i32 to index
      %get3A_592 = arith.constant 32 : index
      %get3A_593 = tpu.vector_load %arg13[%get3A_591, %get3A_592] {strides = array<i32>} : memref<512x64xf32, #tpu.memory_space<vmem>>, vector<1x16xf32>,
      %get3A_594 = vector.shape_cast %get3A_593 : vector<1x16xf32> to vector<16xf32>
      %mul3A_595 = arith.mulf %get3A_590, %get3A_594 : vector<16xf32>
      %add3A_596 = arith.addf %add3A_586, %mul3A_595 : vector<16xf32>
      %get3A_597 = arith.index_cast %add3A_563 : i32 to index
      %get3A_598 = arith.constant 48 : index
      %get3A_599 = tpu.vector_load %arg12[%get3A_597, %get3A_598] {strides = array<i32>} : memref<512x64xf32, #tpu.memory_space<vmem>>, vector<1x16xf32>,
      %get3A_600 = vector.shape_cast %get3A_599 : vector<1x16xf32> to vector<16xf32>
      %get3A_601 = arith.index_cast %add3A_567 : i32 to index
      %get3A_602 = arith.constant 48 : index
      %get3A_603 = tpu.vector_load %arg13[%get3A_601, %get3A_602] {strides = array<i32>} : memref<512x64xf32, #tpu.memory_space<vmem>>, vector<1x16xf32>,
      %get3A_604 = vector.shape_cast %get3A_603 : vector<1x16xf32> to vector<16xf32>
      %mul3A_605 = arith.mulf %get3A_600, %get3A_604 : vector<16xf32>
      %add3A_606 = arith.addf %add3A_596, %mul3A_605 : vector<16xf32>
      %xor3A_607 = arith.constant 8 : i32
      %xor3A_608 = vector.broadcast %xor3A_607 : i32 to vector<16xi32>
      %xor3A_609 = arith.xori %iota3A, %xor3A_608 : vector<16xi32>
      %lt3A_610 = arith.constant 0 : i32
      %lt3A_611 = vector.broadcast %lt3A_610 : i32 to vector<16xi32>
      %lt3A_612 = arith.cmpi slt, %xor3A_609, %lt3A_611 : vector<16xi32>
      %add3A_613 = arith.constant 16 : i32
      %add3A_614 = vector.broadcast %add3A_613 : i32 to vector<16xi32>
      %add3A_615 = arith.addi %xor3A_609, %add3A_614 : vector<16xi32>
      %select_n3A_616 = arith.select %lt3A_612, %add3A_615, %xor3A_609 : vector<16xi1>, vector<16xi32>
      %broadcast_in_dim3A_617 = vector.shape_cast %select_n3A_616 : vector<16xi32> to vector<16x1xi32>
      %gather3A_618 = vector.shape_cast %broadcast_in_dim3A_617 : vector<16x1xi32> to vector<16xi32>
      %gather3A_619 = tpu.dynamic_gather %add3A_606[%gather3A_618] in [0] : vector<16xf32>, vector<16xi32> -> vector<16xf32>
      %add3A_620 = arith.addf %add3A_606, %gather3A_619 : vector<16xf32>
      %xor3A_621 = arith.constant 4 : i32
      %xor3A_622 = vector.broadcast %xor3A_621 : i32 to vector<16xi32>
      %xor3A_623 = arith.xori %iota3A, %xor3A_622 : vector<16xi32>
      %lt3A_624 = arith.constant 0 : i32
      %lt3A_625 = vector.broadcast %lt3A_624 : i32 to vector<16xi32>
      %lt3A_626 = arith.cmpi slt, %xor3A_623, %lt3A_625 : vector<16xi32>
      %add3A_627 = arith.constant 16 : i32
      %add3A_628 = vector.broadcast %add3A_627 : i32 to vector<16xi32>
      %add3A_629 = arith.addi %xor3A_623, %add3A_628 : vector<16xi32>
      %select_n3A_630 = arith.select %lt3A_626, %add3A_629, %xor3A_623 : vector<16xi1>, vector<16xi32>
      %broadcast_in_dim3A_631 = vector.shape_cast %select_n3A_630 : vector<16xi32> to vector<16x1xi32>
      %gather3A_632 = vector.shape_cast %broadcast_in_dim3A_631 : vector<16x1xi32> to vector<16xi32>
      %gather3A_633 = tpu.dynamic_gather %add3A_620[%gather3A_632] in [0] : vector<16xf32>, vector<16xi32> -> vector<16xf32>
      %add3A_634 = arith.addf %add3A_620, %gather3A_633 : vector<16xf32>
      %xor3A_635 = arith.constant 2 : i32
      %xor3A_636 = vector.broadcast %xor3A_635 : i32 to vector<16xi32>
      %xor3A_637 = arith.xori %iota3A, %xor3A_636 : vector<16xi32>
      %lt3A_638 = arith.constant 0 : i32
      %lt3A_639 = vector.broadcast %lt3A_638 : i32 to vector<16xi32>
      %lt3A_640 = arith.cmpi slt, %xor3A_637, %lt3A_639 : vector<16xi32>
      %add3A_641 = arith.constant 16 : i32
      %add3A_642 = vector.broadcast %add3A_641 : i32 to vector<16xi32>
      %add3A_643 = arith.addi %xor3A_637, %add3A_642 : vector<16xi32>
      %select_n3A_644 = arith.select %lt3A_640, %add3A_643, %xor3A_637 : vector<16xi1>, vector<16xi32>
      %broadcast_in_dim3A_645 = vector.shape_cast %select_n3A_644 : vector<16xi32> to vector<16x1xi32>
      %gather3A_646 = vector.shape_cast %broadcast_in_dim3A_645 : vector<16x1xi32> to vector<16xi32>
      %gather3A_647 = tpu.dynamic_gather %add3A_634[%gather3A_646] in [0] : vector<16xf32>, vector<16xi32> -> vector<16xf32>
      %add3A_648 = arith.addf %add3A_634, %gather3A_647 : vector<16xf32>
      %xor3A_649 = arith.constant 1 : i32
      %xor3A_650 = vector.broadcast %xor3A_649 : i32 to vector<16xi32>
      %xor3A_651 = arith.xori %iota3A, %xor3A_650 : vector<16xi32>
      %lt3A_652 = arith.constant 0 : i32
      %lt3A_653 = vector.broadcast %lt3A_652 : i32 to vector<16xi32>
      %lt3A_654 = arith.cmpi slt, %xor3A_651, %lt3A_653 : vector<16xi32>
      %add3A_655 = arith.constant 16 : i32
      %add3A_656 = vector.broadcast %add3A_655 : i32 to vector<16xi32>
      %add3A_657 = arith.addi %xor3A_651, %add3A_656 : vector<16xi32>
      %select_n3A_658 = arith.select %lt3A_654, %add3A_657, %xor3A_651 : vector<16xi1>, vector<16xi32>
      %broadcast_in_dim3A_659 = vector.shape_cast %select_n3A_658 : vector<16xi32> to vector<16x1xi32>
      %gather3A_660 = vector.shape_cast %broadcast_in_dim3A_659 : vector<16x1xi32> to vector<16xi32>
      %gather3A_661 = tpu.dynamic_gather %add3A_648[%gather3A_660] in [0] : vector<16xf32>, vector<16xi32> -> vector<16xf32>
      %add3A_662 = arith.addf %add3A_648, %gather3A_661 : vector<16xf32>
      %eq3A_663 = arith.constant 5 : i32
      %eq3A_664 = vector.broadcast %eq3A_663 : i32 to vector<16xi32>
      %eq3A_665 = arith.cmpi eq, %iota3A, %eq3A_664 : vector<16xi32>
      %select_n3A_666 = arith.select %eq3A_665, %add3A_662, %select_n3A_559 : vector<16xi1>, vector<16xf32>
      %mul3A_667 = arith.constant 16 : i32
      %mul3A_668 = arith.muli %scan3A_28, %mul3A_667 : i32
      %add3A_669 = arith.constant 6 : i32
      %add3A_670 = arith.addi %mul3A_668, %add3A_669 : i32
      %mul3A_671 = arith.constant 16 : i32
      %mul3A_672 = arith.muli %scan3A_28, %mul3A_671 : i32
      %add3A_673 = arith.constant 6 : i32
      %add3A_674 = arith.addi %mul3A_672, %add3A_673 : i32
      %get3A_675 = arith.index_cast %add3A_670 : i32 to index
      %get3A_676 = arith.constant 0 : index
      %get3A_677 = tpu.vector_load %arg12[%get3A_675, %get3A_676] {strides = array<i32>} : memref<512x64xf32, #tpu.memory_space<vmem>>, vector<1x16xf32>,
      %get3A_678 = vector.shape_cast %get3A_677 : vector<1x16xf32> to vector<16xf32>
      %get3A_679 = arith.index_cast %add3A_674 : i32 to index
      %get3A_680 = arith.constant 0 : index
      %get3A_681 = tpu.vector_load %arg13[%get3A_679, %get3A_680] {strides = array<i32>} : memref<512x64xf32, #tpu.memory_space<vmem>>, vector<1x16xf32>,
      %get3A_682 = vector.shape_cast %get3A_681 : vector<1x16xf32> to vector<16xf32>
      %mul3A_683 = arith.mulf %get3A_678, %get3A_682 : vector<16xf32>
      %get3A_684 = arith.index_cast %add3A_670 : i32 to index
      %get3A_685 = arith.constant 16 : index
      %get3A_686 = tpu.vector_load %arg12[%get3A_684, %get3A_685] {strides = array<i32>} : memref<512x64xf32, #tpu.memory_space<vmem>>, vector<1x16xf32>,
      %get3A_687 = vector.shape_cast %get3A_686 : vector<1x16xf32> to vector<16xf32>
      %get3A_688 = arith.index_cast %add3A_674 : i32 to index
      %get3A_689 = arith.constant 16 : index
      %get3A_690 = tpu.vector_load %arg13[%get3A_688, %get3A_689] {strides = array<i32>} : memref<512x64xf32, #tpu.memory_space<vmem>>, vector<1x16xf32>,
      %get3A_691 = vector.shape_cast %get3A_690 : vector<1x16xf32> to vector<16xf32>
      %mul3A_692 = arith.mulf %get3A_687, %get3A_691 : vector<16xf32>
      %add3A_693 = arith.addf %mul3A_683, %mul3A_692 : vector<16xf32>
      %get3A_694 = arith.index_cast %add3A_670 : i32 to index
      %get3A_695 = arith.constant 32 : index
      %get3A_696 = tpu.vector_load %arg12[%get3A_694, %get3A_695] {strides = array<i32>} : memref<512x64xf32, #tpu.memory_space<vmem>>, vector<1x16xf32>,
      %get3A_697 = vector.shape_cast %get3A_696 : vector<1x16xf32> to vector<16xf32>
      %get3A_698 = arith.index_cast %add3A_674 : i32 to index
      %get3A_699 = arith.constant 32 : index
      %get3A_700 = tpu.vector_load %arg13[%get3A_698, %get3A_699] {strides = array<i32>} : memref<512x64xf32, #tpu.memory_space<vmem>>, vector<1x16xf32>,
      %get3A_701 = vector.shape_cast %get3A_700 : vector<1x16xf32> to vector<16xf32>
      %mul3A_702 = arith.mulf %get3A_697, %get3A_701 : vector<16xf32>
      %add3A_703 = arith.addf %add3A_693, %mul3A_702 : vector<16xf32>
      %get3A_704 = arith.index_cast %add3A_670 : i32 to index
      %get3A_705 = arith.constant 48 : index
      %get3A_706 = tpu.vector_load %arg12[%get3A_704, %get3A_705] {strides = array<i32>} : memref<512x64xf32, #tpu.memory_space<vmem>>, vector<1x16xf32>,
      %get3A_707 = vector.shape_cast %get3A_706 : vector<1x16xf32> to vector<16xf32>
      %get3A_708 = arith.index_cast %add3A_674 : i32 to index
      %get3A_709 = arith.constant 48 : index
      %get3A_710 = tpu.vector_load %arg13[%get3A_708, %get3A_709] {strides = array<i32>} : memref<512x64xf32, #tpu.memory_space<vmem>>, vector<1x16xf32>,
      %get3A_711 = vector.shape_cast %get3A_710 : vector<1x16xf32> to vector<16xf32>
      %mul3A_712 = arith.mulf %get3A_707, %get3A_711 : vector<16xf32>
      %add3A_713 = arith.addf %add3A_703, %mul3A_712 : vector<16xf32>
      %xor3A_714 = arith.constant 8 : i32
      %xor3A_715 = vector.broadcast %xor3A_714 : i32 to vector<16xi32>
      %xor3A_716 = arith.xori %iota3A, %xor3A_715 : vector<16xi32>
      %lt3A_717 = arith.constant 0 : i32
      %lt3A_718 = vector.broadcast %lt3A_717 : i32 to vector<16xi32>
      %lt3A_719 = arith.cmpi slt, %xor3A_716, %lt3A_718 : vector<16xi32>
      %add3A_720 = arith.constant 16 : i32
      %add3A_721 = vector.broadcast %add3A_720 : i32 to vector<16xi32>
      %add3A_722 = arith.addi %xor3A_716, %add3A_721 : vector<16xi32>
      %select_n3A_723 = arith.select %lt3A_719, %add3A_722, %xor3A_716 : vector<16xi1>, vector<16xi32>
      %broadcast_in_dim3A_724 = vector.shape_cast %select_n3A_723 : vector<16xi32> to vector<16x1xi32>
      %gather3A_725 = vector.shape_cast %broadcast_in_dim3A_724 : vector<16x1xi32> to vector<16xi32>
      %gather3A_726 = tpu.dynamic_gather %add3A_713[%gather3A_725] in [0] : vector<16xf32>, vector<16xi32> -> vector<16xf32>
      %add3A_727 = arith.addf %add3A_713, %gather3A_726 : vector<16xf32>
      %xor3A_728 = arith.constant 4 : i32
      %xor3A_729 = vector.broadcast %xor3A_728 : i32 to vector<16xi32>
      %xor3A_730 = arith.xori %iota3A, %xor3A_729 : vector<16xi32>
      %lt3A_731 = arith.constant 0 : i32
      %lt3A_732 = vector.broadcast %lt3A_731 : i32 to vector<16xi32>
      %lt3A_733 = arith.cmpi slt, %xor3A_730, %lt3A_732 : vector<16xi32>
      %add3A_734 = arith.constant 16 : i32
      %add3A_735 = vector.broadcast %add3A_734 : i32 to vector<16xi32>
      %add3A_736 = arith.addi %xor3A_730, %add3A_735 : vector<16xi32>
      %select_n3A_737 = arith.select %lt3A_733, %add3A_736, %xor3A_730 : vector<16xi1>, vector<16xi32>
      %broadcast_in_dim3A_738 = vector.shape_cast %select_n3A_737 : vector<16xi32> to vector<16x1xi32>
      %gather3A_739 = vector.shape_cast %broadcast_in_dim3A_738 : vector<16x1xi32> to vector<16xi32>
      %gather3A_740 = tpu.dynamic_gather %add3A_727[%gather3A_739] in [0] : vector<16xf32>, vector<16xi32> -> vector<16xf32>
      %add3A_741 = arith.addf %add3A_727, %gather3A_740 : vector<16xf32>
      %xor3A_742 = arith.constant 2 : i32
      %xor3A_743 = vector.broadcast %xor3A_742 : i32 to vector<16xi32>
      %xor3A_744 = arith.xori %iota3A, %xor3A_743 : vector<16xi32>
      %lt3A_745 = arith.constant 0 : i32
      %lt3A_746 = vector.broadcast %lt3A_745 : i32 to vector<16xi32>
      %lt3A_747 = arith.cmpi slt, %xor3A_744, %lt3A_746 : vector<16xi32>
      %add3A_748 = arith.constant 16 : i32
      %add3A_749 = vector.broadcast %add3A_748 : i32 to vector<16xi32>
      %add3A_750 = arith.addi %xor3A_744, %add3A_749 : vector<16xi32>
      %select_n3A_751 = arith.select %lt3A_747, %add3A_750, %xor3A_744 : vector<16xi1>, vector<16xi32>
      %broadcast_in_dim3A_752 = vector.shape_cast %select_n3A_751 : vector<16xi32> to vector<16x1xi32>
      %gather3A_753 = vector.shape_cast %broadcast_in_dim3A_752 : vector<16x1xi32> to vector<16xi32>
      %gather3A_754 = tpu.dynamic_gather %add3A_741[%gather3A_753] in [0] : vector<16xf32>, vector<16xi32> -> vector<16xf32>
      %add3A_755 = arith.addf %add3A_741, %gather3A_754 : vector<16xf32>
      %xor3A_756 = arith.constant 1 : i32
      %xor3A_757 = vector.broadcast %xor3A_756 : i32 to vector<16xi32>
      %xor3A_758 = arith.xori %iota3A, %xor3A_757 : vector<16xi32>
      %lt3A_759 = arith.constant 0 : i32
      %lt3A_760 = vector.broadcast %lt3A_759 : i32 to vector<16xi32>
      %lt3A_761 = arith.cmpi slt, %xor3A_758, %lt3A_760 : vector<16xi32>
      %add3A_762 = arith.constant 16 : i32
      %add3A_763 = vector.broadcast %add3A_762 : i32 to vector<16xi32>
      %add3A_764 = arith.addi %xor3A_758, %add3A_763 : vector<16xi32>
      %select_n3A_765 = arith.select %lt3A_761, %add3A_764, %xor3A_758 : vector<16xi1>, vector<16xi32>
      %broadcast_in_dim3A_766 = vector.shape_cast %select_n3A_765 : vector<16xi32> to vector<16x1xi32>
      %gather3A_767 = vector.shape_cast %broadcast_in_dim3A_766 : vector<16x1xi32> to vector<16xi32>
      %gather3A_768 = tpu.dynamic_gather %add3A_755[%gather3A_767] in [0] : vector<16xf32>, vector<16xi32> -> vector<16xf32>
      %add3A_769 = arith.addf %add3A_755, %gather3A_768 : vector<16xf32>
      %eq3A_770 = arith.constant 6 : i32
      %eq3A_771 = vector.broadcast %eq3A_770 : i32 to vector<16xi32>
      %eq3A_772 = arith.cmpi eq, %iota3A, %eq3A_771 : vector<16xi32>
      %select_n3A_773 = arith.select %eq3A_772, %add3A_769, %select_n3A_666 : vector<16xi1>, vector<16xf32>
      %mul3A_774 = arith.constant 16 : i32
      %mul3A_775 = arith.muli %scan3A_28, %mul3A_774 : i32
      %add3A_776 = arith.constant 7 : i32
      %add3A_777 = arith.addi %mul3A_775, %add3A_776 : i32
      %mul3A_778 = arith.constant 16 : i32
      %mul3A_779 = arith.muli %scan3A_28, %mul3A_778 : i32
      %add3A_780 = arith.constant 7 : i32
      %add3A_781 = arith.addi %mul3A_779, %add3A_780 : i32
      %get3A_782 = arith.index_cast %add3A_777 : i32 to index
      %get3A_783 = arith.constant 0 : index
      %get3A_784 = tpu.vector_load %arg12[%get3A_782, %get3A_783] {strides = array<i32>} : memref<512x64xf32, #tpu.memory_space<vmem>>, vector<1x16xf32>,
      %get3A_785 = vector.shape_cast %get3A_784 : vector<1x16xf32> to vector<16xf32>
      %get3A_786 = arith.index_cast %add3A_781 : i32 to index
      %get3A_787 = arith.constant 0 : index
      %get3A_788 = tpu.vector_load %arg13[%get3A_786, %get3A_787] {strides = array<i32>} : memref<512x64xf32, #tpu.memory_space<vmem>>, vector<1x16xf32>,
      %get3A_789 = vector.shape_cast %get3A_788 : vector<1x16xf32> to vector<16xf32>
      %mul3A_790 = arith.mulf %get3A_785, %get3A_789 : vector<16xf32>
      %get3A_791 = arith.index_cast %add3A_777 : i32 to index
      %get3A_792 = arith.constant 16 : index
      %get3A_793 = tpu.vector_load %arg12[%get3A_791, %get3A_792] {strides = array<i32>} : memref<512x64xf32, #tpu.memory_space<vmem>>, vector<1x16xf32>,
      %get3A_794 = vector.shape_cast %get3A_793 : vector<1x16xf32> to vector<16xf32>
      %get3A_795 = arith.index_cast %add3A_781 : i32 to index
      %get3A_796 = arith.constant 16 : index
      %get3A_797 = tpu.vector_load %arg13[%get3A_795, %get3A_796] {strides = array<i32>} : memref<512x64xf32, #tpu.memory_space<vmem>>, vector<1x16xf32>,
      %get3A_798 = vector.shape_cast %get3A_797 : vector<1x16xf32> to vector<16xf32>
      %mul3A_799 = arith.mulf %get3A_794, %get3A_798 : vector<16xf32>
      %add3A_800 = arith.addf %mul3A_790, %mul3A_799 : vector<16xf32>
      %get3A_801 = arith.index_cast %add3A_777 : i32 to index
      %get3A_802 = arith.constant 32 : index
      %get3A_803 = tpu.vector_load %arg12[%get3A_801, %get3A_802] {strides = array<i32>} : memref<512x64xf32, #tpu.memory_space<vmem>>, vector<1x16xf32>,
      %get3A_804 = vector.shape_cast %get3A_803 : vector<1x16xf32> to vector<16xf32>
      %get3A_805 = arith.index_cast %add3A_781 : i32 to index
      %get3A_806 = arith.constant 32 : index
      %get3A_807 = tpu.vector_load %arg13[%get3A_805, %get3A_806] {strides = array<i32>} : memref<512x64xf32, #tpu.memory_space<vmem>>, vector<1x16xf32>,
      %get3A_808 = vector.shape_cast %get3A_807 : vector<1x16xf32> to vector<16xf32>
      %mul3A_809 = arith.mulf %get3A_804, %get3A_808 : vector<16xf32>
      %add3A_810 = arith.addf %add3A_800, %mul3A_809 : vector<16xf32>
      %get3A_811 = arith.index_cast %add3A_777 : i32 to index
      %get3A_812 = arith.constant 48 : index
      %get3A_813 = tpu.vector_load %arg12[%get3A_811, %get3A_812] {strides = array<i32>} : memref<512x64xf32, #tpu.memory_space<vmem>>, vector<1x16xf32>,
      %get3A_814 = vector.shape_cast %get3A_813 : vector<1x16xf32> to vector<16xf32>
      %get3A_815 = arith.index_cast %add3A_781 : i32 to index
      %get3A_816 = arith.constant 48 : index
      %get3A_817 = tpu.vector_load %arg13[%get3A_815, %get3A_816] {strides = array<i32>} : memref<512x64xf32, #tpu.memory_space<vmem>>, vector<1x16xf32>,
      %get3A_818 = vector.shape_cast %get3A_817 : vector<1x16xf32> to vector<16xf32>
      %mul3A_819 = arith.mulf %get3A_814, %get3A_818 : vector<16xf32>
      %add3A_820 = arith.addf %add3A_810, %mul3A_819 : vector<16xf32>
      %xor3A_821 = arith.constant 8 : i32
      %xor3A_822 = vector.broadcast %xor3A_821 : i32 to vector<16xi32>
      %xor3A_823 = arith.xori %iota3A, %xor3A_822 : vector<16xi32>
      %lt3A_824 = arith.constant 0 : i32
      %lt3A_825 = vector.broadcast %lt3A_824 : i32 to vector<16xi32>
      %lt3A_826 = arith.cmpi slt, %xor3A_823, %lt3A_825 : vector<16xi32>
      %add3A_827 = arith.constant 16 : i32
      %add3A_828 = vector.broadcast %add3A_827 : i32 to vector<16xi32>
      %add3A_829 = arith.addi %xor3A_823, %add3A_828 : vector<16xi32>
      %select_n3A_830 = arith.select %lt3A_826, %add3A_829, %xor3A_823 : vector<16xi1>, vector<16xi32>
      %broadcast_in_dim3A_831 = vector.shape_cast %select_n3A_830 : vector<16xi32> to vector<16x1xi32>
      %gather3A_832 = vector.shape_cast %broadcast_in_dim3A_831 : vector<16x1xi32> to vector<16xi32>
      %gather3A_833 = tpu.dynamic_gather %add3A_820[%gather3A_832] in [0] : vector<16xf32>, vector<16xi32> -> vector<16xf32>
      %add3A_834 = arith.addf %add3A_820, %gather3A_833 : vector<16xf32>
      %xor3A_835 = arith.constant 4 : i32
      %xor3A_836 = vector.broadcast %xor3A_835 : i32 to vector<16xi32>
      %xor3A_837 = arith.xori %iota3A, %xor3A_836 : vector<16xi32>
      %lt3A_838 = arith.constant 0 : i32
      %lt3A_839 = vector.broadcast %lt3A_838 : i32 to vector<16xi32>
      %lt3A_840 = arith.cmpi slt, %xor3A_837, %lt3A_839 : vector<16xi32>
      %add3A_841 = arith.constant 16 : i32
      %add3A_842 = vector.broadcast %add3A_841 : i32 to vector<16xi32>
      %add3A_843 = arith.addi %xor3A_837, %add3A_842 : vector<16xi32>
      %select_n3A_844 = arith.select %lt3A_840, %add3A_843, %xor3A_837 : vector<16xi1>, vector<16xi32>
      %broadcast_in_dim3A_845 = vector.shape_cast %select_n3A_844 : vector<16xi32> to vector<16x1xi32>
      %gather3A_846 = vector.shape_cast %broadcast_in_dim3A_845 : vector<16x1xi32> to vector<16xi32>
      %gather3A_847 = tpu.dynamic_gather %add3A_834[%gather3A_846] in [0] : vector<16xf32>, vector<16xi32> -> vector<16xf32>
      %add3A_848 = arith.addf %add3A_834, %gather3A_847 : vector<16xf32>
      %xor3A_849 = arith.constant 2 : i32
      %xor3A_850 = vector.broadcast %xor3A_849 : i32 to vector<16xi32>
      %xor3A_851 = arith.xori %iota3A, %xor3A_850 : vector<16xi32>
      %lt3A_852 = arith.constant 0 : i32
      %lt3A_853 = vector.broadcast %lt3A_852 : i32 to vector<16xi32>
      %lt3A_854 = arith.cmpi slt, %xor3A_851, %lt3A_853 : vector<16xi32>
      %add3A_855 = arith.constant 16 : i32
      %add3A_856 = vector.broadcast %add3A_855 : i32 to vector<16xi32>
      %add3A_857 = arith.addi %xor3A_851, %add3A_856 : vector<16xi32>
      %select_n3A_858 = arith.select %lt3A_854, %add3A_857, %xor3A_851 : vector<16xi1>, vector<16xi32>
      %broadcast_in_dim3A_859 = vector.shape_cast %select_n3A_858 : vector<16xi32> to vector<16x1xi32>
      %gather3A_860 = vector.shape_cast %broadcast_in_dim3A_859 : vector<16x1xi32> to vector<16xi32>
      %gather3A_861 = tpu.dynamic_gather %add3A_848[%gather3A_860] in [0] : vector<16xf32>, vector<16xi32> -> vector<16xf32>
      %add3A_862 = arith.addf %add3A_848, %gather3A_861 : vector<16xf32>
      %xor3A_863 = arith.constant 1 : i32
      %xor3A_864 = vector.broadcast %xor3A_863 : i32 to vector<16xi32>
      %xor3A_865 = arith.xori %iota3A, %xor3A_864 : vector<16xi32>
      %lt3A_866 = arith.constant 0 : i32
      %lt3A_867 = vector.broadcast %lt3A_866 : i32 to vector<16xi32>
      %lt3A_868 = arith.cmpi slt, %xor3A_865, %lt3A_867 : vector<16xi32>
      %add3A_869 = arith.constant 16 : i32
      %add3A_870 = vector.broadcast %add3A_869 : i32 to vector<16xi32>
      %add3A_871 = arith.addi %xor3A_865, %add3A_870 : vector<16xi32>
      %select_n3A_872 = arith.select %lt3A_868, %add3A_871, %xor3A_865 : vector<16xi1>, vector<16xi32>
      %broadcast_in_dim3A_873 = vector.shape_cast %select_n3A_872 : vector<16xi32> to vector<16x1xi32>
      %gather3A_874 = vector.shape_cast %broadcast_in_dim3A_873 : vector<16x1xi32> to vector<16xi32>
      %gather3A_875 = tpu.dynamic_gather %add3A_862[%gather3A_874] in [0] : vector<16xf32>, vector<16xi32> -> vector<16xf32>
      %add3A_876 = arith.addf %add3A_862, %gather3A_875 : vector<16xf32>
      %eq3A_877 = arith.constant 7 : i32
      %eq3A_878 = vector.broadcast %eq3A_877 : i32 to vector<16xi32>
      %eq3A_879 = arith.cmpi eq, %iota3A, %eq3A_878 : vector<16xi32>
      %select_n3A_880 = arith.select %eq3A_879, %add3A_876, %select_n3A_773 : vector<16xi1>, vector<16xf32>
      %mul3A_881 = arith.constant 16 : i32
      %mul3A_882 = arith.muli %scan3A_28, %mul3A_881 : i32
      %add3A_883 = arith.constant 8 : i32
      %add3A_884 = arith.addi %mul3A_882, %add3A_883 : i32
      %mul3A_885 = arith.constant 16 : i32
      %mul3A_886 = arith.muli %scan3A_28, %mul3A_885 : i32
      %add3A_887 = arith.constant 8 : i32
      %add3A_888 = arith.addi %mul3A_886, %add3A_887 : i32
      %get3A_889 = arith.index_cast %add3A_884 : i32 to index
      %get3A_890 = arith.constant 0 : index
      %get3A_891 = tpu.vector_load %arg12[%get3A_889, %get3A_890] {strides = array<i32>} : memref<512x64xf32, #tpu.memory_space<vmem>>, vector<1x16xf32>,
      %get3A_892 = vector.shape_cast %get3A_891 : vector<1x16xf32> to vector<16xf32>
      %get3A_893 = arith.index_cast %add3A_888 : i32 to index
      %get3A_894 = arith.constant 0 : index
      %get3A_895 = tpu.vector_load %arg13[%get3A_893, %get3A_894] {strides = array<i32>} : memref<512x64xf32, #tpu.memory_space<vmem>>, vector<1x16xf32>,
      %get3A_896 = vector.shape_cast %get3A_895 : vector<1x16xf32> to vector<16xf32>
      %mul3A_897 = arith.mulf %get3A_892, %get3A_896 : vector<16xf32>
      %get3A_898 = arith.index_cast %add3A_884 : i32 to index
      %get3A_899 = arith.constant 16 : index
      %get3A_900 = tpu.vector_load %arg12[%get3A_898, %get3A_899] {strides = array<i32>} : memref<512x64xf32, #tpu.memory_space<vmem>>, vector<1x16xf32>,
      %get3A_901 = vector.shape_cast %get3A_900 : vector<1x16xf32> to vector<16xf32>
      %get3A_902 = arith.index_cast %add3A_888 : i32 to index
      %get3A_903 = arith.constant 16 : index
      %get3A_904 = tpu.vector_load %arg13[%get3A_902, %get3A_903] {strides = array<i32>} : memref<512x64xf32, #tpu.memory_space<vmem>>, vector<1x16xf32>,
      %get3A_905 = vector.shape_cast %get3A_904 : vector<1x16xf32> to vector<16xf32>
      %mul3A_906 = arith.mulf %get3A_901, %get3A_905 : vector<16xf32>
      %add3A_907 = arith.addf %mul3A_897, %mul3A_906 : vector<16xf32>
      %get3A_908 = arith.index_cast %add3A_884 : i32 to index
      %get3A_909 = arith.constant 32 : index
      %get3A_910 = tpu.vector_load %arg12[%get3A_908, %get3A_909] {strides = array<i32>} : memref<512x64xf32, #tpu.memory_space<vmem>>, vector<1x16xf32>,
      %get3A_911 = vector.shape_cast %get3A_910 : vector<1x16xf32> to vector<16xf32>
      %get3A_912 = arith.index_cast %add3A_888 : i32 to index
      %get3A_913 = arith.constant 32 : index
      %get3A_914 = tpu.vector_load %arg13[%get3A_912, %get3A_913] {strides = array<i32>} : memref<512x64xf32, #tpu.memory_space<vmem>>, vector<1x16xf32>,
      %get3A_915 = vector.shape_cast %get3A_914 : vector<1x16xf32> to vector<16xf32>
      %mul3A_916 = arith.mulf %get3A_911, %get3A_915 : vector<16xf32>
      %add3A_917 = arith.addf %add3A_907, %mul3A_916 : vector<16xf32>
      %get3A_918 = arith.index_cast %add3A_884 : i32 to index
      %get3A_919 = arith.constant 48 : index
      %get3A_920 = tpu.vector_load %arg12[%get3A_918, %get3A_919] {strides = array<i32>} : memref<512x64xf32, #tpu.memory_space<vmem>>, vector<1x16xf32>,
      %get3A_921 = vector.shape_cast %get3A_920 : vector<1x16xf32> to vector<16xf32>
      %get3A_922 = arith.index_cast %add3A_888 : i32 to index
      %get3A_923 = arith.constant 48 : index
      %get3A_924 = tpu.vector_load %arg13[%get3A_922, %get3A_923] {strides = array<i32>} : memref<512x64xf32, #tpu.memory_space<vmem>>, vector<1x16xf32>,
      %get3A_925 = vector.shape_cast %get3A_924 : vector<1x16xf32> to vector<16xf32>
      %mul3A_926 = arith.mulf %get3A_921, %get3A_925 : vector<16xf32>
      %add3A_927 = arith.addf %add3A_917, %mul3A_926 : vector<16xf32>
      %xor3A_928 = arith.constant 8 : i32
      %xor3A_929 = vector.broadcast %xor3A_928 : i32 to vector<16xi32>
      %xor3A_930 = arith.xori %iota3A, %xor3A_929 : vector<16xi32>
      %lt3A_931 = arith.constant 0 : i32
      %lt3A_932 = vector.broadcast %lt3A_931 : i32 to vector<16xi32>
      %lt3A_933 = arith.cmpi slt, %xor3A_930, %lt3A_932 : vector<16xi32>
      %add3A_934 = arith.constant 16 : i32
      %add3A_935 = vector.broadcast %add3A_934 : i32 to vector<16xi32>
      %add3A_936 = arith.addi %xor3A_930, %add3A_935 : vector<16xi32>
      %select_n3A_937 = arith.select %lt3A_933, %add3A_936, %xor3A_930 : vector<16xi1>, vector<16xi32>
      %broadcast_in_dim3A_938 = vector.shape_cast %select_n3A_937 : vector<16xi32> to vector<16x1xi32>
      %gather3A_939 = vector.shape_cast %broadcast_in_dim3A_938 : vector<16x1xi32> to vector<16xi32>
      %gather3A_940 = tpu.dynamic_gather %add3A_927[%gather3A_939] in [0] : vector<16xf32>, vector<16xi32> -> vector<16xf32>
      %add3A_941 = arith.addf %add3A_927, %gather3A_940 : vector<16xf32>
      %xor3A_942 = arith.constant 4 : i32
      %xor3A_943 = vector.broadcast %xor3A_942 : i32 to vector<16xi32>
      %xor3A_944 = arith.xori %iota3A, %xor3A_943 : vector<16xi32>
      %lt3A_945 = arith.constant 0 : i32
      %lt3A_946 = vector.broadcast %lt3A_945 : i32 to vector<16xi32>
      %lt3A_947 = arith.cmpi slt, %xor3A_944, %lt3A_946 : vector<16xi32>
      %add3A_948 = arith.constant 16 : i32
      %add3A_949 = vector.broadcast %add3A_948 : i32 to vector<16xi32>
      %add3A_950 = arith.addi %xor3A_944, %add3A_949 : vector<16xi32>
      %select_n3A_951 = arith.select %lt3A_947, %add3A_950, %xor3A_944 : vector<16xi1>, vector<16xi32>
      %broadcast_in_dim3A_952 = vector.shape_cast %select_n3A_951 : vector<16xi32> to vector<16x1xi32>
      %gather3A_953 = vector.shape_cast %broadcast_in_dim3A_952 : vector<16x1xi32> to vector<16xi32>
      %gather3A_954 = tpu.dynamic_gather %add3A_941[%gather3A_953] in [0] : vector<16xf32>, vector<16xi32> -> vector<16xf32>
      %add3A_955 = arith.addf %add3A_941, %gather3A_954 : vector<16xf32>
      %xor3A_956 = arith.constant 2 : i32
      %xor3A_957 = vector.broadcast %xor3A_956 : i32 to vector<16xi32>
      %xor3A_958 = arith.xori %iota3A, %xor3A_957 : vector<16xi32>
      %lt3A_959 = arith.constant 0 : i32
      %lt3A_960 = vector.broadcast %lt3A_959 : i32 to vector<16xi32>
      %lt3A_961 = arith.cmpi slt, %xor3A_958, %lt3A_960 : vector<16xi32>
      %add3A_962 = arith.constant 16 : i32
      %add3A_963 = vector.broadcast %add3A_962 : i32 to vector<16xi32>
      %add3A_964 = arith.addi %xor3A_958, %add3A_963 : vector<16xi32>
      %select_n3A_965 = arith.select %lt3A_961, %add3A_964, %xor3A_958 : vector<16xi1>, vector<16xi32>
      %broadcast_in_dim3A_966 = vector.shape_cast %select_n3A_965 : vector<16xi32> to vector<16x1xi32>
      %gather3A_967 = vector.shape_cast %broadcast_in_dim3A_966 : vector<16x1xi32> to vector<16xi32>
      %gather3A_968 = tpu.dynamic_gather %add3A_955[%gather3A_967] in [0] : vector<16xf32>, vector<16xi32> -> vector<16xf32>
      %add3A_969 = arith.addf %add3A_955, %gather3A_968 : vector<16xf32>
      %xor3A_970 = arith.constant 1 : i32
      %xor3A_971 = vector.broadcast %xor3A_970 : i32 to vector<16xi32>
      %xor3A_972 = arith.xori %iota3A, %xor3A_971 : vector<16xi32>
      %lt3A_973 = arith.constant 0 : i32
      %lt3A_974 = vector.broadcast %lt3A_973 : i32 to vector<16xi32>
      %lt3A_975 = arith.cmpi slt, %xor3A_972, %lt3A_974 : vector<16xi32>
      %add3A_976 = arith.constant 16 : i32
      %add3A_977 = vector.broadcast %add3A_976 : i32 to vector<16xi32>
      %add3A_978 = arith.addi %xor3A_972, %add3A_977 : vector<16xi32>
      %select_n3A_979 = arith.select %lt3A_975, %add3A_978, %xor3A_972 : vector<16xi1>, vector<16xi32>
      %broadcast_in_dim3A_980 = vector.shape_cast %select_n3A_979 : vector<16xi32> to vector<16x1xi32>
      %gather3A_981 = vector.shape_cast %broadcast_in_dim3A_980 : vector<16x1xi32> to vector<16xi32>
      %gather3A_982 = tpu.dynamic_gather %add3A_969[%gather3A_981] in [0] : vector<16xf32>, vector<16xi32> -> vector<16xf32>
      %add3A_983 = arith.addf %add3A_969, %gather3A_982 : vector<16xf32>
      %eq3A_984 = arith.constant 8 : i32
      %eq3A_985 = vector.broadcast %eq3A_984 : i32 to vector<16xi32>
      %eq3A_986 = arith.cmpi eq, %iota3A, %eq3A_985 : vector<16xi32>
      %select_n3A_987 = arith.select %eq3A_986, %add3A_983, %select_n3A_880 : vector<16xi1>, vector<16xf32>
      %mul3A_988 = arith.constant 16 : i32
      %mul3A_989 = arith.muli %scan3A_28, %mul3A_988 : i32
      %add3A_990 = arith.constant 9 : i32
      %add3A_991 = arith.addi %mul3A_989, %add3A_990 : i32
      %mul3A_992 = arith.constant 16 : i32
      %mul3A_993 = arith.muli %scan3A_28, %mul3A_992 : i32
      %add3A_994 = arith.constant 9 : i32
      %add3A_995 = arith.addi %mul3A_993, %add3A_994 : i32
      %get3A_996 = arith.index_cast %add3A_991 : i32 to index
      %get3A_997 = arith.constant 0 : index
      %get3A_998 = tpu.vector_load %arg12[%get3A_996, %get3A_997] {strides = array<i32>} : memref<512x64xf32, #tpu.memory_space<vmem>>, vector<1x16xf32>,
      %get3A_999 = vector.shape_cast %get3A_998 : vector<1x16xf32> to vector<16xf32>
      %get3A_1000 = arith.index_cast %add3A_995 : i32 to index
      %get3A_1001 = arith.constant 0 : index
      %get3A_1002 = tpu.vector_load %arg13[%get3A_1000, %get3A_1001] {strides = array<i32>} : memref<512x64xf32, #tpu.memory_space<vmem>>, vector<1x16xf32>,
      %get3A_1003 = vector.shape_cast %get3A_1002 : vector<1x16xf32> to vector<16xf32>
      %mul3A_1004 = arith.mulf %get3A_999, %get3A_1003 : vector<16xf32>
      %get3A_1005 = arith.index_cast %add3A_991 : i32 to index
      %get3A_1006 = arith.constant 16 : index
      %get3A_1007 = tpu.vector_load %arg12[%get3A_1005, %get3A_1006] {strides = array<i32>} : memref<512x64xf32, #tpu.memory_space<vmem>>, vector<1x16xf32>,
      %get3A_1008 = vector.shape_cast %get3A_1007 : vector<1x16xf32> to vector<16xf32>
      %get3A_1009 = arith.index_cast %add3A_995 : i32 to index
      %get3A_1010 = arith.constant 16 : index
      %get3A_1011 = tpu.vector_load %arg13[%get3A_1009, %get3A_1010] {strides = array<i32>} : memref<512x64xf32, #tpu.memory_space<vmem>>, vector<1x16xf32>,
      %get3A_1012 = vector.shape_cast %get3A_1011 : vector<1x16xf32> to vector<16xf32>
      %mul3A_1013 = arith.mulf %get3A_1008, %get3A_1012 : vector<16xf32>
      %add3A_1014 = arith.addf %mul3A_1004, %mul3A_1013 : vector<16xf32>
      %get3A_1015 = arith.index_cast %add3A_991 : i32 to index
      %get3A_1016 = arith.constant 32 : index
      %get3A_1017 = tpu.vector_load %arg12[%get3A_1015, %get3A_1016] {strides = array<i32>} : memref<512x64xf32, #tpu.memory_space<vmem>>, vector<1x16xf32>,
      %get3A_1018 = vector.shape_cast %get3A_1017 : vector<1x16xf32> to vector<16xf32>
      %get3A_1019 = arith.index_cast %add3A_995 : i32 to index
      %get3A_1020 = arith.constant 32 : index
      %get3A_1021 = tpu.vector_load %arg13[%get3A_1019, %get3A_1020] {strides = array<i32>} : memref<512x64xf32, #tpu.memory_space<vmem>>, vector<1x16xf32>,
      %get3A_1022 = vector.shape_cast %get3A_1021 : vector<1x16xf32> to vector<16xf32>
      %mul3A_1023 = arith.mulf %get3A_1018, %get3A_1022 : vector<16xf32>
      %add3A_1024 = arith.addf %add3A_1014, %mul3A_1023 : vector<16xf32>
      %get3A_1025 = arith.index_cast %add3A_991 : i32 to index
      %get3A_1026 = arith.constant 48 : index
      %get3A_1027 = tpu.vector_load %arg12[%get3A_1025, %get3A_1026] {strides = array<i32>} : memref<512x64xf32, #tpu.memory_space<vmem>>, vector<1x16xf32>,
      %get3A_1028 = vector.shape_cast %get3A_1027 : vector<1x16xf32> to vector<16xf32>
      %get3A_1029 = arith.index_cast %add3A_995 : i32 to index
      %get3A_1030 = arith.constant 48 : index
      %get3A_1031 = tpu.vector_load %arg13[%get3A_1029, %get3A_1030] {strides = array<i32>} : memref<512x64xf32, #tpu.memory_space<vmem>>, vector<1x16xf32>,
      %get3A_1032 = vector.shape_cast %get3A_1031 : vector<1x16xf32> to vector<16xf32>
      %mul3A_1033 = arith.mulf %get3A_1028, %get3A_1032 : vector<16xf32>
      %add3A_1034 = arith.addf %add3A_1024, %mul3A_1033 : vector<16xf32>
      %xor3A_1035 = arith.constant 8 : i32
      %xor3A_1036 = vector.broadcast %xor3A_1035 : i32 to vector<16xi32>
      %xor3A_1037 = arith.xori %iota3A, %xor3A_1036 : vector<16xi32>
      %lt3A_1038 = arith.constant 0 : i32
      %lt3A_1039 = vector.broadcast %lt3A_1038 : i32 to vector<16xi32>
      %lt3A_1040 = arith.cmpi slt, %xor3A_1037, %lt3A_1039 : vector<16xi32>
      %add3A_1041 = arith.constant 16 : i32
      %add3A_1042 = vector.broadcast %add3A_1041 : i32 to vector<16xi32>
      %add3A_1043 = arith.addi %xor3A_1037, %add3A_1042 : vector<16xi32>
      %select_n3A_1044 = arith.select %lt3A_1040, %add3A_1043, %xor3A_1037 : vector<16xi1>, vector<16xi32>
      %broadcast_in_dim3A_1045 = vector.shape_cast %select_n3A_1044 : vector<16xi32> to vector<16x1xi32>
      %gather3A_1046 = vector.shape_cast %broadcast_in_dim3A_1045 : vector<16x1xi32> to vector<16xi32>
      %gather3A_1047 = tpu.dynamic_gather %add3A_1034[%gather3A_1046] in [0] : vector<16xf32>, vector<16xi32> -> vector<16xf32>
      %add3A_1048 = arith.addf %add3A_1034, %gather3A_1047 : vector<16xf32>
      %xor3A_1049 = arith.constant 4 : i32
      %xor3A_1050 = vector.broadcast %xor3A_1049 : i32 to vector<16xi32>
      %xor3A_1051 = arith.xori %iota3A, %xor3A_1050 : vector<16xi32>
      %lt3A_1052 = arith.constant 0 : i32
      %lt3A_1053 = vector.broadcast %lt3A_1052 : i32 to vector<16xi32>
      %lt3A_1054 = arith.cmpi slt, %xor3A_1051, %lt3A_1053 : vector<16xi32>
      %add3A_1055 = arith.constant 16 : i32
      %add3A_1056 = vector.broadcast %add3A_1055 : i32 to vector<16xi32>
      %add3A_1057 = arith.addi %xor3A_1051, %add3A_1056 : vector<16xi32>
      %select_n3A_1058 = arith.select %lt3A_1054, %add3A_1057, %xor3A_1051 : vector<16xi1>, vector<16xi32>
      %broadcast_in_dim3A_1059 = vector.shape_cast %select_n3A_1058 : vector<16xi32> to vector<16x1xi32>
      %gather3A_1060 = vector.shape_cast %broadcast_in_dim3A_1059 : vector<16x1xi32> to vector<16xi32>
      %gather3A_1061 = tpu.dynamic_gather %add3A_1048[%gather3A_1060] in [0] : vector<16xf32>, vector<16xi32> -> vector<16xf32>
      %add3A_1062 = arith.addf %add3A_1048, %gather3A_1061 : vector<16xf32>
      %xor3A_1063 = arith.constant 2 : i32
      %xor3A_1064 = vector.broadcast %xor3A_1063 : i32 to vector<16xi32>
      %xor3A_1065 = arith.xori %iota3A, %xor3A_1064 : vector<16xi32>
      %lt3A_1066 = arith.constant 0 : i32
      %lt3A_1067 = vector.broadcast %lt3A_1066 : i32 to vector<16xi32>
      %lt3A_1068 = arith.cmpi slt, %xor3A_1065, %lt3A_1067 : vector<16xi32>
      %add3A_1069 = arith.constant 16 : i32
      %add3A_1070 = vector.broadcast %add3A_1069 : i32 to vector<16xi32>
      %add3A_1071 = arith.addi %xor3A_1065, %add3A_1070 : vector<16xi32>
      %select_n3A_1072 = arith.select %lt3A_1068, %add3A_1071, %xor3A_1065 : vector<16xi1>, vector<16xi32>
      %broadcast_in_dim3A_1073 = vector.shape_cast %select_n3A_1072 : vector<16xi32> to vector<16x1xi32>
      %gather3A_1074 = vector.shape_cast %broadcast_in_dim3A_1073 : vector<16x1xi32> to vector<16xi32>
      %gather3A_1075 = tpu.dynamic_gather %add3A_1062[%gather3A_1074] in [0] : vector<16xf32>, vector<16xi32> -> vector<16xf32>
      %add3A_1076 = arith.addf %add3A_1062, %gather3A_1075 : vector<16xf32>
      %xor3A_1077 = arith.constant 1 : i32
      %xor3A_1078 = vector.broadcast %xor3A_1077 : i32 to vector<16xi32>
      %xor3A_1079 = arith.xori %iota3A, %xor3A_1078 : vector<16xi32>
      %lt3A_1080 = arith.constant 0 : i32
      %lt3A_1081 = vector.broadcast %lt3A_1080 : i32 to vector<16xi32>
      %lt3A_1082 = arith.cmpi slt, %xor3A_1079, %lt3A_1081 : vector<16xi32>
      %add3A_1083 = arith.constant 16 : i32
      %add3A_1084 = vector.broadcast %add3A_1083 : i32 to vector<16xi32>
      %add3A_1085 = arith.addi %xor3A_1079, %add3A_1084 : vector<16xi32>
      %select_n3A_1086 = arith.select %lt3A_1082, %add3A_1085, %xor3A_1079 : vector<16xi1>, vector<16xi32>
      %broadcast_in_dim3A_1087 = vector.shape_cast %select_n3A_1086 : vector<16xi32> to vector<16x1xi32>
      %gather3A_1088 = vector.shape_cast %broadcast_in_dim3A_1087 : vector<16x1xi32> to vector<16xi32>
      %gather3A_1089 = tpu.dynamic_gather %add3A_1076[%gather3A_1088] in [0] : vector<16xf32>, vector<16xi32> -> vector<16xf32>
      %add3A_1090 = arith.addf %add3A_1076, %gather3A_1089 : vector<16xf32>
      %eq3A_1091 = arith.constant 9 : i32
      %eq3A_1092 = vector.broadcast %eq3A_1091 : i32 to vector<16xi32>
      %eq3A_1093 = arith.cmpi eq, %iota3A, %eq3A_1092 : vector<16xi32>
      %select_n3A_1094 = arith.select %eq3A_1093, %add3A_1090, %select_n3A_987 : vector<16xi1>, vector<16xf32>
      %mul3A_1095 = arith.constant 16 : i32
      %mul3A_1096 = arith.muli %scan3A_28, %mul3A_1095 : i32
      %add3A_1097 = arith.constant 10 : i32
      %add3A_1098 = arith.addi %mul3A_1096, %add3A_1097 : i32
      %mul3A_1099 = arith.constant 16 : i32
      %mul3A_1100 = arith.muli %scan3A_28, %mul3A_1099 : i32
      %add3A_1101 = arith.constant 10 : i32
      %add3A_1102 = arith.addi %mul3A_1100, %add3A_1101 : i32
      %get3A_1103 = arith.index_cast %add3A_1098 : i32 to index
      %get3A_1104 = arith.constant 0 : index
      %get3A_1105 = tpu.vector_load %arg12[%get3A_1103, %get3A_1104] {strides = array<i32>} : memref<512x64xf32, #tpu.memory_space<vmem>>, vector<1x16xf32>,
      %get3A_1106 = vector.shape_cast %get3A_1105 : vector<1x16xf32> to vector<16xf32>
      %get3A_1107 = arith.index_cast %add3A_1102 : i32 to index
      %get3A_1108 = arith.constant 0 : index
      %get3A_1109 = tpu.vector_load %arg13[%get3A_1107, %get3A_1108] {strides = array<i32>} : memref<512x64xf32, #tpu.memory_space<vmem>>, vector<1x16xf32>,
      %get3A_1110 = vector.shape_cast %get3A_1109 : vector<1x16xf32> to vector<16xf32>
      %mul3A_1111 = arith.mulf %get3A_1106, %get3A_1110 : vector<16xf32>
      %get3A_1112 = arith.index_cast %add3A_1098 : i32 to index
      %get3A_1113 = arith.constant 16 : index
      %get3A_1114 = tpu.vector_load %arg12[%get3A_1112, %get3A_1113] {strides = array<i32>} : memref<512x64xf32, #tpu.memory_space<vmem>>, vector<1x16xf32>,
      %get3A_1115 = vector.shape_cast %get3A_1114 : vector<1x16xf32> to vector<16xf32>
      %get3A_1116 = arith.index_cast %add3A_1102 : i32 to index
      %get3A_1117 = arith.constant 16 : index
      %get3A_1118 = tpu.vector_load %arg13[%get3A_1116, %get3A_1117] {strides = array<i32>} : memref<512x64xf32, #tpu.memory_space<vmem>>, vector<1x16xf32>,
      %get3A_1119 = vector.shape_cast %get3A_1118 : vector<1x16xf32> to vector<16xf32>
      %mul3A_1120 = arith.mulf %get3A_1115, %get3A_1119 : vector<16xf32>
      %add3A_1121 = arith.addf %mul3A_1111, %mul3A_1120 : vector<16xf32>
      %get3A_1122 = arith.index_cast %add3A_1098 : i32 to index
      %get3A_1123 = arith.constant 32 : index
      %get3A_1124 = tpu.vector_load %arg12[%get3A_1122, %get3A_1123] {strides = array<i32>} : memref<512x64xf32, #tpu.memory_space<vmem>>, vector<1x16xf32>,
      %get3A_1125 = vector.shape_cast %get3A_1124 : vector<1x16xf32> to vector<16xf32>
      %get3A_1126 = arith.index_cast %add3A_1102 : i32 to index
      %get3A_1127 = arith.constant 32 : index
      %get3A_1128 = tpu.vector_load %arg13[%get3A_1126, %get3A_1127] {strides = array<i32>} : memref<512x64xf32, #tpu.memory_space<vmem>>, vector<1x16xf32>,
      %get3A_1129 = vector.shape_cast %get3A_1128 : vector<1x16xf32> to vector<16xf32>
      %mul3A_1130 = arith.mulf %get3A_1125, %get3A_1129 : vector<16xf32>
      %add3A_1131 = arith.addf %add3A_1121, %mul3A_1130 : vector<16xf32>
      %get3A_1132 = arith.index_cast %add3A_1098 : i32 to index
      %get3A_1133 = arith.constant 48 : index
      %get3A_1134 = tpu.vector_load %arg12[%get3A_1132, %get3A_1133] {strides = array<i32>} : memref<512x64xf32, #tpu.memory_space<vmem>>, vector<1x16xf32>,
      %get3A_1135 = vector.shape_cast %get3A_1134 : vector<1x16xf32> to vector<16xf32>
      %get3A_1136 = arith.index_cast %add3A_1102 : i32 to index
      %get3A_1137 = arith.constant 48 : index
      %get3A_1138 = tpu.vector_load %arg13[%get3A_1136, %get3A_1137] {strides = array<i32>} : memref<512x64xf32, #tpu.memory_space<vmem>>, vector<1x16xf32>,
      %get3A_1139 = vector.shape_cast %get3A_1138 : vector<1x16xf32> to vector<16xf32>
      %mul3A_1140 = arith.mulf %get3A_1135, %get3A_1139 : vector<16xf32>
      %add3A_1141 = arith.addf %add3A_1131, %mul3A_1140 : vector<16xf32>
      %xor3A_1142 = arith.constant 8 : i32
      %xor3A_1143 = vector.broadcast %xor3A_1142 : i32 to vector<16xi32>
      %xor3A_1144 = arith.xori %iota3A, %xor3A_1143 : vector<16xi32>
      %lt3A_1145 = arith.constant 0 : i32
      %lt3A_1146 = vector.broadcast %lt3A_1145 : i32 to vector<16xi32>
      %lt3A_1147 = arith.cmpi slt, %xor3A_1144, %lt3A_1146 : vector<16xi32>
      %add3A_1148 = arith.constant 16 : i32
      %add3A_1149 = vector.broadcast %add3A_1148 : i32 to vector<16xi32>
      %add3A_1150 = arith.addi %xor3A_1144, %add3A_1149 : vector<16xi32>
      %select_n3A_1151 = arith.select %lt3A_1147, %add3A_1150, %xor3A_1144 : vector<16xi1>, vector<16xi32>
      %broadcast_in_dim3A_1152 = vector.shape_cast %select_n3A_1151 : vector<16xi32> to vector<16x1xi32>
      %gather3A_1153 = vector.shape_cast %broadcast_in_dim3A_1152 : vector<16x1xi32> to vector<16xi32>
      %gather3A_1154 = tpu.dynamic_gather %add3A_1141[%gather3A_1153] in [0] : vector<16xf32>, vector<16xi32> -> vector<16xf32>
      %add3A_1155 = arith.addf %add3A_1141, %gather3A_1154 : vector<16xf32>
      %xor3A_1156 = arith.constant 4 : i32
      %xor3A_1157 = vector.broadcast %xor3A_1156 : i32 to vector<16xi32>
      %xor3A_1158 = arith.xori %iota3A, %xor3A_1157 : vector<16xi32>
      %lt3A_1159 = arith.constant 0 : i32
      %lt3A_1160 = vector.broadcast %lt3A_1159 : i32 to vector<16xi32>
      %lt3A_1161 = arith.cmpi slt, %xor3A_1158, %lt3A_1160 : vector<16xi32>
      %add3A_1162 = arith.constant 16 : i32
      %add3A_1163 = vector.broadcast %add3A_1162 : i32 to vector<16xi32>
      %add3A_1164 = arith.addi %xor3A_1158, %add3A_1163 : vector<16xi32>
      %select_n3A_1165 = arith.select %lt3A_1161, %add3A_1164, %xor3A_1158 : vector<16xi1>, vector<16xi32>
      %broadcast_in_dim3A_1166 = vector.shape_cast %select_n3A_1165 : vector<16xi32> to vector<16x1xi32>
      %gather3A_1167 = vector.shape_cast %broadcast_in_dim3A_1166 : vector<16x1xi32> to vector<16xi32>
      %gather3A_1168 = tpu.dynamic_gather %add3A_1155[%gather3A_1167] in [0] : vector<16xf32>, vector<16xi32> -> vector<16xf32>
      %add3A_1169 = arith.addf %add3A_1155, %gather3A_1168 : vector<16xf32>
      %xor3A_1170 = arith.constant 2 : i32
      %xor3A_1171 = vector.broadcast %xor3A_1170 : i32 to vector<16xi32>
      %xor3A_1172 = arith.xori %iota3A, %xor3A_1171 : vector<16xi32>
      %lt3A_1173 = arith.constant 0 : i32
      %lt3A_1174 = vector.broadcast %lt3A_1173 : i32 to vector<16xi32>
      %lt3A_1175 = arith.cmpi slt, %xor3A_1172, %lt3A_1174 : vector<16xi32>
      %add3A_1176 = arith.constant 16 : i32
      %add3A_1177 = vector.broadcast %add3A_1176 : i32 to vector<16xi32>
      %add3A_1178 = arith.addi %xor3A_1172, %add3A_1177 : vector<16xi32>
      %select_n3A_1179 = arith.select %lt3A_1175, %add3A_1178, %xor3A_1172 : vector<16xi1>, vector<16xi32>
      %broadcast_in_dim3A_1180 = vector.shape_cast %select_n3A_1179 : vector<16xi32> to vector<16x1xi32>
      %gather3A_1181 = vector.shape_cast %broadcast_in_dim3A_1180 : vector<16x1xi32> to vector<16xi32>
      %gather3A_1182 = tpu.dynamic_gather %add3A_1169[%gather3A_1181] in [0] : vector<16xf32>, vector<16xi32> -> vector<16xf32>
      %add3A_1183 = arith.addf %add3A_1169, %gather3A_1182 : vector<16xf32>
      %xor3A_1184 = arith.constant 1 : i32
      %xor3A_1185 = vector.broadcast %xor3A_1184 : i32 to vector<16xi32>
      %xor3A_1186 = arith.xori %iota3A, %xor3A_1185 : vector<16xi32>
      %lt3A_1187 = arith.constant 0 : i32
      %lt3A_1188 = vector.broadcast %lt3A_1187 : i32 to vector<16xi32>
      %lt3A_1189 = arith.cmpi slt, %xor3A_1186, %lt3A_1188 : vector<16xi32>
      %add3A_1190 = arith.constant 16 : i32
      %add3A_1191 = vector.broadcast %add3A_1190 : i32 to vector<16xi32>
      %add3A_1192 = arith.addi %xor3A_1186, %add3A_1191 : vector<16xi32>
      %select_n3A_1193 = arith.select %lt3A_1189, %add3A_1192, %xor3A_1186 : vector<16xi1>, vector<16xi32>
      %broadcast_in_dim3A_1194 = vector.shape_cast %select_n3A_1193 : vector<16xi32> to vector<16x1xi32>
      %gather3A_1195 = vector.shape_cast %broadcast_in_dim3A_1194 : vector<16x1xi32> to vector<16xi32>
      %gather3A_1196 = tpu.dynamic_gather %add3A_1183[%gather3A_1195] in [0] : vector<16xf32>, vector<16xi32> -> vector<16xf32>
      %add3A_1197 = arith.addf %add3A_1183, %gather3A_1196 : vector<16xf32>
      %eq3A_1198 = arith.constant 10 : i32
      %eq3A_1199 = vector.broadcast %eq3A_1198 : i32 to vector<16xi32>
      %eq3A_1200 = arith.cmpi eq, %iota3A, %eq3A_1199 : vector<16xi32>
      %select_n3A_1201 = arith.select %eq3A_1200, %add3A_1197, %select_n3A_1094 : vector<16xi1>, vector<16xf32>
      %mul3A_1202 = arith.constant 16 : i32
      %mul3A_1203 = arith.muli %scan3A_28, %mul3A_1202 : i32
      %add3A_1204 = arith.constant 11 : i32
      %add3A_1205 = arith.addi %mul3A_1203, %add3A_1204 : i32
      %mul3A_1206 = arith.constant 16 : i32
      %mul3A_1207 = arith.muli %scan3A_28, %mul3A_1206 : i32
      %add3A_1208 = arith.constant 11 : i32
      %add3A_1209 = arith.addi %mul3A_1207, %add3A_1208 : i32
      %get3A_1210 = arith.index_cast %add3A_1205 : i32 to index
      %get3A_1211 = arith.constant 0 : index
      %get3A_1212 = tpu.vector_load %arg12[%get3A_1210, %get3A_1211] {strides = array<i32>} : memref<512x64xf32, #tpu.memory_space<vmem>>, vector<1x16xf32>,
      %get3A_1213 = vector.shape_cast %get3A_1212 : vector<1x16xf32> to vector<16xf32>
      %get3A_1214 = arith.index_cast %add3A_1209 : i32 to index
      %get3A_1215 = arith.constant 0 : index
      %get3A_1216 = tpu.vector_load %arg13[%get3A_1214, %get3A_1215] {strides = array<i32>} : memref<512x64xf32, #tpu.memory_space<vmem>>, vector<1x16xf32>,
      %get3A_1217 = vector.shape_cast %get3A_1216 : vector<1x16xf32> to vector<16xf32>
      %mul3A_1218 = arith.mulf %get3A_1213, %get3A_1217 : vector<16xf32>
      %get3A_1219 = arith.index_cast %add3A_1205 : i32 to index
      %get3A_1220 = arith.constant 16 : index
      %get3A_1221 = tpu.vector_load %arg12[%get3A_1219, %get3A_1220] {strides = array<i32>} : memref<512x64xf32, #tpu.memory_space<vmem>>, vector<1x16xf32>,
      %get3A_1222 = vector.shape_cast %get3A_1221 : vector<1x16xf32> to vector<16xf32>
      %get3A_1223 = arith.index_cast %add3A_1209 : i32 to index
      %get3A_1224 = arith.constant 16 : index
      %get3A_1225 = tpu.vector_load %arg13[%get3A_1223, %get3A_1224] {strides = array<i32>} : memref<512x64xf32, #tpu.memory_space<vmem>>, vector<1x16xf32>,
      %get3A_1226 = vector.shape_cast %get3A_1225 : vector<1x16xf32> to vector<16xf32>
      %mul3A_1227 = arith.mulf %get3A_1222, %get3A_1226 : vector<16xf32>
      %add3A_1228 = arith.addf %mul3A_1218, %mul3A_1227 : vector<16xf32>
      %get3A_1229 = arith.index_cast %add3A_1205 : i32 to index
      %get3A_1230 = arith.constant 32 : index
      %get3A_1231 = tpu.vector_load %arg12[%get3A_1229, %get3A_1230] {strides = array<i32>} : memref<512x64xf32, #tpu.memory_space<vmem>>, vector<1x16xf32>,
      %get3A_1232 = vector.shape_cast %get3A_1231 : vector<1x16xf32> to vector<16xf32>
      %get3A_1233 = arith.index_cast %add3A_1209 : i32 to index
      %get3A_1234 = arith.constant 32 : index
      %get3A_1235 = tpu.vector_load %arg13[%get3A_1233, %get3A_1234] {strides = array<i32>} : memref<512x64xf32, #tpu.memory_space<vmem>>, vector<1x16xf32>,
      %get3A_1236 = vector.shape_cast %get3A_1235 : vector<1x16xf32> to vector<16xf32>
      %mul3A_1237 = arith.mulf %get3A_1232, %get3A_1236 : vector<16xf32>
      %add3A_1238 = arith.addf %add3A_1228, %mul3A_1237 : vector<16xf32>
      %get3A_1239 = arith.index_cast %add3A_1205 : i32 to index
      %get3A_1240 = arith.constant 48 : index
      %get3A_1241 = tpu.vector_load %arg12[%get3A_1239, %get3A_1240] {strides = array<i32>} : memref<512x64xf32, #tpu.memory_space<vmem>>, vector<1x16xf32>,
      %get3A_1242 = vector.shape_cast %get3A_1241 : vector<1x16xf32> to vector<16xf32>
      %get3A_1243 = arith.index_cast %add3A_1209 : i32 to index
      %get3A_1244 = arith.constant 48 : index
      %get3A_1245 = tpu.vector_load %arg13[%get3A_1243, %get3A_1244] {strides = array<i32>} : memref<512x64xf32, #tpu.memory_space<vmem>>, vector<1x16xf32>,
      %get3A_1246 = vector.shape_cast %get3A_1245 : vector<1x16xf32> to vector<16xf32>
      %mul3A_1247 = arith.mulf %get3A_1242, %get3A_1246 : vector<16xf32>
      %add3A_1248 = arith.addf %add3A_1238, %mul3A_1247 : vector<16xf32>
      %xor3A_1249 = arith.constant 8 : i32
      %xor3A_1250 = vector.broadcast %xor3A_1249 : i32 to vector<16xi32>
      %xor3A_1251 = arith.xori %iota3A, %xor3A_1250 : vector<16xi32>
      %lt3A_1252 = arith.constant 0 : i32
      %lt3A_1253 = vector.broadcast %lt3A_1252 : i32 to vector<16xi32>
      %lt3A_1254 = arith.cmpi slt, %xor3A_1251, %lt3A_1253 : vector<16xi32>
      %add3A_1255 = arith.constant 16 : i32
      %add3A_1256 = vector.broadcast %add3A_1255 : i32 to vector<16xi32>
      %add3A_1257 = arith.addi %xor3A_1251, %add3A_1256 : vector<16xi32>
      %select_n3A_1258 = arith.select %lt3A_1254, %add3A_1257, %xor3A_1251 : vector<16xi1>, vector<16xi32>
      %broadcast_in_dim3A_1259 = vector.shape_cast %select_n3A_1258 : vector<16xi32> to vector<16x1xi32>
      %gather3A_1260 = vector.shape_cast %broadcast_in_dim3A_1259 : vector<16x1xi32> to vector<16xi32>
      %gather3A_1261 = tpu.dynamic_gather %add3A_1248[%gather3A_1260] in [0] : vector<16xf32>, vector<16xi32> -> vector<16xf32>
      %add3A_1262 = arith.addf %add3A_1248, %gather3A_1261 : vector<16xf32>
      %xor3A_1263 = arith.constant 4 : i32
      %xor3A_1264 = vector.broadcast %xor3A_1263 : i32 to vector<16xi32>
      %xor3A_1265 = arith.xori %iota3A, %xor3A_1264 : vector<16xi32>
      %lt3A_1266 = arith.constant 0 : i32
      %lt3A_1267 = vector.broadcast %lt3A_1266 : i32 to vector<16xi32>
      %lt3A_1268 = arith.cmpi slt, %xor3A_1265, %lt3A_1267 : vector<16xi32>
      %add3A_1269 = arith.constant 16 : i32
      %add3A_1270 = vector.broadcast %add3A_1269 : i32 to vector<16xi32>
      %add3A_1271 = arith.addi %xor3A_1265, %add3A_1270 : vector<16xi32>
      %select_n3A_1272 = arith.select %lt3A_1268, %add3A_1271, %xor3A_1265 : vector<16xi1>, vector<16xi32>
      %broadcast_in_dim3A_1273 = vector.shape_cast %select_n3A_1272 : vector<16xi32> to vector<16x1xi32>
      %gather3A_1274 = vector.shape_cast %broadcast_in_dim3A_1273 : vector<16x1xi32> to vector<16xi32>
      %gather3A_1275 = tpu.dynamic_gather %add3A_1262[%gather3A_1274] in [0] : vector<16xf32>, vector<16xi32> -> vector<16xf32>
      %add3A_1276 = arith.addf %add3A_1262, %gather3A_1275 : vector<16xf32>
      %xor3A_1277 = arith.constant 2 : i32
      %xor3A_1278 = vector.broadcast %xor3A_1277 : i32 to vector<16xi32>
      %xor3A_1279 = arith.xori %iota3A, %xor3A_1278 : vector<16xi32>
      %lt3A_1280 = arith.constant 0 : i32
      %lt3A_1281 = vector.broadcast %lt3A_1280 : i32 to vector<16xi32>
      %lt3A_1282 = arith.cmpi slt, %xor3A_1279, %lt3A_1281 : vector<16xi32>
      %add3A_1283 = arith.constant 16 : i32
      %add3A_1284 = vector.broadcast %add3A_1283 : i32 to vector<16xi32>
      %add3A_1285 = arith.addi %xor3A_1279, %add3A_1284 : vector<16xi32>
      %select_n3A_1286 = arith.select %lt3A_1282, %add3A_1285, %xor3A_1279 : vector<16xi1>, vector<16xi32>
      %broadcast_in_dim3A_1287 = vector.shape_cast %select_n3A_1286 : vector<16xi32> to vector<16x1xi32>
      %gather3A_1288 = vector.shape_cast %broadcast_in_dim3A_1287 : vector<16x1xi32> to vector<16xi32>
      %gather3A_1289 = tpu.dynamic_gather %add3A_1276[%gather3A_1288] in [0] : vector<16xf32>, vector<16xi32> -> vector<16xf32>
      %add3A_1290 = arith.addf %add3A_1276, %gather3A_1289 : vector<16xf32>
      %xor3A_1291 = arith.constant 1 : i32
      %xor3A_1292 = vector.broadcast %xor3A_1291 : i32 to vector<16xi32>
      %xor3A_1293 = arith.xori %iota3A, %xor3A_1292 : vector<16xi32>
      %lt3A_1294 = arith.constant 0 : i32
      %lt3A_1295 = vector.broadcast %lt3A_1294 : i32 to vector<16xi32>
      %lt3A_1296 = arith.cmpi slt, %xor3A_1293, %lt3A_1295 : vector<16xi32>
      %add3A_1297 = arith.constant 16 : i32
      %add3A_1298 = vector.broadcast %add3A_1297 : i32 to vector<16xi32>
      %add3A_1299 = arith.addi %xor3A_1293, %add3A_1298 : vector<16xi32>
      %select_n3A_1300 = arith.select %lt3A_1296, %add3A_1299, %xor3A_1293 : vector<16xi1>, vector<16xi32>
      %broadcast_in_dim3A_1301 = vector.shape_cast %select_n3A_1300 : vector<16xi32> to vector<16x1xi32>
      %gather3A_1302 = vector.shape_cast %broadcast_in_dim3A_1301 : vector<16x1xi32> to vector<16xi32>
      %gather3A_1303 = tpu.dynamic_gather %add3A_1290[%gather3A_1302] in [0] : vector<16xf32>, vector<16xi32> -> vector<16xf32>
      %add3A_1304 = arith.addf %add3A_1290, %gather3A_1303 : vector<16xf32>
      %eq3A_1305 = arith.constant 11 : i32
      %eq3A_1306 = vector.broadcast %eq3A_1305 : i32 to vector<16xi32>
      %eq3A_1307 = arith.cmpi eq, %iota3A, %eq3A_1306 : vector<16xi32>
      %select_n3A_1308 = arith.select %eq3A_1307, %add3A_1304, %select_n3A_1201 : vector<16xi1>, vector<16xf32>
      %mul3A_1309 = arith.constant 16 : i32
      %mul3A_1310 = arith.muli %scan3A_28, %mul3A_1309 : i32
      %add3A_1311 = arith.constant 12 : i32
      %add3A_1312 = arith.addi %mul3A_1310, %add3A_1311 : i32
      %mul3A_1313 = arith.constant 16 : i32
      %mul3A_1314 = arith.muli %scan3A_28, %mul3A_1313 : i32
      %add3A_1315 = arith.constant 12 : i32
      %add3A_1316 = arith.addi %mul3A_1314, %add3A_1315 : i32
      %get3A_1317 = arith.index_cast %add3A_1312 : i32 to index
      %get3A_1318 = arith.constant 0 : index
      %get3A_1319 = tpu.vector_load %arg12[%get3A_1317, %get3A_1318] {strides = array<i32>} : memref<512x64xf32, #tpu.memory_space<vmem>>, vector<1x16xf32>,
      %get3A_1320 = vector.shape_cast %get3A_1319 : vector<1x16xf32> to vector<16xf32>
      %get3A_1321 = arith.index_cast %add3A_1316 : i32 to index
      %get3A_1322 = arith.constant 0 : index
      %get3A_1323 = tpu.vector_load %arg13[%get3A_1321, %get3A_1322] {strides = array<i32>} : memref<512x64xf32, #tpu.memory_space<vmem>>, vector<1x16xf32>,
      %get3A_1324 = vector.shape_cast %get3A_1323 : vector<1x16xf32> to vector<16xf32>
      %mul3A_1325 = arith.mulf %get3A_1320, %get3A_1324 : vector<16xf32>
      %get3A_1326 = arith.index_cast %add3A_1312 : i32 to index
      %get3A_1327 = arith.constant 16 : index
      %get3A_1328 = tpu.vector_load %arg12[%get3A_1326, %get3A_1327] {strides = array<i32>} : memref<512x64xf32, #tpu.memory_space<vmem>>, vector<1x16xf32>,
      %get3A_1329 = vector.shape_cast %get3A_1328 : vector<1x16xf32> to vector<16xf32>
      %get3A_1330 = arith.index_cast %add3A_1316 : i32 to index
      %get3A_1331 = arith.constant 16 : index
      %get3A_1332 = tpu.vector_load %arg13[%get3A_1330, %get3A_1331] {strides = array<i32>} : memref<512x64xf32, #tpu.memory_space<vmem>>, vector<1x16xf32>,
      %get3A_1333 = vector.shape_cast %get3A_1332 : vector<1x16xf32> to vector<16xf32>
      %mul3A_1334 = arith.mulf %get3A_1329, %get3A_1333 : vector<16xf32>
      %add3A_1335 = arith.addf %mul3A_1325, %mul3A_1334 : vector<16xf32>
      %get3A_1336 = arith.index_cast %add3A_1312 : i32 to index
      %get3A_1337 = arith.constant 32 : index
      %get3A_1338 = tpu.vector_load %arg12[%get3A_1336, %get3A_1337] {strides = array<i32>} : memref<512x64xf32, #tpu.memory_space<vmem>>, vector<1x16xf32>,
      %get3A_1339 = vector.shape_cast %get3A_1338 : vector<1x16xf32> to vector<16xf32>
      %get3A_1340 = arith.index_cast %add3A_1316 : i32 to index
      %get3A_1341 = arith.constant 32 : index
      %get3A_1342 = tpu.vector_load %arg13[%get3A_1340, %get3A_1341] {strides = array<i32>} : memref<512x64xf32, #tpu.memory_space<vmem>>, vector<1x16xf32>,
      %get3A_1343 = vector.shape_cast %get3A_1342 : vector<1x16xf32> to vector<16xf32>
      %mul3A_1344 = arith.mulf %get3A_1339, %get3A_1343 : vector<16xf32>
      %add3A_1345 = arith.addf %add3A_1335, %mul3A_1344 : vector<16xf32>
      %get3A_1346 = arith.index_cast %add3A_1312 : i32 to index
      %get3A_1347 = arith.constant 48 : index
      %get3A_1348 = tpu.vector_load %arg12[%get3A_1346, %get3A_1347] {strides = array<i32>} : memref<512x64xf32, #tpu.memory_space<vmem>>, vector<1x16xf32>,
      %get3A_1349 = vector.shape_cast %get3A_1348 : vector<1x16xf32> to vector<16xf32>
      %get3A_1350 = arith.index_cast %add3A_1316 : i32 to index
      %get3A_1351 = arith.constant 48 : index
      %get3A_1352 = tpu.vector_load %arg13[%get3A_1350, %get3A_1351] {strides = array<i32>} : memref<512x64xf32, #tpu.memory_space<vmem>>, vector<1x16xf32>,
      %get3A_1353 = vector.shape_cast %get3A_1352 : vector<1x16xf32> to vector<16xf32>
      %mul3A_1354 = arith.mulf %get3A_1349, %get3A_1353 : vector<16xf32>
      %add3A_1355 = arith.addf %add3A_1345, %mul3A_1354 : vector<16xf32>
      %xor3A_1356 = arith.constant 8 : i32
      %xor3A_1357 = vector.broadcast %xor3A_1356 : i32 to vector<16xi32>
      %xor3A_1358 = arith.xori %iota3A, %xor3A_1357 : vector<16xi32>
      %lt3A_1359 = arith.constant 0 : i32
      %lt3A_1360 = vector.broadcast %lt3A_1359 : i32 to vector<16xi32>
      %lt3A_1361 = arith.cmpi slt, %xor3A_1358, %lt3A_1360 : vector<16xi32>
      %add3A_1362 = arith.constant 16 : i32
      %add3A_1363 = vector.broadcast %add3A_1362 : i32 to vector<16xi32>
      %add3A_1364 = arith.addi %xor3A_1358, %add3A_1363 : vector<16xi32>
      %select_n3A_1365 = arith.select %lt3A_1361, %add3A_1364, %xor3A_1358 : vector<16xi1>, vector<16xi32>
      %broadcast_in_dim3A_1366 = vector.shape_cast %select_n3A_1365 : vector<16xi32> to vector<16x1xi32>
      %gather3A_1367 = vector.shape_cast %broadcast_in_dim3A_1366 : vector<16x1xi32> to vector<16xi32>
      %gather3A_1368 = tpu.dynamic_gather %add3A_1355[%gather3A_1367] in [0] : vector<16xf32>, vector<16xi32> -> vector<16xf32>
      %add3A_1369 = arith.addf %add3A_1355, %gather3A_1368 : vector<16xf32>
      %xor3A_1370 = arith.constant 4 : i32
      %xor3A_1371 = vector.broadcast %xor3A_1370 : i32 to vector<16xi32>
      %xor3A_1372 = arith.xori %iota3A, %xor3A_1371 : vector<16xi32>
      %lt3A_1373 = arith.constant 0 : i32
      %lt3A_1374 = vector.broadcast %lt3A_1373 : i32 to vector<16xi32>
      %lt3A_1375 = arith.cmpi slt, %xor3A_1372, %lt3A_1374 : vector<16xi32>
      %add3A_1376 = arith.constant 16 : i32
      %add3A_1377 = vector.broadcast %add3A_1376 : i32 to vector<16xi32>
      %add3A_1378 = arith.addi %xor3A_1372, %add3A_1377 : vector<16xi32>
      %select_n3A_1379 = arith.select %lt3A_1375, %add3A_1378, %xor3A_1372 : vector<16xi1>, vector<16xi32>
      %broadcast_in_dim3A_1380 = vector.shape_cast %select_n3A_1379 : vector<16xi32> to vector<16x1xi32>
      %gather3A_1381 = vector.shape_cast %broadcast_in_dim3A_1380 : vector<16x1xi32> to vector<16xi32>
      %gather3A_1382 = tpu.dynamic_gather %add3A_1369[%gather3A_1381] in [0] : vector<16xf32>, vector<16xi32> -> vector<16xf32>
      %add3A_1383 = arith.addf %add3A_1369, %gather3A_1382 : vector<16xf32>
      %xor3A_1384 = arith.constant 2 : i32
      %xor3A_1385 = vector.broadcast %xor3A_1384 : i32 to vector<16xi32>
      %xor3A_1386 = arith.xori %iota3A, %xor3A_1385 : vector<16xi32>
      %lt3A_1387 = arith.constant 0 : i32
      %lt3A_1388 = vector.broadcast %lt3A_1387 : i32 to vector<16xi32>
      %lt3A_1389 = arith.cmpi slt, %xor3A_1386, %lt3A_1388 : vector<16xi32>
      %add3A_1390 = arith.constant 16 : i32
      %add3A_1391 = vector.broadcast %add3A_1390 : i32 to vector<16xi32>
      %add3A_1392 = arith.addi %xor3A_1386, %add3A_1391 : vector<16xi32>
      %select_n3A_1393 = arith.select %lt3A_1389, %add3A_1392, %xor3A_1386 : vector<16xi1>, vector<16xi32>
      %broadcast_in_dim3A_1394 = vector.shape_cast %select_n3A_1393 : vector<16xi32> to vector<16x1xi32>
      %gather3A_1395 = vector.shape_cast %broadcast_in_dim3A_1394 : vector<16x1xi32> to vector<16xi32>
      %gather3A_1396 = tpu.dynamic_gather %add3A_1383[%gather3A_1395] in [0] : vector<16xf32>, vector<16xi32> -> vector<16xf32>
      %add3A_1397 = arith.addf %add3A_1383, %gather3A_1396 : vector<16xf32>
      %xor3A_1398 = arith.constant 1 : i32
      %xor3A_1399 = vector.broadcast %xor3A_1398 : i32 to vector<16xi32>
      %xor3A_1400 = arith.xori %iota3A, %xor3A_1399 : vector<16xi32>
      %lt3A_1401 = arith.constant 0 : i32
      %lt3A_1402 = vector.broadcast %lt3A_1401 : i32 to vector<16xi32>
      %lt3A_1403 = arith.cmpi slt, %xor3A_1400, %lt3A_1402 : vector<16xi32>
      %add3A_1404 = arith.constant 16 : i32
      %add3A_1405 = vector.broadcast %add3A_1404 : i32 to vector<16xi32>
      %add3A_1406 = arith.addi %xor3A_1400, %add3A_1405 : vector<16xi32>
      %select_n3A_1407 = arith.select %lt3A_1403, %add3A_1406, %xor3A_1400 : vector<16xi1>, vector<16xi32>
      %broadcast_in_dim3A_1408 = vector.shape_cast %select_n3A_1407 : vector<16xi32> to vector<16x1xi32>
      %gather3A_1409 = vector.shape_cast %broadcast_in_dim3A_1408 : vector<16x1xi32> to vector<16xi32>
      %gather3A_1410 = tpu.dynamic_gather %add3A_1397[%gather3A_1409] in [0] : vector<16xf32>, vector<16xi32> -> vector<16xf32>
      %add3A_1411 = arith.addf %add3A_1397, %gather3A_1410 : vector<16xf32>
      %eq3A_1412 = arith.constant 12 : i32
      %eq3A_1413 = vector.broadcast %eq3A_1412 : i32 to vector<16xi32>
      %eq3A_1414 = arith.cmpi eq, %iota3A, %eq3A_1413 : vector<16xi32>
      %select_n3A_1415 = arith.select %eq3A_1414, %add3A_1411, %select_n3A_1308 : vector<16xi1>, vector<16xf32>
      %mul3A_1416 = arith.constant 16 : i32
      %mul3A_1417 = arith.muli %scan3A_28, %mul3A_1416 : i32
      %add3A_1418 = arith.constant 13 : i32
      %add3A_1419 = arith.addi %mul3A_1417, %add3A_1418 : i32
      %mul3A_1420 = arith.constant 16 : i32
      %mul3A_1421 = arith.muli %scan3A_28, %mul3A_1420 : i32
      %add3A_1422 = arith.constant 13 : i32
      %add3A_1423 = arith.addi %mul3A_1421, %add3A_1422 : i32
      %get3A_1424 = arith.index_cast %add3A_1419 : i32 to index
      %get3A_1425 = arith.constant 0 : index
      %get3A_1426 = tpu.vector_load %arg12[%get3A_1424, %get3A_1425] {strides = array<i32>} : memref<512x64xf32, #tpu.memory_space<vmem>>, vector<1x16xf32>,
      %get3A_1427 = vector.shape_cast %get3A_1426 : vector<1x16xf32> to vector<16xf32>
      %get3A_1428 = arith.index_cast %add3A_1423 : i32 to index
      %get3A_1429 = arith.constant 0 : index
      %get3A_1430 = tpu.vector_load %arg13[%get3A_1428, %get3A_1429] {strides = array<i32>} : memref<512x64xf32, #tpu.memory_space<vmem>>, vector<1x16xf32>,
      %get3A_1431 = vector.shape_cast %get3A_1430 : vector<1x16xf32> to vector<16xf32>
      %mul3A_1432 = arith.mulf %get3A_1427, %get3A_1431 : vector<16xf32>
      %get3A_1433 = arith.index_cast %add3A_1419 : i32 to index
      %get3A_1434 = arith.constant 16 : index
      %get3A_1435 = tpu.vector_load %arg12[%get3A_1433, %get3A_1434] {strides = array<i32>} : memref<512x64xf32, #tpu.memory_space<vmem>>, vector<1x16xf32>,
      %get3A_1436 = vector.shape_cast %get3A_1435 : vector<1x16xf32> to vector<16xf32>
      %get3A_1437 = arith.index_cast %add3A_1423 : i32 to index
      %get3A_1438 = arith.constant 16 : index
      %get3A_1439 = tpu.vector_load %arg13[%get3A_1437, %get3A_1438] {strides = array<i32>} : memref<512x64xf32, #tpu.memory_space<vmem>>, vector<1x16xf32>,
      %get3A_1440 = vector.shape_cast %get3A_1439 : vector<1x16xf32> to vector<16xf32>
      %mul3A_1441 = arith.mulf %get3A_1436, %get3A_1440 : vector<16xf32>
      %add3A_1442 = arith.addf %mul3A_1432, %mul3A_1441 : vector<16xf32>
      %get3A_1443 = arith.index_cast %add3A_1419 : i32 to index
      %get3A_1444 = arith.constant 32 : index
      %get3A_1445 = tpu.vector_load %arg12[%get3A_1443, %get3A_1444] {strides = array<i32>} : memref<512x64xf32, #tpu.memory_space<vmem>>, vector<1x16xf32>,
      %get3A_1446 = vector.shape_cast %get3A_1445 : vector<1x16xf32> to vector<16xf32>
      %get3A_1447 = arith.index_cast %add3A_1423 : i32 to index
      %get3A_1448 = arith.constant 32 : index
      %get3A_1449 = tpu.vector_load %arg13[%get3A_1447, %get3A_1448] {strides = array<i32>} : memref<512x64xf32, #tpu.memory_space<vmem>>, vector<1x16xf32>,
      %get3A_1450 = vector.shape_cast %get3A_1449 : vector<1x16xf32> to vector<16xf32>
      %mul3A_1451 = arith.mulf %get3A_1446, %get3A_1450 : vector<16xf32>
      %add3A_1452 = arith.addf %add3A_1442, %mul3A_1451 : vector<16xf32>
      %get3A_1453 = arith.index_cast %add3A_1419 : i32 to index
      %get3A_1454 = arith.constant 48 : index
      %get3A_1455 = tpu.vector_load %arg12[%get3A_1453, %get3A_1454] {strides = array<i32>} : memref<512x64xf32, #tpu.memory_space<vmem>>, vector<1x16xf32>,
      %get3A_1456 = vector.shape_cast %get3A_1455 : vector<1x16xf32> to vector<16xf32>
      %get3A_1457 = arith.index_cast %add3A_1423 : i32 to index
      %get3A_1458 = arith.constant 48 : index
      %get3A_1459 = tpu.vector_load %arg13[%get3A_1457, %get3A_1458] {strides = array<i32>} : memref<512x64xf32, #tpu.memory_space<vmem>>, vector<1x16xf32>,
      %get3A_1460 = vector.shape_cast %get3A_1459 : vector<1x16xf32> to vector<16xf32>
      %mul3A_1461 = arith.mulf %get3A_1456, %get3A_1460 : vector<16xf32>
      %add3A_1462 = arith.addf %add3A_1452, %mul3A_1461 : vector<16xf32>
      %xor3A_1463 = arith.constant 8 : i32
      %xor3A_1464 = vector.broadcast %xor3A_1463 : i32 to vector<16xi32>
      %xor3A_1465 = arith.xori %iota3A, %xor3A_1464 : vector<16xi32>
      %lt3A_1466 = arith.constant 0 : i32
      %lt3A_1467 = vector.broadcast %lt3A_1466 : i32 to vector<16xi32>
      %lt3A_1468 = arith.cmpi slt, %xor3A_1465, %lt3A_1467 : vector<16xi32>
      %add3A_1469 = arith.constant 16 : i32
      %add3A_1470 = vector.broadcast %add3A_1469 : i32 to vector<16xi32>
      %add3A_1471 = arith.addi %xor3A_1465, %add3A_1470 : vector<16xi32>
      %select_n3A_1472 = arith.select %lt3A_1468, %add3A_1471, %xor3A_1465 : vector<16xi1>, vector<16xi32>
      %broadcast_in_dim3A_1473 = vector.shape_cast %select_n3A_1472 : vector<16xi32> to vector<16x1xi32>
      %gather3A_1474 = vector.shape_cast %broadcast_in_dim3A_1473 : vector<16x1xi32> to vector<16xi32>
      %gather3A_1475 = tpu.dynamic_gather %add3A_1462[%gather3A_1474] in [0] : vector<16xf32>, vector<16xi32> -> vector<16xf32>
      %add3A_1476 = arith.addf %add3A_1462, %gather3A_1475 : vector<16xf32>
      %xor3A_1477 = arith.constant 4 : i32
      %xor3A_1478 = vector.broadcast %xor3A_1477 : i32 to vector<16xi32>
      %xor3A_1479 = arith.xori %iota3A, %xor3A_1478 : vector<16xi32>
      %lt3A_1480 = arith.constant 0 : i32
      %lt3A_1481 = vector.broadcast %lt3A_1480 : i32 to vector<16xi32>
      %lt3A_1482 = arith.cmpi slt, %xor3A_1479, %lt3A_1481 : vector<16xi32>
      %add3A_1483 = arith.constant 16 : i32
      %add3A_1484 = vector.broadcast %add3A_1483 : i32 to vector<16xi32>
      %add3A_1485 = arith.addi %xor3A_1479, %add3A_1484 : vector<16xi32>
      %select_n3A_1486 = arith.select %lt3A_1482, %add3A_1485, %xor3A_1479 : vector<16xi1>, vector<16xi32>
      %broadcast_in_dim3A_1487 = vector.shape_cast %select_n3A_1486 : vector<16xi32> to vector<16x1xi32>
      %gather3A_1488 = vector.shape_cast %broadcast_in_dim3A_1487 : vector<16x1xi32> to vector<16xi32>
      %gather3A_1489 = tpu.dynamic_gather %add3A_1476[%gather3A_1488] in [0] : vector<16xf32>, vector<16xi32> -> vector<16xf32>
      %add3A_1490 = arith.addf %add3A_1476, %gather3A_1489 : vector<16xf32>
      %xor3A_1491 = arith.constant 2 : i32
      %xor3A_1492 = vector.broadcast %xor3A_1491 : i32 to vector<16xi32>
      %xor3A_1493 = arith.xori %iota3A, %xor3A_1492 : vector<16xi32>
      %lt3A_1494 = arith.constant 0 : i32
      %lt3A_1495 = vector.broadcast %lt3A_1494 : i32 to vector<16xi32>
      %lt3A_1496 = arith.cmpi slt, %xor3A_1493, %lt3A_1495 : vector<16xi32>
      %add3A_1497 = arith.constant 16 : i32
      %add3A_1498 = vector.broadcast %add3A_1497 : i32 to vector<16xi32>
      %add3A_1499 = arith.addi %xor3A_1493, %add3A_1498 : vector<16xi32>
      %select_n3A_1500 = arith.select %lt3A_1496, %add3A_1499, %xor3A_1493 : vector<16xi1>, vector<16xi32>
      %broadcast_in_dim3A_1501 = vector.shape_cast %select_n3A_1500 : vector<16xi32> to vector<16x1xi32>
      %gather3A_1502 = vector.shape_cast %broadcast_in_dim3A_1501 : vector<16x1xi32> to vector<16xi32>
      %gather3A_1503 = tpu.dynamic_gather %add3A_1490[%gather3A_1502] in [0] : vector<16xf32>, vector<16xi32> -> vector<16xf32>
      %add3A_1504 = arith.addf %add3A_1490, %gather3A_1503 : vector<16xf32>
      %xor3A_1505 = arith.constant 1 : i32
      %xor3A_1506 = vector.broadcast %xor3A_1505 : i32 to vector<16xi32>
      %xor3A_1507 = arith.xori %iota3A, %xor3A_1506 : vector<16xi32>
      %lt3A_1508 = arith.constant 0 : i32
      %lt3A_1509 = vector.broadcast %lt3A_1508 : i32 to vector<16xi32>
      %lt3A_1510 = arith.cmpi slt, %xor3A_1507, %lt3A_1509 : vector<16xi32>
      %add3A_1511 = arith.constant 16 : i32
      %add3A_1512 = vector.broadcast %add3A_1511 : i32 to vector<16xi32>
      %add3A_1513 = arith.addi %xor3A_1507, %add3A_1512 : vector<16xi32>
      %select_n3A_1514 = arith.select %lt3A_1510, %add3A_1513, %xor3A_1507 : vector<16xi1>, vector<16xi32>
      %broadcast_in_dim3A_1515 = vector.shape_cast %select_n3A_1514 : vector<16xi32> to vector<16x1xi32>
      %gather3A_1516 = vector.shape_cast %broadcast_in_dim3A_1515 : vector<16x1xi32> to vector<16xi32>
      %gather3A_1517 = tpu.dynamic_gather %add3A_1504[%gather3A_1516] in [0] : vector<16xf32>, vector<16xi32> -> vector<16xf32>
      %add3A_1518 = arith.addf %add3A_1504, %gather3A_1517 : vector<16xf32>
      %eq3A_1519 = arith.constant 13 : i32
      %eq3A_1520 = vector.broadcast %eq3A_1519 : i32 to vector<16xi32>
      %eq3A_1521 = arith.cmpi eq, %iota3A, %eq3A_1520 : vector<16xi32>
      %select_n3A_1522 = arith.select %eq3A_1521, %add3A_1518, %select_n3A_1415 : vector<16xi1>, vector<16xf32>
      %mul3A_1523 = arith.constant 16 : i32
      %mul3A_1524 = arith.muli %scan3A_28, %mul3A_1523 : i32
      %add3A_1525 = arith.constant 14 : i32
      %add3A_1526 = arith.addi %mul3A_1524, %add3A_1525 : i32
      %mul3A_1527 = arith.constant 16 : i32
      %mul3A_1528 = arith.muli %scan3A_28, %mul3A_1527 : i32
      %add3A_1529 = arith.constant 14 : i32
      %add3A_1530 = arith.addi %mul3A_1528, %add3A_1529 : i32
      %get3A_1531 = arith.index_cast %add3A_1526 : i32 to index
      %get3A_1532 = arith.constant 0 : index
      %get3A_1533 = tpu.vector_load %arg12[%get3A_1531, %get3A_1532] {strides = array<i32>} : memref<512x64xf32, #tpu.memory_space<vmem>>, vector<1x16xf32>,
      %get3A_1534 = vector.shape_cast %get3A_1533 : vector<1x16xf32> to vector<16xf32>
      %get3A_1535 = arith.index_cast %add3A_1530 : i32 to index
      %get3A_1536 = arith.constant 0 : index
      %get3A_1537 = tpu.vector_load %arg13[%get3A_1535, %get3A_1536] {strides = array<i32>} : memref<512x64xf32, #tpu.memory_space<vmem>>, vector<1x16xf32>,
      %get3A_1538 = vector.shape_cast %get3A_1537 : vector<1x16xf32> to vector<16xf32>
      %mul3A_1539 = arith.mulf %get3A_1534, %get3A_1538 : vector<16xf32>
      %get3A_1540 = arith.index_cast %add3A_1526 : i32 to index
      %get3A_1541 = arith.constant 16 : index
      %get3A_1542 = tpu.vector_load %arg12[%get3A_1540, %get3A_1541] {strides = array<i32>} : memref<512x64xf32, #tpu.memory_space<vmem>>, vector<1x16xf32>,
      %get3A_1543 = vector.shape_cast %get3A_1542 : vector<1x16xf32> to vector<16xf32>
      %get3A_1544 = arith.index_cast %add3A_1530 : i32 to index
      %get3A_1545 = arith.constant 16 : index
      %get3A_1546 = tpu.vector_load %arg13[%get3A_1544, %get3A_1545] {strides = array<i32>} : memref<512x64xf32, #tpu.memory_space<vmem>>, vector<1x16xf32>,
      %get3A_1547 = vector.shape_cast %get3A_1546 : vector<1x16xf32> to vector<16xf32>
      %mul3A_1548 = arith.mulf %get3A_1543, %get3A_1547 : vector<16xf32>
      %add3A_1549 = arith.addf %mul3A_1539, %mul3A_1548 : vector<16xf32>
      %get3A_1550 = arith.index_cast %add3A_1526 : i32 to index
      %get3A_1551 = arith.constant 32 : index
      %get3A_1552 = tpu.vector_load %arg12[%get3A_1550, %get3A_1551] {strides = array<i32>} : memref<512x64xf32, #tpu.memory_space<vmem>>, vector<1x16xf32>,
      %get3A_1553 = vector.shape_cast %get3A_1552 : vector<1x16xf32> to vector<16xf32>
      %get3A_1554 = arith.index_cast %add3A_1530 : i32 to index
      %get3A_1555 = arith.constant 32 : index
      %get3A_1556 = tpu.vector_load %arg13[%get3A_1554, %get3A_1555] {strides = array<i32>} : memref<512x64xf32, #tpu.memory_space<vmem>>, vector<1x16xf32>,
      %get3A_1557 = vector.shape_cast %get3A_1556 : vector<1x16xf32> to vector<16xf32>
      %mul3A_1558 = arith.mulf %get3A_1553, %get3A_1557 : vector<16xf32>
      %add3A_1559 = arith.addf %add3A_1549, %mul3A_1558 : vector<16xf32>
      %get3A_1560 = arith.index_cast %add3A_1526 : i32 to index
      %get3A_1561 = arith.constant 48 : index
      %get3A_1562 = tpu.vector_load %arg12[%get3A_1560, %get3A_1561] {strides = array<i32>} : memref<512x64xf32, #tpu.memory_space<vmem>>, vector<1x16xf32>,
      %get3A_1563 = vector.shape_cast %get3A_1562 : vector<1x16xf32> to vector<16xf32>
      %get3A_1564 = arith.index_cast %add3A_1530 : i32 to index
      %get3A_1565 = arith.constant 48 : index
      %get3A_1566 = tpu.vector_load %arg13[%get3A_1564, %get3A_1565] {strides = array<i32>} : memref<512x64xf32, #tpu.memory_space<vmem>>, vector<1x16xf32>,
      %get3A_1567 = vector.shape_cast %get3A_1566 : vector<1x16xf32> to vector<16xf32>
      %mul3A_1568 = arith.mulf %get3A_1563, %get3A_1567 : vector<16xf32>
      %add3A_1569 = arith.addf %add3A_1559, %mul3A_1568 : vector<16xf32>
      %xor3A_1570 = arith.constant 8 : i32
      %xor3A_1571 = vector.broadcast %xor3A_1570 : i32 to vector<16xi32>
      %xor3A_1572 = arith.xori %iota3A, %xor3A_1571 : vector<16xi32>
      %lt3A_1573 = arith.constant 0 : i32
      %lt3A_1574 = vector.broadcast %lt3A_1573 : i32 to vector<16xi32>
      %lt3A_1575 = arith.cmpi slt, %xor3A_1572, %lt3A_1574 : vector<16xi32>
      %add3A_1576 = arith.constant 16 : i32
      %add3A_1577 = vector.broadcast %add3A_1576 : i32 to vector<16xi32>
      %add3A_1578 = arith.addi %xor3A_1572, %add3A_1577 : vector<16xi32>
      %select_n3A_1579 = arith.select %lt3A_1575, %add3A_1578, %xor3A_1572 : vector<16xi1>, vector<16xi32>
      %broadcast_in_dim3A_1580 = vector.shape_cast %select_n3A_1579 : vector<16xi32> to vector<16x1xi32>
      %gather3A_1581 = vector.shape_cast %broadcast_in_dim3A_1580 : vector<16x1xi32> to vector<16xi32>
      %gather3A_1582 = tpu.dynamic_gather %add3A_1569[%gather3A_1581] in [0] : vector<16xf32>, vector<16xi32> -> vector<16xf32>
      %add3A_1583 = arith.addf %add3A_1569, %gather3A_1582 : vector<16xf32>
      %xor3A_1584 = arith.constant 4 : i32
      %xor3A_1585 = vector.broadcast %xor3A_1584 : i32 to vector<16xi32>
      %xor3A_1586 = arith.xori %iota3A, %xor3A_1585 : vector<16xi32>
      %lt3A_1587 = arith.constant 0 : i32
      %lt3A_1588 = vector.broadcast %lt3A_1587 : i32 to vector<16xi32>
      %lt3A_1589 = arith.cmpi slt, %xor3A_1586, %lt3A_1588 : vector<16xi32>
      %add3A_1590 = arith.constant 16 : i32
      %add3A_1591 = vector.broadcast %add3A_1590 : i32 to vector<16xi32>
      %add3A_1592 = arith.addi %xor3A_1586, %add3A_1591 : vector<16xi32>
      %select_n3A_1593 = arith.select %lt3A_1589, %add3A_1592, %xor3A_1586 : vector<16xi1>, vector<16xi32>
      %broadcast_in_dim3A_1594 = vector.shape_cast %select_n3A_1593 : vector<16xi32> to vector<16x1xi32>
      %gather3A_1595 = vector.shape_cast %broadcast_in_dim3A_1594 : vector<16x1xi32> to vector<16xi32>
      %gather3A_1596 = tpu.dynamic_gather %add3A_1583[%gather3A_1595] in [0] : vector<16xf32>, vector<16xi32> -> vector<16xf32>
      %add3A_1597 = arith.addf %add3A_1583, %gather3A_1596 : vector<16xf32>
      %xor3A_1598 = arith.constant 2 : i32
      %xor3A_1599 = vector.broadcast %xor3A_1598 : i32 to vector<16xi32>
      %xor3A_1600 = arith.xori %iota3A, %xor3A_1599 : vector<16xi32>
      %lt3A_1601 = arith.constant 0 : i32
      %lt3A_1602 = vector.broadcast %lt3A_1601 : i32 to vector<16xi32>
      %lt3A_1603 = arith.cmpi slt, %xor3A_1600, %lt3A_1602 : vector<16xi32>
      %add3A_1604 = arith.constant 16 : i32
      %add3A_1605 = vector.broadcast %add3A_1604 : i32 to vector<16xi32>
      %add3A_1606 = arith.addi %xor3A_1600, %add3A_1605 : vector<16xi32>
      %select_n3A_1607 = arith.select %lt3A_1603, %add3A_1606, %xor3A_1600 : vector<16xi1>, vector<16xi32>
      %broadcast_in_dim3A_1608 = vector.shape_cast %select_n3A_1607 : vector<16xi32> to vector<16x1xi32>
      %gather3A_1609 = vector.shape_cast %broadcast_in_dim3A_1608 : vector<16x1xi32> to vector<16xi32>
      %gather3A_1610 = tpu.dynamic_gather %add3A_1597[%gather3A_1609] in [0] : vector<16xf32>, vector<16xi32> -> vector<16xf32>
      %add3A_1611 = arith.addf %add3A_1597, %gather3A_1610 : vector<16xf32>
      %xor3A_1612 = arith.constant 1 : i32
      %xor3A_1613 = vector.broadcast %xor3A_1612 : i32 to vector<16xi32>
      %xor3A_1614 = arith.xori %iota3A, %xor3A_1613 : vector<16xi32>
      %lt3A_1615 = arith.constant 0 : i32
      %lt3A_1616 = vector.broadcast %lt3A_1615 : i32 to vector<16xi32>
      %lt3A_1617 = arith.cmpi slt, %xor3A_1614, %lt3A_1616 : vector<16xi32>
      %add3A_1618 = arith.constant 16 : i32
      %add3A_1619 = vector.broadcast %add3A_1618 : i32 to vector<16xi32>
      %add3A_1620 = arith.addi %xor3A_1614, %add3A_1619 : vector<16xi32>
      %select_n3A_1621 = arith.select %lt3A_1617, %add3A_1620, %xor3A_1614 : vector<16xi1>, vector<16xi32>
      %broadcast_in_dim3A_1622 = vector.shape_cast %select_n3A_1621 : vector<16xi32> to vector<16x1xi32>
      %gather3A_1623 = vector.shape_cast %broadcast_in_dim3A_1622 : vector<16x1xi32> to vector<16xi32>
      %gather3A_1624 = tpu.dynamic_gather %add3A_1611[%gather3A_1623] in [0] : vector<16xf32>, vector<16xi32> -> vector<16xf32>
      %add3A_1625 = arith.addf %add3A_1611, %gather3A_1624 : vector<16xf32>
      %eq3A_1626 = arith.constant 14 : i32
      %eq3A_1627 = vector.broadcast %eq3A_1626 : i32 to vector<16xi32>
      %eq3A_1628 = arith.cmpi eq, %iota3A, %eq3A_1627 : vector<16xi32>
      %select_n3A_1629 = arith.select %eq3A_1628, %add3A_1625, %select_n3A_1522 : vector<16xi1>, vector<16xf32>
      %mul3A_1630 = arith.constant 16 : i32
      %mul3A_1631 = arith.muli %scan3A_28, %mul3A_1630 : i32
      %add3A_1632 = arith.constant 15 : i32
      %add3A_1633 = arith.addi %mul3A_1631, %add3A_1632 : i32
      %mul3A_1634 = arith.constant 16 : i32
      %mul3A_1635 = arith.muli %scan3A_28, %mul3A_1634 : i32
      %add3A_1636 = arith.constant 15 : i32
      %add3A_1637 = arith.addi %mul3A_1635, %add3A_1636 : i32
      %get3A_1638 = arith.index_cast %add3A_1633 : i32 to index
      %get3A_1639 = arith.constant 0 : index
      %get3A_1640 = tpu.vector_load %arg12[%get3A_1638, %get3A_1639] {strides = array<i32>} : memref<512x64xf32, #tpu.memory_space<vmem>>, vector<1x16xf32>,
      %get3A_1641 = vector.shape_cast %get3A_1640 : vector<1x16xf32> to vector<16xf32>
      %get3A_1642 = arith.index_cast %add3A_1637 : i32 to index
      %get3A_1643 = arith.constant 0 : index
      %get3A_1644 = tpu.vector_load %arg13[%get3A_1642, %get3A_1643] {strides = array<i32>} : memref<512x64xf32, #tpu.memory_space<vmem>>, vector<1x16xf32>,
      %get3A_1645 = vector.shape_cast %get3A_1644 : vector<1x16xf32> to vector<16xf32>
      %mul3A_1646 = arith.mulf %get3A_1641, %get3A_1645 : vector<16xf32>
      %get3A_1647 = arith.index_cast %add3A_1633 : i32 to index
      %get3A_1648 = arith.constant 16 : index
      %get3A_1649 = tpu.vector_load %arg12[%get3A_1647, %get3A_1648] {strides = array<i32>} : memref<512x64xf32, #tpu.memory_space<vmem>>, vector<1x16xf32>,
      %get3A_1650 = vector.shape_cast %get3A_1649 : vector<1x16xf32> to vector<16xf32>
      %get3A_1651 = arith.index_cast %add3A_1637 : i32 to index
      %get3A_1652 = arith.constant 16 : index
      %get3A_1653 = tpu.vector_load %arg13[%get3A_1651, %get3A_1652] {strides = array<i32>} : memref<512x64xf32, #tpu.memory_space<vmem>>, vector<1x16xf32>,
      %get3A_1654 = vector.shape_cast %get3A_1653 : vector<1x16xf32> to vector<16xf32>
      %mul3A_1655 = arith.mulf %get3A_1650, %get3A_1654 : vector<16xf32>
      %add3A_1656 = arith.addf %mul3A_1646, %mul3A_1655 : vector<16xf32>
      %get3A_1657 = arith.index_cast %add3A_1633 : i32 to index
      %get3A_1658 = arith.constant 32 : index
      %get3A_1659 = tpu.vector_load %arg12[%get3A_1657, %get3A_1658] {strides = array<i32>} : memref<512x64xf32, #tpu.memory_space<vmem>>, vector<1x16xf32>,
      %get3A_1660 = vector.shape_cast %get3A_1659 : vector<1x16xf32> to vector<16xf32>
      %get3A_1661 = arith.index_cast %add3A_1637 : i32 to index
      %get3A_1662 = arith.constant 32 : index
      %get3A_1663 = tpu.vector_load %arg13[%get3A_1661, %get3A_1662] {strides = array<i32>} : memref<512x64xf32, #tpu.memory_space<vmem>>, vector<1x16xf32>,
      %get3A_1664 = vector.shape_cast %get3A_1663 : vector<1x16xf32> to vector<16xf32>
      %mul3A_1665 = arith.mulf %get3A_1660, %get3A_1664 : vector<16xf32>
      %add3A_1666 = arith.addf %add3A_1656, %mul3A_1665 : vector<16xf32>
      %get3A_1667 = arith.index_cast %add3A_1633 : i32 to index
      %get3A_1668 = arith.constant 48 : index
      %get3A_1669 = tpu.vector_load %arg12[%get3A_1667, %get3A_1668] {strides = array<i32>} : memref<512x64xf32, #tpu.memory_space<vmem>>, vector<1x16xf32>,
      %get3A_1670 = vector.shape_cast %get3A_1669 : vector<1x16xf32> to vector<16xf32>
      %get3A_1671 = arith.index_cast %add3A_1637 : i32 to index
      %get3A_1672 = arith.constant 48 : index
      %get3A_1673 = tpu.vector_load %arg13[%get3A_1671, %get3A_1672] {strides = array<i32>} : memref<512x64xf32, #tpu.memory_space<vmem>>, vector<1x16xf32>,
      %get3A_1674 = vector.shape_cast %get3A_1673 : vector<1x16xf32> to vector<16xf32>
      %mul3A_1675 = arith.mulf %get3A_1670, %get3A_1674 : vector<16xf32>
      %add3A_1676 = arith.addf %add3A_1666, %mul3A_1675 : vector<16xf32>
      %xor3A_1677 = arith.constant 8 : i32
      %xor3A_1678 = vector.broadcast %xor3A_1677 : i32 to vector<16xi32>
      %xor3A_1679 = arith.xori %iota3A, %xor3A_1678 : vector<16xi32>
      %lt3A_1680 = arith.constant 0 : i32
      %lt3A_1681 = vector.broadcast %lt3A_1680 : i32 to vector<16xi32>
      %lt3A_1682 = arith.cmpi slt, %xor3A_1679, %lt3A_1681 : vector<16xi32>
      %add3A_1683 = arith.constant 16 : i32
      %add3A_1684 = vector.broadcast %add3A_1683 : i32 to vector<16xi32>
      %add3A_1685 = arith.addi %xor3A_1679, %add3A_1684 : vector<16xi32>
      %select_n3A_1686 = arith.select %lt3A_1682, %add3A_1685, %xor3A_1679 : vector<16xi1>, vector<16xi32>
      %broadcast_in_dim3A_1687 = vector.shape_cast %select_n3A_1686 : vector<16xi32> to vector<16x1xi32>
      %gather3A_1688 = vector.shape_cast %broadcast_in_dim3A_1687 : vector<16x1xi32> to vector<16xi32>
      %gather3A_1689 = tpu.dynamic_gather %add3A_1676[%gather3A_1688] in [0] : vector<16xf32>, vector<16xi32> -> vector<16xf32>
      %add3A_1690 = arith.addf %add3A_1676, %gather3A_1689 : vector<16xf32>
      %xor3A_1691 = arith.constant 4 : i32
      %xor3A_1692 = vector.broadcast %xor3A_1691 : i32 to vector<16xi32>
      %xor3A_1693 = arith.xori %iota3A, %xor3A_1692 : vector<16xi32>
      %lt3A_1694 = arith.constant 0 : i32
      %lt3A_1695 = vector.broadcast %lt3A_1694 : i32 to vector<16xi32>
      %lt3A_1696 = arith.cmpi slt, %xor3A_1693, %lt3A_1695 : vector<16xi32>
      %add3A_1697 = arith.constant 16 : i32
      %add3A_1698 = vector.broadcast %add3A_1697 : i32 to vector<16xi32>
      %add3A_1699 = arith.addi %xor3A_1693, %add3A_1698 : vector<16xi32>
      %select_n3A_1700 = arith.select %lt3A_1696, %add3A_1699, %xor3A_1693 : vector<16xi1>, vector<16xi32>
      %broadcast_in_dim3A_1701 = vector.shape_cast %select_n3A_1700 : vector<16xi32> to vector<16x1xi32>
      %gather3A_1702 = vector.shape_cast %broadcast_in_dim3A_1701 : vector<16x1xi32> to vector<16xi32>
      %gather3A_1703 = tpu.dynamic_gather %add3A_1690[%gather3A_1702] in [0] : vector<16xf32>, vector<16xi32> -> vector<16xf32>
      %add3A_1704 = arith.addf %add3A_1690, %gather3A_1703 : vector<16xf32>
      %xor3A_1705 = arith.constant 2 : i32
      %xor3A_1706 = vector.broadcast %xor3A_1705 : i32 to vector<16xi32>
      %xor3A_1707 = arith.xori %iota3A, %xor3A_1706 : vector<16xi32>
      %lt3A_1708 = arith.constant 0 : i32
      %lt3A_1709 = vector.broadcast %lt3A_1708 : i32 to vector<16xi32>
      %lt3A_1710 = arith.cmpi slt, %xor3A_1707, %lt3A_1709 : vector<16xi32>
      %add3A_1711 = arith.constant 16 : i32
      %add3A_1712 = vector.broadcast %add3A_1711 : i32 to vector<16xi32>
      %add3A_1713 = arith.addi %xor3A_1707, %add3A_1712 : vector<16xi32>
      %select_n3A_1714 = arith.select %lt3A_1710, %add3A_1713, %xor3A_1707 : vector<16xi1>, vector<16xi32>
      %broadcast_in_dim3A_1715 = vector.shape_cast %select_n3A_1714 : vector<16xi32> to vector<16x1xi32>
      %gather3A_1716 = vector.shape_cast %broadcast_in_dim3A_1715 : vector<16x1xi32> to vector<16xi32>
      %gather3A_1717 = tpu.dynamic_gather %add3A_1704[%gather3A_1716] in [0] : vector<16xf32>, vector<16xi32> -> vector<16xf32>
      %add3A_1718 = arith.addf %add3A_1704, %gather3A_1717 : vector<16xf32>
      %xor3A_1719 = arith.constant 1 : i32
      %xor3A_1720 = vector.broadcast %xor3A_1719 : i32 to vector<16xi32>
      %xor3A_1721 = arith.xori %iota3A, %xor3A_1720 : vector<16xi32>
      %lt3A_1722 = arith.constant 0 : i32
      %lt3A_1723 = vector.broadcast %lt3A_1722 : i32 to vector<16xi32>
      %lt3A_1724 = arith.cmpi slt, %xor3A_1721, %lt3A_1723 : vector<16xi32>
      %add3A_1725 = arith.constant 16 : i32
      %add3A_1726 = vector.broadcast %add3A_1725 : i32 to vector<16xi32>
      %add3A_1727 = arith.addi %xor3A_1721, %add3A_1726 : vector<16xi32>
      %select_n3A_1728 = arith.select %lt3A_1724, %add3A_1727, %xor3A_1721 : vector<16xi1>, vector<16xi32>
      %broadcast_in_dim3A_1729 = vector.shape_cast %select_n3A_1728 : vector<16xi32> to vector<16x1xi32>
      %gather3A_1730 = vector.shape_cast %broadcast_in_dim3A_1729 : vector<16x1xi32> to vector<16xi32>
      %gather3A_1731 = tpu.dynamic_gather %add3A_1718[%gather3A_1730] in [0] : vector<16xf32>, vector<16xi32> -> vector<16xf32>
      %add3A_1732 = arith.addf %add3A_1718, %gather3A_1731 : vector<16xf32>
      %eq3A_1733 = arith.constant 15 : i32
      %eq3A_1734 = vector.broadcast %eq3A_1733 : i32 to vector<16xi32>
      %eq3A_1735 = arith.cmpi eq, %iota3A, %eq3A_1734 : vector<16xi32>
      %select_n3A_1736 = arith.select %eq3A_1735, %add3A_1732, %select_n3A_1629 : vector<16xi1>, vector<16xf32>
      %mul3A_1737 = arith.constant 16 : i32
      %mul3A_1738 = arith.muli %scan3A_28, %mul3A_1737 : i32
      %swap3A = arith.index_cast %mul3A_1738 : i32 to index
      %swap3A_1739 = tpu.vector_load %arg15[%swap3A] {strides = array<i32>} : memref<512xf32, #tpu.memory_space<vmem>>, vector<16xf32>,
      %swap3A_1740 = vector.shape_cast %swap3A_1739 : vector<16xf32> to vector<16xf32>
      %swap3A_1741 = vector.shape_cast %select_n3A_1736 : vector<16xf32> to vector<16xf32>
      tpu.vector_store %arg15[%swap3A], %swap3A_1741 {strides = array<i32>} : memref<512xf32, #tpu.memory_space<vmem>>, vector<16xf32>,
      %scan3A_1742 = arith.constant 0 : i32
      scf.yield %scan3A_1742 : i32
    }
    %scan3A_20 = arith.constant 32 : i32
    %scan3A_21 = arith.constant 0 : i32
    %scan3A_22 = arith.constant 0 : i32
    %scan3A_23 = arith.constant 32 : i32
    %scan3A_24 = arith.addi %scan3A_22, %scan3A_23 : i32
    %scan3A_25 = arith.constant 1 : i32
    %scan3A_26 = scf.for %scan3A_28 = %scan3A_22 to %scan3A_24 step %scan3A_25 iter_args(%scan3A_29 = %scan3A_21) -> (i32)  : i32 {
      %mul3A_30 = arith.constant 320 : i32
      %mul3A_31 = arith.muli %scan3A_28, %mul3A_30 : i32
      %dma_start3A_32 = tpu.memref_slice %arg11[%mul3A_31] : memref<10240xi32, #tpu.memory_space<vmem>> -> memref<320xi32, #tpu.memory_space<vmem>>
      %dma_start3A_33 = arith.constant 0 : i32
      %dma_start3A_34 = arith.constant 0 : i32
      %dma_start3A_35 = tpu.memref_slice %arg6[%dma_start3A_33, %dma_start3A_34] : memref<1000000x64xf32, #tpu.memory_space<hbm>> -> memref<1000000x64xf32, #tpu.memory_space<hbm>>
      tpu.enqueue_indirect_dma source(%dma_start3A_35 : memref<1000000x64xf32, #tpu.memory_space<hbm>>) target(%arg14 : memref<320x64xf32, #tpu.memory_space<vmem>>) offsets(%dma_start3A_32 : memref<320xi32, #tpu.memory_space<vmem>>) semaphore(%arg17 : memref<!tpu.dma_semaphore, #tpu.memory_space<semaphore_mem>>)
      %dma_wait3A_36 = tpu.memref_slice %arg11[%mul3A_31] : memref<10240xi32, #tpu.memory_space<vmem>> -> memref<320xi32, #tpu.memory_space<vmem>>
      %dma_wait3A_37 = arith.constant 0 : i32
      %dma_wait3A_38 = arith.constant 0 : i32
      %dma_wait3A_39 = tpu.memref_slice %arg6[%dma_wait3A_37, %dma_wait3A_38] : memref<1000000x64xf32, #tpu.memory_space<hbm>> -> memref<1000000x64xf32, #tpu.memory_space<hbm>>
      tpu.wait_indirect_dma semaphore(%arg17 : memref<!tpu.dma_semaphore, #tpu.memory_space<semaphore_mem>>) src(%dma_wait3A_39 : memref<1000000x64xf32, #tpu.memory_space<hbm>>) dst(%arg14 : memref<320x64xf32, #tpu.memory_space<vmem>>)
      %scan3A_40 = arith.constant 0 : i32
      %scan3A_41 = arith.constant 0 : i32
      %scan3A_42 = arith.constant 16 : i32
      %scan3A_43 = arith.addi %scan3A_41, %scan3A_42 : i32
      %scan3A_44 = arith.constant 1 : i32
      %scan3A_45 = scf.for %scan3A_48 = %scan3A_41 to %scan3A_43 step %scan3A_44 iter_args(%scan3A_49 = %scan3A_40) -> (i32)  : i32 {
        %mul3A_50 = arith.constant 16 : i32
        %mul3A_51 = arith.muli %scan3A_28, %mul3A_50 : i32
        %add3A_52 = arith.addi %mul3A_51, %scan3A_48 : i32
        %broadcast_in_dim3A = arith.constant 0.000000e+00 : f32
        %broadcast_in_dim3A_53 = vector.broadcast %broadcast_in_dim3A : f32 to vector<16xf32>
        %broadcast_in_dim3A_54 = arith.constant 0.000000e+00 : f32
        %broadcast_in_dim3A_55 = vector.broadcast %broadcast_in_dim3A_54 : f32 to vector<16xf32>
        %mul3A_56 = arith.constant 20 : i32
        %mul3A_57 = arith.muli %scan3A_48, %mul3A_56 : i32
        %add3A_58 = arith.constant 0 : i32
        %add3A_59 = arith.addi %mul3A_57, %add3A_58 : i32
        %get3A = arith.index_cast %add3A_52 : i32 to index
        %get3A_60 = arith.constant 0 : index
        %get3A_61 = tpu.vector_load %arg12[%get3A, %get3A_60] {strides = array<i32>} : memref<512x64xf32, #tpu.memory_space<vmem>>, vector<1x16xf32>,
        %get3A_62 = vector.shape_cast %get3A_61 : vector<1x16xf32> to vector<16xf32>
        %get3A_63 = arith.index_cast %add3A_59 : i32 to index
        %get3A_64 = arith.constant 0 : index
        %get3A_65 = tpu.vector_load %arg14[%get3A_63, %get3A_64] {strides = array<i32>} : memref<320x64xf32, #tpu.memory_space<vmem>>, vector<1x16xf32>,
        %get3A_66 = vector.shape_cast %get3A_65 : vector<1x16xf32> to vector<16xf32>
        %mul3A_67 = arith.mulf %get3A_62, %get3A_66 : vector<16xf32>
        %get3A_68 = arith.index_cast %add3A_52 : i32 to index
        %get3A_69 = arith.constant 16 : index
        %get3A_70 = tpu.vector_load %arg12[%get3A_68, %get3A_69] {strides = array<i32>} : memref<512x64xf32, #tpu.memory_space<vmem>>, vector<1x16xf32>,
        %get3A_71 = vector.shape_cast %get3A_70 : vector<1x16xf32> to vector<16xf32>
        %get3A_72 = arith.index_cast %add3A_59 : i32 to index
        %get3A_73 = arith.constant 16 : index
        %get3A_74 = tpu.vector_load %arg14[%get3A_72, %get3A_73] {strides = array<i32>} : memref<320x64xf32, #tpu.memory_space<vmem>>, vector<1x16xf32>,
        %get3A_75 = vector.shape_cast %get3A_74 : vector<1x16xf32> to vector<16xf32>
        %mul3A_76 = arith.mulf %get3A_71, %get3A_75 : vector<16xf32>
        %add3A_77 = arith.addf %mul3A_67, %mul3A_76 : vector<16xf32>
        %get3A_78 = arith.index_cast %add3A_52 : i32 to index
        %get3A_79 = arith.constant 32 : index
        %get3A_80 = tpu.vector_load %arg12[%get3A_78, %get3A_79] {strides = array<i32>} : memref<512x64xf32, #tpu.memory_space<vmem>>, vector<1x16xf32>,
        %get3A_81 = vector.shape_cast %get3A_80 : vector<1x16xf32> to vector<16xf32>
        %get3A_82 = arith.index_cast %add3A_59 : i32 to index
        %get3A_83 = arith.constant 32 : index
        %get3A_84 = tpu.vector_load %arg14[%get3A_82, %get3A_83] {strides = array<i32>} : memref<320x64xf32, #tpu.memory_space<vmem>>, vector<1x16xf32>,
        %get3A_85 = vector.shape_cast %get3A_84 : vector<1x16xf32> to vector<16xf32>
        %mul3A_86 = arith.mulf %get3A_81, %get3A_85 : vector<16xf32>
        %add3A_87 = arith.addf %add3A_77, %mul3A_86 : vector<16xf32>
        %get3A_88 = arith.index_cast %add3A_52 : i32 to index
        %get3A_89 = arith.constant 48 : index
        %get3A_90 = tpu.vector_load %arg12[%get3A_88, %get3A_89] {strides = array<i32>} : memref<512x64xf32, #tpu.memory_space<vmem>>, vector<1x16xf32>,
        %get3A_91 = vector.shape_cast %get3A_90 : vector<1x16xf32> to vector<16xf32>
        %get3A_92 = arith.index_cast %add3A_59 : i32 to index
        %get3A_93 = arith.constant 48 : index
        %get3A_94 = tpu.vector_load %arg14[%get3A_92, %get3A_93] {strides = array<i32>} : memref<320x64xf32, #tpu.memory_space<vmem>>, vector<1x16xf32>,
        %get3A_95 = vector.shape_cast %get3A_94 : vector<1x16xf32> to vector<16xf32>
        %mul3A_96 = arith.mulf %get3A_91, %get3A_95 : vector<16xf32>
        %add3A_97 = arith.addf %add3A_87, %mul3A_96 : vector<16xf32>
        %xor3A = arith.constant 8 : i32
        %xor3A_98 = vector.broadcast %xor3A : i32 to vector<16xi32>
        %xor3A_99 = arith.xori %iota3A, %xor3A_98 : vector<16xi32>
        %lt3A = arith.constant 0 : i32
        %lt3A_100 = vector.broadcast %lt3A : i32 to vector<16xi32>
        %lt3A_101 = arith.cmpi slt, %xor3A_99, %lt3A_100 : vector<16xi32>
        %add3A_102 = arith.constant 16 : i32
        %add3A_103 = vector.broadcast %add3A_102 : i32 to vector<16xi32>
        %add3A_104 = arith.addi %xor3A_99, %add3A_103 : vector<16xi32>
        %select_n3A = arith.select %lt3A_101, %add3A_104, %xor3A_99 : vector<16xi1>, vector<16xi32>
        %broadcast_in_dim3A_105 = vector.shape_cast %select_n3A : vector<16xi32> to vector<16x1xi32>
        %gather3A = vector.shape_cast %broadcast_in_dim3A_105 : vector<16x1xi32> to vector<16xi32>
        %gather3A_106 = tpu.dynamic_gather %add3A_97[%gather3A] in [0] : vector<16xf32>, vector<16xi32> -> vector<16xf32>
        %add3A_107 = arith.addf %add3A_97, %gather3A_106 : vector<16xf32>
        %xor3A_108 = arith.constant 4 : i32
        %xor3A_109 = vector.broadcast %xor3A_108 : i32 to vector<16xi32>
        %xor3A_110 = arith.xori %iota3A, %xor3A_109 : vector<16xi32>
        %lt3A_111 = arith.constant 0 : i32
        %lt3A_112 = vector.broadcast %lt3A_111 : i32 to vector<16xi32>
        %lt3A_113 = arith.cmpi slt, %xor3A_110, %lt3A_112 : vector<16xi32>
        %add3A_114 = arith.constant 16 : i32
        %add3A_115 = vector.broadcast %add3A_114 : i32 to vector<16xi32>
        %add3A_116 = arith.addi %xor3A_110, %add3A_115 : vector<16xi32>
        %select_n3A_117 = arith.select %lt3A_113, %add3A_116, %xor3A_110 : vector<16xi1>, vector<16xi32>
        %broadcast_in_dim3A_118 = vector.shape_cast %select_n3A_117 : vector<16xi32> to vector<16x1xi32>
        %gather3A_119 = vector.shape_cast %broadcast_in_dim3A_118 : vector<16x1xi32> to vector<16xi32>
        %gather3A_120 = tpu.dynamic_gather %add3A_107[%gather3A_119] in [0] : vector<16xf32>, vector<16xi32> -> vector<16xf32>
        %add3A_121 = arith.addf %add3A_107, %gather3A_120 : vector<16xf32>
        %xor3A_122 = arith.constant 2 : i32
        %xor3A_123 = vector.broadcast %xor3A_122 : i32 to vector<16xi32>
        %xor3A_124 = arith.xori %iota3A, %xor3A_123 : vector<16xi32>
        %lt3A_125 = arith.constant 0 : i32
        %lt3A_126 = vector.broadcast %lt3A_125 : i32 to vector<16xi32>
        %lt3A_127 = arith.cmpi slt, %xor3A_124, %lt3A_126 : vector<16xi32>
        %add3A_128 = arith.constant 16 : i32
        %add3A_129 = vector.broadcast %add3A_128 : i32 to vector<16xi32>
        %add3A_130 = arith.addi %xor3A_124, %add3A_129 : vector<16xi32>
        %select_n3A_131 = arith.select %lt3A_127, %add3A_130, %xor3A_124 : vector<16xi1>, vector<16xi32>
        %broadcast_in_dim3A_132 = vector.shape_cast %select_n3A_131 : vector<16xi32> to vector<16x1xi32>
        %gather3A_133 = vector.shape_cast %broadcast_in_dim3A_132 : vector<16x1xi32> to vector<16xi32>
        %gather3A_134 = tpu.dynamic_gather %add3A_121[%gather3A_133] in [0] : vector<16xf32>, vector<16xi32> -> vector<16xf32>
        %add3A_135 = arith.addf %add3A_121, %gather3A_134 : vector<16xf32>
        %xor3A_136 = arith.constant 1 : i32
        %xor3A_137 = vector.broadcast %xor3A_136 : i32 to vector<16xi32>
        %xor3A_138 = arith.xori %iota3A, %xor3A_137 : vector<16xi32>
        %lt3A_139 = arith.constant 0 : i32
        %lt3A_140 = vector.broadcast %lt3A_139 : i32 to vector<16xi32>
        %lt3A_141 = arith.cmpi slt, %xor3A_138, %lt3A_140 : vector<16xi32>
        %add3A_142 = arith.constant 16 : i32
        %add3A_143 = vector.broadcast %add3A_142 : i32 to vector<16xi32>
        %add3A_144 = arith.addi %xor3A_138, %add3A_143 : vector<16xi32>
        %select_n3A_145 = arith.select %lt3A_141, %add3A_144, %xor3A_138 : vector<16xi1>, vector<16xi32>
        %broadcast_in_dim3A_146 = vector.shape_cast %select_n3A_145 : vector<16xi32> to vector<16x1xi32>
        %gather3A_147 = vector.shape_cast %broadcast_in_dim3A_146 : vector<16x1xi32> to vector<16xi32>
        %gather3A_148 = tpu.dynamic_gather %add3A_135[%gather3A_147] in [0] : vector<16xf32>, vector<16xi32> -> vector<16xf32>
        %add3A_149 = arith.addf %add3A_135, %gather3A_148 : vector<16xf32>
        %eq3A = arith.constant 0 : i32
        %eq3A_150 = vector.broadcast %eq3A : i32 to vector<16xi32>
        %eq3A_151 = arith.cmpi eq, %iota3A, %eq3A_150 : vector<16xi32>
        %select_n3A_152 = arith.select %eq3A_151, %add3A_149, %broadcast_in_dim3A_53 : vector<16xi1>, vector<16xf32>
        %mul3A_153 = arith.constant 20 : i32
        %mul3A_154 = arith.muli %scan3A_48, %mul3A_153 : i32
        %add3A_155 = arith.constant 1 : i32
        %add3A_156 = arith.addi %mul3A_154, %add3A_155 : i32
        %get3A_157 = arith.index_cast %add3A_52 : i32 to index
        %get3A_158 = arith.constant 0 : index
        %get3A_159 = tpu.vector_load %arg12[%get3A_157, %get3A_158] {strides = array<i32>} : memref<512x64xf32, #tpu.memory_space<vmem>>, vector<1x16xf32>,
        %get3A_160 = vector.shape_cast %get3A_159 : vector<1x16xf32> to vector<16xf32>
        %get3A_161 = arith.index_cast %add3A_156 : i32 to index
        %get3A_162 = arith.constant 0 : index
        %get3A_163 = tpu.vector_load %arg14[%get3A_161, %get3A_162] {strides = array<i32>} : memref<320x64xf32, #tpu.memory_space<vmem>>, vector<1x16xf32>,
        %get3A_164 = vector.shape_cast %get3A_163 : vector<1x16xf32> to vector<16xf32>
        %mul3A_165 = arith.mulf %get3A_160, %get3A_164 : vector<16xf32>
        %get3A_166 = arith.index_cast %add3A_52 : i32 to index
        %get3A_167 = arith.constant 16 : index
        %get3A_168 = tpu.vector_load %arg12[%get3A_166, %get3A_167] {strides = array<i32>} : memref<512x64xf32, #tpu.memory_space<vmem>>, vector<1x16xf32>,
        %get3A_169 = vector.shape_cast %get3A_168 : vector<1x16xf32> to vector<16xf32>
        %get3A_170 = arith.index_cast %add3A_156 : i32 to index
        %get3A_171 = arith.constant 16 : index
        %get3A_172 = tpu.vector_load %arg14[%get3A_170, %get3A_171] {strides = array<i32>} : memref<320x64xf32, #tpu.memory_space<vmem>>, vector<1x16xf32>,
        %get3A_173 = vector.shape_cast %get3A_172 : vector<1x16xf32> to vector<16xf32>
        %mul3A_174 = arith.mulf %get3A_169, %get3A_173 : vector<16xf32>
        %add3A_175 = arith.addf %mul3A_165, %mul3A_174 : vector<16xf32>
        %get3A_176 = arith.index_cast %add3A_52 : i32 to index
        %get3A_177 = arith.constant 32 : index
        %get3A_178 = tpu.vector_load %arg12[%get3A_176, %get3A_177] {strides = array<i32>} : memref<512x64xf32, #tpu.memory_space<vmem>>, vector<1x16xf32>,
        %get3A_179 = vector.shape_cast %get3A_178 : vector<1x16xf32> to vector<16xf32>
        %get3A_180 = arith.index_cast %add3A_156 : i32 to index
        %get3A_181 = arith.constant 32 : index
        %get3A_182 = tpu.vector_load %arg14[%get3A_180, %get3A_181] {strides = array<i32>} : memref<320x64xf32, #tpu.memory_space<vmem>>, vector<1x16xf32>,
        %get3A_183 = vector.shape_cast %get3A_182 : vector<1x16xf32> to vector<16xf32>
        %mul3A_184 = arith.mulf %get3A_179, %get3A_183 : vector<16xf32>
        %add3A_185 = arith.addf %add3A_175, %mul3A_184 : vector<16xf32>
        %get3A_186 = arith.index_cast %add3A_52 : i32 to index
        %get3A_187 = arith.constant 48 : index
        %get3A_188 = tpu.vector_load %arg12[%get3A_186, %get3A_187] {strides = array<i32>} : memref<512x64xf32, #tpu.memory_space<vmem>>, vector<1x16xf32>,
        %get3A_189 = vector.shape_cast %get3A_188 : vector<1x16xf32> to vector<16xf32>
        %get3A_190 = arith.index_cast %add3A_156 : i32 to index
        %get3A_191 = arith.constant 48 : index
        %get3A_192 = tpu.vector_load %arg14[%get3A_190, %get3A_191] {strides = array<i32>} : memref<320x64xf32, #tpu.memory_space<vmem>>, vector<1x16xf32>,
        %get3A_193 = vector.shape_cast %get3A_192 : vector<1x16xf32> to vector<16xf32>
        %mul3A_194 = arith.mulf %get3A_189, %get3A_193 : vector<16xf32>
        %add3A_195 = arith.addf %add3A_185, %mul3A_194 : vector<16xf32>
        %xor3A_196 = arith.constant 8 : i32
        %xor3A_197 = vector.broadcast %xor3A_196 : i32 to vector<16xi32>
        %xor3A_198 = arith.xori %iota3A, %xor3A_197 : vector<16xi32>
        %lt3A_199 = arith.constant 0 : i32
        %lt3A_200 = vector.broadcast %lt3A_199 : i32 to vector<16xi32>
        %lt3A_201 = arith.cmpi slt, %xor3A_198, %lt3A_200 : vector<16xi32>
        %add3A_202 = arith.constant 16 : i32
        %add3A_203 = vector.broadcast %add3A_202 : i32 to vector<16xi32>
        %add3A_204 = arith.addi %xor3A_198, %add3A_203 : vector<16xi32>
        %select_n3A_205 = arith.select %lt3A_201, %add3A_204, %xor3A_198 : vector<16xi1>, vector<16xi32>
        %broadcast_in_dim3A_206 = vector.shape_cast %select_n3A_205 : vector<16xi32> to vector<16x1xi32>
        %gather3A_207 = vector.shape_cast %broadcast_in_dim3A_206 : vector<16x1xi32> to vector<16xi32>
        %gather3A_208 = tpu.dynamic_gather %add3A_195[%gather3A_207] in [0] : vector<16xf32>, vector<16xi32> -> vector<16xf32>
        %add3A_209 = arith.addf %add3A_195, %gather3A_208 : vector<16xf32>
        %xor3A_210 = arith.constant 4 : i32
        %xor3A_211 = vector.broadcast %xor3A_210 : i32 to vector<16xi32>
        %xor3A_212 = arith.xori %iota3A, %xor3A_211 : vector<16xi32>
        %lt3A_213 = arith.constant 0 : i32
        %lt3A_214 = vector.broadcast %lt3A_213 : i32 to vector<16xi32>
        %lt3A_215 = arith.cmpi slt, %xor3A_212, %lt3A_214 : vector<16xi32>
        %add3A_216 = arith.constant 16 : i32
        %add3A_217 = vector.broadcast %add3A_216 : i32 to vector<16xi32>
        %add3A_218 = arith.addi %xor3A_212, %add3A_217 : vector<16xi32>
        %select_n3A_219 = arith.select %lt3A_215, %add3A_218, %xor3A_212 : vector<16xi1>, vector<16xi32>
        %broadcast_in_dim3A_220 = vector.shape_cast %select_n3A_219 : vector<16xi32> to vector<16x1xi32>
        %gather3A_221 = vector.shape_cast %broadcast_in_dim3A_220 : vector<16x1xi32> to vector<16xi32>
        %gather3A_222 = tpu.dynamic_gather %add3A_209[%gather3A_221] in [0] : vector<16xf32>, vector<16xi32> -> vector<16xf32>
        %add3A_223 = arith.addf %add3A_209, %gather3A_222 : vector<16xf32>
        %xor3A_224 = arith.constant 2 : i32
        %xor3A_225 = vector.broadcast %xor3A_224 : i32 to vector<16xi32>
        %xor3A_226 = arith.xori %iota3A, %xor3A_225 : vector<16xi32>
        %lt3A_227 = arith.constant 0 : i32
        %lt3A_228 = vector.broadcast %lt3A_227 : i32 to vector<16xi32>
        %lt3A_229 = arith.cmpi slt, %xor3A_226, %lt3A_228 : vector<16xi32>
        %add3A_230 = arith.constant 16 : i32
        %add3A_231 = vector.broadcast %add3A_230 : i32 to vector<16xi32>
        %add3A_232 = arith.addi %xor3A_226, %add3A_231 : vector<16xi32>
        %select_n3A_233 = arith.select %lt3A_229, %add3A_232, %xor3A_226 : vector<16xi1>, vector<16xi32>
        %broadcast_in_dim3A_234 = vector.shape_cast %select_n3A_233 : vector<16xi32> to vector<16x1xi32>
        %gather3A_235 = vector.shape_cast %broadcast_in_dim3A_234 : vector<16x1xi32> to vector<16xi32>
        %gather3A_236 = tpu.dynamic_gather %add3A_223[%gather3A_235] in [0] : vector<16xf32>, vector<16xi32> -> vector<16xf32>
        %add3A_237 = arith.addf %add3A_223, %gather3A_236 : vector<16xf32>
        %xor3A_238 = arith.constant 1 : i32
        %xor3A_239 = vector.broadcast %xor3A_238 : i32 to vector<16xi32>
        %xor3A_240 = arith.xori %iota3A, %xor3A_239 : vector<16xi32>
        %lt3A_241 = arith.constant 0 : i32
        %lt3A_242 = vector.broadcast %lt3A_241 : i32 to vector<16xi32>
        %lt3A_243 = arith.cmpi slt, %xor3A_240, %lt3A_242 : vector<16xi32>
        %add3A_244 = arith.constant 16 : i32
        %add3A_245 = vector.broadcast %add3A_244 : i32 to vector<16xi32>
        %add3A_246 = arith.addi %xor3A_240, %add3A_245 : vector<16xi32>
        %select_n3A_247 = arith.select %lt3A_243, %add3A_246, %xor3A_240 : vector<16xi1>, vector<16xi32>
        %broadcast_in_dim3A_248 = vector.shape_cast %select_n3A_247 : vector<16xi32> to vector<16x1xi32>
        %gather3A_249 = vector.shape_cast %broadcast_in_dim3A_248 : vector<16x1xi32> to vector<16xi32>
        %gather3A_250 = tpu.dynamic_gather %add3A_237[%gather3A_249] in [0] : vector<16xf32>, vector<16xi32> -> vector<16xf32>
        %add3A_251 = arith.addf %add3A_237, %gather3A_250 : vector<16xf32>
        %eq3A_252 = arith.constant 1 : i32
        %eq3A_253 = vector.broadcast %eq3A_252 : i32 to vector<16xi32>
        %eq3A_254 = arith.cmpi eq, %iota3A, %eq3A_253 : vector<16xi32>
        %select_n3A_255 = arith.select %eq3A_254, %add3A_251, %select_n3A_152 : vector<16xi1>, vector<16xf32>
        %mul3A_256 = arith.constant 20 : i32
        %mul3A_257 = arith.muli %scan3A_48, %mul3A_256 : i32
        %add3A_258 = arith.constant 2 : i32
        %add3A_259 = arith.addi %mul3A_257, %add3A_258 : i32
        %get3A_260 = arith.index_cast %add3A_52 : i32 to index
        %get3A_261 = arith.constant 0 : index
        %get3A_262 = tpu.vector_load %arg12[%get3A_260, %get3A_261] {strides = array<i32>} : memref<512x64xf32, #tpu.memory_space<vmem>>, vector<1x16xf32>,
        %get3A_263 = vector.shape_cast %get3A_262 : vector<1x16xf32> to vector<16xf32>
        %get3A_264 = arith.index_cast %add3A_259 : i32 to index
        %get3A_265 = arith.constant 0 : index
        %get3A_266 = tpu.vector_load %arg14[%get3A_264, %get3A_265] {strides = array<i32>} : memref<320x64xf32, #tpu.memory_space<vmem>>, vector<1x16xf32>,
        %get3A_267 = vector.shape_cast %get3A_266 : vector<1x16xf32> to vector<16xf32>
        %mul3A_268 = arith.mulf %get3A_263, %get3A_267 : vector<16xf32>
        %get3A_269 = arith.index_cast %add3A_52 : i32 to index
        %get3A_270 = arith.constant 16 : index
        %get3A_271 = tpu.vector_load %arg12[%get3A_269, %get3A_270] {strides = array<i32>} : memref<512x64xf32, #tpu.memory_space<vmem>>, vector<1x16xf32>,
        %get3A_272 = vector.shape_cast %get3A_271 : vector<1x16xf32> to vector<16xf32>
        %get3A_273 = arith.index_cast %add3A_259 : i32 to index
        %get3A_274 = arith.constant 16 : index
        %get3A_275 = tpu.vector_load %arg14[%get3A_273, %get3A_274] {strides = array<i32>} : memref<320x64xf32, #tpu.memory_space<vmem>>, vector<1x16xf32>,
        %get3A_276 = vector.shape_cast %get3A_275 : vector<1x16xf32> to vector<16xf32>
        %mul3A_277 = arith.mulf %get3A_272, %get3A_276 : vector<16xf32>
        %add3A_278 = arith.addf %mul3A_268, %mul3A_277 : vector<16xf32>
        %get3A_279 = arith.index_cast %add3A_52 : i32 to index
        %get3A_280 = arith.constant 32 : index
        %get3A_281 = tpu.vector_load %arg12[%get3A_279, %get3A_280] {strides = array<i32>} : memref<512x64xf32, #tpu.memory_space<vmem>>, vector<1x16xf32>,
        %get3A_282 = vector.shape_cast %get3A_281 : vector<1x16xf32> to vector<16xf32>
        %get3A_283 = arith.index_cast %add3A_259 : i32 to index
        %get3A_284 = arith.constant 32 : index
        %get3A_285 = tpu.vector_load %arg14[%get3A_283, %get3A_284] {strides = array<i32>} : memref<320x64xf32, #tpu.memory_space<vmem>>, vector<1x16xf32>,
        %get3A_286 = vector.shape_cast %get3A_285 : vector<1x16xf32> to vector<16xf32>
        %mul3A_287 = arith.mulf %get3A_282, %get3A_286 : vector<16xf32>
        %add3A_288 = arith.addf %add3A_278, %mul3A_287 : vector<16xf32>
        %get3A_289 = arith.index_cast %add3A_52 : i32 to index
        %get3A_290 = arith.constant 48 : index
        %get3A_291 = tpu.vector_load %arg12[%get3A_289, %get3A_290] {strides = array<i32>} : memref<512x64xf32, #tpu.memory_space<vmem>>, vector<1x16xf32>,
        %get3A_292 = vector.shape_cast %get3A_291 : vector<1x16xf32> to vector<16xf32>
        %get3A_293 = arith.index_cast %add3A_259 : i32 to index
        %get3A_294 = arith.constant 48 : index
        %get3A_295 = tpu.vector_load %arg14[%get3A_293, %get3A_294] {strides = array<i32>} : memref<320x64xf32, #tpu.memory_space<vmem>>, vector<1x16xf32>,
        %get3A_296 = vector.shape_cast %get3A_295 : vector<1x16xf32> to vector<16xf32>
        %mul3A_297 = arith.mulf %get3A_292, %get3A_296 : vector<16xf32>
        %add3A_298 = arith.addf %add3A_288, %mul3A_297 : vector<16xf32>
        %xor3A_299 = arith.constant 8 : i32
        %xor3A_300 = vector.broadcast %xor3A_299 : i32 to vector<16xi32>
        %xor3A_301 = arith.xori %iota3A, %xor3A_300 : vector<16xi32>
        %lt3A_302 = arith.constant 0 : i32
        %lt3A_303 = vector.broadcast %lt3A_302 : i32 to vector<16xi32>
        %lt3A_304 = arith.cmpi slt, %xor3A_301, %lt3A_303 : vector<16xi32>
        %add3A_305 = arith.constant 16 : i32
        %add3A_306 = vector.broadcast %add3A_305 : i32 to vector<16xi32>
        %add3A_307 = arith.addi %xor3A_301, %add3A_306 : vector<16xi32>
        %select_n3A_308 = arith.select %lt3A_304, %add3A_307, %xor3A_301 : vector<16xi1>, vector<16xi32>
        %broadcast_in_dim3A_309 = vector.shape_cast %select_n3A_308 : vector<16xi32> to vector<16x1xi32>
        %gather3A_310 = vector.shape_cast %broadcast_in_dim3A_309 : vector<16x1xi32> to vector<16xi32>
        %gather3A_311 = tpu.dynamic_gather %add3A_298[%gather3A_310] in [0] : vector<16xf32>, vector<16xi32> -> vector<16xf32>
        %add3A_312 = arith.addf %add3A_298, %gather3A_311 : vector<16xf32>
        %xor3A_313 = arith.constant 4 : i32
        %xor3A_314 = vector.broadcast %xor3A_313 : i32 to vector<16xi32>
        %xor3A_315 = arith.xori %iota3A, %xor3A_314 : vector<16xi32>
        %lt3A_316 = arith.constant 0 : i32
        %lt3A_317 = vector.broadcast %lt3A_316 : i32 to vector<16xi32>
        %lt3A_318 = arith.cmpi slt, %xor3A_315, %lt3A_317 : vector<16xi32>
        %add3A_319 = arith.constant 16 : i32
        %add3A_320 = vector.broadcast %add3A_319 : i32 to vector<16xi32>
        %add3A_321 = arith.addi %xor3A_315, %add3A_320 : vector<16xi32>
        %select_n3A_322 = arith.select %lt3A_318, %add3A_321, %xor3A_315 : vector<16xi1>, vector<16xi32>
        %broadcast_in_dim3A_323 = vector.shape_cast %select_n3A_322 : vector<16xi32> to vector<16x1xi32>
        %gather3A_324 = vector.shape_cast %broadcast_in_dim3A_323 : vector<16x1xi32> to vector<16xi32>
        %gather3A_325 = tpu.dynamic_gather %add3A_312[%gather3A_324] in [0] : vector<16xf32>, vector<16xi32> -> vector<16xf32>
        %add3A_326 = arith.addf %add3A_312, %gather3A_325 : vector<16xf32>
        %xor3A_327 = arith.constant 2 : i32
        %xor3A_328 = vector.broadcast %xor3A_327 : i32 to vector<16xi32>
        %xor3A_329 = arith.xori %iota3A, %xor3A_328 : vector<16xi32>
        %lt3A_330 = arith.constant 0 : i32
        %lt3A_331 = vector.broadcast %lt3A_330 : i32 to vector<16xi32>
        %lt3A_332 = arith.cmpi slt, %xor3A_329, %lt3A_331 : vector<16xi32>
        %add3A_333 = arith.constant 16 : i32
        %add3A_334 = vector.broadcast %add3A_333 : i32 to vector<16xi32>
        %add3A_335 = arith.addi %xor3A_329, %add3A_334 : vector<16xi32>
        %select_n3A_336 = arith.select %lt3A_332, %add3A_335, %xor3A_329 : vector<16xi1>, vector<16xi32>
        %broadcast_in_dim3A_337 = vector.shape_cast %select_n3A_336 : vector<16xi32> to vector<16x1xi32>
        %gather3A_338 = vector.shape_cast %broadcast_in_dim3A_337 : vector<16x1xi32> to vector<16xi32>
        %gather3A_339 = tpu.dynamic_gather %add3A_326[%gather3A_338] in [0] : vector<16xf32>, vector<16xi32> -> vector<16xf32>
        %add3A_340 = arith.addf %add3A_326, %gather3A_339 : vector<16xf32>
        %xor3A_341 = arith.constant 1 : i32
        %xor3A_342 = vector.broadcast %xor3A_341 : i32 to vector<16xi32>
        %xor3A_343 = arith.xori %iota3A, %xor3A_342 : vector<16xi32>
        %lt3A_344 = arith.constant 0 : i32
        %lt3A_345 = vector.broadcast %lt3A_344 : i32 to vector<16xi32>
        %lt3A_346 = arith.cmpi slt, %xor3A_343, %lt3A_345 : vector<16xi32>
        %add3A_347 = arith.constant 16 : i32
        %add3A_348 = vector.broadcast %add3A_347 : i32 to vector<16xi32>
        %add3A_349 = arith.addi %xor3A_343, %add3A_348 : vector<16xi32>
        %select_n3A_350 = arith.select %lt3A_346, %add3A_349, %xor3A_343 : vector<16xi1>, vector<16xi32>
        %broadcast_in_dim3A_351 = vector.shape_cast %select_n3A_350 : vector<16xi32> to vector<16x1xi32>
        %gather3A_352 = vector.shape_cast %broadcast_in_dim3A_351 : vector<16x1xi32> to vector<16xi32>
        %gather3A_353 = tpu.dynamic_gather %add3A_340[%gather3A_352] in [0] : vector<16xf32>, vector<16xi32> -> vector<16xf32>
        %add3A_354 = arith.addf %add3A_340, %gather3A_353 : vector<16xf32>
        %eq3A_355 = arith.constant 2 : i32
        %eq3A_356 = vector.broadcast %eq3A_355 : i32 to vector<16xi32>
        %eq3A_357 = arith.cmpi eq, %iota3A, %eq3A_356 : vector<16xi32>
        %select_n3A_358 = arith.select %eq3A_357, %add3A_354, %select_n3A_255 : vector<16xi1>, vector<16xf32>
        %mul3A_359 = arith.constant 20 : i32
        %mul3A_360 = arith.muli %scan3A_48, %mul3A_359 : i32
        %add3A_361 = arith.constant 3 : i32
        %add3A_362 = arith.addi %mul3A_360, %add3A_361 : i32
        %get3A_363 = arith.index_cast %add3A_52 : i32 to index
        %get3A_364 = arith.constant 0 : index
        %get3A_365 = tpu.vector_load %arg12[%get3A_363, %get3A_364] {strides = array<i32>} : memref<512x64xf32, #tpu.memory_space<vmem>>, vector<1x16xf32>,
        %get3A_366 = vector.shape_cast %get3A_365 : vector<1x16xf32> to vector<16xf32>
        %get3A_367 = arith.index_cast %add3A_362 : i32 to index
        %get3A_368 = arith.constant 0 : index
        %get3A_369 = tpu.vector_load %arg14[%get3A_367, %get3A_368] {strides = array<i32>} : memref<320x64xf32, #tpu.memory_space<vmem>>, vector<1x16xf32>,
        %get3A_370 = vector.shape_cast %get3A_369 : vector<1x16xf32> to vector<16xf32>
        %mul3A_371 = arith.mulf %get3A_366, %get3A_370 : vector<16xf32>
        %get3A_372 = arith.index_cast %add3A_52 : i32 to index
        %get3A_373 = arith.constant 16 : index
        %get3A_374 = tpu.vector_load %arg12[%get3A_372, %get3A_373] {strides = array<i32>} : memref<512x64xf32, #tpu.memory_space<vmem>>, vector<1x16xf32>,
        %get3A_375 = vector.shape_cast %get3A_374 : vector<1x16xf32> to vector<16xf32>
        %get3A_376 = arith.index_cast %add3A_362 : i32 to index
        %get3A_377 = arith.constant 16 : index
        %get3A_378 = tpu.vector_load %arg14[%get3A_376, %get3A_377] {strides = array<i32>} : memref<320x64xf32, #tpu.memory_space<vmem>>, vector<1x16xf32>,
        %get3A_379 = vector.shape_cast %get3A_378 : vector<1x16xf32> to vector<16xf32>
        %mul3A_380 = arith.mulf %get3A_375, %get3A_379 : vector<16xf32>
        %add3A_381 = arith.addf %mul3A_371, %mul3A_380 : vector<16xf32>
        %get3A_382 = arith.index_cast %add3A_52 : i32 to index
        %get3A_383 = arith.constant 32 : index
        %get3A_384 = tpu.vector_load %arg12[%get3A_382, %get3A_383] {strides = array<i32>} : memref<512x64xf32, #tpu.memory_space<vmem>>, vector<1x16xf32>,
        %get3A_385 = vector.shape_cast %get3A_384 : vector<1x16xf32> to vector<16xf32>
        %get3A_386 = arith.index_cast %add3A_362 : i32 to index
        %get3A_387 = arith.constant 32 : index
        %get3A_388 = tpu.vector_load %arg14[%get3A_386, %get3A_387] {strides = array<i32>} : memref<320x64xf32, #tpu.memory_space<vmem>>, vector<1x16xf32>,
        %get3A_389 = vector.shape_cast %get3A_388 : vector<1x16xf32> to vector<16xf32>
        %mul3A_390 = arith.mulf %get3A_385, %get3A_389 : vector<16xf32>
        %add3A_391 = arith.addf %add3A_381, %mul3A_390 : vector<16xf32>
        %get3A_392 = arith.index_cast %add3A_52 : i32 to index
        %get3A_393 = arith.constant 48 : index
        %get3A_394 = tpu.vector_load %arg12[%get3A_392, %get3A_393] {strides = array<i32>} : memref<512x64xf32, #tpu.memory_space<vmem>>, vector<1x16xf32>,
        %get3A_395 = vector.shape_cast %get3A_394 : vector<1x16xf32> to vector<16xf32>
        %get3A_396 = arith.index_cast %add3A_362 : i32 to index
        %get3A_397 = arith.constant 48 : index
        %get3A_398 = tpu.vector_load %arg14[%get3A_396, %get3A_397] {strides = array<i32>} : memref<320x64xf32, #tpu.memory_space<vmem>>, vector<1x16xf32>,
        %get3A_399 = vector.shape_cast %get3A_398 : vector<1x16xf32> to vector<16xf32>
        %mul3A_400 = arith.mulf %get3A_395, %get3A_399 : vector<16xf32>
        %add3A_401 = arith.addf %add3A_391, %mul3A_400 : vector<16xf32>
        %xor3A_402 = arith.constant 8 : i32
        %xor3A_403 = vector.broadcast %xor3A_402 : i32 to vector<16xi32>
        %xor3A_404 = arith.xori %iota3A, %xor3A_403 : vector<16xi32>
        %lt3A_405 = arith.constant 0 : i32
        %lt3A_406 = vector.broadcast %lt3A_405 : i32 to vector<16xi32>
        %lt3A_407 = arith.cmpi slt, %xor3A_404, %lt3A_406 : vector<16xi32>
        %add3A_408 = arith.constant 16 : i32
        %add3A_409 = vector.broadcast %add3A_408 : i32 to vector<16xi32>
        %add3A_410 = arith.addi %xor3A_404, %add3A_409 : vector<16xi32>
        %select_n3A_411 = arith.select %lt3A_407, %add3A_410, %xor3A_404 : vector<16xi1>, vector<16xi32>
        %broadcast_in_dim3A_412 = vector.shape_cast %select_n3A_411 : vector<16xi32> to vector<16x1xi32>
        %gather3A_413 = vector.shape_cast %broadcast_in_dim3A_412 : vector<16x1xi32> to vector<16xi32>
        %gather3A_414 = tpu.dynamic_gather %add3A_401[%gather3A_413] in [0] : vector<16xf32>, vector<16xi32> -> vector<16xf32>
        %add3A_415 = arith.addf %add3A_401, %gather3A_414 : vector<16xf32>
        %xor3A_416 = arith.constant 4 : i32
        %xor3A_417 = vector.broadcast %xor3A_416 : i32 to vector<16xi32>
        %xor3A_418 = arith.xori %iota3A, %xor3A_417 : vector<16xi32>
        %lt3A_419 = arith.constant 0 : i32
        %lt3A_420 = vector.broadcast %lt3A_419 : i32 to vector<16xi32>
        %lt3A_421 = arith.cmpi slt, %xor3A_418, %lt3A_420 : vector<16xi32>
        %add3A_422 = arith.constant 16 : i32
        %add3A_423 = vector.broadcast %add3A_422 : i32 to vector<16xi32>
        %add3A_424 = arith.addi %xor3A_418, %add3A_423 : vector<16xi32>
        %select_n3A_425 = arith.select %lt3A_421, %add3A_424, %xor3A_418 : vector<16xi1>, vector<16xi32>
        %broadcast_in_dim3A_426 = vector.shape_cast %select_n3A_425 : vector<16xi32> to vector<16x1xi32>
        %gather3A_427 = vector.shape_cast %broadcast_in_dim3A_426 : vector<16x1xi32> to vector<16xi32>
        %gather3A_428 = tpu.dynamic_gather %add3A_415[%gather3A_427] in [0] : vector<16xf32>, vector<16xi32> -> vector<16xf32>
        %add3A_429 = arith.addf %add3A_415, %gather3A_428 : vector<16xf32>
        %xor3A_430 = arith.constant 2 : i32
        %xor3A_431 = vector.broadcast %xor3A_430 : i32 to vector<16xi32>
        %xor3A_432 = arith.xori %iota3A, %xor3A_431 : vector<16xi32>
        %lt3A_433 = arith.constant 0 : i32
        %lt3A_434 = vector.broadcast %lt3A_433 : i32 to vector<16xi32>
        %lt3A_435 = arith.cmpi slt, %xor3A_432, %lt3A_434 : vector<16xi32>
        %add3A_436 = arith.constant 16 : i32
        %add3A_437 = vector.broadcast %add3A_436 : i32 to vector<16xi32>
        %add3A_438 = arith.addi %xor3A_432, %add3A_437 : vector<16xi32>
        %select_n3A_439 = arith.select %lt3A_435, %add3A_438, %xor3A_432 : vector<16xi1>, vector<16xi32>
        %broadcast_in_dim3A_440 = vector.shape_cast %select_n3A_439 : vector<16xi32> to vector<16x1xi32>
        %gather3A_441 = vector.shape_cast %broadcast_in_dim3A_440 : vector<16x1xi32> to vector<16xi32>
        %gather3A_442 = tpu.dynamic_gather %add3A_429[%gather3A_441] in [0] : vector<16xf32>, vector<16xi32> -> vector<16xf32>
        %add3A_443 = arith.addf %add3A_429, %gather3A_442 : vector<16xf32>
        %xor3A_444 = arith.constant 1 : i32
        %xor3A_445 = vector.broadcast %xor3A_444 : i32 to vector<16xi32>
        %xor3A_446 = arith.xori %iota3A, %xor3A_445 : vector<16xi32>
        %lt3A_447 = arith.constant 0 : i32
        %lt3A_448 = vector.broadcast %lt3A_447 : i32 to vector<16xi32>
        %lt3A_449 = arith.cmpi slt, %xor3A_446, %lt3A_448 : vector<16xi32>
        %add3A_450 = arith.constant 16 : i32
        %add3A_451 = vector.broadcast %add3A_450 : i32 to vector<16xi32>
        %add3A_452 = arith.addi %xor3A_446, %add3A_451 : vector<16xi32>
        %select_n3A_453 = arith.select %lt3A_449, %add3A_452, %xor3A_446 : vector<16xi1>, vector<16xi32>
        %broadcast_in_dim3A_454 = vector.shape_cast %select_n3A_453 : vector<16xi32> to vector<16x1xi32>
        %gather3A_455 = vector.shape_cast %broadcast_in_dim3A_454 : vector<16x1xi32> to vector<16xi32>
        %gather3A_456 = tpu.dynamic_gather %add3A_443[%gather3A_455] in [0] : vector<16xf32>, vector<16xi32> -> vector<16xf32>
        %add3A_457 = arith.addf %add3A_443, %gather3A_456 : vector<16xf32>
        %eq3A_458 = arith.constant 3 : i32
        %eq3A_459 = vector.broadcast %eq3A_458 : i32 to vector<16xi32>
        %eq3A_460 = arith.cmpi eq, %iota3A, %eq3A_459 : vector<16xi32>
        %select_n3A_461 = arith.select %eq3A_460, %add3A_457, %select_n3A_358 : vector<16xi1>, vector<16xf32>
        %mul3A_462 = arith.constant 20 : i32
        %mul3A_463 = arith.muli %scan3A_48, %mul3A_462 : i32
        %add3A_464 = arith.constant 4 : i32
        %add3A_465 = arith.addi %mul3A_463, %add3A_464 : i32
        %get3A_466 = arith.index_cast %add3A_52 : i32 to index
        %get3A_467 = arith.constant 0 : index
        %get3A_468 = tpu.vector_load %arg12[%get3A_466, %get3A_467] {strides = array<i32>} : memref<512x64xf32, #tpu.memory_space<vmem>>, vector<1x16xf32>,
        %get3A_469 = vector.shape_cast %get3A_468 : vector<1x16xf32> to vector<16xf32>
        %get3A_470 = arith.index_cast %add3A_465 : i32 to index
        %get3A_471 = arith.constant 0 : index
        %get3A_472 = tpu.vector_load %arg14[%get3A_470, %get3A_471] {strides = array<i32>} : memref<320x64xf32, #tpu.memory_space<vmem>>, vector<1x16xf32>,
        %get3A_473 = vector.shape_cast %get3A_472 : vector<1x16xf32> to vector<16xf32>
        %mul3A_474 = arith.mulf %get3A_469, %get3A_473 : vector<16xf32>
        %get3A_475 = arith.index_cast %add3A_52 : i32 to index
        %get3A_476 = arith.constant 16 : index
        %get3A_477 = tpu.vector_load %arg12[%get3A_475, %get3A_476] {strides = array<i32>} : memref<512x64xf32, #tpu.memory_space<vmem>>, vector<1x16xf32>,
        %get3A_478 = vector.shape_cast %get3A_477 : vector<1x16xf32> to vector<16xf32>
        %get3A_479 = arith.index_cast %add3A_465 : i32 to index
        %get3A_480 = arith.constant 16 : index
        %get3A_481 = tpu.vector_load %arg14[%get3A_479, %get3A_480] {strides = array<i32>} : memref<320x64xf32, #tpu.memory_space<vmem>>, vector<1x16xf32>,
        %get3A_482 = vector.shape_cast %get3A_481 : vector<1x16xf32> to vector<16xf32>
        %mul3A_483 = arith.mulf %get3A_478, %get3A_482 : vector<16xf32>
        %add3A_484 = arith.addf %mul3A_474, %mul3A_483 : vector<16xf32>
        %get3A_485 = arith.index_cast %add3A_52 : i32 to index
        %get3A_486 = arith.constant 32 : index
        %get3A_487 = tpu.vector_load %arg12[%get3A_485, %get3A_486] {strides = array<i32>} : memref<512x64xf32, #tpu.memory_space<vmem>>, vector<1x16xf32>,
        %get3A_488 = vector.shape_cast %get3A_487 : vector<1x16xf32> to vector<16xf32>
        %get3A_489 = arith.index_cast %add3A_465 : i32 to index
        %get3A_490 = arith.constant 32 : index
        %get3A_491 = tpu.vector_load %arg14[%get3A_489, %get3A_490] {strides = array<i32>} : memref<320x64xf32, #tpu.memory_space<vmem>>, vector<1x16xf32>,
        %get3A_492 = vector.shape_cast %get3A_491 : vector<1x16xf32> to vector<16xf32>
        %mul3A_493 = arith.mulf %get3A_488, %get3A_492 : vector<16xf32>
        %add3A_494 = arith.addf %add3A_484, %mul3A_493 : vector<16xf32>
        %get3A_495 = arith.index_cast %add3A_52 : i32 to index
        %get3A_496 = arith.constant 48 : index
        %get3A_497 = tpu.vector_load %arg12[%get3A_495, %get3A_496] {strides = array<i32>} : memref<512x64xf32, #tpu.memory_space<vmem>>, vector<1x16xf32>,
        %get3A_498 = vector.shape_cast %get3A_497 : vector<1x16xf32> to vector<16xf32>
        %get3A_499 = arith.index_cast %add3A_465 : i32 to index
        %get3A_500 = arith.constant 48 : index
        %get3A_501 = tpu.vector_load %arg14[%get3A_499, %get3A_500] {strides = array<i32>} : memref<320x64xf32, #tpu.memory_space<vmem>>, vector<1x16xf32>,
        %get3A_502 = vector.shape_cast %get3A_501 : vector<1x16xf32> to vector<16xf32>
        %mul3A_503 = arith.mulf %get3A_498, %get3A_502 : vector<16xf32>
        %add3A_504 = arith.addf %add3A_494, %mul3A_503 : vector<16xf32>
        %xor3A_505 = arith.constant 8 : i32
        %xor3A_506 = vector.broadcast %xor3A_505 : i32 to vector<16xi32>
        %xor3A_507 = arith.xori %iota3A, %xor3A_506 : vector<16xi32>
        %lt3A_508 = arith.constant 0 : i32
        %lt3A_509 = vector.broadcast %lt3A_508 : i32 to vector<16xi32>
        %lt3A_510 = arith.cmpi slt, %xor3A_507, %lt3A_509 : vector<16xi32>
        %add3A_511 = arith.constant 16 : i32
        %add3A_512 = vector.broadcast %add3A_511 : i32 to vector<16xi32>
        %add3A_513 = arith.addi %xor3A_507, %add3A_512 : vector<16xi32>
        %select_n3A_514 = arith.select %lt3A_510, %add3A_513, %xor3A_507 : vector<16xi1>, vector<16xi32>
        %broadcast_in_dim3A_515 = vector.shape_cast %select_n3A_514 : vector<16xi32> to vector<16x1xi32>
        %gather3A_516 = vector.shape_cast %broadcast_in_dim3A_515 : vector<16x1xi32> to vector<16xi32>
        %gather3A_517 = tpu.dynamic_gather %add3A_504[%gather3A_516] in [0] : vector<16xf32>, vector<16xi32> -> vector<16xf32>
        %add3A_518 = arith.addf %add3A_504, %gather3A_517 : vector<16xf32>
        %xor3A_519 = arith.constant 4 : i32
        %xor3A_520 = vector.broadcast %xor3A_519 : i32 to vector<16xi32>
        %xor3A_521 = arith.xori %iota3A, %xor3A_520 : vector<16xi32>
        %lt3A_522 = arith.constant 0 : i32
        %lt3A_523 = vector.broadcast %lt3A_522 : i32 to vector<16xi32>
        %lt3A_524 = arith.cmpi slt, %xor3A_521, %lt3A_523 : vector<16xi32>
        %add3A_525 = arith.constant 16 : i32
        %add3A_526 = vector.broadcast %add3A_525 : i32 to vector<16xi32>
        %add3A_527 = arith.addi %xor3A_521, %add3A_526 : vector<16xi32>
        %select_n3A_528 = arith.select %lt3A_524, %add3A_527, %xor3A_521 : vector<16xi1>, vector<16xi32>
        %broadcast_in_dim3A_529 = vector.shape_cast %select_n3A_528 : vector<16xi32> to vector<16x1xi32>
        %gather3A_530 = vector.shape_cast %broadcast_in_dim3A_529 : vector<16x1xi32> to vector<16xi32>
        %gather3A_531 = tpu.dynamic_gather %add3A_518[%gather3A_530] in [0] : vector<16xf32>, vector<16xi32> -> vector<16xf32>
        %add3A_532 = arith.addf %add3A_518, %gather3A_531 : vector<16xf32>
        %xor3A_533 = arith.constant 2 : i32
        %xor3A_534 = vector.broadcast %xor3A_533 : i32 to vector<16xi32>
        %xor3A_535 = arith.xori %iota3A, %xor3A_534 : vector<16xi32>
        %lt3A_536 = arith.constant 0 : i32
        %lt3A_537 = vector.broadcast %lt3A_536 : i32 to vector<16xi32>
        %lt3A_538 = arith.cmpi slt, %xor3A_535, %lt3A_537 : vector<16xi32>
        %add3A_539 = arith.constant 16 : i32
        %add3A_540 = vector.broadcast %add3A_539 : i32 to vector<16xi32>
        %add3A_541 = arith.addi %xor3A_535, %add3A_540 : vector<16xi32>
        %select_n3A_542 = arith.select %lt3A_538, %add3A_541, %xor3A_535 : vector<16xi1>, vector<16xi32>
        %broadcast_in_dim3A_543 = vector.shape_cast %select_n3A_542 : vector<16xi32> to vector<16x1xi32>
        %gather3A_544 = vector.shape_cast %broadcast_in_dim3A_543 : vector<16x1xi32> to vector<16xi32>
        %gather3A_545 = tpu.dynamic_gather %add3A_532[%gather3A_544] in [0] : vector<16xf32>, vector<16xi32> -> vector<16xf32>
        %add3A_546 = arith.addf %add3A_532, %gather3A_545 : vector<16xf32>
        %xor3A_547 = arith.constant 1 : i32
        %xor3A_548 = vector.broadcast %xor3A_547 : i32 to vector<16xi32>
        %xor3A_549 = arith.xori %iota3A, %xor3A_548 : vector<16xi32>
        %lt3A_550 = arith.constant 0 : i32
        %lt3A_551 = vector.broadcast %lt3A_550 : i32 to vector<16xi32>
        %lt3A_552 = arith.cmpi slt, %xor3A_549, %lt3A_551 : vector<16xi32>
        %add3A_553 = arith.constant 16 : i32
        %add3A_554 = vector.broadcast %add3A_553 : i32 to vector<16xi32>
        %add3A_555 = arith.addi %xor3A_549, %add3A_554 : vector<16xi32>
        %select_n3A_556 = arith.select %lt3A_552, %add3A_555, %xor3A_549 : vector<16xi1>, vector<16xi32>
        %broadcast_in_dim3A_557 = vector.shape_cast %select_n3A_556 : vector<16xi32> to vector<16x1xi32>
        %gather3A_558 = vector.shape_cast %broadcast_in_dim3A_557 : vector<16x1xi32> to vector<16xi32>
        %gather3A_559 = tpu.dynamic_gather %add3A_546[%gather3A_558] in [0] : vector<16xf32>, vector<16xi32> -> vector<16xf32>
        %add3A_560 = arith.addf %add3A_546, %gather3A_559 : vector<16xf32>
        %eq3A_561 = arith.constant 4 : i32
        %eq3A_562 = vector.broadcast %eq3A_561 : i32 to vector<16xi32>
        %eq3A_563 = arith.cmpi eq, %iota3A, %eq3A_562 : vector<16xi32>
        %select_n3A_564 = arith.select %eq3A_563, %add3A_560, %select_n3A_461 : vector<16xi1>, vector<16xf32>
        %mul3A_565 = arith.constant 20 : i32
        %mul3A_566 = arith.muli %scan3A_48, %mul3A_565 : i32
        %add3A_567 = arith.constant 5 : i32
        %add3A_568 = arith.addi %mul3A_566, %add3A_567 : i32
        %get3A_569 = arith.index_cast %add3A_52 : i32 to index
        %get3A_570 = arith.constant 0 : index
        %get3A_571 = tpu.vector_load %arg12[%get3A_569, %get3A_570] {strides = array<i32>} : memref<512x64xf32, #tpu.memory_space<vmem>>, vector<1x16xf32>,
        %get3A_572 = vector.shape_cast %get3A_571 : vector<1x16xf32> to vector<16xf32>
        %get3A_573 = arith.index_cast %add3A_568 : i32 to index
        %get3A_574 = arith.constant 0 : index
        %get3A_575 = tpu.vector_load %arg14[%get3A_573, %get3A_574] {strides = array<i32>} : memref<320x64xf32, #tpu.memory_space<vmem>>, vector<1x16xf32>,
        %get3A_576 = vector.shape_cast %get3A_575 : vector<1x16xf32> to vector<16xf32>
        %mul3A_577 = arith.mulf %get3A_572, %get3A_576 : vector<16xf32>
        %get3A_578 = arith.index_cast %add3A_52 : i32 to index
        %get3A_579 = arith.constant 16 : index
        %get3A_580 = tpu.vector_load %arg12[%get3A_578, %get3A_579] {strides = array<i32>} : memref<512x64xf32, #tpu.memory_space<vmem>>, vector<1x16xf32>,
        %get3A_581 = vector.shape_cast %get3A_580 : vector<1x16xf32> to vector<16xf32>
        %get3A_582 = arith.index_cast %add3A_568 : i32 to index
        %get3A_583 = arith.constant 16 : index
        %get3A_584 = tpu.vector_load %arg14[%get3A_582, %get3A_583] {strides = array<i32>} : memref<320x64xf32, #tpu.memory_space<vmem>>, vector<1x16xf32>,
        %get3A_585 = vector.shape_cast %get3A_584 : vector<1x16xf32> to vector<16xf32>
        %mul3A_586 = arith.mulf %get3A_581, %get3A_585 : vector<16xf32>
        %add3A_587 = arith.addf %mul3A_577, %mul3A_586 : vector<16xf32>
        %get3A_588 = arith.index_cast %add3A_52 : i32 to index
        %get3A_589 = arith.constant 32 : index
        %get3A_590 = tpu.vector_load %arg12[%get3A_588, %get3A_589] {strides = array<i32>} : memref<512x64xf32, #tpu.memory_space<vmem>>, vector<1x16xf32>,
        %get3A_591 = vector.shape_cast %get3A_590 : vector<1x16xf32> to vector<16xf32>
        %get3A_592 = arith.index_cast %add3A_568 : i32 to index
        %get3A_593 = arith.constant 32 : index
        %get3A_594 = tpu.vector_load %arg14[%get3A_592, %get3A_593] {strides = array<i32>} : memref<320x64xf32, #tpu.memory_space<vmem>>, vector<1x16xf32>,
        %get3A_595 = vector.shape_cast %get3A_594 : vector<1x16xf32> to vector<16xf32>
        %mul3A_596 = arith.mulf %get3A_591, %get3A_595 : vector<16xf32>
        %add3A_597 = arith.addf %add3A_587, %mul3A_596 : vector<16xf32>
        %get3A_598 = arith.index_cast %add3A_52 : i32 to index
        %get3A_599 = arith.constant 48 : index
        %get3A_600 = tpu.vector_load %arg12[%get3A_598, %get3A_599] {strides = array<i32>} : memref<512x64xf32, #tpu.memory_space<vmem>>, vector<1x16xf32>,
        %get3A_601 = vector.shape_cast %get3A_600 : vector<1x16xf32> to vector<16xf32>
        %get3A_602 = arith.index_cast %add3A_568 : i32 to index
        %get3A_603 = arith.constant 48 : index
        %get3A_604 = tpu.vector_load %arg14[%get3A_602, %get3A_603] {strides = array<i32>} : memref<320x64xf32, #tpu.memory_space<vmem>>, vector<1x16xf32>,
        %get3A_605 = vector.shape_cast %get3A_604 : vector<1x16xf32> to vector<16xf32>
        %mul3A_606 = arith.mulf %get3A_601, %get3A_605 : vector<16xf32>
        %add3A_607 = arith.addf %add3A_597, %mul3A_606 : vector<16xf32>
        %xor3A_608 = arith.constant 8 : i32
        %xor3A_609 = vector.broadcast %xor3A_608 : i32 to vector<16xi32>
        %xor3A_610 = arith.xori %iota3A, %xor3A_609 : vector<16xi32>
        %lt3A_611 = arith.constant 0 : i32
        %lt3A_612 = vector.broadcast %lt3A_611 : i32 to vector<16xi32>
        %lt3A_613 = arith.cmpi slt, %xor3A_610, %lt3A_612 : vector<16xi32>
        %add3A_614 = arith.constant 16 : i32
        %add3A_615 = vector.broadcast %add3A_614 : i32 to vector<16xi32>
        %add3A_616 = arith.addi %xor3A_610, %add3A_615 : vector<16xi32>
        %select_n3A_617 = arith.select %lt3A_613, %add3A_616, %xor3A_610 : vector<16xi1>, vector<16xi32>
        %broadcast_in_dim3A_618 = vector.shape_cast %select_n3A_617 : vector<16xi32> to vector<16x1xi32>
        %gather3A_619 = vector.shape_cast %broadcast_in_dim3A_618 : vector<16x1xi32> to vector<16xi32>
        %gather3A_620 = tpu.dynamic_gather %add3A_607[%gather3A_619] in [0] : vector<16xf32>, vector<16xi32> -> vector<16xf32>
        %add3A_621 = arith.addf %add3A_607, %gather3A_620 : vector<16xf32>
        %xor3A_622 = arith.constant 4 : i32
        %xor3A_623 = vector.broadcast %xor3A_622 : i32 to vector<16xi32>
        %xor3A_624 = arith.xori %iota3A, %xor3A_623 : vector<16xi32>
        %lt3A_625 = arith.constant 0 : i32
        %lt3A_626 = vector.broadcast %lt3A_625 : i32 to vector<16xi32>
        %lt3A_627 = arith.cmpi slt, %xor3A_624, %lt3A_626 : vector<16xi32>
        %add3A_628 = arith.constant 16 : i32
        %add3A_629 = vector.broadcast %add3A_628 : i32 to vector<16xi32>
        %add3A_630 = arith.addi %xor3A_624, %add3A_629 : vector<16xi32>
        %select_n3A_631 = arith.select %lt3A_627, %add3A_630, %xor3A_624 : vector<16xi1>, vector<16xi32>
        %broadcast_in_dim3A_632 = vector.shape_cast %select_n3A_631 : vector<16xi32> to vector<16x1xi32>
        %gather3A_633 = vector.shape_cast %broadcast_in_dim3A_632 : vector<16x1xi32> to vector<16xi32>
        %gather3A_634 = tpu.dynamic_gather %add3A_621[%gather3A_633] in [0] : vector<16xf32>, vector<16xi32> -> vector<16xf32>
        %add3A_635 = arith.addf %add3A_621, %gather3A_634 : vector<16xf32>
        %xor3A_636 = arith.constant 2 : i32
        %xor3A_637 = vector.broadcast %xor3A_636 : i32 to vector<16xi32>
        %xor3A_638 = arith.xori %iota3A, %xor3A_637 : vector<16xi32>
        %lt3A_639 = arith.constant 0 : i32
        %lt3A_640 = vector.broadcast %lt3A_639 : i32 to vector<16xi32>
        %lt3A_641 = arith.cmpi slt, %xor3A_638, %lt3A_640 : vector<16xi32>
        %add3A_642 = arith.constant 16 : i32
        %add3A_643 = vector.broadcast %add3A_642 : i32 to vector<16xi32>
        %add3A_644 = arith.addi %xor3A_638, %add3A_643 : vector<16xi32>
        %select_n3A_645 = arith.select %lt3A_641, %add3A_644, %xor3A_638 : vector<16xi1>, vector<16xi32>
        %broadcast_in_dim3A_646 = vector.shape_cast %select_n3A_645 : vector<16xi32> to vector<16x1xi32>
        %gather3A_647 = vector.shape_cast %broadcast_in_dim3A_646 : vector<16x1xi32> to vector<16xi32>
        %gather3A_648 = tpu.dynamic_gather %add3A_635[%gather3A_647] in [0] : vector<16xf32>, vector<16xi32> -> vector<16xf32>
        %add3A_649 = arith.addf %add3A_635, %gather3A_648 : vector<16xf32>
        %xor3A_650 = arith.constant 1 : i32
        %xor3A_651 = vector.broadcast %xor3A_650 : i32 to vector<16xi32>
        %xor3A_652 = arith.xori %iota3A, %xor3A_651 : vector<16xi32>
        %lt3A_653 = arith.constant 0 : i32
        %lt3A_654 = vector.broadcast %lt3A_653 : i32 to vector<16xi32>
        %lt3A_655 = arith.cmpi slt, %xor3A_652, %lt3A_654 : vector<16xi32>
        %add3A_656 = arith.constant 16 : i32
        %add3A_657 = vector.broadcast %add3A_656 : i32 to vector<16xi32>
        %add3A_658 = arith.addi %xor3A_652, %add3A_657 : vector<16xi32>
        %select_n3A_659 = arith.select %lt3A_655, %add3A_658, %xor3A_652 : vector<16xi1>, vector<16xi32>
        %broadcast_in_dim3A_660 = vector.shape_cast %select_n3A_659 : vector<16xi32> to vector<16x1xi32>
        %gather3A_661 = vector.shape_cast %broadcast_in_dim3A_660 : vector<16x1xi32> to vector<16xi32>
        %gather3A_662 = tpu.dynamic_gather %add3A_649[%gather3A_661] in [0] : vector<16xf32>, vector<16xi32> -> vector<16xf32>
        %add3A_663 = arith.addf %add3A_649, %gather3A_662 : vector<16xf32>
        %eq3A_664 = arith.constant 5 : i32
        %eq3A_665 = vector.broadcast %eq3A_664 : i32 to vector<16xi32>
        %eq3A_666 = arith.cmpi eq, %iota3A, %eq3A_665 : vector<16xi32>
        %select_n3A_667 = arith.select %eq3A_666, %add3A_663, %select_n3A_564 : vector<16xi1>, vector<16xf32>
        %mul3A_668 = arith.constant 20 : i32
        %mul3A_669 = arith.muli %scan3A_48, %mul3A_668 : i32
        %add3A_670 = arith.constant 6 : i32
        %add3A_671 = arith.addi %mul3A_669, %add3A_670 : i32
        %get3A_672 = arith.index_cast %add3A_52 : i32 to index
        %get3A_673 = arith.constant 0 : index
        %get3A_674 = tpu.vector_load %arg12[%get3A_672, %get3A_673] {strides = array<i32>} : memref<512x64xf32, #tpu.memory_space<vmem>>, vector<1x16xf32>,
        %get3A_675 = vector.shape_cast %get3A_674 : vector<1x16xf32> to vector<16xf32>
        %get3A_676 = arith.index_cast %add3A_671 : i32 to index
        %get3A_677 = arith.constant 0 : index
        %get3A_678 = tpu.vector_load %arg14[%get3A_676, %get3A_677] {strides = array<i32>} : memref<320x64xf32, #tpu.memory_space<vmem>>, vector<1x16xf32>,
        %get3A_679 = vector.shape_cast %get3A_678 : vector<1x16xf32> to vector<16xf32>
        %mul3A_680 = arith.mulf %get3A_675, %get3A_679 : vector<16xf32>
        %get3A_681 = arith.index_cast %add3A_52 : i32 to index
        %get3A_682 = arith.constant 16 : index
        %get3A_683 = tpu.vector_load %arg12[%get3A_681, %get3A_682] {strides = array<i32>} : memref<512x64xf32, #tpu.memory_space<vmem>>, vector<1x16xf32>,
        %get3A_684 = vector.shape_cast %get3A_683 : vector<1x16xf32> to vector<16xf32>
        %get3A_685 = arith.index_cast %add3A_671 : i32 to index
        %get3A_686 = arith.constant 16 : index
        %get3A_687 = tpu.vector_load %arg14[%get3A_685, %get3A_686] {strides = array<i32>} : memref<320x64xf32, #tpu.memory_space<vmem>>, vector<1x16xf32>,
        %get3A_688 = vector.shape_cast %get3A_687 : vector<1x16xf32> to vector<16xf32>
        %mul3A_689 = arith.mulf %get3A_684, %get3A_688 : vector<16xf32>
        %add3A_690 = arith.addf %mul3A_680, %mul3A_689 : vector<16xf32>
        %get3A_691 = arith.index_cast %add3A_52 : i32 to index
        %get3A_692 = arith.constant 32 : index
        %get3A_693 = tpu.vector_load %arg12[%get3A_691, %get3A_692] {strides = array<i32>} : memref<512x64xf32, #tpu.memory_space<vmem>>, vector<1x16xf32>,
        %get3A_694 = vector.shape_cast %get3A_693 : vector<1x16xf32> to vector<16xf32>
        %get3A_695 = arith.index_cast %add3A_671 : i32 to index
        %get3A_696 = arith.constant 32 : index
        %get3A_697 = tpu.vector_load %arg14[%get3A_695, %get3A_696] {strides = array<i32>} : memref<320x64xf32, #tpu.memory_space<vmem>>, vector<1x16xf32>,
        %get3A_698 = vector.shape_cast %get3A_697 : vector<1x16xf32> to vector<16xf32>
        %mul3A_699 = arith.mulf %get3A_694, %get3A_698 : vector<16xf32>
        %add3A_700 = arith.addf %add3A_690, %mul3A_699 : vector<16xf32>
        %get3A_701 = arith.index_cast %add3A_52 : i32 to index
        %get3A_702 = arith.constant 48 : index
        %get3A_703 = tpu.vector_load %arg12[%get3A_701, %get3A_702] {strides = array<i32>} : memref<512x64xf32, #tpu.memory_space<vmem>>, vector<1x16xf32>,
        %get3A_704 = vector.shape_cast %get3A_703 : vector<1x16xf32> to vector<16xf32>
        %get3A_705 = arith.index_cast %add3A_671 : i32 to index
        %get3A_706 = arith.constant 48 : index
        %get3A_707 = tpu.vector_load %arg14[%get3A_705, %get3A_706] {strides = array<i32>} : memref<320x64xf32, #tpu.memory_space<vmem>>, vector<1x16xf32>,
        %get3A_708 = vector.shape_cast %get3A_707 : vector<1x16xf32> to vector<16xf32>
        %mul3A_709 = arith.mulf %get3A_704, %get3A_708 : vector<16xf32>
        %add3A_710 = arith.addf %add3A_700, %mul3A_709 : vector<16xf32>
        %xor3A_711 = arith.constant 8 : i32
        %xor3A_712 = vector.broadcast %xor3A_711 : i32 to vector<16xi32>
        %xor3A_713 = arith.xori %iota3A, %xor3A_712 : vector<16xi32>
        %lt3A_714 = arith.constant 0 : i32
        %lt3A_715 = vector.broadcast %lt3A_714 : i32 to vector<16xi32>
        %lt3A_716 = arith.cmpi slt, %xor3A_713, %lt3A_715 : vector<16xi32>
        %add3A_717 = arith.constant 16 : i32
        %add3A_718 = vector.broadcast %add3A_717 : i32 to vector<16xi32>
        %add3A_719 = arith.addi %xor3A_713, %add3A_718 : vector<16xi32>
        %select_n3A_720 = arith.select %lt3A_716, %add3A_719, %xor3A_713 : vector<16xi1>, vector<16xi32>
        %broadcast_in_dim3A_721 = vector.shape_cast %select_n3A_720 : vector<16xi32> to vector<16x1xi32>
        %gather3A_722 = vector.shape_cast %broadcast_in_dim3A_721 : vector<16x1xi32> to vector<16xi32>
        %gather3A_723 = tpu.dynamic_gather %add3A_710[%gather3A_722] in [0] : vector<16xf32>, vector<16xi32> -> vector<16xf32>
        %add3A_724 = arith.addf %add3A_710, %gather3A_723 : vector<16xf32>
        %xor3A_725 = arith.constant 4 : i32
        %xor3A_726 = vector.broadcast %xor3A_725 : i32 to vector<16xi32>
        %xor3A_727 = arith.xori %iota3A, %xor3A_726 : vector<16xi32>
        %lt3A_728 = arith.constant 0 : i32
        %lt3A_729 = vector.broadcast %lt3A_728 : i32 to vector<16xi32>
        %lt3A_730 = arith.cmpi slt, %xor3A_727, %lt3A_729 : vector<16xi32>
        %add3A_731 = arith.constant 16 : i32
        %add3A_732 = vector.broadcast %add3A_731 : i32 to vector<16xi32>
        %add3A_733 = arith.addi %xor3A_727, %add3A_732 : vector<16xi32>
        %select_n3A_734 = arith.select %lt3A_730, %add3A_733, %xor3A_727 : vector<16xi1>, vector<16xi32>
        %broadcast_in_dim3A_735 = vector.shape_cast %select_n3A_734 : vector<16xi32> to vector<16x1xi32>
        %gather3A_736 = vector.shape_cast %broadcast_in_dim3A_735 : vector<16x1xi32> to vector<16xi32>
        %gather3A_737 = tpu.dynamic_gather %add3A_724[%gather3A_736] in [0] : vector<16xf32>, vector<16xi32> -> vector<16xf32>
        %add3A_738 = arith.addf %add3A_724, %gather3A_737 : vector<16xf32>
        %xor3A_739 = arith.constant 2 : i32
        %xor3A_740 = vector.broadcast %xor3A_739 : i32 to vector<16xi32>
        %xor3A_741 = arith.xori %iota3A, %xor3A_740 : vector<16xi32>
        %lt3A_742 = arith.constant 0 : i32
        %lt3A_743 = vector.broadcast %lt3A_742 : i32 to vector<16xi32>
        %lt3A_744 = arith.cmpi slt, %xor3A_741, %lt3A_743 : vector<16xi32>
        %add3A_745 = arith.constant 16 : i32
        %add3A_746 = vector.broadcast %add3A_745 : i32 to vector<16xi32>
        %add3A_747 = arith.addi %xor3A_741, %add3A_746 : vector<16xi32>
        %select_n3A_748 = arith.select %lt3A_744, %add3A_747, %xor3A_741 : vector<16xi1>, vector<16xi32>
        %broadcast_in_dim3A_749 = vector.shape_cast %select_n3A_748 : vector<16xi32> to vector<16x1xi32>
        %gather3A_750 = vector.shape_cast %broadcast_in_dim3A_749 : vector<16x1xi32> to vector<16xi32>
        %gather3A_751 = tpu.dynamic_gather %add3A_738[%gather3A_750] in [0] : vector<16xf32>, vector<16xi32> -> vector<16xf32>
        %add3A_752 = arith.addf %add3A_738, %gather3A_751 : vector<16xf32>
        %xor3A_753 = arith.constant 1 : i32
        %xor3A_754 = vector.broadcast %xor3A_753 : i32 to vector<16xi32>
        %xor3A_755 = arith.xori %iota3A, %xor3A_754 : vector<16xi32>
        %lt3A_756 = arith.constant 0 : i32
        %lt3A_757 = vector.broadcast %lt3A_756 : i32 to vector<16xi32>
        %lt3A_758 = arith.cmpi slt, %xor3A_755, %lt3A_757 : vector<16xi32>
        %add3A_759 = arith.constant 16 : i32
        %add3A_760 = vector.broadcast %add3A_759 : i32 to vector<16xi32>
        %add3A_761 = arith.addi %xor3A_755, %add3A_760 : vector<16xi32>
        %select_n3A_762 = arith.select %lt3A_758, %add3A_761, %xor3A_755 : vector<16xi1>, vector<16xi32>
        %broadcast_in_dim3A_763 = vector.shape_cast %select_n3A_762 : vector<16xi32> to vector<16x1xi32>
        %gather3A_764 = vector.shape_cast %broadcast_in_dim3A_763 : vector<16x1xi32> to vector<16xi32>
        %gather3A_765 = tpu.dynamic_gather %add3A_752[%gather3A_764] in [0] : vector<16xf32>, vector<16xi32> -> vector<16xf32>
        %add3A_766 = arith.addf %add3A_752, %gather3A_765 : vector<16xf32>
        %eq3A_767 = arith.constant 6 : i32
        %eq3A_768 = vector.broadcast %eq3A_767 : i32 to vector<16xi32>
        %eq3A_769 = arith.cmpi eq, %iota3A, %eq3A_768 : vector<16xi32>
        %select_n3A_770 = arith.select %eq3A_769, %add3A_766, %select_n3A_667 : vector<16xi1>, vector<16xf32>
        %mul3A_771 = arith.constant 20 : i32
        %mul3A_772 = arith.muli %scan3A_48, %mul3A_771 : i32
        %add3A_773 = arith.constant 7 : i32
        %add3A_774 = arith.addi %mul3A_772, %add3A_773 : i32
        %get3A_775 = arith.index_cast %add3A_52 : i32 to index
        %get3A_776 = arith.constant 0 : index
        %get3A_777 = tpu.vector_load %arg12[%get3A_775, %get3A_776] {strides = array<i32>} : memref<512x64xf32, #tpu.memory_space<vmem>>, vector<1x16xf32>,
        %get3A_778 = vector.shape_cast %get3A_777 : vector<1x16xf32> to vector<16xf32>
        %get3A_779 = arith.index_cast %add3A_774 : i32 to index
        %get3A_780 = arith.constant 0 : index
        %get3A_781 = tpu.vector_load %arg14[%get3A_779, %get3A_780] {strides = array<i32>} : memref<320x64xf32, #tpu.memory_space<vmem>>, vector<1x16xf32>,
        %get3A_782 = vector.shape_cast %get3A_781 : vector<1x16xf32> to vector<16xf32>
        %mul3A_783 = arith.mulf %get3A_778, %get3A_782 : vector<16xf32>
        %get3A_784 = arith.index_cast %add3A_52 : i32 to index
        %get3A_785 = arith.constant 16 : index
        %get3A_786 = tpu.vector_load %arg12[%get3A_784, %get3A_785] {strides = array<i32>} : memref<512x64xf32, #tpu.memory_space<vmem>>, vector<1x16xf32>,
        %get3A_787 = vector.shape_cast %get3A_786 : vector<1x16xf32> to vector<16xf32>
        %get3A_788 = arith.index_cast %add3A_774 : i32 to index
        %get3A_789 = arith.constant 16 : index
        %get3A_790 = tpu.vector_load %arg14[%get3A_788, %get3A_789] {strides = array<i32>} : memref<320x64xf32, #tpu.memory_space<vmem>>, vector<1x16xf32>,
        %get3A_791 = vector.shape_cast %get3A_790 : vector<1x16xf32> to vector<16xf32>
        %mul3A_792 = arith.mulf %get3A_787, %get3A_791 : vector<16xf32>
        %add3A_793 = arith.addf %mul3A_783, %mul3A_792 : vector<16xf32>
        %get3A_794 = arith.index_cast %add3A_52 : i32 to index
        %get3A_795 = arith.constant 32 : index
        %get3A_796 = tpu.vector_load %arg12[%get3A_794, %get3A_795] {strides = array<i32>} : memref<512x64xf32, #tpu.memory_space<vmem>>, vector<1x16xf32>,
        %get3A_797 = vector.shape_cast %get3A_796 : vector<1x16xf32> to vector<16xf32>
        %get3A_798 = arith.index_cast %add3A_774 : i32 to index
        %get3A_799 = arith.constant 32 : index
        %get3A_800 = tpu.vector_load %arg14[%get3A_798, %get3A_799] {strides = array<i32>} : memref<320x64xf32, #tpu.memory_space<vmem>>, vector<1x16xf32>,
        %get3A_801 = vector.shape_cast %get3A_800 : vector<1x16xf32> to vector<16xf32>
        %mul3A_802 = arith.mulf %get3A_797, %get3A_801 : vector<16xf32>
        %add3A_803 = arith.addf %add3A_793, %mul3A_802 : vector<16xf32>
        %get3A_804 = arith.index_cast %add3A_52 : i32 to index
        %get3A_805 = arith.constant 48 : index
        %get3A_806 = tpu.vector_load %arg12[%get3A_804, %get3A_805] {strides = array<i32>} : memref<512x64xf32, #tpu.memory_space<vmem>>, vector<1x16xf32>,
        %get3A_807 = vector.shape_cast %get3A_806 : vector<1x16xf32> to vector<16xf32>
        %get3A_808 = arith.index_cast %add3A_774 : i32 to index
        %get3A_809 = arith.constant 48 : index
        %get3A_810 = tpu.vector_load %arg14[%get3A_808, %get3A_809] {strides = array<i32>} : memref<320x64xf32, #tpu.memory_space<vmem>>, vector<1x16xf32>,
        %get3A_811 = vector.shape_cast %get3A_810 : vector<1x16xf32> to vector<16xf32>
        %mul3A_812 = arith.mulf %get3A_807, %get3A_811 : vector<16xf32>
        %add3A_813 = arith.addf %add3A_803, %mul3A_812 : vector<16xf32>
        %xor3A_814 = arith.constant 8 : i32
        %xor3A_815 = vector.broadcast %xor3A_814 : i32 to vector<16xi32>
        %xor3A_816 = arith.xori %iota3A, %xor3A_815 : vector<16xi32>
        %lt3A_817 = arith.constant 0 : i32
        %lt3A_818 = vector.broadcast %lt3A_817 : i32 to vector<16xi32>
        %lt3A_819 = arith.cmpi slt, %xor3A_816, %lt3A_818 : vector<16xi32>
        %add3A_820 = arith.constant 16 : i32
        %add3A_821 = vector.broadcast %add3A_820 : i32 to vector<16xi32>
        %add3A_822 = arith.addi %xor3A_816, %add3A_821 : vector<16xi32>
        %select_n3A_823 = arith.select %lt3A_819, %add3A_822, %xor3A_816 : vector<16xi1>, vector<16xi32>
        %broadcast_in_dim3A_824 = vector.shape_cast %select_n3A_823 : vector<16xi32> to vector<16x1xi32>
        %gather3A_825 = vector.shape_cast %broadcast_in_dim3A_824 : vector<16x1xi32> to vector<16xi32>
        %gather3A_826 = tpu.dynamic_gather %add3A_813[%gather3A_825] in [0] : vector<16xf32>, vector<16xi32> -> vector<16xf32>
        %add3A_827 = arith.addf %add3A_813, %gather3A_826 : vector<16xf32>
        %xor3A_828 = arith.constant 4 : i32
        %xor3A_829 = vector.broadcast %xor3A_828 : i32 to vector<16xi32>
        %xor3A_830 = arith.xori %iota3A, %xor3A_829 : vector<16xi32>
        %lt3A_831 = arith.constant 0 : i32
        %lt3A_832 = vector.broadcast %lt3A_831 : i32 to vector<16xi32>
        %lt3A_833 = arith.cmpi slt, %xor3A_830, %lt3A_832 : vector<16xi32>
        %add3A_834 = arith.constant 16 : i32
        %add3A_835 = vector.broadcast %add3A_834 : i32 to vector<16xi32>
        %add3A_836 = arith.addi %xor3A_830, %add3A_835 : vector<16xi32>
        %select_n3A_837 = arith.select %lt3A_833, %add3A_836, %xor3A_830 : vector<16xi1>, vector<16xi32>
        %broadcast_in_dim3A_838 = vector.shape_cast %select_n3A_837 : vector<16xi32> to vector<16x1xi32>
        %gather3A_839 = vector.shape_cast %broadcast_in_dim3A_838 : vector<16x1xi32> to vector<16xi32>
        %gather3A_840 = tpu.dynamic_gather %add3A_827[%gather3A_839] in [0] : vector<16xf32>, vector<16xi32> -> vector<16xf32>
        %add3A_841 = arith.addf %add3A_827, %gather3A_840 : vector<16xf32>
        %xor3A_842 = arith.constant 2 : i32
        %xor3A_843 = vector.broadcast %xor3A_842 : i32 to vector<16xi32>
        %xor3A_844 = arith.xori %iota3A, %xor3A_843 : vector<16xi32>
        %lt3A_845 = arith.constant 0 : i32
        %lt3A_846 = vector.broadcast %lt3A_845 : i32 to vector<16xi32>
        %lt3A_847 = arith.cmpi slt, %xor3A_844, %lt3A_846 : vector<16xi32>
        %add3A_848 = arith.constant 16 : i32
        %add3A_849 = vector.broadcast %add3A_848 : i32 to vector<16xi32>
        %add3A_850 = arith.addi %xor3A_844, %add3A_849 : vector<16xi32>
        %select_n3A_851 = arith.select %lt3A_847, %add3A_850, %xor3A_844 : vector<16xi1>, vector<16xi32>
        %broadcast_in_dim3A_852 = vector.shape_cast %select_n3A_851 : vector<16xi32> to vector<16x1xi32>
        %gather3A_853 = vector.shape_cast %broadcast_in_dim3A_852 : vector<16x1xi32> to vector<16xi32>
        %gather3A_854 = tpu.dynamic_gather %add3A_841[%gather3A_853] in [0] : vector<16xf32>, vector<16xi32> -> vector<16xf32>
        %add3A_855 = arith.addf %add3A_841, %gather3A_854 : vector<16xf32>
        %xor3A_856 = arith.constant 1 : i32
        %xor3A_857 = vector.broadcast %xor3A_856 : i32 to vector<16xi32>
        %xor3A_858 = arith.xori %iota3A, %xor3A_857 : vector<16xi32>
        %lt3A_859 = arith.constant 0 : i32
        %lt3A_860 = vector.broadcast %lt3A_859 : i32 to vector<16xi32>
        %lt3A_861 = arith.cmpi slt, %xor3A_858, %lt3A_860 : vector<16xi32>
        %add3A_862 = arith.constant 16 : i32
        %add3A_863 = vector.broadcast %add3A_862 : i32 to vector<16xi32>
        %add3A_864 = arith.addi %xor3A_858, %add3A_863 : vector<16xi32>
        %select_n3A_865 = arith.select %lt3A_861, %add3A_864, %xor3A_858 : vector<16xi1>, vector<16xi32>
        %broadcast_in_dim3A_866 = vector.shape_cast %select_n3A_865 : vector<16xi32> to vector<16x1xi32>
        %gather3A_867 = vector.shape_cast %broadcast_in_dim3A_866 : vector<16x1xi32> to vector<16xi32>
        %gather3A_868 = tpu.dynamic_gather %add3A_855[%gather3A_867] in [0] : vector<16xf32>, vector<16xi32> -> vector<16xf32>
        %add3A_869 = arith.addf %add3A_855, %gather3A_868 : vector<16xf32>
        %eq3A_870 = arith.constant 7 : i32
        %eq3A_871 = vector.broadcast %eq3A_870 : i32 to vector<16xi32>
        %eq3A_872 = arith.cmpi eq, %iota3A, %eq3A_871 : vector<16xi32>
        %select_n3A_873 = arith.select %eq3A_872, %add3A_869, %select_n3A_770 : vector<16xi1>, vector<16xf32>
        %mul3A_874 = arith.constant 20 : i32
        %mul3A_875 = arith.muli %scan3A_48, %mul3A_874 : i32
        %add3A_876 = arith.constant 8 : i32
        %add3A_877 = arith.addi %mul3A_875, %add3A_876 : i32
        %get3A_878 = arith.index_cast %add3A_52 : i32 to index
        %get3A_879 = arith.constant 0 : index
        %get3A_880 = tpu.vector_load %arg12[%get3A_878, %get3A_879] {strides = array<i32>} : memref<512x64xf32, #tpu.memory_space<vmem>>, vector<1x16xf32>,
        %get3A_881 = vector.shape_cast %get3A_880 : vector<1x16xf32> to vector<16xf32>
        %get3A_882 = arith.index_cast %add3A_877 : i32 to index
        %get3A_883 = arith.constant 0 : index
        %get3A_884 = tpu.vector_load %arg14[%get3A_882, %get3A_883] {strides = array<i32>} : memref<320x64xf32, #tpu.memory_space<vmem>>, vector<1x16xf32>,
        %get3A_885 = vector.shape_cast %get3A_884 : vector<1x16xf32> to vector<16xf32>
        %mul3A_886 = arith.mulf %get3A_881, %get3A_885 : vector<16xf32>
        %get3A_887 = arith.index_cast %add3A_52 : i32 to index
        %get3A_888 = arith.constant 16 : index
        %get3A_889 = tpu.vector_load %arg12[%get3A_887, %get3A_888] {strides = array<i32>} : memref<512x64xf32, #tpu.memory_space<vmem>>, vector<1x16xf32>,
        %get3A_890 = vector.shape_cast %get3A_889 : vector<1x16xf32> to vector<16xf32>
        %get3A_891 = arith.index_cast %add3A_877 : i32 to index
        %get3A_892 = arith.constant 16 : index
        %get3A_893 = tpu.vector_load %arg14[%get3A_891, %get3A_892] {strides = array<i32>} : memref<320x64xf32, #tpu.memory_space<vmem>>, vector<1x16xf32>,
        %get3A_894 = vector.shape_cast %get3A_893 : vector<1x16xf32> to vector<16xf32>
        %mul3A_895 = arith.mulf %get3A_890, %get3A_894 : vector<16xf32>
        %add3A_896 = arith.addf %mul3A_886, %mul3A_895 : vector<16xf32>
        %get3A_897 = arith.index_cast %add3A_52 : i32 to index
        %get3A_898 = arith.constant 32 : index
        %get3A_899 = tpu.vector_load %arg12[%get3A_897, %get3A_898] {strides = array<i32>} : memref<512x64xf32, #tpu.memory_space<vmem>>, vector<1x16xf32>,
        %get3A_900 = vector.shape_cast %get3A_899 : vector<1x16xf32> to vector<16xf32>
        %get3A_901 = arith.index_cast %add3A_877 : i32 to index
        %get3A_902 = arith.constant 32 : index
        %get3A_903 = tpu.vector_load %arg14[%get3A_901, %get3A_902] {strides = array<i32>} : memref<320x64xf32, #tpu.memory_space<vmem>>, vector<1x16xf32>,
        %get3A_904 = vector.shape_cast %get3A_903 : vector<1x16xf32> to vector<16xf32>
        %mul3A_905 = arith.mulf %get3A_900, %get3A_904 : vector<16xf32>
        %add3A_906 = arith.addf %add3A_896, %mul3A_905 : vector<16xf32>
        %get3A_907 = arith.index_cast %add3A_52 : i32 to index
        %get3A_908 = arith.constant 48 : index
        %get3A_909 = tpu.vector_load %arg12[%get3A_907, %get3A_908] {strides = array<i32>} : memref<512x64xf32, #tpu.memory_space<vmem>>, vector<1x16xf32>,
        %get3A_910 = vector.shape_cast %get3A_909 : vector<1x16xf32> to vector<16xf32>
        %get3A_911 = arith.index_cast %add3A_877 : i32 to index
        %get3A_912 = arith.constant 48 : index
        %get3A_913 = tpu.vector_load %arg14[%get3A_911, %get3A_912] {strides = array<i32>} : memref<320x64xf32, #tpu.memory_space<vmem>>, vector<1x16xf32>,
        %get3A_914 = vector.shape_cast %get3A_913 : vector<1x16xf32> to vector<16xf32>
        %mul3A_915 = arith.mulf %get3A_910, %get3A_914 : vector<16xf32>
        %add3A_916 = arith.addf %add3A_906, %mul3A_915 : vector<16xf32>
        %xor3A_917 = arith.constant 8 : i32
        %xor3A_918 = vector.broadcast %xor3A_917 : i32 to vector<16xi32>
        %xor3A_919 = arith.xori %iota3A, %xor3A_918 : vector<16xi32>
        %lt3A_920 = arith.constant 0 : i32
        %lt3A_921 = vector.broadcast %lt3A_920 : i32 to vector<16xi32>
        %lt3A_922 = arith.cmpi slt, %xor3A_919, %lt3A_921 : vector<16xi32>
        %add3A_923 = arith.constant 16 : i32
        %add3A_924 = vector.broadcast %add3A_923 : i32 to vector<16xi32>
        %add3A_925 = arith.addi %xor3A_919, %add3A_924 : vector<16xi32>
        %select_n3A_926 = arith.select %lt3A_922, %add3A_925, %xor3A_919 : vector<16xi1>, vector<16xi32>
        %broadcast_in_dim3A_927 = vector.shape_cast %select_n3A_926 : vector<16xi32> to vector<16x1xi32>
        %gather3A_928 = vector.shape_cast %broadcast_in_dim3A_927 : vector<16x1xi32> to vector<16xi32>
        %gather3A_929 = tpu.dynamic_gather %add3A_916[%gather3A_928] in [0] : vector<16xf32>, vector<16xi32> -> vector<16xf32>
        %add3A_930 = arith.addf %add3A_916, %gather3A_929 : vector<16xf32>
        %xor3A_931 = arith.constant 4 : i32
        %xor3A_932 = vector.broadcast %xor3A_931 : i32 to vector<16xi32>
        %xor3A_933 = arith.xori %iota3A, %xor3A_932 : vector<16xi32>
        %lt3A_934 = arith.constant 0 : i32
        %lt3A_935 = vector.broadcast %lt3A_934 : i32 to vector<16xi32>
        %lt3A_936 = arith.cmpi slt, %xor3A_933, %lt3A_935 : vector<16xi32>
        %add3A_937 = arith.constant 16 : i32
        %add3A_938 = vector.broadcast %add3A_937 : i32 to vector<16xi32>
        %add3A_939 = arith.addi %xor3A_933, %add3A_938 : vector<16xi32>
        %select_n3A_940 = arith.select %lt3A_936, %add3A_939, %xor3A_933 : vector<16xi1>, vector<16xi32>
        %broadcast_in_dim3A_941 = vector.shape_cast %select_n3A_940 : vector<16xi32> to vector<16x1xi32>
        %gather3A_942 = vector.shape_cast %broadcast_in_dim3A_941 : vector<16x1xi32> to vector<16xi32>
        %gather3A_943 = tpu.dynamic_gather %add3A_930[%gather3A_942] in [0] : vector<16xf32>, vector<16xi32> -> vector<16xf32>
        %add3A_944 = arith.addf %add3A_930, %gather3A_943 : vector<16xf32>
        %xor3A_945 = arith.constant 2 : i32
        %xor3A_946 = vector.broadcast %xor3A_945 : i32 to vector<16xi32>
        %xor3A_947 = arith.xori %iota3A, %xor3A_946 : vector<16xi32>
        %lt3A_948 = arith.constant 0 : i32
        %lt3A_949 = vector.broadcast %lt3A_948 : i32 to vector<16xi32>
        %lt3A_950 = arith.cmpi slt, %xor3A_947, %lt3A_949 : vector<16xi32>
        %add3A_951 = arith.constant 16 : i32
        %add3A_952 = vector.broadcast %add3A_951 : i32 to vector<16xi32>
        %add3A_953 = arith.addi %xor3A_947, %add3A_952 : vector<16xi32>
        %select_n3A_954 = arith.select %lt3A_950, %add3A_953, %xor3A_947 : vector<16xi1>, vector<16xi32>
        %broadcast_in_dim3A_955 = vector.shape_cast %select_n3A_954 : vector<16xi32> to vector<16x1xi32>
        %gather3A_956 = vector.shape_cast %broadcast_in_dim3A_955 : vector<16x1xi32> to vector<16xi32>
        %gather3A_957 = tpu.dynamic_gather %add3A_944[%gather3A_956] in [0] : vector<16xf32>, vector<16xi32> -> vector<16xf32>
        %add3A_958 = arith.addf %add3A_944, %gather3A_957 : vector<16xf32>
        %xor3A_959 = arith.constant 1 : i32
        %xor3A_960 = vector.broadcast %xor3A_959 : i32 to vector<16xi32>
        %xor3A_961 = arith.xori %iota3A, %xor3A_960 : vector<16xi32>
        %lt3A_962 = arith.constant 0 : i32
        %lt3A_963 = vector.broadcast %lt3A_962 : i32 to vector<16xi32>
        %lt3A_964 = arith.cmpi slt, %xor3A_961, %lt3A_963 : vector<16xi32>
        %add3A_965 = arith.constant 16 : i32
        %add3A_966 = vector.broadcast %add3A_965 : i32 to vector<16xi32>
        %add3A_967 = arith.addi %xor3A_961, %add3A_966 : vector<16xi32>
        %select_n3A_968 = arith.select %lt3A_964, %add3A_967, %xor3A_961 : vector<16xi1>, vector<16xi32>
        %broadcast_in_dim3A_969 = vector.shape_cast %select_n3A_968 : vector<16xi32> to vector<16x1xi32>
        %gather3A_970 = vector.shape_cast %broadcast_in_dim3A_969 : vector<16x1xi32> to vector<16xi32>
        %gather3A_971 = tpu.dynamic_gather %add3A_958[%gather3A_970] in [0] : vector<16xf32>, vector<16xi32> -> vector<16xf32>
        %add3A_972 = arith.addf %add3A_958, %gather3A_971 : vector<16xf32>
        %eq3A_973 = arith.constant 8 : i32
        %eq3A_974 = vector.broadcast %eq3A_973 : i32 to vector<16xi32>
        %eq3A_975 = arith.cmpi eq, %iota3A, %eq3A_974 : vector<16xi32>
        %select_n3A_976 = arith.select %eq3A_975, %add3A_972, %select_n3A_873 : vector<16xi1>, vector<16xf32>
        %mul3A_977 = arith.constant 20 : i32
        %mul3A_978 = arith.muli %scan3A_48, %mul3A_977 : i32
        %add3A_979 = arith.constant 9 : i32
        %add3A_980 = arith.addi %mul3A_978, %add3A_979 : i32
        %get3A_981 = arith.index_cast %add3A_52 : i32 to index
        %get3A_982 = arith.constant 0 : index
        %get3A_983 = tpu.vector_load %arg12[%get3A_981, %get3A_982] {strides = array<i32>} : memref<512x64xf32, #tpu.memory_space<vmem>>, vector<1x16xf32>,
        %get3A_984 = vector.shape_cast %get3A_983 : vector<1x16xf32> to vector<16xf32>
        %get3A_985 = arith.index_cast %add3A_980 : i32 to index
        %get3A_986 = arith.constant 0 : index
        %get3A_987 = tpu.vector_load %arg14[%get3A_985, %get3A_986] {strides = array<i32>} : memref<320x64xf32, #tpu.memory_space<vmem>>, vector<1x16xf32>,
        %get3A_988 = vector.shape_cast %get3A_987 : vector<1x16xf32> to vector<16xf32>
        %mul3A_989 = arith.mulf %get3A_984, %get3A_988 : vector<16xf32>
        %get3A_990 = arith.index_cast %add3A_52 : i32 to index
        %get3A_991 = arith.constant 16 : index
        %get3A_992 = tpu.vector_load %arg12[%get3A_990, %get3A_991] {strides = array<i32>} : memref<512x64xf32, #tpu.memory_space<vmem>>, vector<1x16xf32>,
        %get3A_993 = vector.shape_cast %get3A_992 : vector<1x16xf32> to vector<16xf32>
        %get3A_994 = arith.index_cast %add3A_980 : i32 to index
        %get3A_995 = arith.constant 16 : index
        %get3A_996 = tpu.vector_load %arg14[%get3A_994, %get3A_995] {strides = array<i32>} : memref<320x64xf32, #tpu.memory_space<vmem>>, vector<1x16xf32>,
        %get3A_997 = vector.shape_cast %get3A_996 : vector<1x16xf32> to vector<16xf32>
        %mul3A_998 = arith.mulf %get3A_993, %get3A_997 : vector<16xf32>
        %add3A_999 = arith.addf %mul3A_989, %mul3A_998 : vector<16xf32>
        %get3A_1000 = arith.index_cast %add3A_52 : i32 to index
        %get3A_1001 = arith.constant 32 : index
        %get3A_1002 = tpu.vector_load %arg12[%get3A_1000, %get3A_1001] {strides = array<i32>} : memref<512x64xf32, #tpu.memory_space<vmem>>, vector<1x16xf32>,
        %get3A_1003 = vector.shape_cast %get3A_1002 : vector<1x16xf32> to vector<16xf32>
        %get3A_1004 = arith.index_cast %add3A_980 : i32 to index
        %get3A_1005 = arith.constant 32 : index
        %get3A_1006 = tpu.vector_load %arg14[%get3A_1004, %get3A_1005] {strides = array<i32>} : memref<320x64xf32, #tpu.memory_space<vmem>>, vector<1x16xf32>,
        %get3A_1007 = vector.shape_cast %get3A_1006 : vector<1x16xf32> to vector<16xf32>
        %mul3A_1008 = arith.mulf %get3A_1003, %get3A_1007 : vector<16xf32>
        %add3A_1009 = arith.addf %add3A_999, %mul3A_1008 : vector<16xf32>
        %get3A_1010 = arith.index_cast %add3A_52 : i32 to index
        %get3A_1011 = arith.constant 48 : index
        %get3A_1012 = tpu.vector_load %arg12[%get3A_1010, %get3A_1011] {strides = array<i32>} : memref<512x64xf32, #tpu.memory_space<vmem>>, vector<1x16xf32>,
        %get3A_1013 = vector.shape_cast %get3A_1012 : vector<1x16xf32> to vector<16xf32>
        %get3A_1014 = arith.index_cast %add3A_980 : i32 to index
        %get3A_1015 = arith.constant 48 : index
        %get3A_1016 = tpu.vector_load %arg14[%get3A_1014, %get3A_1015] {strides = array<i32>} : memref<320x64xf32, #tpu.memory_space<vmem>>, vector<1x16xf32>,
        %get3A_1017 = vector.shape_cast %get3A_1016 : vector<1x16xf32> to vector<16xf32>
        %mul3A_1018 = arith.mulf %get3A_1013, %get3A_1017 : vector<16xf32>
        %add3A_1019 = arith.addf %add3A_1009, %mul3A_1018 : vector<16xf32>
        %xor3A_1020 = arith.constant 8 : i32
        %xor3A_1021 = vector.broadcast %xor3A_1020 : i32 to vector<16xi32>
        %xor3A_1022 = arith.xori %iota3A, %xor3A_1021 : vector<16xi32>
        %lt3A_1023 = arith.constant 0 : i32
        %lt3A_1024 = vector.broadcast %lt3A_1023 : i32 to vector<16xi32>
        %lt3A_1025 = arith.cmpi slt, %xor3A_1022, %lt3A_1024 : vector<16xi32>
        %add3A_1026 = arith.constant 16 : i32
        %add3A_1027 = vector.broadcast %add3A_1026 : i32 to vector<16xi32>
        %add3A_1028 = arith.addi %xor3A_1022, %add3A_1027 : vector<16xi32>
        %select_n3A_1029 = arith.select %lt3A_1025, %add3A_1028, %xor3A_1022 : vector<16xi1>, vector<16xi32>
        %broadcast_in_dim3A_1030 = vector.shape_cast %select_n3A_1029 : vector<16xi32> to vector<16x1xi32>
        %gather3A_1031 = vector.shape_cast %broadcast_in_dim3A_1030 : vector<16x1xi32> to vector<16xi32>
        %gather3A_1032 = tpu.dynamic_gather %add3A_1019[%gather3A_1031] in [0] : vector<16xf32>, vector<16xi32> -> vector<16xf32>
        %add3A_1033 = arith.addf %add3A_1019, %gather3A_1032 : vector<16xf32>
        %xor3A_1034 = arith.constant 4 : i32
        %xor3A_1035 = vector.broadcast %xor3A_1034 : i32 to vector<16xi32>
        %xor3A_1036 = arith.xori %iota3A, %xor3A_1035 : vector<16xi32>
        %lt3A_1037 = arith.constant 0 : i32
        %lt3A_1038 = vector.broadcast %lt3A_1037 : i32 to vector<16xi32>
        %lt3A_1039 = arith.cmpi slt, %xor3A_1036, %lt3A_1038 : vector<16xi32>
        %add3A_1040 = arith.constant 16 : i32
        %add3A_1041 = vector.broadcast %add3A_1040 : i32 to vector<16xi32>
        %add3A_1042 = arith.addi %xor3A_1036, %add3A_1041 : vector<16xi32>
        %select_n3A_1043 = arith.select %lt3A_1039, %add3A_1042, %xor3A_1036 : vector<16xi1>, vector<16xi32>
        %broadcast_in_dim3A_1044 = vector.shape_cast %select_n3A_1043 : vector<16xi32> to vector<16x1xi32>
        %gather3A_1045 = vector.shape_cast %broadcast_in_dim3A_1044 : vector<16x1xi32> to vector<16xi32>
        %gather3A_1046 = tpu.dynamic_gather %add3A_1033[%gather3A_1045] in [0] : vector<16xf32>, vector<16xi32> -> vector<16xf32>
        %add3A_1047 = arith.addf %add3A_1033, %gather3A_1046 : vector<16xf32>
        %xor3A_1048 = arith.constant 2 : i32
        %xor3A_1049 = vector.broadcast %xor3A_1048 : i32 to vector<16xi32>
        %xor3A_1050 = arith.xori %iota3A, %xor3A_1049 : vector<16xi32>
        %lt3A_1051 = arith.constant 0 : i32
        %lt3A_1052 = vector.broadcast %lt3A_1051 : i32 to vector<16xi32>
        %lt3A_1053 = arith.cmpi slt, %xor3A_1050, %lt3A_1052 : vector<16xi32>
        %add3A_1054 = arith.constant 16 : i32
        %add3A_1055 = vector.broadcast %add3A_1054 : i32 to vector<16xi32>
        %add3A_1056 = arith.addi %xor3A_1050, %add3A_1055 : vector<16xi32>
        %select_n3A_1057 = arith.select %lt3A_1053, %add3A_1056, %xor3A_1050 : vector<16xi1>, vector<16xi32>
        %broadcast_in_dim3A_1058 = vector.shape_cast %select_n3A_1057 : vector<16xi32> to vector<16x1xi32>
        %gather3A_1059 = vector.shape_cast %broadcast_in_dim3A_1058 : vector<16x1xi32> to vector<16xi32>
        %gather3A_1060 = tpu.dynamic_gather %add3A_1047[%gather3A_1059] in [0] : vector<16xf32>, vector<16xi32> -> vector<16xf32>
        %add3A_1061 = arith.addf %add3A_1047, %gather3A_1060 : vector<16xf32>
        %xor3A_1062 = arith.constant 1 : i32
        %xor3A_1063 = vector.broadcast %xor3A_1062 : i32 to vector<16xi32>
        %xor3A_1064 = arith.xori %iota3A, %xor3A_1063 : vector<16xi32>
        %lt3A_1065 = arith.constant 0 : i32
        %lt3A_1066 = vector.broadcast %lt3A_1065 : i32 to vector<16xi32>
        %lt3A_1067 = arith.cmpi slt, %xor3A_1064, %lt3A_1066 : vector<16xi32>
        %add3A_1068 = arith.constant 16 : i32
        %add3A_1069 = vector.broadcast %add3A_1068 : i32 to vector<16xi32>
        %add3A_1070 = arith.addi %xor3A_1064, %add3A_1069 : vector<16xi32>
        %select_n3A_1071 = arith.select %lt3A_1067, %add3A_1070, %xor3A_1064 : vector<16xi1>, vector<16xi32>
        %broadcast_in_dim3A_1072 = vector.shape_cast %select_n3A_1071 : vector<16xi32> to vector<16x1xi32>
        %gather3A_1073 = vector.shape_cast %broadcast_in_dim3A_1072 : vector<16x1xi32> to vector<16xi32>
        %gather3A_1074 = tpu.dynamic_gather %add3A_1061[%gather3A_1073] in [0] : vector<16xf32>, vector<16xi32> -> vector<16xf32>
        %add3A_1075 = arith.addf %add3A_1061, %gather3A_1074 : vector<16xf32>
        %eq3A_1076 = arith.constant 9 : i32
        %eq3A_1077 = vector.broadcast %eq3A_1076 : i32 to vector<16xi32>
        %eq3A_1078 = arith.cmpi eq, %iota3A, %eq3A_1077 : vector<16xi32>
        %select_n3A_1079 = arith.select %eq3A_1078, %add3A_1075, %select_n3A_976 : vector<16xi1>, vector<16xf32>
        %mul3A_1080 = arith.constant 20 : i32
        %mul3A_1081 = arith.muli %scan3A_48, %mul3A_1080 : i32
        %add3A_1082 = arith.constant 10 : i32
        %add3A_1083 = arith.addi %mul3A_1081, %add3A_1082 : i32
        %get3A_1084 = arith.index_cast %add3A_52 : i32 to index
        %get3A_1085 = arith.constant 0 : index
        %get3A_1086 = tpu.vector_load %arg12[%get3A_1084, %get3A_1085] {strides = array<i32>} : memref<512x64xf32, #tpu.memory_space<vmem>>, vector<1x16xf32>,
        %get3A_1087 = vector.shape_cast %get3A_1086 : vector<1x16xf32> to vector<16xf32>
        %get3A_1088 = arith.index_cast %add3A_1083 : i32 to index
        %get3A_1089 = arith.constant 0 : index
        %get3A_1090 = tpu.vector_load %arg14[%get3A_1088, %get3A_1089] {strides = array<i32>} : memref<320x64xf32, #tpu.memory_space<vmem>>, vector<1x16xf32>,
        %get3A_1091 = vector.shape_cast %get3A_1090 : vector<1x16xf32> to vector<16xf32>
        %mul3A_1092 = arith.mulf %get3A_1087, %get3A_1091 : vector<16xf32>
        %get3A_1093 = arith.index_cast %add3A_52 : i32 to index
        %get3A_1094 = arith.constant 16 : index
        %get3A_1095 = tpu.vector_load %arg12[%get3A_1093, %get3A_1094] {strides = array<i32>} : memref<512x64xf32, #tpu.memory_space<vmem>>, vector<1x16xf32>,
        %get3A_1096 = vector.shape_cast %get3A_1095 : vector<1x16xf32> to vector<16xf32>
        %get3A_1097 = arith.index_cast %add3A_1083 : i32 to index
        %get3A_1098 = arith.constant 16 : index
        %get3A_1099 = tpu.vector_load %arg14[%get3A_1097, %get3A_1098] {strides = array<i32>} : memref<320x64xf32, #tpu.memory_space<vmem>>, vector<1x16xf32>,
        %get3A_1100 = vector.shape_cast %get3A_1099 : vector<1x16xf32> to vector<16xf32>
        %mul3A_1101 = arith.mulf %get3A_1096, %get3A_1100 : vector<16xf32>
        %add3A_1102 = arith.addf %mul3A_1092, %mul3A_1101 : vector<16xf32>
        %get3A_1103 = arith.index_cast %add3A_52 : i32 to index
        %get3A_1104 = arith.constant 32 : index
        %get3A_1105 = tpu.vector_load %arg12[%get3A_1103, %get3A_1104] {strides = array<i32>} : memref<512x64xf32, #tpu.memory_space<vmem>>, vector<1x16xf32>,
        %get3A_1106 = vector.shape_cast %get3A_1105 : vector<1x16xf32> to vector<16xf32>
        %get3A_1107 = arith.index_cast %add3A_1083 : i32 to index
        %get3A_1108 = arith.constant 32 : index
        %get3A_1109 = tpu.vector_load %arg14[%get3A_1107, %get3A_1108] {strides = array<i32>} : memref<320x64xf32, #tpu.memory_space<vmem>>, vector<1x16xf32>,
        %get3A_1110 = vector.shape_cast %get3A_1109 : vector<1x16xf32> to vector<16xf32>
        %mul3A_1111 = arith.mulf %get3A_1106, %get3A_1110 : vector<16xf32>
        %add3A_1112 = arith.addf %add3A_1102, %mul3A_1111 : vector<16xf32>
        %get3A_1113 = arith.index_cast %add3A_52 : i32 to index
        %get3A_1114 = arith.constant 48 : index
        %get3A_1115 = tpu.vector_load %arg12[%get3A_1113, %get3A_1114] {strides = array<i32>} : memref<512x64xf32, #tpu.memory_space<vmem>>, vector<1x16xf32>,
        %get3A_1116 = vector.shape_cast %get3A_1115 : vector<1x16xf32> to vector<16xf32>
        %get3A_1117 = arith.index_cast %add3A_1083 : i32 to index
        %get3A_1118 = arith.constant 48 : index
        %get3A_1119 = tpu.vector_load %arg14[%get3A_1117, %get3A_1118] {strides = array<i32>} : memref<320x64xf32, #tpu.memory_space<vmem>>, vector<1x16xf32>,
        %get3A_1120 = vector.shape_cast %get3A_1119 : vector<1x16xf32> to vector<16xf32>
        %mul3A_1121 = arith.mulf %get3A_1116, %get3A_1120 : vector<16xf32>
        %add3A_1122 = arith.addf %add3A_1112, %mul3A_1121 : vector<16xf32>
        %xor3A_1123 = arith.constant 8 : i32
        %xor3A_1124 = vector.broadcast %xor3A_1123 : i32 to vector<16xi32>
        %xor3A_1125 = arith.xori %iota3A, %xor3A_1124 : vector<16xi32>
        %lt3A_1126 = arith.constant 0 : i32
        %lt3A_1127 = vector.broadcast %lt3A_1126 : i32 to vector<16xi32>
        %lt3A_1128 = arith.cmpi slt, %xor3A_1125, %lt3A_1127 : vector<16xi32>
        %add3A_1129 = arith.constant 16 : i32
        %add3A_1130 = vector.broadcast %add3A_1129 : i32 to vector<16xi32>
        %add3A_1131 = arith.addi %xor3A_1125, %add3A_1130 : vector<16xi32>
        %select_n3A_1132 = arith.select %lt3A_1128, %add3A_1131, %xor3A_1125 : vector<16xi1>, vector<16xi32>
        %broadcast_in_dim3A_1133 = vector.shape_cast %select_n3A_1132 : vector<16xi32> to vector<16x1xi32>
        %gather3A_1134 = vector.shape_cast %broadcast_in_dim3A_1133 : vector<16x1xi32> to vector<16xi32>
        %gather3A_1135 = tpu.dynamic_gather %add3A_1122[%gather3A_1134] in [0] : vector<16xf32>, vector<16xi32> -> vector<16xf32>
        %add3A_1136 = arith.addf %add3A_1122, %gather3A_1135 : vector<16xf32>
        %xor3A_1137 = arith.constant 4 : i32
        %xor3A_1138 = vector.broadcast %xor3A_1137 : i32 to vector<16xi32>
        %xor3A_1139 = arith.xori %iota3A, %xor3A_1138 : vector<16xi32>
        %lt3A_1140 = arith.constant 0 : i32
        %lt3A_1141 = vector.broadcast %lt3A_1140 : i32 to vector<16xi32>
        %lt3A_1142 = arith.cmpi slt, %xor3A_1139, %lt3A_1141 : vector<16xi32>
        %add3A_1143 = arith.constant 16 : i32
        %add3A_1144 = vector.broadcast %add3A_1143 : i32 to vector<16xi32>
        %add3A_1145 = arith.addi %xor3A_1139, %add3A_1144 : vector<16xi32>
        %select_n3A_1146 = arith.select %lt3A_1142, %add3A_1145, %xor3A_1139 : vector<16xi1>, vector<16xi32>
        %broadcast_in_dim3A_1147 = vector.shape_cast %select_n3A_1146 : vector<16xi32> to vector<16x1xi32>
        %gather3A_1148 = vector.shape_cast %broadcast_in_dim3A_1147 : vector<16x1xi32> to vector<16xi32>
        %gather3A_1149 = tpu.dynamic_gather %add3A_1136[%gather3A_1148] in [0] : vector<16xf32>, vector<16xi32> -> vector<16xf32>
        %add3A_1150 = arith.addf %add3A_1136, %gather3A_1149 : vector<16xf32>
        %xor3A_1151 = arith.constant 2 : i32
        %xor3A_1152 = vector.broadcast %xor3A_1151 : i32 to vector<16xi32>
        %xor3A_1153 = arith.xori %iota3A, %xor3A_1152 : vector<16xi32>
        %lt3A_1154 = arith.constant 0 : i32
        %lt3A_1155 = vector.broadcast %lt3A_1154 : i32 to vector<16xi32>
        %lt3A_1156 = arith.cmpi slt, %xor3A_1153, %lt3A_1155 : vector<16xi32>
        %add3A_1157 = arith.constant 16 : i32
        %add3A_1158 = vector.broadcast %add3A_1157 : i32 to vector<16xi32>
        %add3A_1159 = arith.addi %xor3A_1153, %add3A_1158 : vector<16xi32>
        %select_n3A_1160 = arith.select %lt3A_1156, %add3A_1159, %xor3A_1153 : vector<16xi1>, vector<16xi32>
        %broadcast_in_dim3A_1161 = vector.shape_cast %select_n3A_1160 : vector<16xi32> to vector<16x1xi32>
        %gather3A_1162 = vector.shape_cast %broadcast_in_dim3A_1161 : vector<16x1xi32> to vector<16xi32>
        %gather3A_1163 = tpu.dynamic_gather %add3A_1150[%gather3A_1162] in [0] : vector<16xf32>, vector<16xi32> -> vector<16xf32>
        %add3A_1164 = arith.addf %add3A_1150, %gather3A_1163 : vector<16xf32>
        %xor3A_1165 = arith.constant 1 : i32
        %xor3A_1166 = vector.broadcast %xor3A_1165 : i32 to vector<16xi32>
        %xor3A_1167 = arith.xori %iota3A, %xor3A_1166 : vector<16xi32>
        %lt3A_1168 = arith.constant 0 : i32
        %lt3A_1169 = vector.broadcast %lt3A_1168 : i32 to vector<16xi32>
        %lt3A_1170 = arith.cmpi slt, %xor3A_1167, %lt3A_1169 : vector<16xi32>
        %add3A_1171 = arith.constant 16 : i32
        %add3A_1172 = vector.broadcast %add3A_1171 : i32 to vector<16xi32>
        %add3A_1173 = arith.addi %xor3A_1167, %add3A_1172 : vector<16xi32>
        %select_n3A_1174 = arith.select %lt3A_1170, %add3A_1173, %xor3A_1167 : vector<16xi1>, vector<16xi32>
        %broadcast_in_dim3A_1175 = vector.shape_cast %select_n3A_1174 : vector<16xi32> to vector<16x1xi32>
        %gather3A_1176 = vector.shape_cast %broadcast_in_dim3A_1175 : vector<16x1xi32> to vector<16xi32>
        %gather3A_1177 = tpu.dynamic_gather %add3A_1164[%gather3A_1176] in [0] : vector<16xf32>, vector<16xi32> -> vector<16xf32>
        %add3A_1178 = arith.addf %add3A_1164, %gather3A_1177 : vector<16xf32>
        %eq3A_1179 = arith.constant 10 : i32
        %eq3A_1180 = vector.broadcast %eq3A_1179 : i32 to vector<16xi32>
        %eq3A_1181 = arith.cmpi eq, %iota3A, %eq3A_1180 : vector<16xi32>
        %select_n3A_1182 = arith.select %eq3A_1181, %add3A_1178, %select_n3A_1079 : vector<16xi1>, vector<16xf32>
        %mul3A_1183 = arith.constant 20 : i32
        %mul3A_1184 = arith.muli %scan3A_48, %mul3A_1183 : i32
        %add3A_1185 = arith.constant 11 : i32
        %add3A_1186 = arith.addi %mul3A_1184, %add3A_1185 : i32
        %get3A_1187 = arith.index_cast %add3A_52 : i32 to index
        %get3A_1188 = arith.constant 0 : index
        %get3A_1189 = tpu.vector_load %arg12[%get3A_1187, %get3A_1188] {strides = array<i32>} : memref<512x64xf32, #tpu.memory_space<vmem>>, vector<1x16xf32>,
        %get3A_1190 = vector.shape_cast %get3A_1189 : vector<1x16xf32> to vector<16xf32>
        %get3A_1191 = arith.index_cast %add3A_1186 : i32 to index
        %get3A_1192 = arith.constant 0 : index
        %get3A_1193 = tpu.vector_load %arg14[%get3A_1191, %get3A_1192] {strides = array<i32>} : memref<320x64xf32, #tpu.memory_space<vmem>>, vector<1x16xf32>,
        %get3A_1194 = vector.shape_cast %get3A_1193 : vector<1x16xf32> to vector<16xf32>
        %mul3A_1195 = arith.mulf %get3A_1190, %get3A_1194 : vector<16xf32>
        %get3A_1196 = arith.index_cast %add3A_52 : i32 to index
        %get3A_1197 = arith.constant 16 : index
        %get3A_1198 = tpu.vector_load %arg12[%get3A_1196, %get3A_1197] {strides = array<i32>} : memref<512x64xf32, #tpu.memory_space<vmem>>, vector<1x16xf32>,
        %get3A_1199 = vector.shape_cast %get3A_1198 : vector<1x16xf32> to vector<16xf32>
        %get3A_1200 = arith.index_cast %add3A_1186 : i32 to index
        %get3A_1201 = arith.constant 16 : index
        %get3A_1202 = tpu.vector_load %arg14[%get3A_1200, %get3A_1201] {strides = array<i32>} : memref<320x64xf32, #tpu.memory_space<vmem>>, vector<1x16xf32>,
        %get3A_1203 = vector.shape_cast %get3A_1202 : vector<1x16xf32> to vector<16xf32>
        %mul3A_1204 = arith.mulf %get3A_1199, %get3A_1203 : vector<16xf32>
        %add3A_1205 = arith.addf %mul3A_1195, %mul3A_1204 : vector<16xf32>
        %get3A_1206 = arith.index_cast %add3A_52 : i32 to index
        %get3A_1207 = arith.constant 32 : index
        %get3A_1208 = tpu.vector_load %arg12[%get3A_1206, %get3A_1207] {strides = array<i32>} : memref<512x64xf32, #tpu.memory_space<vmem>>, vector<1x16xf32>,
        %get3A_1209 = vector.shape_cast %get3A_1208 : vector<1x16xf32> to vector<16xf32>
        %get3A_1210 = arith.index_cast %add3A_1186 : i32 to index
        %get3A_1211 = arith.constant 32 : index
        %get3A_1212 = tpu.vector_load %arg14[%get3A_1210, %get3A_1211] {strides = array<i32>} : memref<320x64xf32, #tpu.memory_space<vmem>>, vector<1x16xf32>,
        %get3A_1213 = vector.shape_cast %get3A_1212 : vector<1x16xf32> to vector<16xf32>
        %mul3A_1214 = arith.mulf %get3A_1209, %get3A_1213 : vector<16xf32>
        %add3A_1215 = arith.addf %add3A_1205, %mul3A_1214 : vector<16xf32>
        %get3A_1216 = arith.index_cast %add3A_52 : i32 to index
        %get3A_1217 = arith.constant 48 : index
        %get3A_1218 = tpu.vector_load %arg12[%get3A_1216, %get3A_1217] {strides = array<i32>} : memref<512x64xf32, #tpu.memory_space<vmem>>, vector<1x16xf32>,
        %get3A_1219 = vector.shape_cast %get3A_1218 : vector<1x16xf32> to vector<16xf32>
        %get3A_1220 = arith.index_cast %add3A_1186 : i32 to index
        %get3A_1221 = arith.constant 48 : index
        %get3A_1222 = tpu.vector_load %arg14[%get3A_1220, %get3A_1221] {strides = array<i32>} : memref<320x64xf32, #tpu.memory_space<vmem>>, vector<1x16xf32>,
        %get3A_1223 = vector.shape_cast %get3A_1222 : vector<1x16xf32> to vector<16xf32>
        %mul3A_1224 = arith.mulf %get3A_1219, %get3A_1223 : vector<16xf32>
        %add3A_1225 = arith.addf %add3A_1215, %mul3A_1224 : vector<16xf32>
        %xor3A_1226 = arith.constant 8 : i32
        %xor3A_1227 = vector.broadcast %xor3A_1226 : i32 to vector<16xi32>
        %xor3A_1228 = arith.xori %iota3A, %xor3A_1227 : vector<16xi32>
        %lt3A_1229 = arith.constant 0 : i32
        %lt3A_1230 = vector.broadcast %lt3A_1229 : i32 to vector<16xi32>
        %lt3A_1231 = arith.cmpi slt, %xor3A_1228, %lt3A_1230 : vector<16xi32>
        %add3A_1232 = arith.constant 16 : i32
        %add3A_1233 = vector.broadcast %add3A_1232 : i32 to vector<16xi32>
        %add3A_1234 = arith.addi %xor3A_1228, %add3A_1233 : vector<16xi32>
        %select_n3A_1235 = arith.select %lt3A_1231, %add3A_1234, %xor3A_1228 : vector<16xi1>, vector<16xi32>
        %broadcast_in_dim3A_1236 = vector.shape_cast %select_n3A_1235 : vector<16xi32> to vector<16x1xi32>
        %gather3A_1237 = vector.shape_cast %broadcast_in_dim3A_1236 : vector<16x1xi32> to vector<16xi32>
        %gather3A_1238 = tpu.dynamic_gather %add3A_1225[%gather3A_1237] in [0] : vector<16xf32>, vector<16xi32> -> vector<16xf32>
        %add3A_1239 = arith.addf %add3A_1225, %gather3A_1238 : vector<16xf32>
        %xor3A_1240 = arith.constant 4 : i32
        %xor3A_1241 = vector.broadcast %xor3A_1240 : i32 to vector<16xi32>
        %xor3A_1242 = arith.xori %iota3A, %xor3A_1241 : vector<16xi32>
        %lt3A_1243 = arith.constant 0 : i32
        %lt3A_1244 = vector.broadcast %lt3A_1243 : i32 to vector<16xi32>
        %lt3A_1245 = arith.cmpi slt, %xor3A_1242, %lt3A_1244 : vector<16xi32>
        %add3A_1246 = arith.constant 16 : i32
        %add3A_1247 = vector.broadcast %add3A_1246 : i32 to vector<16xi32>
        %add3A_1248 = arith.addi %xor3A_1242, %add3A_1247 : vector<16xi32>
        %select_n3A_1249 = arith.select %lt3A_1245, %add3A_1248, %xor3A_1242 : vector<16xi1>, vector<16xi32>
        %broadcast_in_dim3A_1250 = vector.shape_cast %select_n3A_1249 : vector<16xi32> to vector<16x1xi32>
        %gather3A_1251 = vector.shape_cast %broadcast_in_dim3A_1250 : vector<16x1xi32> to vector<16xi32>
        %gather3A_1252 = tpu.dynamic_gather %add3A_1239[%gather3A_1251] in [0] : vector<16xf32>, vector<16xi32> -> vector<16xf32>
        %add3A_1253 = arith.addf %add3A_1239, %gather3A_1252 : vector<16xf32>
        %xor3A_1254 = arith.constant 2 : i32
        %xor3A_1255 = vector.broadcast %xor3A_1254 : i32 to vector<16xi32>
        %xor3A_1256 = arith.xori %iota3A, %xor3A_1255 : vector<16xi32>
        %lt3A_1257 = arith.constant 0 : i32
        %lt3A_1258 = vector.broadcast %lt3A_1257 : i32 to vector<16xi32>
        %lt3A_1259 = arith.cmpi slt, %xor3A_1256, %lt3A_1258 : vector<16xi32>
        %add3A_1260 = arith.constant 16 : i32
        %add3A_1261 = vector.broadcast %add3A_1260 : i32 to vector<16xi32>
        %add3A_1262 = arith.addi %xor3A_1256, %add3A_1261 : vector<16xi32>
        %select_n3A_1263 = arith.select %lt3A_1259, %add3A_1262, %xor3A_1256 : vector<16xi1>, vector<16xi32>
        %broadcast_in_dim3A_1264 = vector.shape_cast %select_n3A_1263 : vector<16xi32> to vector<16x1xi32>
        %gather3A_1265 = vector.shape_cast %broadcast_in_dim3A_1264 : vector<16x1xi32> to vector<16xi32>
        %gather3A_1266 = tpu.dynamic_gather %add3A_1253[%gather3A_1265] in [0] : vector<16xf32>, vector<16xi32> -> vector<16xf32>
        %add3A_1267 = arith.addf %add3A_1253, %gather3A_1266 : vector<16xf32>
        %xor3A_1268 = arith.constant 1 : i32
        %xor3A_1269 = vector.broadcast %xor3A_1268 : i32 to vector<16xi32>
        %xor3A_1270 = arith.xori %iota3A, %xor3A_1269 : vector<16xi32>
        %lt3A_1271 = arith.constant 0 : i32
        %lt3A_1272 = vector.broadcast %lt3A_1271 : i32 to vector<16xi32>
        %lt3A_1273 = arith.cmpi slt, %xor3A_1270, %lt3A_1272 : vector<16xi32>
        %add3A_1274 = arith.constant 16 : i32
        %add3A_1275 = vector.broadcast %add3A_1274 : i32 to vector<16xi32>
        %add3A_1276 = arith.addi %xor3A_1270, %add3A_1275 : vector<16xi32>
        %select_n3A_1277 = arith.select %lt3A_1273, %add3A_1276, %xor3A_1270 : vector<16xi1>, vector<16xi32>
        %broadcast_in_dim3A_1278 = vector.shape_cast %select_n3A_1277 : vector<16xi32> to vector<16x1xi32>
        %gather3A_1279 = vector.shape_cast %broadcast_in_dim3A_1278 : vector<16x1xi32> to vector<16xi32>
        %gather3A_1280 = tpu.dynamic_gather %add3A_1267[%gather3A_1279] in [0] : vector<16xf32>, vector<16xi32> -> vector<16xf32>
        %add3A_1281 = arith.addf %add3A_1267, %gather3A_1280 : vector<16xf32>
        %eq3A_1282 = arith.constant 11 : i32
        %eq3A_1283 = vector.broadcast %eq3A_1282 : i32 to vector<16xi32>
        %eq3A_1284 = arith.cmpi eq, %iota3A, %eq3A_1283 : vector<16xi32>
        %select_n3A_1285 = arith.select %eq3A_1284, %add3A_1281, %select_n3A_1182 : vector<16xi1>, vector<16xf32>
        %mul3A_1286 = arith.constant 20 : i32
        %mul3A_1287 = arith.muli %scan3A_48, %mul3A_1286 : i32
        %add3A_1288 = arith.constant 12 : i32
        %add3A_1289 = arith.addi %mul3A_1287, %add3A_1288 : i32
        %get3A_1290 = arith.index_cast %add3A_52 : i32 to index
        %get3A_1291 = arith.constant 0 : index
        %get3A_1292 = tpu.vector_load %arg12[%get3A_1290, %get3A_1291] {strides = array<i32>} : memref<512x64xf32, #tpu.memory_space<vmem>>, vector<1x16xf32>,
        %get3A_1293 = vector.shape_cast %get3A_1292 : vector<1x16xf32> to vector<16xf32>
        %get3A_1294 = arith.index_cast %add3A_1289 : i32 to index
        %get3A_1295 = arith.constant 0 : index
        %get3A_1296 = tpu.vector_load %arg14[%get3A_1294, %get3A_1295] {strides = array<i32>} : memref<320x64xf32, #tpu.memory_space<vmem>>, vector<1x16xf32>,
        %get3A_1297 = vector.shape_cast %get3A_1296 : vector<1x16xf32> to vector<16xf32>
        %mul3A_1298 = arith.mulf %get3A_1293, %get3A_1297 : vector<16xf32>
        %get3A_1299 = arith.index_cast %add3A_52 : i32 to index
        %get3A_1300 = arith.constant 16 : index
        %get3A_1301 = tpu.vector_load %arg12[%get3A_1299, %get3A_1300] {strides = array<i32>} : memref<512x64xf32, #tpu.memory_space<vmem>>, vector<1x16xf32>,
        %get3A_1302 = vector.shape_cast %get3A_1301 : vector<1x16xf32> to vector<16xf32>
        %get3A_1303 = arith.index_cast %add3A_1289 : i32 to index
        %get3A_1304 = arith.constant 16 : index
        %get3A_1305 = tpu.vector_load %arg14[%get3A_1303, %get3A_1304] {strides = array<i32>} : memref<320x64xf32, #tpu.memory_space<vmem>>, vector<1x16xf32>,
        %get3A_1306 = vector.shape_cast %get3A_1305 : vector<1x16xf32> to vector<16xf32>
        %mul3A_1307 = arith.mulf %get3A_1302, %get3A_1306 : vector<16xf32>
        %add3A_1308 = arith.addf %mul3A_1298, %mul3A_1307 : vector<16xf32>
        %get3A_1309 = arith.index_cast %add3A_52 : i32 to index
        %get3A_1310 = arith.constant 32 : index
        %get3A_1311 = tpu.vector_load %arg12[%get3A_1309, %get3A_1310] {strides = array<i32>} : memref<512x64xf32, #tpu.memory_space<vmem>>, vector<1x16xf32>,
        %get3A_1312 = vector.shape_cast %get3A_1311 : vector<1x16xf32> to vector<16xf32>
        %get3A_1313 = arith.index_cast %add3A_1289 : i32 to index
        %get3A_1314 = arith.constant 32 : index
        %get3A_1315 = tpu.vector_load %arg14[%get3A_1313, %get3A_1314] {strides = array<i32>} : memref<320x64xf32, #tpu.memory_space<vmem>>, vector<1x16xf32>,
        %get3A_1316 = vector.shape_cast %get3A_1315 : vector<1x16xf32> to vector<16xf32>
        %mul3A_1317 = arith.mulf %get3A_1312, %get3A_1316 : vector<16xf32>
        %add3A_1318 = arith.addf %add3A_1308, %mul3A_1317 : vector<16xf32>
        %get3A_1319 = arith.index_cast %add3A_52 : i32 to index
        %get3A_1320 = arith.constant 48 : index
        %get3A_1321 = tpu.vector_load %arg12[%get3A_1319, %get3A_1320] {strides = array<i32>} : memref<512x64xf32, #tpu.memory_space<vmem>>, vector<1x16xf32>,
        %get3A_1322 = vector.shape_cast %get3A_1321 : vector<1x16xf32> to vector<16xf32>
        %get3A_1323 = arith.index_cast %add3A_1289 : i32 to index
        %get3A_1324 = arith.constant 48 : index
        %get3A_1325 = tpu.vector_load %arg14[%get3A_1323, %get3A_1324] {strides = array<i32>} : memref<320x64xf32, #tpu.memory_space<vmem>>, vector<1x16xf32>,
        %get3A_1326 = vector.shape_cast %get3A_1325 : vector<1x16xf32> to vector<16xf32>
        %mul3A_1327 = arith.mulf %get3A_1322, %get3A_1326 : vector<16xf32>
        %add3A_1328 = arith.addf %add3A_1318, %mul3A_1327 : vector<16xf32>
        %xor3A_1329 = arith.constant 8 : i32
        %xor3A_1330 = vector.broadcast %xor3A_1329 : i32 to vector<16xi32>
        %xor3A_1331 = arith.xori %iota3A, %xor3A_1330 : vector<16xi32>
        %lt3A_1332 = arith.constant 0 : i32
        %lt3A_1333 = vector.broadcast %lt3A_1332 : i32 to vector<16xi32>
        %lt3A_1334 = arith.cmpi slt, %xor3A_1331, %lt3A_1333 : vector<16xi32>
        %add3A_1335 = arith.constant 16 : i32
        %add3A_1336 = vector.broadcast %add3A_1335 : i32 to vector<16xi32>
        %add3A_1337 = arith.addi %xor3A_1331, %add3A_1336 : vector<16xi32>
        %select_n3A_1338 = arith.select %lt3A_1334, %add3A_1337, %xor3A_1331 : vector<16xi1>, vector<16xi32>
        %broadcast_in_dim3A_1339 = vector.shape_cast %select_n3A_1338 : vector<16xi32> to vector<16x1xi32>
        %gather3A_1340 = vector.shape_cast %broadcast_in_dim3A_1339 : vector<16x1xi32> to vector<16xi32>
        %gather3A_1341 = tpu.dynamic_gather %add3A_1328[%gather3A_1340] in [0] : vector<16xf32>, vector<16xi32> -> vector<16xf32>
        %add3A_1342 = arith.addf %add3A_1328, %gather3A_1341 : vector<16xf32>
        %xor3A_1343 = arith.constant 4 : i32
        %xor3A_1344 = vector.broadcast %xor3A_1343 : i32 to vector<16xi32>
        %xor3A_1345 = arith.xori %iota3A, %xor3A_1344 : vector<16xi32>
        %lt3A_1346 = arith.constant 0 : i32
        %lt3A_1347 = vector.broadcast %lt3A_1346 : i32 to vector<16xi32>
        %lt3A_1348 = arith.cmpi slt, %xor3A_1345, %lt3A_1347 : vector<16xi32>
        %add3A_1349 = arith.constant 16 : i32
        %add3A_1350 = vector.broadcast %add3A_1349 : i32 to vector<16xi32>
        %add3A_1351 = arith.addi %xor3A_1345, %add3A_1350 : vector<16xi32>
        %select_n3A_1352 = arith.select %lt3A_1348, %add3A_1351, %xor3A_1345 : vector<16xi1>, vector<16xi32>
        %broadcast_in_dim3A_1353 = vector.shape_cast %select_n3A_1352 : vector<16xi32> to vector<16x1xi32>
        %gather3A_1354 = vector.shape_cast %broadcast_in_dim3A_1353 : vector<16x1xi32> to vector<16xi32>
        %gather3A_1355 = tpu.dynamic_gather %add3A_1342[%gather3A_1354] in [0] : vector<16xf32>, vector<16xi32> -> vector<16xf32>
        %add3A_1356 = arith.addf %add3A_1342, %gather3A_1355 : vector<16xf32>
        %xor3A_1357 = arith.constant 2 : i32
        %xor3A_1358 = vector.broadcast %xor3A_1357 : i32 to vector<16xi32>
        %xor3A_1359 = arith.xori %iota3A, %xor3A_1358 : vector<16xi32>
        %lt3A_1360 = arith.constant 0 : i32
        %lt3A_1361 = vector.broadcast %lt3A_1360 : i32 to vector<16xi32>
        %lt3A_1362 = arith.cmpi slt, %xor3A_1359, %lt3A_1361 : vector<16xi32>
        %add3A_1363 = arith.constant 16 : i32
        %add3A_1364 = vector.broadcast %add3A_1363 : i32 to vector<16xi32>
        %add3A_1365 = arith.addi %xor3A_1359, %add3A_1364 : vector<16xi32>
        %select_n3A_1366 = arith.select %lt3A_1362, %add3A_1365, %xor3A_1359 : vector<16xi1>, vector<16xi32>
        %broadcast_in_dim3A_1367 = vector.shape_cast %select_n3A_1366 : vector<16xi32> to vector<16x1xi32>
        %gather3A_1368 = vector.shape_cast %broadcast_in_dim3A_1367 : vector<16x1xi32> to vector<16xi32>
        %gather3A_1369 = tpu.dynamic_gather %add3A_1356[%gather3A_1368] in [0] : vector<16xf32>, vector<16xi32> -> vector<16xf32>
        %add3A_1370 = arith.addf %add3A_1356, %gather3A_1369 : vector<16xf32>
        %xor3A_1371 = arith.constant 1 : i32
        %xor3A_1372 = vector.broadcast %xor3A_1371 : i32 to vector<16xi32>
        %xor3A_1373 = arith.xori %iota3A, %xor3A_1372 : vector<16xi32>
        %lt3A_1374 = arith.constant 0 : i32
        %lt3A_1375 = vector.broadcast %lt3A_1374 : i32 to vector<16xi32>
        %lt3A_1376 = arith.cmpi slt, %xor3A_1373, %lt3A_1375 : vector<16xi32>
        %add3A_1377 = arith.constant 16 : i32
        %add3A_1378 = vector.broadcast %add3A_1377 : i32 to vector<16xi32>
        %add3A_1379 = arith.addi %xor3A_1373, %add3A_1378 : vector<16xi32>
        %select_n3A_1380 = arith.select %lt3A_1376, %add3A_1379, %xor3A_1373 : vector<16xi1>, vector<16xi32>
        %broadcast_in_dim3A_1381 = vector.shape_cast %select_n3A_1380 : vector<16xi32> to vector<16x1xi32>
        %gather3A_1382 = vector.shape_cast %broadcast_in_dim3A_1381 : vector<16x1xi32> to vector<16xi32>
        %gather3A_1383 = tpu.dynamic_gather %add3A_1370[%gather3A_1382] in [0] : vector<16xf32>, vector<16xi32> -> vector<16xf32>
        %add3A_1384 = arith.addf %add3A_1370, %gather3A_1383 : vector<16xf32>
        %eq3A_1385 = arith.constant 12 : i32
        %eq3A_1386 = vector.broadcast %eq3A_1385 : i32 to vector<16xi32>
        %eq3A_1387 = arith.cmpi eq, %iota3A, %eq3A_1386 : vector<16xi32>
        %select_n3A_1388 = arith.select %eq3A_1387, %add3A_1384, %select_n3A_1285 : vector<16xi1>, vector<16xf32>
        %mul3A_1389 = arith.constant 20 : i32
        %mul3A_1390 = arith.muli %scan3A_48, %mul3A_1389 : i32
        %add3A_1391 = arith.constant 13 : i32
        %add3A_1392 = arith.addi %mul3A_1390, %add3A_1391 : i32
        %get3A_1393 = arith.index_cast %add3A_52 : i32 to index
        %get3A_1394 = arith.constant 0 : index
        %get3A_1395 = tpu.vector_load %arg12[%get3A_1393, %get3A_1394] {strides = array<i32>} : memref<512x64xf32, #tpu.memory_space<vmem>>, vector<1x16xf32>,
        %get3A_1396 = vector.shape_cast %get3A_1395 : vector<1x16xf32> to vector<16xf32>
        %get3A_1397 = arith.index_cast %add3A_1392 : i32 to index
        %get3A_1398 = arith.constant 0 : index
        %get3A_1399 = tpu.vector_load %arg14[%get3A_1397, %get3A_1398] {strides = array<i32>} : memref<320x64xf32, #tpu.memory_space<vmem>>, vector<1x16xf32>,
        %get3A_1400 = vector.shape_cast %get3A_1399 : vector<1x16xf32> to vector<16xf32>
        %mul3A_1401 = arith.mulf %get3A_1396, %get3A_1400 : vector<16xf32>
        %get3A_1402 = arith.index_cast %add3A_52 : i32 to index
        %get3A_1403 = arith.constant 16 : index
        %get3A_1404 = tpu.vector_load %arg12[%get3A_1402, %get3A_1403] {strides = array<i32>} : memref<512x64xf32, #tpu.memory_space<vmem>>, vector<1x16xf32>,
        %get3A_1405 = vector.shape_cast %get3A_1404 : vector<1x16xf32> to vector<16xf32>
        %get3A_1406 = arith.index_cast %add3A_1392 : i32 to index
        %get3A_1407 = arith.constant 16 : index
        %get3A_1408 = tpu.vector_load %arg14[%get3A_1406, %get3A_1407] {strides = array<i32>} : memref<320x64xf32, #tpu.memory_space<vmem>>, vector<1x16xf32>,
        %get3A_1409 = vector.shape_cast %get3A_1408 : vector<1x16xf32> to vector<16xf32>
        %mul3A_1410 = arith.mulf %get3A_1405, %get3A_1409 : vector<16xf32>
        %add3A_1411 = arith.addf %mul3A_1401, %mul3A_1410 : vector<16xf32>
        %get3A_1412 = arith.index_cast %add3A_52 : i32 to index
        %get3A_1413 = arith.constant 32 : index
        %get3A_1414 = tpu.vector_load %arg12[%get3A_1412, %get3A_1413] {strides = array<i32>} : memref<512x64xf32, #tpu.memory_space<vmem>>, vector<1x16xf32>,
        %get3A_1415 = vector.shape_cast %get3A_1414 : vector<1x16xf32> to vector<16xf32>
        %get3A_1416 = arith.index_cast %add3A_1392 : i32 to index
        %get3A_1417 = arith.constant 32 : index
        %get3A_1418 = tpu.vector_load %arg14[%get3A_1416, %get3A_1417] {strides = array<i32>} : memref<320x64xf32, #tpu.memory_space<vmem>>, vector<1x16xf32>,
        %get3A_1419 = vector.shape_cast %get3A_1418 : vector<1x16xf32> to vector<16xf32>
        %mul3A_1420 = arith.mulf %get3A_1415, %get3A_1419 : vector<16xf32>
        %add3A_1421 = arith.addf %add3A_1411, %mul3A_1420 : vector<16xf32>
        %get3A_1422 = arith.index_cast %add3A_52 : i32 to index
        %get3A_1423 = arith.constant 48 : index
        %get3A_1424 = tpu.vector_load %arg12[%get3A_1422, %get3A_1423] {strides = array<i32>} : memref<512x64xf32, #tpu.memory_space<vmem>>, vector<1x16xf32>,
        %get3A_1425 = vector.shape_cast %get3A_1424 : vector<1x16xf32> to vector<16xf32>
        %get3A_1426 = arith.index_cast %add3A_1392 : i32 to index
        %get3A_1427 = arith.constant 48 : index
        %get3A_1428 = tpu.vector_load %arg14[%get3A_1426, %get3A_1427] {strides = array<i32>} : memref<320x64xf32, #tpu.memory_space<vmem>>, vector<1x16xf32>,
        %get3A_1429 = vector.shape_cast %get3A_1428 : vector<1x16xf32> to vector<16xf32>
        %mul3A_1430 = arith.mulf %get3A_1425, %get3A_1429 : vector<16xf32>
        %add3A_1431 = arith.addf %add3A_1421, %mul3A_1430 : vector<16xf32>
        %xor3A_1432 = arith.constant 8 : i32
        %xor3A_1433 = vector.broadcast %xor3A_1432 : i32 to vector<16xi32>
        %xor3A_1434 = arith.xori %iota3A, %xor3A_1433 : vector<16xi32>
        %lt3A_1435 = arith.constant 0 : i32
        %lt3A_1436 = vector.broadcast %lt3A_1435 : i32 to vector<16xi32>
        %lt3A_1437 = arith.cmpi slt, %xor3A_1434, %lt3A_1436 : vector<16xi32>
        %add3A_1438 = arith.constant 16 : i32
        %add3A_1439 = vector.broadcast %add3A_1438 : i32 to vector<16xi32>
        %add3A_1440 = arith.addi %xor3A_1434, %add3A_1439 : vector<16xi32>
        %select_n3A_1441 = arith.select %lt3A_1437, %add3A_1440, %xor3A_1434 : vector<16xi1>, vector<16xi32>
        %broadcast_in_dim3A_1442 = vector.shape_cast %select_n3A_1441 : vector<16xi32> to vector<16x1xi32>
        %gather3A_1443 = vector.shape_cast %broadcast_in_dim3A_1442 : vector<16x1xi32> to vector<16xi32>
        %gather3A_1444 = tpu.dynamic_gather %add3A_1431[%gather3A_1443] in [0] : vector<16xf32>, vector<16xi32> -> vector<16xf32>
        %add3A_1445 = arith.addf %add3A_1431, %gather3A_1444 : vector<16xf32>
        %xor3A_1446 = arith.constant 4 : i32
        %xor3A_1447 = vector.broadcast %xor3A_1446 : i32 to vector<16xi32>
        %xor3A_1448 = arith.xori %iota3A, %xor3A_1447 : vector<16xi32>
        %lt3A_1449 = arith.constant 0 : i32
        %lt3A_1450 = vector.broadcast %lt3A_1449 : i32 to vector<16xi32>
        %lt3A_1451 = arith.cmpi slt, %xor3A_1448, %lt3A_1450 : vector<16xi32>
        %add3A_1452 = arith.constant 16 : i32
        %add3A_1453 = vector.broadcast %add3A_1452 : i32 to vector<16xi32>
        %add3A_1454 = arith.addi %xor3A_1448, %add3A_1453 : vector<16xi32>
        %select_n3A_1455 = arith.select %lt3A_1451, %add3A_1454, %xor3A_1448 : vector<16xi1>, vector<16xi32>
        %broadcast_in_dim3A_1456 = vector.shape_cast %select_n3A_1455 : vector<16xi32> to vector<16x1xi32>
        %gather3A_1457 = vector.shape_cast %broadcast_in_dim3A_1456 : vector<16x1xi32> to vector<16xi32>
        %gather3A_1458 = tpu.dynamic_gather %add3A_1445[%gather3A_1457] in [0] : vector<16xf32>, vector<16xi32> -> vector<16xf32>
        %add3A_1459 = arith.addf %add3A_1445, %gather3A_1458 : vector<16xf32>
        %xor3A_1460 = arith.constant 2 : i32
        %xor3A_1461 = vector.broadcast %xor3A_1460 : i32 to vector<16xi32>
        %xor3A_1462 = arith.xori %iota3A, %xor3A_1461 : vector<16xi32>
        %lt3A_1463 = arith.constant 0 : i32
        %lt3A_1464 = vector.broadcast %lt3A_1463 : i32 to vector<16xi32>
        %lt3A_1465 = arith.cmpi slt, %xor3A_1462, %lt3A_1464 : vector<16xi32>
        %add3A_1466 = arith.constant 16 : i32
        %add3A_1467 = vector.broadcast %add3A_1466 : i32 to vector<16xi32>
        %add3A_1468 = arith.addi %xor3A_1462, %add3A_1467 : vector<16xi32>
        %select_n3A_1469 = arith.select %lt3A_1465, %add3A_1468, %xor3A_1462 : vector<16xi1>, vector<16xi32>
        %broadcast_in_dim3A_1470 = vector.shape_cast %select_n3A_1469 : vector<16xi32> to vector<16x1xi32>
        %gather3A_1471 = vector.shape_cast %broadcast_in_dim3A_1470 : vector<16x1xi32> to vector<16xi32>
        %gather3A_1472 = tpu.dynamic_gather %add3A_1459[%gather3A_1471] in [0] : vector<16xf32>, vector<16xi32> -> vector<16xf32>
        %add3A_1473 = arith.addf %add3A_1459, %gather3A_1472 : vector<16xf32>
        %xor3A_1474 = arith.constant 1 : i32
        %xor3A_1475 = vector.broadcast %xor3A_1474 : i32 to vector<16xi32>
        %xor3A_1476 = arith.xori %iota3A, %xor3A_1475 : vector<16xi32>
        %lt3A_1477 = arith.constant 0 : i32
        %lt3A_1478 = vector.broadcast %lt3A_1477 : i32 to vector<16xi32>
        %lt3A_1479 = arith.cmpi slt, %xor3A_1476, %lt3A_1478 : vector<16xi32>
        %add3A_1480 = arith.constant 16 : i32
        %add3A_1481 = vector.broadcast %add3A_1480 : i32 to vector<16xi32>
        %add3A_1482 = arith.addi %xor3A_1476, %add3A_1481 : vector<16xi32>
        %select_n3A_1483 = arith.select %lt3A_1479, %add3A_1482, %xor3A_1476 : vector<16xi1>, vector<16xi32>
        %broadcast_in_dim3A_1484 = vector.shape_cast %select_n3A_1483 : vector<16xi32> to vector<16x1xi32>
        %gather3A_1485 = vector.shape_cast %broadcast_in_dim3A_1484 : vector<16x1xi32> to vector<16xi32>
        %gather3A_1486 = tpu.dynamic_gather %add3A_1473[%gather3A_1485] in [0] : vector<16xf32>, vector<16xi32> -> vector<16xf32>
        %add3A_1487 = arith.addf %add3A_1473, %gather3A_1486 : vector<16xf32>
        %eq3A_1488 = arith.constant 13 : i32
        %eq3A_1489 = vector.broadcast %eq3A_1488 : i32 to vector<16xi32>
        %eq3A_1490 = arith.cmpi eq, %iota3A, %eq3A_1489 : vector<16xi32>
        %select_n3A_1491 = arith.select %eq3A_1490, %add3A_1487, %select_n3A_1388 : vector<16xi1>, vector<16xf32>
        %mul3A_1492 = arith.constant 20 : i32
        %mul3A_1493 = arith.muli %scan3A_48, %mul3A_1492 : i32
        %add3A_1494 = arith.constant 14 : i32
        %add3A_1495 = arith.addi %mul3A_1493, %add3A_1494 : i32
        %get3A_1496 = arith.index_cast %add3A_52 : i32 to index
        %get3A_1497 = arith.constant 0 : index
        %get3A_1498 = tpu.vector_load %arg12[%get3A_1496, %get3A_1497] {strides = array<i32>} : memref<512x64xf32, #tpu.memory_space<vmem>>, vector<1x16xf32>,
        %get3A_1499 = vector.shape_cast %get3A_1498 : vector<1x16xf32> to vector<16xf32>
        %get3A_1500 = arith.index_cast %add3A_1495 : i32 to index
        %get3A_1501 = arith.constant 0 : index
        %get3A_1502 = tpu.vector_load %arg14[%get3A_1500, %get3A_1501] {strides = array<i32>} : memref<320x64xf32, #tpu.memory_space<vmem>>, vector<1x16xf32>,
        %get3A_1503 = vector.shape_cast %get3A_1502 : vector<1x16xf32> to vector<16xf32>
        %mul3A_1504 = arith.mulf %get3A_1499, %get3A_1503 : vector<16xf32>
        %get3A_1505 = arith.index_cast %add3A_52 : i32 to index
        %get3A_1506 = arith.constant 16 : index
        %get3A_1507 = tpu.vector_load %arg12[%get3A_1505, %get3A_1506] {strides = array<i32>} : memref<512x64xf32, #tpu.memory_space<vmem>>, vector<1x16xf32>,
        %get3A_1508 = vector.shape_cast %get3A_1507 : vector<1x16xf32> to vector<16xf32>
        %get3A_1509 = arith.index_cast %add3A_1495 : i32 to index
        %get3A_1510 = arith.constant 16 : index
        %get3A_1511 = tpu.vector_load %arg14[%get3A_1509, %get3A_1510] {strides = array<i32>} : memref<320x64xf32, #tpu.memory_space<vmem>>, vector<1x16xf32>,
        %get3A_1512 = vector.shape_cast %get3A_1511 : vector<1x16xf32> to vector<16xf32>
        %mul3A_1513 = arith.mulf %get3A_1508, %get3A_1512 : vector<16xf32>
        %add3A_1514 = arith.addf %mul3A_1504, %mul3A_1513 : vector<16xf32>
        %get3A_1515 = arith.index_cast %add3A_52 : i32 to index
        %get3A_1516 = arith.constant 32 : index
        %get3A_1517 = tpu.vector_load %arg12[%get3A_1515, %get3A_1516] {strides = array<i32>} : memref<512x64xf32, #tpu.memory_space<vmem>>, vector<1x16xf32>,
        %get3A_1518 = vector.shape_cast %get3A_1517 : vector<1x16xf32> to vector<16xf32>
        %get3A_1519 = arith.index_cast %add3A_1495 : i32 to index
        %get3A_1520 = arith.constant 32 : index
        %get3A_1521 = tpu.vector_load %arg14[%get3A_1519, %get3A_1520] {strides = array<i32>} : memref<320x64xf32, #tpu.memory_space<vmem>>, vector<1x16xf32>,
        %get3A_1522 = vector.shape_cast %get3A_1521 : vector<1x16xf32> to vector<16xf32>
        %mul3A_1523 = arith.mulf %get3A_1518, %get3A_1522 : vector<16xf32>
        %add3A_1524 = arith.addf %add3A_1514, %mul3A_1523 : vector<16xf32>
        %get3A_1525 = arith.index_cast %add3A_52 : i32 to index
        %get3A_1526 = arith.constant 48 : index
        %get3A_1527 = tpu.vector_load %arg12[%get3A_1525, %get3A_1526] {strides = array<i32>} : memref<512x64xf32, #tpu.memory_space<vmem>>, vector<1x16xf32>,
        %get3A_1528 = vector.shape_cast %get3A_1527 : vector<1x16xf32> to vector<16xf32>
        %get3A_1529 = arith.index_cast %add3A_1495 : i32 to index
        %get3A_1530 = arith.constant 48 : index
        %get3A_1531 = tpu.vector_load %arg14[%get3A_1529, %get3A_1530] {strides = array<i32>} : memref<320x64xf32, #tpu.memory_space<vmem>>, vector<1x16xf32>,
        %get3A_1532 = vector.shape_cast %get3A_1531 : vector<1x16xf32> to vector<16xf32>
        %mul3A_1533 = arith.mulf %get3A_1528, %get3A_1532 : vector<16xf32>
        %add3A_1534 = arith.addf %add3A_1524, %mul3A_1533 : vector<16xf32>
        %xor3A_1535 = arith.constant 8 : i32
        %xor3A_1536 = vector.broadcast %xor3A_1535 : i32 to vector<16xi32>
        %xor3A_1537 = arith.xori %iota3A, %xor3A_1536 : vector<16xi32>
        %lt3A_1538 = arith.constant 0 : i32
        %lt3A_1539 = vector.broadcast %lt3A_1538 : i32 to vector<16xi32>
        %lt3A_1540 = arith.cmpi slt, %xor3A_1537, %lt3A_1539 : vector<16xi32>
        %add3A_1541 = arith.constant 16 : i32
        %add3A_1542 = vector.broadcast %add3A_1541 : i32 to vector<16xi32>
        %add3A_1543 = arith.addi %xor3A_1537, %add3A_1542 : vector<16xi32>
        %select_n3A_1544 = arith.select %lt3A_1540, %add3A_1543, %xor3A_1537 : vector<16xi1>, vector<16xi32>
        %broadcast_in_dim3A_1545 = vector.shape_cast %select_n3A_1544 : vector<16xi32> to vector<16x1xi32>
        %gather3A_1546 = vector.shape_cast %broadcast_in_dim3A_1545 : vector<16x1xi32> to vector<16xi32>
        %gather3A_1547 = tpu.dynamic_gather %add3A_1534[%gather3A_1546] in [0] : vector<16xf32>, vector<16xi32> -> vector<16xf32>
        %add3A_1548 = arith.addf %add3A_1534, %gather3A_1547 : vector<16xf32>
        %xor3A_1549 = arith.constant 4 : i32
        %xor3A_1550 = vector.broadcast %xor3A_1549 : i32 to vector<16xi32>
        %xor3A_1551 = arith.xori %iota3A, %xor3A_1550 : vector<16xi32>
        %lt3A_1552 = arith.constant 0 : i32
        %lt3A_1553 = vector.broadcast %lt3A_1552 : i32 to vector<16xi32>
        %lt3A_1554 = arith.cmpi slt, %xor3A_1551, %lt3A_1553 : vector<16xi32>
        %add3A_1555 = arith.constant 16 : i32
        %add3A_1556 = vector.broadcast %add3A_1555 : i32 to vector<16xi32>
        %add3A_1557 = arith.addi %xor3A_1551, %add3A_1556 : vector<16xi32>
        %select_n3A_1558 = arith.select %lt3A_1554, %add3A_1557, %xor3A_1551 : vector<16xi1>, vector<16xi32>
        %broadcast_in_dim3A_1559 = vector.shape_cast %select_n3A_1558 : vector<16xi32> to vector<16x1xi32>
        %gather3A_1560 = vector.shape_cast %broadcast_in_dim3A_1559 : vector<16x1xi32> to vector<16xi32>
        %gather3A_1561 = tpu.dynamic_gather %add3A_1548[%gather3A_1560] in [0] : vector<16xf32>, vector<16xi32> -> vector<16xf32>
        %add3A_1562 = arith.addf %add3A_1548, %gather3A_1561 : vector<16xf32>
        %xor3A_1563 = arith.constant 2 : i32
        %xor3A_1564 = vector.broadcast %xor3A_1563 : i32 to vector<16xi32>
        %xor3A_1565 = arith.xori %iota3A, %xor3A_1564 : vector<16xi32>
        %lt3A_1566 = arith.constant 0 : i32
        %lt3A_1567 = vector.broadcast %lt3A_1566 : i32 to vector<16xi32>
        %lt3A_1568 = arith.cmpi slt, %xor3A_1565, %lt3A_1567 : vector<16xi32>
        %add3A_1569 = arith.constant 16 : i32
        %add3A_1570 = vector.broadcast %add3A_1569 : i32 to vector<16xi32>
        %add3A_1571 = arith.addi %xor3A_1565, %add3A_1570 : vector<16xi32>
        %select_n3A_1572 = arith.select %lt3A_1568, %add3A_1571, %xor3A_1565 : vector<16xi1>, vector<16xi32>
        %broadcast_in_dim3A_1573 = vector.shape_cast %select_n3A_1572 : vector<16xi32> to vector<16x1xi32>
        %gather3A_1574 = vector.shape_cast %broadcast_in_dim3A_1573 : vector<16x1xi32> to vector<16xi32>
        %gather3A_1575 = tpu.dynamic_gather %add3A_1562[%gather3A_1574] in [0] : vector<16xf32>, vector<16xi32> -> vector<16xf32>
        %add3A_1576 = arith.addf %add3A_1562, %gather3A_1575 : vector<16xf32>
        %xor3A_1577 = arith.constant 1 : i32
        %xor3A_1578 = vector.broadcast %xor3A_1577 : i32 to vector<16xi32>
        %xor3A_1579 = arith.xori %iota3A, %xor3A_1578 : vector<16xi32>
        %lt3A_1580 = arith.constant 0 : i32
        %lt3A_1581 = vector.broadcast %lt3A_1580 : i32 to vector<16xi32>
        %lt3A_1582 = arith.cmpi slt, %xor3A_1579, %lt3A_1581 : vector<16xi32>
        %add3A_1583 = arith.constant 16 : i32
        %add3A_1584 = vector.broadcast %add3A_1583 : i32 to vector<16xi32>
        %add3A_1585 = arith.addi %xor3A_1579, %add3A_1584 : vector<16xi32>
        %select_n3A_1586 = arith.select %lt3A_1582, %add3A_1585, %xor3A_1579 : vector<16xi1>, vector<16xi32>
        %broadcast_in_dim3A_1587 = vector.shape_cast %select_n3A_1586 : vector<16xi32> to vector<16x1xi32>
        %gather3A_1588 = vector.shape_cast %broadcast_in_dim3A_1587 : vector<16x1xi32> to vector<16xi32>
        %gather3A_1589 = tpu.dynamic_gather %add3A_1576[%gather3A_1588] in [0] : vector<16xf32>, vector<16xi32> -> vector<16xf32>
        %add3A_1590 = arith.addf %add3A_1576, %gather3A_1589 : vector<16xf32>
        %eq3A_1591 = arith.constant 14 : i32
        %eq3A_1592 = vector.broadcast %eq3A_1591 : i32 to vector<16xi32>
        %eq3A_1593 = arith.cmpi eq, %iota3A, %eq3A_1592 : vector<16xi32>
        %select_n3A_1594 = arith.select %eq3A_1593, %add3A_1590, %select_n3A_1491 : vector<16xi1>, vector<16xf32>
        %mul3A_1595 = arith.constant 20 : i32
        %mul3A_1596 = arith.muli %scan3A_48, %mul3A_1595 : i32
        %add3A_1597 = arith.constant 15 : i32
        %add3A_1598 = arith.addi %mul3A_1596, %add3A_1597 : i32
        %get3A_1599 = arith.index_cast %add3A_52 : i32 to index
        %get3A_1600 = arith.constant 0 : index
        %get3A_1601 = tpu.vector_load %arg12[%get3A_1599, %get3A_1600] {strides = array<i32>} : memref<512x64xf32, #tpu.memory_space<vmem>>, vector<1x16xf32>,
        %get3A_1602 = vector.shape_cast %get3A_1601 : vector<1x16xf32> to vector<16xf32>
        %get3A_1603 = arith.index_cast %add3A_1598 : i32 to index
        %get3A_1604 = arith.constant 0 : index
        %get3A_1605 = tpu.vector_load %arg14[%get3A_1603, %get3A_1604] {strides = array<i32>} : memref<320x64xf32, #tpu.memory_space<vmem>>, vector<1x16xf32>,
        %get3A_1606 = vector.shape_cast %get3A_1605 : vector<1x16xf32> to vector<16xf32>
        %mul3A_1607 = arith.mulf %get3A_1602, %get3A_1606 : vector<16xf32>
        %get3A_1608 = arith.index_cast %add3A_52 : i32 to index
        %get3A_1609 = arith.constant 16 : index
        %get3A_1610 = tpu.vector_load %arg12[%get3A_1608, %get3A_1609] {strides = array<i32>} : memref<512x64xf32, #tpu.memory_space<vmem>>, vector<1x16xf32>,
        %get3A_1611 = vector.shape_cast %get3A_1610 : vector<1x16xf32> to vector<16xf32>
        %get3A_1612 = arith.index_cast %add3A_1598 : i32 to index
        %get3A_1613 = arith.constant 16 : index
        %get3A_1614 = tpu.vector_load %arg14[%get3A_1612, %get3A_1613] {strides = array<i32>} : memref<320x64xf32, #tpu.memory_space<vmem>>, vector<1x16xf32>,
        %get3A_1615 = vector.shape_cast %get3A_1614 : vector<1x16xf32> to vector<16xf32>
        %mul3A_1616 = arith.mulf %get3A_1611, %get3A_1615 : vector<16xf32>
        %add3A_1617 = arith.addf %mul3A_1607, %mul3A_1616 : vector<16xf32>
        %get3A_1618 = arith.index_cast %add3A_52 : i32 to index
        %get3A_1619 = arith.constant 32 : index
        %get3A_1620 = tpu.vector_load %arg12[%get3A_1618, %get3A_1619] {strides = array<i32>} : memref<512x64xf32, #tpu.memory_space<vmem>>, vector<1x16xf32>,
        %get3A_1621 = vector.shape_cast %get3A_1620 : vector<1x16xf32> to vector<16xf32>
        %get3A_1622 = arith.index_cast %add3A_1598 : i32 to index
        %get3A_1623 = arith.constant 32 : index
        %get3A_1624 = tpu.vector_load %arg14[%get3A_1622, %get3A_1623] {strides = array<i32>} : memref<320x64xf32, #tpu.memory_space<vmem>>, vector<1x16xf32>,
        %get3A_1625 = vector.shape_cast %get3A_1624 : vector<1x16xf32> to vector<16xf32>
        %mul3A_1626 = arith.mulf %get3A_1621, %get3A_1625 : vector<16xf32>
        %add3A_1627 = arith.addf %add3A_1617, %mul3A_1626 : vector<16xf32>
        %get3A_1628 = arith.index_cast %add3A_52 : i32 to index
        %get3A_1629 = arith.constant 48 : index
        %get3A_1630 = tpu.vector_load %arg12[%get3A_1628, %get3A_1629] {strides = array<i32>} : memref<512x64xf32, #tpu.memory_space<vmem>>, vector<1x16xf32>,
        %get3A_1631 = vector.shape_cast %get3A_1630 : vector<1x16xf32> to vector<16xf32>
        %get3A_1632 = arith.index_cast %add3A_1598 : i32 to index
        %get3A_1633 = arith.constant 48 : index
        %get3A_1634 = tpu.vector_load %arg14[%get3A_1632, %get3A_1633] {strides = array<i32>} : memref<320x64xf32, #tpu.memory_space<vmem>>, vector<1x16xf32>,
        %get3A_1635 = vector.shape_cast %get3A_1634 : vector<1x16xf32> to vector<16xf32>
        %mul3A_1636 = arith.mulf %get3A_1631, %get3A_1635 : vector<16xf32>
        %add3A_1637 = arith.addf %add3A_1627, %mul3A_1636 : vector<16xf32>
        %xor3A_1638 = arith.constant 8 : i32
        %xor3A_1639 = vector.broadcast %xor3A_1638 : i32 to vector<16xi32>
        %xor3A_1640 = arith.xori %iota3A, %xor3A_1639 : vector<16xi32>
        %lt3A_1641 = arith.constant 0 : i32
        %lt3A_1642 = vector.broadcast %lt3A_1641 : i32 to vector<16xi32>
        %lt3A_1643 = arith.cmpi slt, %xor3A_1640, %lt3A_1642 : vector<16xi32>
        %add3A_1644 = arith.constant 16 : i32
        %add3A_1645 = vector.broadcast %add3A_1644 : i32 to vector<16xi32>
        %add3A_1646 = arith.addi %xor3A_1640, %add3A_1645 : vector<16xi32>
        %select_n3A_1647 = arith.select %lt3A_1643, %add3A_1646, %xor3A_1640 : vector<16xi1>, vector<16xi32>
        %broadcast_in_dim3A_1648 = vector.shape_cast %select_n3A_1647 : vector<16xi32> to vector<16x1xi32>
        %gather3A_1649 = vector.shape_cast %broadcast_in_dim3A_1648 : vector<16x1xi32> to vector<16xi32>
        %gather3A_1650 = tpu.dynamic_gather %add3A_1637[%gather3A_1649] in [0] : vector<16xf32>, vector<16xi32> -> vector<16xf32>
        %add3A_1651 = arith.addf %add3A_1637, %gather3A_1650 : vector<16xf32>
        %xor3A_1652 = arith.constant 4 : i32
        %xor3A_1653 = vector.broadcast %xor3A_1652 : i32 to vector<16xi32>
        %xor3A_1654 = arith.xori %iota3A, %xor3A_1653 : vector<16xi32>
        %lt3A_1655 = arith.constant 0 : i32
        %lt3A_1656 = vector.broadcast %lt3A_1655 : i32 to vector<16xi32>
        %lt3A_1657 = arith.cmpi slt, %xor3A_1654, %lt3A_1656 : vector<16xi32>
        %add3A_1658 = arith.constant 16 : i32
        %add3A_1659 = vector.broadcast %add3A_1658 : i32 to vector<16xi32>
        %add3A_1660 = arith.addi %xor3A_1654, %add3A_1659 : vector<16xi32>
        %select_n3A_1661 = arith.select %lt3A_1657, %add3A_1660, %xor3A_1654 : vector<16xi1>, vector<16xi32>
        %broadcast_in_dim3A_1662 = vector.shape_cast %select_n3A_1661 : vector<16xi32> to vector<16x1xi32>
        %gather3A_1663 = vector.shape_cast %broadcast_in_dim3A_1662 : vector<16x1xi32> to vector<16xi32>
        %gather3A_1664 = tpu.dynamic_gather %add3A_1651[%gather3A_1663] in [0] : vector<16xf32>, vector<16xi32> -> vector<16xf32>
        %add3A_1665 = arith.addf %add3A_1651, %gather3A_1664 : vector<16xf32>
        %xor3A_1666 = arith.constant 2 : i32
        %xor3A_1667 = vector.broadcast %xor3A_1666 : i32 to vector<16xi32>
        %xor3A_1668 = arith.xori %iota3A, %xor3A_1667 : vector<16xi32>
        %lt3A_1669 = arith.constant 0 : i32
        %lt3A_1670 = vector.broadcast %lt3A_1669 : i32 to vector<16xi32>
        %lt3A_1671 = arith.cmpi slt, %xor3A_1668, %lt3A_1670 : vector<16xi32>
        %add3A_1672 = arith.constant 16 : i32
        %add3A_1673 = vector.broadcast %add3A_1672 : i32 to vector<16xi32>
        %add3A_1674 = arith.addi %xor3A_1668, %add3A_1673 : vector<16xi32>
        %select_n3A_1675 = arith.select %lt3A_1671, %add3A_1674, %xor3A_1668 : vector<16xi1>, vector<16xi32>
        %broadcast_in_dim3A_1676 = vector.shape_cast %select_n3A_1675 : vector<16xi32> to vector<16x1xi32>
        %gather3A_1677 = vector.shape_cast %broadcast_in_dim3A_1676 : vector<16x1xi32> to vector<16xi32>
        %gather3A_1678 = tpu.dynamic_gather %add3A_1665[%gather3A_1677] in [0] : vector<16xf32>, vector<16xi32> -> vector<16xf32>
        %add3A_1679 = arith.addf %add3A_1665, %gather3A_1678 : vector<16xf32>
        %xor3A_1680 = arith.constant 1 : i32
        %xor3A_1681 = vector.broadcast %xor3A_1680 : i32 to vector<16xi32>
        %xor3A_1682 = arith.xori %iota3A, %xor3A_1681 : vector<16xi32>
        %lt3A_1683 = arith.constant 0 : i32
        %lt3A_1684 = vector.broadcast %lt3A_1683 : i32 to vector<16xi32>
        %lt3A_1685 = arith.cmpi slt, %xor3A_1682, %lt3A_1684 : vector<16xi32>
        %add3A_1686 = arith.constant 16 : i32
        %add3A_1687 = vector.broadcast %add3A_1686 : i32 to vector<16xi32>
        %add3A_1688 = arith.addi %xor3A_1682, %add3A_1687 : vector<16xi32>
        %select_n3A_1689 = arith.select %lt3A_1685, %add3A_1688, %xor3A_1682 : vector<16xi1>, vector<16xi32>
        %broadcast_in_dim3A_1690 = vector.shape_cast %select_n3A_1689 : vector<16xi32> to vector<16x1xi32>
        %gather3A_1691 = vector.shape_cast %broadcast_in_dim3A_1690 : vector<16x1xi32> to vector<16xi32>
        %gather3A_1692 = tpu.dynamic_gather %add3A_1679[%gather3A_1691] in [0] : vector<16xf32>, vector<16xi32> -> vector<16xf32>
        %add3A_1693 = arith.addf %add3A_1679, %gather3A_1692 : vector<16xf32>
        %eq3A_1694 = arith.constant 15 : i32
        %eq3A_1695 = vector.broadcast %eq3A_1694 : i32 to vector<16xi32>
        %eq3A_1696 = arith.cmpi eq, %iota3A, %eq3A_1695 : vector<16xi32>
        %select_n3A_1697 = arith.select %eq3A_1696, %add3A_1693, %select_n3A_1594 : vector<16xi1>, vector<16xf32>
        %mul3A_1698 = arith.constant 20 : i32
        %mul3A_1699 = arith.muli %scan3A_48, %mul3A_1698 : i32
        %add3A_1700 = arith.constant 16 : i32
        %add3A_1701 = arith.addi %mul3A_1699, %add3A_1700 : i32
        %get3A_1702 = arith.index_cast %add3A_52 : i32 to index
        %get3A_1703 = arith.constant 0 : index
        %get3A_1704 = tpu.vector_load %arg12[%get3A_1702, %get3A_1703] {strides = array<i32>} : memref<512x64xf32, #tpu.memory_space<vmem>>, vector<1x16xf32>,
        %get3A_1705 = vector.shape_cast %get3A_1704 : vector<1x16xf32> to vector<16xf32>
        %get3A_1706 = arith.index_cast %add3A_1701 : i32 to index
        %get3A_1707 = arith.constant 0 : index
        %get3A_1708 = tpu.vector_load %arg14[%get3A_1706, %get3A_1707] {strides = array<i32>} : memref<320x64xf32, #tpu.memory_space<vmem>>, vector<1x16xf32>,
        %get3A_1709 = vector.shape_cast %get3A_1708 : vector<1x16xf32> to vector<16xf32>
        %mul3A_1710 = arith.mulf %get3A_1705, %get3A_1709 : vector<16xf32>
        %get3A_1711 = arith.index_cast %add3A_52 : i32 to index
        %get3A_1712 = arith.constant 16 : index
        %get3A_1713 = tpu.vector_load %arg12[%get3A_1711, %get3A_1712] {strides = array<i32>} : memref<512x64xf32, #tpu.memory_space<vmem>>, vector<1x16xf32>,
        %get3A_1714 = vector.shape_cast %get3A_1713 : vector<1x16xf32> to vector<16xf32>
        %get3A_1715 = arith.index_cast %add3A_1701 : i32 to index
        %get3A_1716 = arith.constant 16 : index
        %get3A_1717 = tpu.vector_load %arg14[%get3A_1715, %get3A_1716] {strides = array<i32>} : memref<320x64xf32, #tpu.memory_space<vmem>>, vector<1x16xf32>,
        %get3A_1718 = vector.shape_cast %get3A_1717 : vector<1x16xf32> to vector<16xf32>
        %mul3A_1719 = arith.mulf %get3A_1714, %get3A_1718 : vector<16xf32>
        %add3A_1720 = arith.addf %mul3A_1710, %mul3A_1719 : vector<16xf32>
        %get3A_1721 = arith.index_cast %add3A_52 : i32 to index
        %get3A_1722 = arith.constant 32 : index
        %get3A_1723 = tpu.vector_load %arg12[%get3A_1721, %get3A_1722] {strides = array<i32>} : memref<512x64xf32, #tpu.memory_space<vmem>>, vector<1x16xf32>,
        %get3A_1724 = vector.shape_cast %get3A_1723 : vector<1x16xf32> to vector<16xf32>
        %get3A_1725 = arith.index_cast %add3A_1701 : i32 to index
        %get3A_1726 = arith.constant 32 : index
        %get3A_1727 = tpu.vector_load %arg14[%get3A_1725, %get3A_1726] {strides = array<i32>} : memref<320x64xf32, #tpu.memory_space<vmem>>, vector<1x16xf32>,
        %get3A_1728 = vector.shape_cast %get3A_1727 : vector<1x16xf32> to vector<16xf32>
        %mul3A_1729 = arith.mulf %get3A_1724, %get3A_1728 : vector<16xf32>
        %add3A_1730 = arith.addf %add3A_1720, %mul3A_1729 : vector<16xf32>
        %get3A_1731 = arith.index_cast %add3A_52 : i32 to index
        %get3A_1732 = arith.constant 48 : index
        %get3A_1733 = tpu.vector_load %arg12[%get3A_1731, %get3A_1732] {strides = array<i32>} : memref<512x64xf32, #tpu.memory_space<vmem>>, vector<1x16xf32>,
        %get3A_1734 = vector.shape_cast %get3A_1733 : vector<1x16xf32> to vector<16xf32>
        %get3A_1735 = arith.index_cast %add3A_1701 : i32 to index
        %get3A_1736 = arith.constant 48 : index
        %get3A_1737 = tpu.vector_load %arg14[%get3A_1735, %get3A_1736] {strides = array<i32>} : memref<320x64xf32, #tpu.memory_space<vmem>>, vector<1x16xf32>,
        %get3A_1738 = vector.shape_cast %get3A_1737 : vector<1x16xf32> to vector<16xf32>
        %mul3A_1739 = arith.mulf %get3A_1734, %get3A_1738 : vector<16xf32>
        %add3A_1740 = arith.addf %add3A_1730, %mul3A_1739 : vector<16xf32>
        %xor3A_1741 = arith.constant 8 : i32
        %xor3A_1742 = vector.broadcast %xor3A_1741 : i32 to vector<16xi32>
        %xor3A_1743 = arith.xori %iota3A, %xor3A_1742 : vector<16xi32>
        %lt3A_1744 = arith.constant 0 : i32
        %lt3A_1745 = vector.broadcast %lt3A_1744 : i32 to vector<16xi32>
        %lt3A_1746 = arith.cmpi slt, %xor3A_1743, %lt3A_1745 : vector<16xi32>
        %add3A_1747 = arith.constant 16 : i32
        %add3A_1748 = vector.broadcast %add3A_1747 : i32 to vector<16xi32>
        %add3A_1749 = arith.addi %xor3A_1743, %add3A_1748 : vector<16xi32>
        %select_n3A_1750 = arith.select %lt3A_1746, %add3A_1749, %xor3A_1743 : vector<16xi1>, vector<16xi32>
        %broadcast_in_dim3A_1751 = vector.shape_cast %select_n3A_1750 : vector<16xi32> to vector<16x1xi32>
        %gather3A_1752 = vector.shape_cast %broadcast_in_dim3A_1751 : vector<16x1xi32> to vector<16xi32>
        %gather3A_1753 = tpu.dynamic_gather %add3A_1740[%gather3A_1752] in [0] : vector<16xf32>, vector<16xi32> -> vector<16xf32>
        %add3A_1754 = arith.addf %add3A_1740, %gather3A_1753 : vector<16xf32>
        %xor3A_1755 = arith.constant 4 : i32
        %xor3A_1756 = vector.broadcast %xor3A_1755 : i32 to vector<16xi32>
        %xor3A_1757 = arith.xori %iota3A, %xor3A_1756 : vector<16xi32>
        %lt3A_1758 = arith.constant 0 : i32
        %lt3A_1759 = vector.broadcast %lt3A_1758 : i32 to vector<16xi32>
        %lt3A_1760 = arith.cmpi slt, %xor3A_1757, %lt3A_1759 : vector<16xi32>
        %add3A_1761 = arith.constant 16 : i32
        %add3A_1762 = vector.broadcast %add3A_1761 : i32 to vector<16xi32>
        %add3A_1763 = arith.addi %xor3A_1757, %add3A_1762 : vector<16xi32>
        %select_n3A_1764 = arith.select %lt3A_1760, %add3A_1763, %xor3A_1757 : vector<16xi1>, vector<16xi32>
        %broadcast_in_dim3A_1765 = vector.shape_cast %select_n3A_1764 : vector<16xi32> to vector<16x1xi32>
        %gather3A_1766 = vector.shape_cast %broadcast_in_dim3A_1765 : vector<16x1xi32> to vector<16xi32>
        %gather3A_1767 = tpu.dynamic_gather %add3A_1754[%gather3A_1766] in [0] : vector<16xf32>, vector<16xi32> -> vector<16xf32>
        %add3A_1768 = arith.addf %add3A_1754, %gather3A_1767 : vector<16xf32>
        %xor3A_1769 = arith.constant 2 : i32
        %xor3A_1770 = vector.broadcast %xor3A_1769 : i32 to vector<16xi32>
        %xor3A_1771 = arith.xori %iota3A, %xor3A_1770 : vector<16xi32>
        %lt3A_1772 = arith.constant 0 : i32
        %lt3A_1773 = vector.broadcast %lt3A_1772 : i32 to vector<16xi32>
        %lt3A_1774 = arith.cmpi slt, %xor3A_1771, %lt3A_1773 : vector<16xi32>
        %add3A_1775 = arith.constant 16 : i32
        %add3A_1776 = vector.broadcast %add3A_1775 : i32 to vector<16xi32>
        %add3A_1777 = arith.addi %xor3A_1771, %add3A_1776 : vector<16xi32>
        %select_n3A_1778 = arith.select %lt3A_1774, %add3A_1777, %xor3A_1771 : vector<16xi1>, vector<16xi32>
        %broadcast_in_dim3A_1779 = vector.shape_cast %select_n3A_1778 : vector<16xi32> to vector<16x1xi32>
        %gather3A_1780 = vector.shape_cast %broadcast_in_dim3A_1779 : vector<16x1xi32> to vector<16xi32>
        %gather3A_1781 = tpu.dynamic_gather %add3A_1768[%gather3A_1780] in [0] : vector<16xf32>, vector<16xi32> -> vector<16xf32>
        %add3A_1782 = arith.addf %add3A_1768, %gather3A_1781 : vector<16xf32>
        %xor3A_1783 = arith.constant 1 : i32
        %xor3A_1784 = vector.broadcast %xor3A_1783 : i32 to vector<16xi32>
        %xor3A_1785 = arith.xori %iota3A, %xor3A_1784 : vector<16xi32>
        %lt3A_1786 = arith.constant 0 : i32
        %lt3A_1787 = vector.broadcast %lt3A_1786 : i32 to vector<16xi32>
        %lt3A_1788 = arith.cmpi slt, %xor3A_1785, %lt3A_1787 : vector<16xi32>
        %add3A_1789 = arith.constant 16 : i32
        %add3A_1790 = vector.broadcast %add3A_1789 : i32 to vector<16xi32>
        %add3A_1791 = arith.addi %xor3A_1785, %add3A_1790 : vector<16xi32>
        %select_n3A_1792 = arith.select %lt3A_1788, %add3A_1791, %xor3A_1785 : vector<16xi1>, vector<16xi32>
        %broadcast_in_dim3A_1793 = vector.shape_cast %select_n3A_1792 : vector<16xi32> to vector<16x1xi32>
        %gather3A_1794 = vector.shape_cast %broadcast_in_dim3A_1793 : vector<16x1xi32> to vector<16xi32>
        %gather3A_1795 = tpu.dynamic_gather %add3A_1782[%gather3A_1794] in [0] : vector<16xf32>, vector<16xi32> -> vector<16xf32>
        %add3A_1796 = arith.addf %add3A_1782, %gather3A_1795 : vector<16xf32>
        %eq3A_1797 = arith.constant 0 : i32
        %eq3A_1798 = vector.broadcast %eq3A_1797 : i32 to vector<16xi32>
        %eq3A_1799 = arith.cmpi eq, %iota3A, %eq3A_1798 : vector<16xi32>
        %select_n3A_1800 = arith.select %eq3A_1799, %add3A_1796, %broadcast_in_dim3A_55 : vector<16xi1>, vector<16xf32>
        %mul3A_1801 = arith.constant 20 : i32
        %mul3A_1802 = arith.muli %scan3A_48, %mul3A_1801 : i32
        %add3A_1803 = arith.constant 17 : i32
        %add3A_1804 = arith.addi %mul3A_1802, %add3A_1803 : i32
        %get3A_1805 = arith.index_cast %add3A_52 : i32 to index
        %get3A_1806 = arith.constant 0 : index
        %get3A_1807 = tpu.vector_load %arg12[%get3A_1805, %get3A_1806] {strides = array<i32>} : memref<512x64xf32, #tpu.memory_space<vmem>>, vector<1x16xf32>,
        %get3A_1808 = vector.shape_cast %get3A_1807 : vector<1x16xf32> to vector<16xf32>
        %get3A_1809 = arith.index_cast %add3A_1804 : i32 to index
        %get3A_1810 = arith.constant 0 : index
        %get3A_1811 = tpu.vector_load %arg14[%get3A_1809, %get3A_1810] {strides = array<i32>} : memref<320x64xf32, #tpu.memory_space<vmem>>, vector<1x16xf32>,
        %get3A_1812 = vector.shape_cast %get3A_1811 : vector<1x16xf32> to vector<16xf32>
        %mul3A_1813 = arith.mulf %get3A_1808, %get3A_1812 : vector<16xf32>
        %get3A_1814 = arith.index_cast %add3A_52 : i32 to index
        %get3A_1815 = arith.constant 16 : index
        %get3A_1816 = tpu.vector_load %arg12[%get3A_1814, %get3A_1815] {strides = array<i32>} : memref<512x64xf32, #tpu.memory_space<vmem>>, vector<1x16xf32>,
        %get3A_1817 = vector.shape_cast %get3A_1816 : vector<1x16xf32> to vector<16xf32>
        %get3A_1818 = arith.index_cast %add3A_1804 : i32 to index
        %get3A_1819 = arith.constant 16 : index
        %get3A_1820 = tpu.vector_load %arg14[%get3A_1818, %get3A_1819] {strides = array<i32>} : memref<320x64xf32, #tpu.memory_space<vmem>>, vector<1x16xf32>,
        %get3A_1821 = vector.shape_cast %get3A_1820 : vector<1x16xf32> to vector<16xf32>
        %mul3A_1822 = arith.mulf %get3A_1817, %get3A_1821 : vector<16xf32>
        %add3A_1823 = arith.addf %mul3A_1813, %mul3A_1822 : vector<16xf32>
        %get3A_1824 = arith.index_cast %add3A_52 : i32 to index
        %get3A_1825 = arith.constant 32 : index
        %get3A_1826 = tpu.vector_load %arg12[%get3A_1824, %get3A_1825] {strides = array<i32>} : memref<512x64xf32, #tpu.memory_space<vmem>>, vector<1x16xf32>,
        %get3A_1827 = vector.shape_cast %get3A_1826 : vector<1x16xf32> to vector<16xf32>
        %get3A_1828 = arith.index_cast %add3A_1804 : i32 to index
        %get3A_1829 = arith.constant 32 : index
        %get3A_1830 = tpu.vector_load %arg14[%get3A_1828, %get3A_1829] {strides = array<i32>} : memref<320x64xf32, #tpu.memory_space<vmem>>, vector<1x16xf32>,
        %get3A_1831 = vector.shape_cast %get3A_1830 : vector<1x16xf32> to vector<16xf32>
        %mul3A_1832 = arith.mulf %get3A_1827, %get3A_1831 : vector<16xf32>
        %add3A_1833 = arith.addf %add3A_1823, %mul3A_1832 : vector<16xf32>
        %get3A_1834 = arith.index_cast %add3A_52 : i32 to index
        %get3A_1835 = arith.constant 48 : index
        %get3A_1836 = tpu.vector_load %arg12[%get3A_1834, %get3A_1835] {strides = array<i32>} : memref<512x64xf32, #tpu.memory_space<vmem>>, vector<1x16xf32>,
        %get3A_1837 = vector.shape_cast %get3A_1836 : vector<1x16xf32> to vector<16xf32>
        %get3A_1838 = arith.index_cast %add3A_1804 : i32 to index
        %get3A_1839 = arith.constant 48 : index
        %get3A_1840 = tpu.vector_load %arg14[%get3A_1838, %get3A_1839] {strides = array<i32>} : memref<320x64xf32, #tpu.memory_space<vmem>>, vector<1x16xf32>,
        %get3A_1841 = vector.shape_cast %get3A_1840 : vector<1x16xf32> to vector<16xf32>
        %mul3A_1842 = arith.mulf %get3A_1837, %get3A_1841 : vector<16xf32>
        %add3A_1843 = arith.addf %add3A_1833, %mul3A_1842 : vector<16xf32>
        %xor3A_1844 = arith.constant 8 : i32
        %xor3A_1845 = vector.broadcast %xor3A_1844 : i32 to vector<16xi32>
        %xor3A_1846 = arith.xori %iota3A, %xor3A_1845 : vector<16xi32>
        %lt3A_1847 = arith.constant 0 : i32
        %lt3A_1848 = vector.broadcast %lt3A_1847 : i32 to vector<16xi32>
        %lt3A_1849 = arith.cmpi slt, %xor3A_1846, %lt3A_1848 : vector<16xi32>
        %add3A_1850 = arith.constant 16 : i32
        %add3A_1851 = vector.broadcast %add3A_1850 : i32 to vector<16xi32>
        %add3A_1852 = arith.addi %xor3A_1846, %add3A_1851 : vector<16xi32>
        %select_n3A_1853 = arith.select %lt3A_1849, %add3A_1852, %xor3A_1846 : vector<16xi1>, vector<16xi32>
        %broadcast_in_dim3A_1854 = vector.shape_cast %select_n3A_1853 : vector<16xi32> to vector<16x1xi32>
        %gather3A_1855 = vector.shape_cast %broadcast_in_dim3A_1854 : vector<16x1xi32> to vector<16xi32>
        %gather3A_1856 = tpu.dynamic_gather %add3A_1843[%gather3A_1855] in [0] : vector<16xf32>, vector<16xi32> -> vector<16xf32>
        %add3A_1857 = arith.addf %add3A_1843, %gather3A_1856 : vector<16xf32>
        %xor3A_1858 = arith.constant 4 : i32
        %xor3A_1859 = vector.broadcast %xor3A_1858 : i32 to vector<16xi32>
        %xor3A_1860 = arith.xori %iota3A, %xor3A_1859 : vector<16xi32>
        %lt3A_1861 = arith.constant 0 : i32
        %lt3A_1862 = vector.broadcast %lt3A_1861 : i32 to vector<16xi32>
        %lt3A_1863 = arith.cmpi slt, %xor3A_1860, %lt3A_1862 : vector<16xi32>
        %add3A_1864 = arith.constant 16 : i32
        %add3A_1865 = vector.broadcast %add3A_1864 : i32 to vector<16xi32>
        %add3A_1866 = arith.addi %xor3A_1860, %add3A_1865 : vector<16xi32>
        %select_n3A_1867 = arith.select %lt3A_1863, %add3A_1866, %xor3A_1860 : vector<16xi1>, vector<16xi32>
        %broadcast_in_dim3A_1868 = vector.shape_cast %select_n3A_1867 : vector<16xi32> to vector<16x1xi32>
        %gather3A_1869 = vector.shape_cast %broadcast_in_dim3A_1868 : vector<16x1xi32> to vector<16xi32>
        %gather3A_1870 = tpu.dynamic_gather %add3A_1857[%gather3A_1869] in [0] : vector<16xf32>, vector<16xi32> -> vector<16xf32>
        %add3A_1871 = arith.addf %add3A_1857, %gather3A_1870 : vector<16xf32>
        %xor3A_1872 = arith.constant 2 : i32
        %xor3A_1873 = vector.broadcast %xor3A_1872 : i32 to vector<16xi32>
        %xor3A_1874 = arith.xori %iota3A, %xor3A_1873 : vector<16xi32>
        %lt3A_1875 = arith.constant 0 : i32
        %lt3A_1876 = vector.broadcast %lt3A_1875 : i32 to vector<16xi32>
        %lt3A_1877 = arith.cmpi slt, %xor3A_1874, %lt3A_1876 : vector<16xi32>
        %add3A_1878 = arith.constant 16 : i32
        %add3A_1879 = vector.broadcast %add3A_1878 : i32 to vector<16xi32>
        %add3A_1880 = arith.addi %xor3A_1874, %add3A_1879 : vector<16xi32>
        %select_n3A_1881 = arith.select %lt3A_1877, %add3A_1880, %xor3A_1874 : vector<16xi1>, vector<16xi32>
        %broadcast_in_dim3A_1882 = vector.shape_cast %select_n3A_1881 : vector<16xi32> to vector<16x1xi32>
        %gather3A_1883 = vector.shape_cast %broadcast_in_dim3A_1882 : vector<16x1xi32> to vector<16xi32>
        %gather3A_1884 = tpu.dynamic_gather %add3A_1871[%gather3A_1883] in [0] : vector<16xf32>, vector<16xi32> -> vector<16xf32>
        %add3A_1885 = arith.addf %add3A_1871, %gather3A_1884 : vector<16xf32>
        %xor3A_1886 = arith.constant 1 : i32
        %xor3A_1887 = vector.broadcast %xor3A_1886 : i32 to vector<16xi32>
        %xor3A_1888 = arith.xori %iota3A, %xor3A_1887 : vector<16xi32>
        %lt3A_1889 = arith.constant 0 : i32
        %lt3A_1890 = vector.broadcast %lt3A_1889 : i32 to vector<16xi32>
        %lt3A_1891 = arith.cmpi slt, %xor3A_1888, %lt3A_1890 : vector<16xi32>
        %add3A_1892 = arith.constant 16 : i32
        %add3A_1893 = vector.broadcast %add3A_1892 : i32 to vector<16xi32>
        %add3A_1894 = arith.addi %xor3A_1888, %add3A_1893 : vector<16xi32>
        %select_n3A_1895 = arith.select %lt3A_1891, %add3A_1894, %xor3A_1888 : vector<16xi1>, vector<16xi32>
        %broadcast_in_dim3A_1896 = vector.shape_cast %select_n3A_1895 : vector<16xi32> to vector<16x1xi32>
        %gather3A_1897 = vector.shape_cast %broadcast_in_dim3A_1896 : vector<16x1xi32> to vector<16xi32>
        %gather3A_1898 = tpu.dynamic_gather %add3A_1885[%gather3A_1897] in [0] : vector<16xf32>, vector<16xi32> -> vector<16xf32>
        %add3A_1899 = arith.addf %add3A_1885, %gather3A_1898 : vector<16xf32>
        %eq3A_1900 = arith.constant 1 : i32
        %eq3A_1901 = vector.broadcast %eq3A_1900 : i32 to vector<16xi32>
        %eq3A_1902 = arith.cmpi eq, %iota3A, %eq3A_1901 : vector<16xi32>
        %select_n3A_1903 = arith.select %eq3A_1902, %add3A_1899, %select_n3A_1800 : vector<16xi1>, vector<16xf32>
        %mul3A_1904 = arith.constant 20 : i32
        %mul3A_1905 = arith.muli %scan3A_48, %mul3A_1904 : i32
        %add3A_1906 = arith.constant 18 : i32
        %add3A_1907 = arith.addi %mul3A_1905, %add3A_1906 : i32
        %get3A_1908 = arith.index_cast %add3A_52 : i32 to index
        %get3A_1909 = arith.constant 0 : index
        %get3A_1910 = tpu.vector_load %arg12[%get3A_1908, %get3A_1909] {strides = array<i32>} : memref<512x64xf32, #tpu.memory_space<vmem>>, vector<1x16xf32>,
        %get3A_1911 = vector.shape_cast %get3A_1910 : vector<1x16xf32> to vector<16xf32>
        %get3A_1912 = arith.index_cast %add3A_1907 : i32 to index
        %get3A_1913 = arith.constant 0 : index
        %get3A_1914 = tpu.vector_load %arg14[%get3A_1912, %get3A_1913] {strides = array<i32>} : memref<320x64xf32, #tpu.memory_space<vmem>>, vector<1x16xf32>,
        %get3A_1915 = vector.shape_cast %get3A_1914 : vector<1x16xf32> to vector<16xf32>
        %mul3A_1916 = arith.mulf %get3A_1911, %get3A_1915 : vector<16xf32>
        %get3A_1917 = arith.index_cast %add3A_52 : i32 to index
        %get3A_1918 = arith.constant 16 : index
        %get3A_1919 = tpu.vector_load %arg12[%get3A_1917, %get3A_1918] {strides = array<i32>} : memref<512x64xf32, #tpu.memory_space<vmem>>, vector<1x16xf32>,
        %get3A_1920 = vector.shape_cast %get3A_1919 : vector<1x16xf32> to vector<16xf32>
        %get3A_1921 = arith.index_cast %add3A_1907 : i32 to index
        %get3A_1922 = arith.constant 16 : index
        %get3A_1923 = tpu.vector_load %arg14[%get3A_1921, %get3A_1922] {strides = array<i32>} : memref<320x64xf32, #tpu.memory_space<vmem>>, vector<1x16xf32>,
        %get3A_1924 = vector.shape_cast %get3A_1923 : vector<1x16xf32> to vector<16xf32>
        %mul3A_1925 = arith.mulf %get3A_1920, %get3A_1924 : vector<16xf32>
        %add3A_1926 = arith.addf %mul3A_1916, %mul3A_1925 : vector<16xf32>
        %get3A_1927 = arith.index_cast %add3A_52 : i32 to index
        %get3A_1928 = arith.constant 32 : index
        %get3A_1929 = tpu.vector_load %arg12[%get3A_1927, %get3A_1928] {strides = array<i32>} : memref<512x64xf32, #tpu.memory_space<vmem>>, vector<1x16xf32>,
        %get3A_1930 = vector.shape_cast %get3A_1929 : vector<1x16xf32> to vector<16xf32>
        %get3A_1931 = arith.index_cast %add3A_1907 : i32 to index
        %get3A_1932 = arith.constant 32 : index
        %get3A_1933 = tpu.vector_load %arg14[%get3A_1931, %get3A_1932] {strides = array<i32>} : memref<320x64xf32, #tpu.memory_space<vmem>>, vector<1x16xf32>,
        %get3A_1934 = vector.shape_cast %get3A_1933 : vector<1x16xf32> to vector<16xf32>
        %mul3A_1935 = arith.mulf %get3A_1930, %get3A_1934 : vector<16xf32>
        %add3A_1936 = arith.addf %add3A_1926, %mul3A_1935 : vector<16xf32>
        %get3A_1937 = arith.index_cast %add3A_52 : i32 to index
        %get3A_1938 = arith.constant 48 : index
        %get3A_1939 = tpu.vector_load %arg12[%get3A_1937, %get3A_1938] {strides = array<i32>} : memref<512x64xf32, #tpu.memory_space<vmem>>, vector<1x16xf32>,
        %get3A_1940 = vector.shape_cast %get3A_1939 : vector<1x16xf32> to vector<16xf32>
        %get3A_1941 = arith.index_cast %add3A_1907 : i32 to index
        %get3A_1942 = arith.constant 48 : index
        %get3A_1943 = tpu.vector_load %arg14[%get3A_1941, %get3A_1942] {strides = array<i32>} : memref<320x64xf32, #tpu.memory_space<vmem>>, vector<1x16xf32>,
        %get3A_1944 = vector.shape_cast %get3A_1943 : vector<1x16xf32> to vector<16xf32>
        %mul3A_1945 = arith.mulf %get3A_1940, %get3A_1944 : vector<16xf32>
        %add3A_1946 = arith.addf %add3A_1936, %mul3A_1945 : vector<16xf32>
        %xor3A_1947 = arith.constant 8 : i32
        %xor3A_1948 = vector.broadcast %xor3A_1947 : i32 to vector<16xi32>
        %xor3A_1949 = arith.xori %iota3A, %xor3A_1948 : vector<16xi32>
        %lt3A_1950 = arith.constant 0 : i32
        %lt3A_1951 = vector.broadcast %lt3A_1950 : i32 to vector<16xi32>
        %lt3A_1952 = arith.cmpi slt, %xor3A_1949, %lt3A_1951 : vector<16xi32>
        %add3A_1953 = arith.constant 16 : i32
        %add3A_1954 = vector.broadcast %add3A_1953 : i32 to vector<16xi32>
        %add3A_1955 = arith.addi %xor3A_1949, %add3A_1954 : vector<16xi32>
        %select_n3A_1956 = arith.select %lt3A_1952, %add3A_1955, %xor3A_1949 : vector<16xi1>, vector<16xi32>
        %broadcast_in_dim3A_1957 = vector.shape_cast %select_n3A_1956 : vector<16xi32> to vector<16x1xi32>
        %gather3A_1958 = vector.shape_cast %broadcast_in_dim3A_1957 : vector<16x1xi32> to vector<16xi32>
        %gather3A_1959 = tpu.dynamic_gather %add3A_1946[%gather3A_1958] in [0] : vector<16xf32>, vector<16xi32> -> vector<16xf32>
        %add3A_1960 = arith.addf %add3A_1946, %gather3A_1959 : vector<16xf32>
        %xor3A_1961 = arith.constant 4 : i32
        %xor3A_1962 = vector.broadcast %xor3A_1961 : i32 to vector<16xi32>
        %xor3A_1963 = arith.xori %iota3A, %xor3A_1962 : vector<16xi32>
        %lt3A_1964 = arith.constant 0 : i32
        %lt3A_1965 = vector.broadcast %lt3A_1964 : i32 to vector<16xi32>
        %lt3A_1966 = arith.cmpi slt, %xor3A_1963, %lt3A_1965 : vector<16xi32>
        %add3A_1967 = arith.constant 16 : i32
        %add3A_1968 = vector.broadcast %add3A_1967 : i32 to vector<16xi32>
        %add3A_1969 = arith.addi %xor3A_1963, %add3A_1968 : vector<16xi32>
        %select_n3A_1970 = arith.select %lt3A_1966, %add3A_1969, %xor3A_1963 : vector<16xi1>, vector<16xi32>
        %broadcast_in_dim3A_1971 = vector.shape_cast %select_n3A_1970 : vector<16xi32> to vector<16x1xi32>
        %gather3A_1972 = vector.shape_cast %broadcast_in_dim3A_1971 : vector<16x1xi32> to vector<16xi32>
        %gather3A_1973 = tpu.dynamic_gather %add3A_1960[%gather3A_1972] in [0] : vector<16xf32>, vector<16xi32> -> vector<16xf32>
        %add3A_1974 = arith.addf %add3A_1960, %gather3A_1973 : vector<16xf32>
        %xor3A_1975 = arith.constant 2 : i32
        %xor3A_1976 = vector.broadcast %xor3A_1975 : i32 to vector<16xi32>
        %xor3A_1977 = arith.xori %iota3A, %xor3A_1976 : vector<16xi32>
        %lt3A_1978 = arith.constant 0 : i32
        %lt3A_1979 = vector.broadcast %lt3A_1978 : i32 to vector<16xi32>
        %lt3A_1980 = arith.cmpi slt, %xor3A_1977, %lt3A_1979 : vector<16xi32>
        %add3A_1981 = arith.constant 16 : i32
        %add3A_1982 = vector.broadcast %add3A_1981 : i32 to vector<16xi32>
        %add3A_1983 = arith.addi %xor3A_1977, %add3A_1982 : vector<16xi32>
        %select_n3A_1984 = arith.select %lt3A_1980, %add3A_1983, %xor3A_1977 : vector<16xi1>, vector<16xi32>
        %broadcast_in_dim3A_1985 = vector.shape_cast %select_n3A_1984 : vector<16xi32> to vector<16x1xi32>
        %gather3A_1986 = vector.shape_cast %broadcast_in_dim3A_1985 : vector<16x1xi32> to vector<16xi32>
        %gather3A_1987 = tpu.dynamic_gather %add3A_1974[%gather3A_1986] in [0] : vector<16xf32>, vector<16xi32> -> vector<16xf32>
        %add3A_1988 = arith.addf %add3A_1974, %gather3A_1987 : vector<16xf32>
        %xor3A_1989 = arith.constant 1 : i32
        %xor3A_1990 = vector.broadcast %xor3A_1989 : i32 to vector<16xi32>
        %xor3A_1991 = arith.xori %iota3A, %xor3A_1990 : vector<16xi32>
        %lt3A_1992 = arith.constant 0 : i32
        %lt3A_1993 = vector.broadcast %lt3A_1992 : i32 to vector<16xi32>
        %lt3A_1994 = arith.cmpi slt, %xor3A_1991, %lt3A_1993 : vector<16xi32>
        %add3A_1995 = arith.constant 16 : i32
        %add3A_1996 = vector.broadcast %add3A_1995 : i32 to vector<16xi32>
        %add3A_1997 = arith.addi %xor3A_1991, %add3A_1996 : vector<16xi32>
        %select_n3A_1998 = arith.select %lt3A_1994, %add3A_1997, %xor3A_1991 : vector<16xi1>, vector<16xi32>
        %broadcast_in_dim3A_1999 = vector.shape_cast %select_n3A_1998 : vector<16xi32> to vector<16x1xi32>
        %gather3A_2000 = vector.shape_cast %broadcast_in_dim3A_1999 : vector<16x1xi32> to vector<16xi32>
        %gather3A_2001 = tpu.dynamic_gather %add3A_1988[%gather3A_2000] in [0] : vector<16xf32>, vector<16xi32> -> vector<16xf32>
        %add3A_2002 = arith.addf %add3A_1988, %gather3A_2001 : vector<16xf32>
        %eq3A_2003 = arith.constant 2 : i32
        %eq3A_2004 = vector.broadcast %eq3A_2003 : i32 to vector<16xi32>
        %eq3A_2005 = arith.cmpi eq, %iota3A, %eq3A_2004 : vector<16xi32>
        %select_n3A_2006 = arith.select %eq3A_2005, %add3A_2002, %select_n3A_1903 : vector<16xi1>, vector<16xf32>
        %mul3A_2007 = arith.constant 20 : i32
        %mul3A_2008 = arith.muli %scan3A_48, %mul3A_2007 : i32
        %add3A_2009 = arith.constant 19 : i32
        %add3A_2010 = arith.addi %mul3A_2008, %add3A_2009 : i32
        %get3A_2011 = arith.index_cast %add3A_52 : i32 to index
        %get3A_2012 = arith.constant 0 : index
        %get3A_2013 = tpu.vector_load %arg12[%get3A_2011, %get3A_2012] {strides = array<i32>} : memref<512x64xf32, #tpu.memory_space<vmem>>, vector<1x16xf32>,
        %get3A_2014 = vector.shape_cast %get3A_2013 : vector<1x16xf32> to vector<16xf32>
        %get3A_2015 = arith.index_cast %add3A_2010 : i32 to index
        %get3A_2016 = arith.constant 0 : index
        %get3A_2017 = tpu.vector_load %arg14[%get3A_2015, %get3A_2016] {strides = array<i32>} : memref<320x64xf32, #tpu.memory_space<vmem>>, vector<1x16xf32>,
        %get3A_2018 = vector.shape_cast %get3A_2017 : vector<1x16xf32> to vector<16xf32>
        %mul3A_2019 = arith.mulf %get3A_2014, %get3A_2018 : vector<16xf32>
        %get3A_2020 = arith.index_cast %add3A_52 : i32 to index
        %get3A_2021 = arith.constant 16 : index
        %get3A_2022 = tpu.vector_load %arg12[%get3A_2020, %get3A_2021] {strides = array<i32>} : memref<512x64xf32, #tpu.memory_space<vmem>>, vector<1x16xf32>,
        %get3A_2023 = vector.shape_cast %get3A_2022 : vector<1x16xf32> to vector<16xf32>
        %get3A_2024 = arith.index_cast %add3A_2010 : i32 to index
        %get3A_2025 = arith.constant 16 : index
        %get3A_2026 = tpu.vector_load %arg14[%get3A_2024, %get3A_2025] {strides = array<i32>} : memref<320x64xf32, #tpu.memory_space<vmem>>, vector<1x16xf32>,
        %get3A_2027 = vector.shape_cast %get3A_2026 : vector<1x16xf32> to vector<16xf32>
        %mul3A_2028 = arith.mulf %get3A_2023, %get3A_2027 : vector<16xf32>
        %add3A_2029 = arith.addf %mul3A_2019, %mul3A_2028 : vector<16xf32>
        %get3A_2030 = arith.index_cast %add3A_52 : i32 to index
        %get3A_2031 = arith.constant 32 : index
        %get3A_2032 = tpu.vector_load %arg12[%get3A_2030, %get3A_2031] {strides = array<i32>} : memref<512x64xf32, #tpu.memory_space<vmem>>, vector<1x16xf32>,
        %get3A_2033 = vector.shape_cast %get3A_2032 : vector<1x16xf32> to vector<16xf32>
        %get3A_2034 = arith.index_cast %add3A_2010 : i32 to index
        %get3A_2035 = arith.constant 32 : index
        %get3A_2036 = tpu.vector_load %arg14[%get3A_2034, %get3A_2035] {strides = array<i32>} : memref<320x64xf32, #tpu.memory_space<vmem>>, vector<1x16xf32>,
        %get3A_2037 = vector.shape_cast %get3A_2036 : vector<1x16xf32> to vector<16xf32>
        %mul3A_2038 = arith.mulf %get3A_2033, %get3A_2037 : vector<16xf32>
        %add3A_2039 = arith.addf %add3A_2029, %mul3A_2038 : vector<16xf32>
        %get3A_2040 = arith.index_cast %add3A_52 : i32 to index
        %get3A_2041 = arith.constant 48 : index
        %get3A_2042 = tpu.vector_load %arg12[%get3A_2040, %get3A_2041] {strides = array<i32>} : memref<512x64xf32, #tpu.memory_space<vmem>>, vector<1x16xf32>,
        %get3A_2043 = vector.shape_cast %get3A_2042 : vector<1x16xf32> to vector<16xf32>
        %get3A_2044 = arith.index_cast %add3A_2010 : i32 to index
        %get3A_2045 = arith.constant 48 : index
        %get3A_2046 = tpu.vector_load %arg14[%get3A_2044, %get3A_2045] {strides = array<i32>} : memref<320x64xf32, #tpu.memory_space<vmem>>, vector<1x16xf32>,
        %get3A_2047 = vector.shape_cast %get3A_2046 : vector<1x16xf32> to vector<16xf32>
        %mul3A_2048 = arith.mulf %get3A_2043, %get3A_2047 : vector<16xf32>
        %add3A_2049 = arith.addf %add3A_2039, %mul3A_2048 : vector<16xf32>
        %xor3A_2050 = arith.constant 8 : i32
        %xor3A_2051 = vector.broadcast %xor3A_2050 : i32 to vector<16xi32>
        %xor3A_2052 = arith.xori %iota3A, %xor3A_2051 : vector<16xi32>
        %lt3A_2053 = arith.constant 0 : i32
        %lt3A_2054 = vector.broadcast %lt3A_2053 : i32 to vector<16xi32>
        %lt3A_2055 = arith.cmpi slt, %xor3A_2052, %lt3A_2054 : vector<16xi32>
        %add3A_2056 = arith.constant 16 : i32
        %add3A_2057 = vector.broadcast %add3A_2056 : i32 to vector<16xi32>
        %add3A_2058 = arith.addi %xor3A_2052, %add3A_2057 : vector<16xi32>
        %select_n3A_2059 = arith.select %lt3A_2055, %add3A_2058, %xor3A_2052 : vector<16xi1>, vector<16xi32>
        %broadcast_in_dim3A_2060 = vector.shape_cast %select_n3A_2059 : vector<16xi32> to vector<16x1xi32>
        %gather3A_2061 = vector.shape_cast %broadcast_in_dim3A_2060 : vector<16x1xi32> to vector<16xi32>
        %gather3A_2062 = tpu.dynamic_gather %add3A_2049[%gather3A_2061] in [0] : vector<16xf32>, vector<16xi32> -> vector<16xf32>
        %add3A_2063 = arith.addf %add3A_2049, %gather3A_2062 : vector<16xf32>
        %xor3A_2064 = arith.constant 4 : i32
        %xor3A_2065 = vector.broadcast %xor3A_2064 : i32 to vector<16xi32>
        %xor3A_2066 = arith.xori %iota3A, %xor3A_2065 : vector<16xi32>
        %lt3A_2067 = arith.constant 0 : i32
        %lt3A_2068 = vector.broadcast %lt3A_2067 : i32 to vector<16xi32>
        %lt3A_2069 = arith.cmpi slt, %xor3A_2066, %lt3A_2068 : vector<16xi32>
        %add3A_2070 = arith.constant 16 : i32
        %add3A_2071 = vector.broadcast %add3A_2070 : i32 to vector<16xi32>
        %add3A_2072 = arith.addi %xor3A_2066, %add3A_2071 : vector<16xi32>
        %select_n3A_2073 = arith.select %lt3A_2069, %add3A_2072, %xor3A_2066 : vector<16xi1>, vector<16xi32>
        %broadcast_in_dim3A_2074 = vector.shape_cast %select_n3A_2073 : vector<16xi32> to vector<16x1xi32>
        %gather3A_2075 = vector.shape_cast %broadcast_in_dim3A_2074 : vector<16x1xi32> to vector<16xi32>
        %gather3A_2076 = tpu.dynamic_gather %add3A_2063[%gather3A_2075] in [0] : vector<16xf32>, vector<16xi32> -> vector<16xf32>
        %add3A_2077 = arith.addf %add3A_2063, %gather3A_2076 : vector<16xf32>
        %xor3A_2078 = arith.constant 2 : i32
        %xor3A_2079 = vector.broadcast %xor3A_2078 : i32 to vector<16xi32>
        %xor3A_2080 = arith.xori %iota3A, %xor3A_2079 : vector<16xi32>
        %lt3A_2081 = arith.constant 0 : i32
        %lt3A_2082 = vector.broadcast %lt3A_2081 : i32 to vector<16xi32>
        %lt3A_2083 = arith.cmpi slt, %xor3A_2080, %lt3A_2082 : vector<16xi32>
        %add3A_2084 = arith.constant 16 : i32
        %add3A_2085 = vector.broadcast %add3A_2084 : i32 to vector<16xi32>
        %add3A_2086 = arith.addi %xor3A_2080, %add3A_2085 : vector<16xi32>
        %select_n3A_2087 = arith.select %lt3A_2083, %add3A_2086, %xor3A_2080 : vector<16xi1>, vector<16xi32>
        %broadcast_in_dim3A_2088 = vector.shape_cast %select_n3A_2087 : vector<16xi32> to vector<16x1xi32>
        %gather3A_2089 = vector.shape_cast %broadcast_in_dim3A_2088 : vector<16x1xi32> to vector<16xi32>
        %gather3A_2090 = tpu.dynamic_gather %add3A_2077[%gather3A_2089] in [0] : vector<16xf32>, vector<16xi32> -> vector<16xf32>
        %add3A_2091 = arith.addf %add3A_2077, %gather3A_2090 : vector<16xf32>
        %xor3A_2092 = arith.constant 1 : i32
        %xor3A_2093 = vector.broadcast %xor3A_2092 : i32 to vector<16xi32>
        %xor3A_2094 = arith.xori %iota3A, %xor3A_2093 : vector<16xi32>
        %lt3A_2095 = arith.constant 0 : i32
        %lt3A_2096 = vector.broadcast %lt3A_2095 : i32 to vector<16xi32>
        %lt3A_2097 = arith.cmpi slt, %xor3A_2094, %lt3A_2096 : vector<16xi32>
        %add3A_2098 = arith.constant 16 : i32
        %add3A_2099 = vector.broadcast %add3A_2098 : i32 to vector<16xi32>
        %add3A_2100 = arith.addi %xor3A_2094, %add3A_2099 : vector<16xi32>
        %select_n3A_2101 = arith.select %lt3A_2097, %add3A_2100, %xor3A_2094 : vector<16xi1>, vector<16xi32>
        %broadcast_in_dim3A_2102 = vector.shape_cast %select_n3A_2101 : vector<16xi32> to vector<16x1xi32>
        %gather3A_2103 = vector.shape_cast %broadcast_in_dim3A_2102 : vector<16x1xi32> to vector<16xi32>
        %gather3A_2104 = tpu.dynamic_gather %add3A_2091[%gather3A_2103] in [0] : vector<16xf32>, vector<16xi32> -> vector<16xf32>
        %add3A_2105 = arith.addf %add3A_2091, %gather3A_2104 : vector<16xf32>
        %eq3A_2106 = arith.constant 3 : i32
        %eq3A_2107 = vector.broadcast %eq3A_2106 : i32 to vector<16xi32>
        %eq3A_2108 = arith.cmpi eq, %iota3A, %eq3A_2107 : vector<16xi32>
        %select_n3A_2109 = arith.select %eq3A_2108, %add3A_2105, %select_n3A_2006 : vector<16xi1>, vector<16xf32>
        %swap3A = arith.index_cast %add3A_52 : i32 to index
        %swap3A_2110 = arith.constant 0 : index
        %swap3A_2111 = tpu.vector_load %arg16[%swap3A, %swap3A_2110] {strides = array<i32>} : memref<512x32xf32, #tpu.memory_space<vmem>>, vector<1x16xf32>,
        %swap3A_2112 = vector.shape_cast %swap3A_2111 : vector<1x16xf32> to vector<16xf32>
        %swap3A_2113 = vector.shape_cast %select_n3A_1697 : vector<16xf32> to vector<1x16xf32>
        tpu.vector_store %arg16[%swap3A, %swap3A_2110], %swap3A_2113 {strides = array<i32>} : memref<512x32xf32, #tpu.memory_space<vmem>>, vector<1x16xf32>,
        %swap3A_2114 = arith.index_cast %add3A_52 : i32 to index
        %swap3A_2115 = arith.constant 16 : index
        %swap3A_2116 = tpu.vector_load %arg16[%swap3A_2114, %swap3A_2115] {strides = array<i32>} : memref<512x32xf32, #tpu.memory_space<vmem>>, vector<1x16xf32>,
        %swap3A_2117 = vector.shape_cast %swap3A_2116 : vector<1x16xf32> to vector<16xf32>
        %swap3A_2118 = vector.shape_cast %select_n3A_2109 : vector<16xf32> to vector<1x16xf32>
        tpu.vector_store %arg16[%swap3A_2114, %swap3A_2115], %swap3A_2118 {strides = array<i32>} : memref<512x32xf32, #tpu.memory_space<vmem>>, vector<1x16xf32>,
        %scan3A_2119 = arith.constant 0 : i32
        scf.yield %scan3A_2119 : i32
      }
      %scan3A_46 = arith.constant 16 : i32
      %scan3A_47 = arith.constant 0 : i32
      scf.yield %scan3A_47 : i32
    }
    %scan3A_27 = arith.constant 32 : i32
    "tpu.region"() ({
      %run_scoped3A = tpu.sem_alloc : memref<!tpu.dma_semaphore, #tpu.memory_space<semaphore_mem>>
      %dma_start3A_28 = tpu.memref_slice %arg7[%mul3A_2] : memref<16384xf32, #tpu.memory_space<hbm>> -> memref<512xf32, #tpu.memory_space<hbm>>
      %dma_start3A_29 = tpu.memref_slice %arg7[%mul3A_2] : memref<16384xf32, #tpu.memory_space<hbm>> -> memref<512xf32, #tpu.memory_space<hbm>>
      tpu.enqueue_dma source(%arg15 : memref<512xf32, #tpu.memory_space<vmem>>) target(%dma_start3A_29 : memref<512xf32, #tpu.memory_space<hbm>>) target_semaphore(%run_scoped3A : memref<!tpu.dma_semaphore, #tpu.memory_space<semaphore_mem>>)
      %dma_wait3A_30 = tpu.memref_slice %arg7[%mul3A_2] : memref<16384xf32, #tpu.memory_space<hbm>> -> memref<512xf32, #tpu.memory_space<hbm>>
      %dma_wait3A_31 = tpu.memref_slice %arg7[%mul3A_2] : memref<16384xf32, #tpu.memory_space<hbm>> -> memref<512xf32, #tpu.memory_space<hbm>>
      tpu.wait_dma2 semaphore(%run_scoped3A : memref<!tpu.dma_semaphore, #tpu.memory_space<semaphore_mem>>) src(%arg15 : memref<512xf32, #tpu.memory_space<vmem>>) dst(%dma_wait3A_31 : memref<512xf32, #tpu.memory_space<hbm>>)
      tpu.yield
    }) : () -> ()
    "tpu.region"() ({
      %run_scoped3A = tpu.sem_alloc : memref<!tpu.dma_semaphore, #tpu.memory_space<semaphore_mem>>
      %dma_start3A_28 = arith.constant 0 : i32
      %dma_start3A_29 = tpu.memref_slice %arg8[%mul3A_2, %dma_start3A_28] : memref<16384x32xf32, #tpu.memory_space<hbm>> -> memref<512x32xf32, #tpu.memory_space<hbm>>
      %dma_start3A_30 = arith.constant 0 : i32
      %dma_start3A_31 = tpu.memref_slice %arg8[%mul3A_2, %dma_start3A_30] : memref<16384x32xf32, #tpu.memory_space<hbm>> -> memref<512x32xf32, #tpu.memory_space<hbm>>
      tpu.enqueue_dma source(%arg16 : memref<512x32xf32, #tpu.memory_space<vmem>>) target(%dma_start3A_31 : memref<512x32xf32, #tpu.memory_space<hbm>>) target_semaphore(%run_scoped3A : memref<!tpu.dma_semaphore, #tpu.memory_space<semaphore_mem>>)
      %dma_wait3A_32 = arith.constant 0 : i32
      %dma_wait3A_33 = tpu.memref_slice %arg8[%mul3A_2, %dma_wait3A_32] : memref<16384x32xf32, #tpu.memory_space<hbm>> -> memref<512x32xf32, #tpu.memory_space<hbm>>
      %dma_wait3A_34 = arith.constant 0 : i32
      %dma_wait3A_35 = tpu.memref_slice %arg8[%mul3A_2, %dma_wait3A_34] : memref<16384x32xf32, #tpu.memory_space<hbm>> -> memref<512x32xf32, #tpu.memory_space<hbm>>
      tpu.wait_dma2 semaphore(%run_scoped3A : memref<!tpu.dma_semaphore, #tpu.memory_space<semaphore_mem>>) src(%arg16 : memref<512x32xf32, #tpu.memory_space<vmem>>) dst(%dma_wait3A_35 : memref<512x32xf32, #tpu.memory_space<hbm>>)
      tpu.yield
    }) : () -> ()
    return
  }
}

module attributes {stable_mosaic.version = 14 : i64} {
  func.func @_loss_body(%arg0: memref<128x128xf32, #tpu.memory_space<vmem>>, %arg1: memref<16384x32xf32, #tpu.memory_space<vmem>>, %arg2: memref<1x1xf32, #tpu.memory_space<vmem>>) attributes {dimension_semantics = [], scalar_prefetch = 0 : i64, scratch_operands = 0 : i64, tpu.core_type = #tpu.core_type<tc>} {
    %iota3A = tpu.iota {dimensions = array<i32: 1>} : vector<16384x32xi32>
    %lt3A = arith.constant 20 : i32
    %lt3A_0 = vector.broadcast %lt3A : i32 to vector<16384x32xi32>
    %lt3A_1 = arith.cmpi slt, %iota3A, %lt3A_0 : vector<16384x32xi32>
    %get3A = arith.constant 0 : index
    %get3A_2 = arith.constant 0 : index
    %get3A_3 = vector.load %arg1[%get3A, %get3A_2] : memref<16384x32xf32, #tpu.memory_space<vmem>>, vector<16384x32xf32>
    %neg3A = arith.constant 0.000000e+00 : f32
    %neg3A_4 = vector.broadcast %neg3A : f32 to vector<16384x32xf32>
    %neg3A_5 = arith.subf %neg3A_4, %get3A_3 : vector<16384x32xf32>
    %min3A = arith.constant 0.000000e+00 : f32
    %min3A_6 = vector.broadcast %min3A : f32 to vector<16384x32xf32>
    %min3A_7 = arith.minimumf %neg3A_5, %min3A_6 : vector<16384x32xf32>
    %abs3A = math.absf %neg3A_5 : vector<16384x32xf32>
    %neg3A_8 = arith.constant 0.000000e+00 : f32
    %neg3A_9 = vector.broadcast %neg3A_8 : f32 to vector<16384x32xf32>
    %neg3A_10 = arith.subf %neg3A_9, %abs3A : vector<16384x32xf32>
    %exp3A = math.exp %neg3A_10 : vector<16384x32xf32>
    %log1p3A = math.log1p %exp3A : vector<16384x32xf32>
    %sub3A = arith.subf %min3A_7, %log1p3A : vector<16384x32xf32>
    %jit3A = arith.constant 0.000000e+00 : f32
    %broadcast_in_dim3A = vector.broadcast %jit3A : f32 to vector<16384x32xf32>
    %select_n3A = arith.select %lt3A_1, %sub3A, %broadcast_in_dim3A : vector<16384x32xi1>, vector<16384x32xf32>
    %get3A_11 = arith.constant 0 : index
    %get3A_12 = arith.constant 0 : index
    %get3A_13 = vector.load %arg0[%get3A_11, %get3A_12] : memref<128x128xf32, #tpu.memory_space<vmem>>, vector<128x128xf32>
    %min3A_14 = arith.constant 0.000000e+00 : f32
    %min3A_15 = vector.broadcast %min3A_14 : f32 to vector<128x128xf32>
    %min3A_16 = arith.minimumf %get3A_13, %min3A_15 : vector<128x128xf32>
    %abs3A_17 = math.absf %get3A_13 : vector<128x128xf32>
    %neg3A_18 = arith.constant 0.000000e+00 : f32
    %neg3A_19 = vector.broadcast %neg3A_18 : f32 to vector<128x128xf32>
    %neg3A_20 = arith.subf %neg3A_19, %abs3A_17 : vector<128x128xf32>
    %exp3A_21 = math.exp %neg3A_20 : vector<128x128xf32>
    %log1p3A_22 = math.log1p %exp3A_21 : vector<128x128xf32>
    %sub3A_23 = arith.subf %min3A_16, %log1p3A_22 : vector<128x128xf32>
    %reduce_sum3A = vector.shape_cast %sub3A_23 : vector<128x128xf32> to vector<1x128x128xf32>
    %reduce_sum3A_24 = arith.constant dense<0.000000e+00> : vector<1xf32>
    %reduce_sum3A_25 = vector.multi_reduction <add>, %reduce_sum3A, %reduce_sum3A_24 [1, 2] : vector<1x128x128xf32> to vector<1xf32>
    %reduce_sum3A_26 = vector.shape_cast %reduce_sum3A_25 : vector<1xf32> to vector<1x1x1xf32>
    %reduce_sum3A_27 = vector.extract %reduce_sum3A_26[0, 0, 0] : f32 from vector<1x1x1xf32>
    %reduce_sum3A_28 = vector.shape_cast %select_n3A : vector<16384x32xf32> to vector<1x16384x32xf32>
    %reduce_sum3A_29 = arith.constant dense<0.000000e+00> : vector<1xf32>
    %reduce_sum3A_30 = vector.multi_reduction <add>, %reduce_sum3A_28, %reduce_sum3A_29 [1, 2] : vector<1x16384x32xf32> to vector<1xf32>
    %reduce_sum3A_31 = vector.shape_cast %reduce_sum3A_30 : vector<1xf32> to vector<1x1x1xf32>
    %reduce_sum3A_32 = vector.extract %reduce_sum3A_31[0, 0, 0] : f32 from vector<1x1x1xf32>
    %add3A = arith.addf %reduce_sum3A_27, %reduce_sum3A_32 : f32
    %neg3A_33 = arith.constant 0.000000e+00 : f32
    %neg3A_34 = arith.subf %neg3A_33, %add3A : f32
    %div3A = arith.constant 1.638400e+04 : f32
    %div3A_35 = arith.divf %neg3A_34, %div3A : f32
    %broadcast_in_dim3A_36 = vector.broadcast %div3A_35 : f32 to vector<1x1xf32>
    %swap3A = arith.constant 0 : index
    %swap3A_37 = arith.constant 0 : index
    %swap3A_38 = vector.load %arg2[%swap3A, %swap3A_37] : memref<1x1xf32, #tpu.memory_space<vmem>>, vector<1x1xf32>
    tpu.vector_store %arg2[%swap3A, %swap3A_37], %broadcast_in_dim3A_36 {strides = array<i32>} : memref<1x1xf32, #tpu.memory_space<vmem>>, vector<1x1xf32>,
    return
  }
}

</mosaic_0001>

<sc_bundles>
// kernel: kernel.4.cloned.1.call-start
scs
__scs_entry_jumppad:
0x0: {  	(pc) =	sbr.rel $0x88, $3  }
0x1: {  	(tag) =	ssettag $0x0;
	lr =	simm.s32 $0x1  }
0x2: {  	[smem:$0x3F9C] =	sst lr;
	_ =	strace $0xD0000000  }
0x3: {  	_ = 	snop  }
0x4: {  	_ = 	snop  }
0x5: {  	_ = 	snop  }
0x6: {  	_ = 	snop  }
0x7: {  	_ = 	snop  }
__scs_overlays_trampoline_lowered:
0x8: {  	[smem:$0x3FAB] =	sst s0  }
0x9: {  	[smem:$0x3FAC] =	sst s1  }
0xa: {  	[smem:$0x3FAD] =	sst s2  }
0xb: {  	[smem:$0x3FAE] =	sst s3  }
0xc: {  	[smem:$0x3FAF] =	sst s4  }
0xd: {  	[smem:$0x3FB0] =	sst s5  }
0xe: {  	[smem:$0x3FB1] =	sst s6  }
0xf: {  	[smem:$0x3FB2] =	sst s7  }
0x10: {  	[smem:$0x3FB3] =	sst s8  }
0x11: {  	[smem:$0x3FB4] =	sst s9;
	s0 =	simm.s32 @!p0 $0x0  }
0x12: {  	s1 =	sld [smem:$0x3F9A];
	s0 =	simm.s32 @p0 $0x1  }
0x13: {  	[smem:$0x3FB5] =	sst s0;
	s0 =	simm.s32 @!p1 $0x0  }
0x14: {  	s2 =	sld [smem:$0x3F99];
	s0 =	simm.s32 @p1 $0x1  }
0x15: {  	[smem:$0x3FB6] =	sst s0;
	s0 =	simm.s32 @!p2 $0x0  }
0x16: {  	s3 =	sld [smem:$0x3FDB];
	s0 =	simm.s32 @p2 $0x1  }
0x17: {  	s4 =	simm.s32 $0x1BF5;
	[smem:$0x3FB8] =	sst s0  }
0x18: {  	s0 =	sld [smem:$0x3F9B];
	_ =	swait.ge [sflag:s4], $0x0  }
0x19: {  	s7 =	sld [smem:$0x3F9C]  }
0x1a: {  	s8 =	sadd.s32 $0xFFFFE003, lr  }
0x1b: {  	s9 =	sadd.s32 $0xFFFFFEF7, lr;
	s5 =	simm.s32 $0xFFFFFFFF;
	p2 =	slt.u32 s8, $0xFFFFF086  }
0x1c: {  	p1 =	slt.u32 s9, $0xF7A;
	s5 =	simm.s32 @!p2 $0x0  }
0x1d: {  	s5 =	simm.s32 @p1 $0x1;
	p0 =	seq.s32 s7, s2  }
0x1e: {  	s7 =	smul.u32 @!p0 $0xF7A, s2;
	p2 =	seq.s32 @!p0 s5, $0x0  }
0x1f: {  	s9 =	smul.u32 $0xF7A, s1;
	s8 =	simm.s32 @!p0 $0x1BF5;
	p2 =	por !p2, p0  }
0x20: {  	[sflag:s8] =	ssyncset.s32 @!p0 $0xFFFFF086;
	s6 =	sadd.s32 @!p0 s3, s7;
	s7 =	simm.s32 @!p0 $0x108  }
0x21: {  	s3 =	sadd.s32 s3, s9;
	s6 =	sadd.s32 @!p0 $0x88, s6;
	s7 =	simm.s32 @p2 $0x1082  }
0x22: {  	[simem:s7], [sflag:s8] =	dma.local @!p0 [hbm:s6], $0xF7A  }
0x23: {  	s9 =	sor.u32 $0xD0000000, s2;
	s6 =	simm.s32 $0x108;
	_ =	swait.ge @!p0 [sflag:s8], $0x0  }
0x24: {  	s3 =	sadd.s32 $0x88, s3;
	s6 =	simm.s32 @!p1 $0x1082;
	[sflag:s4] =	ssyncset.s32 $0xFFFFF086  }
0x25: {  	[simem:s6], [sflag:s4] =	dma.local [hbm:s3], $0xF7A  }
0x26: {  	[smem:$0x3F9C] =	sst s1;
	(tag) =	ssettag s2;
	_ =	strace s9  }
0x27: {  	s1 =	sld [smem:$0x3FAC]  }
0x28: {  	s2 =	sld [smem:$0x3FAD]  }
0x29: {  	s4 =	sld [smem:$0x3FAF]  }
0x2a: {  	p0 =	seq.s32 s5, $0x0;
	s5 =	sld [smem:$0x3FB0]  }
0x2b: {  	s6 =	sld [smem:$0x3FB1]  }
0x2c: {  	s7 =	sld [smem:$0x3FB2]  }
0x2d: {  	s3 =	simm.s32 $0x108;
	s8 =	sld [smem:$0x3FB3]  }
0x2e: {  	s3 =	simm.s32 @!p0 $0x1082;
	s9 =	sld [smem:$0x3FB4]  }
0x2f: {  	lr =	sadd.s32 s0, s3;
	s0 =	sld [smem:$0x3FAB]  }
0x30: {  	s3 =	sld [smem:$0x3FAE]  }
0x31: {  	[smem:$0x3FB7] =	sst s10  }
0x32: {  	s10 =	sld [smem:$0x3FB5];
	_ =	sdelay $0x3  }
0x33: {  	p0 =	seq.s32 s10, $0x1;
	s10 =	sld [smem:$0x3FB7];
	_ =	sdelay $0x3  }
0x34: {  	[smem:$0x3FB7] =	sst s10  }
0x35: {  	s10 =	sld [smem:$0x3FB6];
	_ =	sdelay $0x3  }
0x36: {  	p1 =	seq.s32 s10, $0x1;
	s10 =	sld [smem:$0x3FB7];
	_ =	sdelay $0x3  }
0x37: {  	[smem:$0x3FB7] =	sst s10  }
0x38: {  	s10 =	sld [smem:$0x3FB8]  }
0x39: {  	_ = 	snop;
	(pc) =	sbr.ind lr, $3  }
0x3a: {  	_ = 	snop  }
0x3b: {  	_ = 	snop  }
0x3c: {  	p2 =	seq.s32 s10, $0x1;
	s10 =	sld [smem:$0x3FB7]  }
0x3d: {  	_ =	shalt  }
0x3e: {  	_ =	shalt  }
0x3f: {  	_ =	shalt  }
0x40: {  	_ =	shalt  }
0x41: {  	_ =	shalt  }
0x42: {  	_ =	shalt  }
0x43: {  	_ =	shalt  }
0x44: {  	_ =	shalt  }
0x45: {  	_ =	shalt  }
0x46: {  	_ =	shalt  }
0x47: {  	_ =	shalt  }
0x48: {  	_ =	shalt  }
0x49: {  	_ =	shalt  }
0x4a: {  	_ =	shalt  }
0x4b: {  	_ =	shalt  }
0x4c: {  	_ =	shalt  }
0x4d: {  	_ =	shalt  }
0x4e: {  	_ =	shalt  }
0x4f: {  	_ =	shalt  }
0x50: {  	_ =	shalt  }
0x51: {  	_ =	shalt  }
0x52: {  	_ =	shalt  }
0x53: {  	_ =	shalt  }
0x54: {  	_ =	shalt  }
0x55: {  	_ =	shalt  }
0x56: {  	_ =	shalt  }
0x57: {  	_ =	shalt  }
0x58: {  	_ =	shalt  }
0x59: {  	_ =	shalt  }
0x5a: {  	_ =	shalt  }
0x5b: {  	_ =	shalt  }
0x5c: {  	_ =	shalt  }
0x5d: {  	_ =	shalt  }
0x5e: {  	_ =	shalt  }
0x5f: {  	_ =	shalt  }
0x60: {  	_ =	shalt  }
0x61: {  	_ =	shalt  }
0x62: {  	_ =	shalt  }
0x63: {  	_ =	shalt  }
0x64: {  	_ =	shalt  }
0x65: {  	_ =	shalt  }
0x66: {  	_ =	shalt  }
0x67: {  	_ =	shalt  }
0x68: {  	_ =	shalt  }
0x69: {  	_ =	shalt  }
0x6a: {  	_ =	shalt  }
0x6b: {  	_ =	shalt  }
0x6c: {  	_ =	shalt  }
0x6d: {  	_ =	shalt  }
0x6e: {  	_ =	shalt  }
0x6f: {  	_ =	shalt  }
0x70: {  	_ =	shalt  }
0x71: {  	_ =	shalt  }
0x72: {  	_ =	shalt  }
0x73: {  	_ =	shalt  }
0x74: {  	_ =	shalt  }
0x75: {  	_ =	shalt  }
0x76: {  	_ =	shalt  }
0x77: {  	_ =	shalt  }
0x78: {  	_ =	shalt  }
0x79: {  	_ =	shalt  }
0x7a: {  	_ =	shalt  }
0x7b: {  	_ =	shalt  }
0x7c: {  	_ =	shalt  }
0x7d: {  	_ =	shalt  }
0x7e: {  	_ =	shalt  }
0x7f: {  	_ =	shalt  }
0x80: {  	_ =	shalt  }
0x81: {  	_ =	shalt  }
0x82: {  	_ =	shalt  }
0x83: {  	_ =	shalt  }
0x84: {  	_ =	shalt  }
0x85: {  	_ =	shalt  }
0x86: {  	_ =	shalt  }
0x87: {  	_ =	shalt  }
.Lfunc_end0:
.L_simem_size_0:
called_computation_lowered:
.L_overlay_start_0:
0x88: {  	s2 =	sld [smem:$0x3FD9]  }
0x89: {  	s3 =	sld [smem:$0x3FFE];
	_ =	sdelay $0x1  }
0x8a: {  	s1 =	srdreg.scid  }
0x8b: {  	s0 =	sand.u32 $0x1, s1  }
0x8c: {  	s17 =	sshll.u32 s0, $0xA;
	s2 =	sadd.s32 s3, s2  }
0x8d: {  	s2 =	sadd.s32 s2, s17  }
0x8e: {  	[smem:$0x3FC3] =	sst s2  }
0x8f: {  	_ = 	snop  }
0x90: {  	s2 =	sld [smem:$0x3FC9]  }
0x91: {  	s18 =	sld [smem:$0x3FC8];
	(tm) =	ssettm $0x1  }
0x92: {  	s4 =	sld [smem:$0x3FFB];
	_ =	sdelay $0x3  }
0x93: {  	_ =	strace s4  }
0x94: {  	s4 =	sld [smem:$0x3FFC];
	_ =	sdelay $0x3  }
0x95: {  	_ =	strace s4  }
0x96: {  	s4 =	sld [smem:$0x3FFD];
	_ =	sdelay $0x3  }
0x97: {  	_ =	strace s4  }
0x98: {  	_ =	strace $0x8FFFFFFF  }
0x99: {  	s19 =	sld [smem:$0x3FDB];
	_ =	sdelay $0x1  }
0x9a: {  	s5 =	simm.s32 $_scs_section_size  }
0x9b: {  	s6 =	simm.s32 $_size__tile_overlayer_lowered;
	s7 =	simm.s32 $_tile_overlayer_lowered  }
0x9c: {  	s22 =	simm.s32 $0x1BFF;
	s21 =	sshll.u32 s7, $0x1;
	s4 =	sadd.s32 s5, s19  }
0x9d: {  	s8 =	simm.s32 $0x0;
	s20 =	sshll.u32 s6, $0x1;
	s6 =	sadd.s32 s21, s4  }
0x9e: {  	[timem:s8], [sflag:s22] =	dma.local [hbm:s6], s20  }
0x9f: {  	_ =	swait.ge [sflag:s22], s20  }
0xa0: {  	s5 =	ssub.s32 $0x0, s20;
	[sflag:s22] =	ssyncset.done $0x0  }
0xa1: {  	[sflag:s22] =	ssyncadd.s32 s5;
	_ =	sdelay $0x1  }
0xa2: {  	s23 =	simm.s32 $0x1B8B  }
0xa3: {  	_ =	swait.ge [sflag:s23], $0x1  }
0xa4: {  	[sflag:s23] =	ssyncset.done $0x0  }
0xa5: {  	s25 =	simm.s32 $0x1B8E;
	s24 =	sld [smem:$0x3FFE];
	[sflag:s23] =	ssyncadd.s32 $0xFFFFFFFF  }
0xa6: {  	s26 =	simm.s32 $execute0_lowered;
	[smem:$0x3FD2] =	sst s25  }
0xa7: {  	s6 =	sshll.u32 s26, $0x1;
	_ =	strace $0x80000046;
	[dreg:$0x1] =	wrdreg $0xFFFFFFFF  }
0xa8: {  	s28 =	simm.s32 $_size_execute0_lowered;
	s4 =	sadd.s32 s4, s6;
	[dreg:$0x0] =	wrdreg $0x0  }
0xa9: {  	s6 =	sshll.u32 s28, $0x1;
	[dreg:$0x2] =	wrdreg s4  }
0xaa: {  	[dreg:$0x3] =	wrdreg s6  }
0xab: {  	[dreg:$0x4] =	wrdreg $0xC0  }
0xac: {  	_ =	task [dreg:s8], $0x5FFFF  }
0xad: {  	[dreg:$0x1] =	wrdreg $0xFFFFFFFF  }
0xae: {  	[dreg:$0x0] =	wrdreg $0x60  }
0xaf: {  	[dreg:$0x2] =	wrdreg s2  }
0xb0: {  	[dreg:$0x3] =	wrdreg s18  }
0xb1: {  	[dreg:$0x4] =	wrdreg s24  }
0xb2: {  	[dreg:$0x5] =	wrdreg $0x9  }
0xb3: {  	_ =	task.clear_ibuf [dreg:s8], $0x6FFFF;
	_ =	strace $0x90000046  }
0xb4: {  	s29 =	simm.s32 $0x9;
	_ =	strace $0x80000048  }
0xb5: {  	_ =	swait.ge [sflag:s29], $0x1  }
0xb6: {  	[sflag:s29] =	ssyncadd.s32 $0xFFFFFFFF  }
0xb7: {  	_ =	strace $0x90000048  }
0xb8: {  	_ =	sfence  }
0xb9: {  	s30 =	sld [smem:$0x0];
	_ =	sdelay $0x2  }
0xba: {  	s31 =	sshll.u32 s1, $0xD;
	s1 =	sshrl.u32 s1, $0x2  }
0xbb: {  	s3 =	sand.u32 $0x4000, s31;
	s1 =	sadd.s32 s1, s30  }
0xbc: {  	s0 =	sor.u32 s3, s0;
	s1 =	sshll.u32 s1, $0x11  }
0xbd: {  	s0 =	sor.u32 s1, s0  }
0xbe: {  	s0 =	sadd.s32 $0x8F2B, s0  }
0xbf: {  	[sflag:s0] =	ssyncadd.remote.s32 $0x1  }
0xc0: {  	_ =	sfence.sel $0xFFFF  }
0xc1: {  	[dreg:$0x0] =	wrdreg $0xFFFFFFFF;
	(pc) =	sbr.abs _section_cstart, $3  }
0xc2: {  	[dreg:$0x1] =	wrdreg $0xFFFFFFFF  }
0xc3: {  	_ =	task.clear_ibuf [dreg:s8], $0x2FFFF;
	_ =	strace $0x9FFFFFFF  }
0xc4: {  	(tm) =	ssettm $0x7FFFFFFF  }
0xc5: {  	_ =	shalt  }
tec
execute0_lowered:
.L_overlay_start_1:
0x0: {  	(tag) =	ssettag $0x1  }
0x1: {  	v0 =	vimm.s32 $0xFEDCBA98;
	v1 =	vimm.s32 $0x76543210  }
0x2: {  	v2 =	vimm.s32 $0xBA98FEDC;
	v3 =	vimm.s32 $0x32107654;
	v4 =	vimm.s32 $0xDCFE98BA  }
0x3: {  	v5 =	vimm.s32 $0x54761032;
	v6 =	vimm.s32 $0xEFCDAB89;
	v7 =	vimm.s32 $0x67452301  }
0x4: {  	v0 =	vunpack.c.l.s4.s8 v0;
	v1 =	vunpack.c.l.s4.s8 v1;
	v2 =	vunpack.c.l.s4.s8 v2  }
0x5: {  	v3 =	vunpack.c.l.s4.s8 v3;
	v4 =	vunpack.c.l.s4.s8 v4;
	v5 =	vunpack.c.l.s4.s8 v5  }
0x6: {  	v6 =	vunpack.c.l.s4.s8 v6;
	v7 =	vunpack.c.l.s4.s8 v7;
	v0 =	vunpack.c.0.s8.s32 v0  }
0x7: {  	v2 =	vunpack.c.0.s8.s32 v2;
	v3 =	vunpack.c.0.s8.s32 v3;
	v4 =	vunpack.c.0.s8.s32 v4  }
0x8: {  	v5 =	vunpack.c.0.s8.s32 v5;
	v6 =	vunpack.c.0.s8.s32 v6;
	v7 =	vunpack.c.0.s8.s32 v7  }
0x9: {  	v1 =	vunpack.c.0.s8.s32 v1;
	v2 =	vcombine.low v3, v2  }
0xa: {  	s5 =	rddreg [dreg:$0x0];
	v3 =	vcombine.low v5, v4;
	v4 =	vcombine.low v7, v6;
	v0 =	vand.u32 $0xF, v0  }
0xb: {  	s6 =	rddreg [dreg:$0x1];
	vm0 =	vmmov $0x1;
	v0 =	vcombine.low v0, v1;
	v1 =	vand.u32 $0xF, v2  }
0xc: {  	s7 =	rddreg [dreg:$0x2];
	s2 =	simm.s32 $0x0;
	v2 =	vand.u32 $0xF, v3;
	v3 =	vand.u32 $0xF, v4;
	v4 =	vimm.s32 $0x0  }
0xd: {  	s1 =	srdreg.scid;
	[smem:$0x7FF] =	sst s2;
	v4 =	vsel vm0, $0xFFFFFFFF, v4  }
0xe: {  	vm1 =	vmmov $0x3;
	s8 =	sand.u32 $0x1, s1;
	s1 =	rddreg [dreg:$0x3];
	_ =	strace $0x80000047;
	[tilespmem:$0x1FF70] =	vst v4;
	v4 =	vimm.s32 $0x0  }
0xf: {  	v4 =	vsel vm1, $0xFFFFFFFF, v4  }
0x10: {  	vm3 =	vmmov $0xf;
	[tilespmem:$0x1FF90] =	vst v4;
	v4 =	vimm.s32 $0x0  }
0x11: {  	v4 =	vsel vm3, $0xFFFFFFFF, v4  }
0x12: {  	s0 =	stileid.u32;
	vm5 =	vmmov $0x3f;
	[tilespmem:$0x1FFA0] =	vst v4;
	v4 =	vimm.s32 $0x0  }
0x13: {  	s14 =	simm.s32 $0x2C00;
	s15 =	simm.s32 $0x1;
	s16 =	simm.s32 $0xAC00;
	v4 =	vsel vm5, $0xFFFFFFFF, v4  }
0x14: {  	vm7 =	vmmov $0xff;
	s17 =	simm.s32 $0x140;
	s18 =	simm.s32 $0x12C00;
	s19 =	simm.s32 $0x17C00;
	[tilespmem:$0x1FFB0] =	vst v4;
	v4 =	vimm.s32 $0x0  }
0x15: {  	s20 =	simm.s32 $0x17E00;
	s21 =	simm.s32 $0x0;
	s3 =	sshll.u32 s0, $0x1;
	v4 =	vsel vm7, $0xFFFFFFFF, v4  }
0x16: {  	vm9 =	vmmov $0x3ff;
	s4 =	sadd.s32 $0xF43000, s7;
	s9 =	sor.u32 s8, s3;
	s8 =	ssub.s32 $0x2, s8;
	[tilespmem:$0x1FFC0] =	vst v4;
	v4 =	vimm.s32 $0x0  }
0x17: {  	s3 =	smul.u32 $0x500, s9;
	s11 =	sshll.u32 s9, $0x6;
	s9 =	sshll.u32 s9, $0xB;
	v4 =	vsel vm9, $0xFFFFFFFF, v4  }
0x18: {  	vm11 =	vmmov $0xfff;
	s31 =	sshrl.u32 s8, $0x1;
	s12 =	sadd.s32 s11, s7;
	s9 =	sadd.s32 s9, s7;
	[tilespmem:$0x1FFD0] =	vst v4;
	v4 =	vimm.s32 $0x0  }
0x19: {  	vm2 =	vmmov $0x7;
	vm4 =	vmmov $0x1f;
	s13 =	ssub.s32 s8, s31;
	s5 =	sadd.s32 s5, s11;
	s6 =	sadd.s32 s6, s11;
	v4 =	vsel vm11, $0xFFFFFFFF, v4  }
0x1a: {  	vm6 =	vmmov $0x7f;
	vm13 =	vmmov $0x3fff;
	s11 =	simm.s32 $0x2;
	s10 =	sadd.s32 s3, s7;
	s3 =	sadd.s32 $0x16E4200, s7;
	[tilespmem:$0x1FFE0] =	vst v4;
	v4 =	vimm.s32 $0x0  }
0x1b: {  	vm8 =	vmmov $0x1ff;
	vm10 =	vmmov $0x7ff;
	s8 =	sadd.s32 $0x1AC00, s12;
	s9 =	sadd.s32 $0xAC00, s9;
	s12 =	simm.s32 $0x200;
	[tilespmem:$0x1FF80] =	vst v2;
	v4 =	vsel vm13, $0xFFFFFFFF, v4  }
0x1c: {  	vm12 =	vmmov $0x1fff;
	vm14 =	vmmov $0x7fff;
	vm15 =	vcmask $0x710;
	s7 =	sadd.s32 $0xC00, s10;
	s10 =	smax.u32 s13, $0x1;
	s13 =	simm.s32 $0x400;
	[tilespmem:$0x1FFF0] =	vst v4  }
.LBB2_1:
0x1d: {  	[tilespmem:s2], [sflag:$0x2] =	stream.linear.gather [hbm4b:s5+s2], $0x200, $0x38;
	[tilespmem:$0x1BE00] =	vst v63  }
0x1e: {  	_ =	swait.ge [sflag:s11], $0x200  }
0x1f: {  	[sflag:s11] =	ssyncset.done $0x0  }
0x20: {  	[sflag:s11] =	ssyncadd.s32 $0xFFFFFE00  }
0x21: {  	[tilespmem:s12], [sflag:$0x2] =	stream.linear.gather [hbm4b:s6+s2], $0x200, $0x38;
	[tilespmem:$0x1BE00] =	vst v63  }
0x22: {  	_ =	swait.ge [sflag:s11], $0x200  }
0x23: {  	[sflag:s11] =	ssyncset.done $0x0  }
0x24: {  	[sflag:s11] =	ssyncadd.s32 $0xFFFFFE00  }
0x25: {  	[tilespmem:s13], [sflag:$0x2] =	stream.linear.gather [hbm4b:s7+s2], $0x2800, $0x38;
	[tilespmem:$0x1BE00] =	vst v63  }
0x26: {  	_ =	swait.ge [sflag:s11], $0x2800  }
0x27: {  	[sflag:s11] =	ssyncset.done $0x0  }
0x28: {  	[sflag:s11] =	ssyncadd.s32 $0xFFFFD800  }
0x29: {  	[tilespmem:s14], [sflag:$0x1] =	stream.indirect.gather [hbm4b:s3+s12], $0x40, s2, s12, $0xb8;
	[tilespmem:$0x1BE00] =	vst v63  }
0x2a: {  	_ =	swait.ge [sflag:s15], $0x8000  }
0x2b: {  	[sflag:s15] =	ssyncset.done $0x0  }
0x2c: {  	[sflag:s15] =	ssyncadd.s32 $0xFFFF8000  }
0x2d: {  	[tilespmem:s16], [sflag:$0x1] =	stream.indirect.gather [hbm4b:s4+s12], $0x40, s12, s12, $0xb8;
	[tilespmem:$0x1BE00] =	vst v63  }
0x2e: {  	_ =	swait.ge [sflag:s15], $0x8000  }
0x2f: {  	[sflag:s15] =	ssyncset.done $0x0  }
0x30: {  	s22 =	simm.s32 $0x0;
	[sflag:s15] =	ssyncadd.s32 $0xFFFF8000  }
0x31: {  	v4 =	vld [tilespmem:s22+$0x2FF0]  }
0x32: {  	v5 =	vld [tilespmem:s22+$0xAFF0]  }
0x33: {  	v6 =	vld [tilespmem:s22+$0x2FB0]  }
0x34: {  	v7 =	vld [tilespmem:s22+$0xAFB0]  }
0x35: {  	v10 =	vld [tilespmem:s22+$0x2FE0]  }
0x36: {  	v13 =	vld [tilespmem:s22+$0xAFE0]  }
0x37: {  	v15 =	vld [tilespmem:s22+$0x2F70]  }
0x38: {  	v23 =	vld [tilespmem:s22+$0xAF70]  }
0x39: {  	v14 =	vld [tilespmem:s22+$0x2FA0]  }
0x3a: {  	v16 =	vld [tilespmem:s22+$0xAFA0]  }
0x3b: {  	v24 =	vld [tilespmem:s22+$0x2FC0]  }
0x3c: {  	v25 =	vld [tilespmem:s22+$0xAFC0]  }
0x3d: {  	v26 =	vld [tilespmem:s22+$0x2FD0]  }
0x3e: {  	v27 =	vld [tilespmem:s22+$0xAFD0]  }
0x3f: {  	v28 =	vld [tilespmem:s22+$0x2F30]  }
0x40: {  	v29 =	vld [tilespmem:s22+$0xAF30]  }
0x41: {  	v30 =	vld [tilespmem:s22+$0x2F60]  }
0x42: {  	v31 =	vld [tilespmem:s22+$0xAF60]  }
0x43: {  	v32 =	vld [tilespmem:s22+$0x2F80]  }
0x44: {  	v33 =	vld [tilespmem:s22+$0xAF80]  }
0x45: {  	v34 =	vld [tilespmem:s22+$0x2F90]  }
0x46: {  	v35 =	vld [tilespmem:s22+$0xAF90]  }
0x47: {  	v36 =	vld [tilespmem:s22+$0x2EF0]  }
0x48: {  	v37 =	vld [tilespmem:s22+$0xAEF0]  }
0x49: {  	v38 =	vld [tilespmem:s22+$0x2F20]  }
0x4a: {  	v39 =	vld [tilespmem:s22+$0xAF20]  }
0x4b: {  	v40 =	vld [tilespmem:s22+$0x2F40]  }
0x4c: {  	v41 =	vld [tilespmem:s22+$0xAF40]  }
0x4d: {  	v42 =	vld [tilespmem:s22+$0x2F50]  }
0x4e: {  	v8 =	vld [tilespmem:s22+$0x2EB0]  }
0x4f: {  	v43 =	vld [tilespmem:s22+$0xAF50]  }
0x50: {  	v45 =	vld [tilespmem:s22+$0xAEB0]  }
0x51: {  	v46 =	vld [tilespmem:s22+$0x2EE0]  }
0x52: {  	v47 =	vld [tilespmem:s22+$0xAEE0]  }
0x53: {  	[tilespmem:$0x1FD60] =	vst v8;
	v8 =	vld [tilespmem:s22+$0x2E30]  }
0x54: {  	v48 =	vld [tilespmem:s22+$0x2F00]  }
0x55: {  	v49 =	vld [tilespmem:s22+$0xAF00]  }
0x56: {  	v50 =	vld [tilespmem:s22+$0x2F10]  }
0x57: {  	v51 =	vld [tilespmem:s22+$0xAF10]  }
0x58: {  	[tilespmem:$0x1FDB0] =	vst v8;
	v8 =	vld [tilespmem:s22+$0xAE30]  }
0x59: {  	v52 =	vld [tilespmem:s22+$0x2E70]  }
0x5a: {  	v53 =	vld [tilespmem:s22+$0xAE70]  }
0x5b: {  	v54 =	vld [tilespmem:s22+$0x2EA0]  }
0x5c: {  	v55 =	vld [tilespmem:s22+$0xAEA0]  }
0x5d: {  	[tilespmem:$0x1FDC0] =	vst v8;
	v8 =	vld [tilespmem:s22+$0x2DF0]  }
0x5e: {  	v56 =	vld [tilespmem:s22+$0x2EC0]  }
0x5f: {  	v57 =	vld [tilespmem:s22+$0xAEC0]  }
0x60: {  	v58 =	vld [tilespmem:s22+$0x2ED0]  }
0x61: {  	v59 =	vld [tilespmem:s22+$0xAED0]  }
0x62: {  	[tilespmem:$0x1FDD0] =	vst v8;
	v8 =	vld [tilespmem:s22+$0xADF0]  }
0x63: {  	v60 =	vld [tilespmem:s22+$0x2E60]  }
0x64: {  	v61 =	vld [tilespmem:s22+$0xAE60]  }
0x65: {  	v62 =	vld [tilespmem:s22+$0x2E80]  }
0x66: {  	v63 =	vld [tilespmem:s22+$0xAE80]  }
0x67: {  	[tilespmem:$0x1FDE0] =	vst v8;
	v8 =	vld [tilespmem:s22+$0x2E20]  }
0x68: {  	v44 =	vld [tilespmem:s22+$0x2E90]  }
0x69: {  	v22 =	vld [tilespmem:s22+$0xAE90]  }
0x6a: {  	v21 =	vld [tilespmem:s22+$0x2E40]  }
0x6b: {  	v19 =	vld [tilespmem:s22+$0xAE40]  }
0x6c: {  	[tilespmem:$0x1FD70] =	vst v8;
	v8 =	vld [tilespmem:s22+$0xAE20]  }
0x6d: {  	v20 =	vld [tilespmem:s22+$0x2E50]  }
0x6e: {  	v18 =	vld [tilespmem:s22+$0xAE50]  }
0x6f: {  	v17 =	vld [tilespmem:s22+$0x2E00]  }
0x70: {  	v11 =	vld [tilespmem:s22+$0xAE00]  }
0x71: {  	[tilespmem:$0x1FD80] =	vst v8;
	v8 =	vld [tilespmem:s22+$0x2DB0]  }
0x72: {  	v12 =	vld [tilespmem:s22+$0x2E10]  }
0x73: {  	v9 =	vld [tilespmem:s22+$0xAE10]  }
0x74: {  	v6 =	vmul.f32 v7, v6;
	v7 =	vld [tilespmem:s22+$0xADC0]  }
0x75: {  	v4 =	vmul.f32 v5, v4;
	v5 =	vmul.f32 v25, v24;
	v25 =	vld [tilespmem:s22+$0x2DD0]  }
0x76: {  	[tilespmem:$0x1FE10] =	vst v8;
	v8 =	vld [tilespmem:s22+$0xADB0]  }
0x77: {  	v24 =	vmul.f32 v27, v26;
	v27 =	vld [tilespmem:s22+$0xADD0]  }
0x78: {  	v26 =	vmul.f32 v16, v14;
	v14 =	vmul.f32 v13, v10;
	v10 =	vld [tilespmem:s22+$0x2D30]  }
0x79: {  	v13 =	vld [tilespmem:s22+$0xAD30]  }
0x7a: {  	v16 =	vmul.f32 v33, v32;
	v32 =	vmul.f32 v35, v34;
	v34 =	vld [tilespmem:s22+$0x2D80]  }
0x7b: {  	[tilespmem:$0x1FE20] =	vst v8;
	v8 =	vld [tilespmem:s22+$0x2DE0]  }
0x7c: {  	v35 =	vld [tilespmem:s22+$0xAD80]  }
0x7d: {  	v28 =	vmul.f32 v29, v28;
	v29 =	vld [tilespmem:s22+$0xAD90]  }
0x7e: {  	v43 =	vmul.f32 v43, v42;
	v42 =	vmul.f32 v39, v38;
	v38 =	vld [tilespmem:s22+$0xAD20]  }
0x7f: {  	v39 =	vld [tilespmem:s22+$0x2D40]  }
0x80: {  	[tilespmem:$0x1FD90] =	vst v8;
	v8 =	vld [tilespmem:s22+$0xADE0]  }
0x81: {  	v33 =	vld [tilespmem:s22+$0xAD40]  }
0x82: {  	v22 =	vmul.f32 v22, v44;
	v44 =	vld [tilespmem:s22+$0x2C30]  }
0x83: {  	v18 =	vmul.f32 v18, v20;
	v20 =	vld [tilespmem:s22+$0xAC30]  }
0x84: {  	v11 =	vmul.f32 v11, v17;
	v17 =	vld [tilespmem:s22+$0x2C70]  }
0x85: {  	[tilespmem:$0x1FDA0] =	vst v8;
	v8 =	vld [tilespmem:s22+$0x2D70]  }
0x86: {  	v30 =	vmul.f32 v31, v30;
	v19 =	vmul.f32 v19, v21;
	v31 =	vadd.f32 v32, v16;
	v16 =	vld [tilespmem:s22+$0xAD60]  }
0x87: {  	v5 =	vadd.f32 v24, v5;
	v32 =	vld [tilespmem:s22+$0x2D50]  }
0x88: {  	v18 =	vadd.f32 v18, v19;
	v19 =	vld [tilespmem:s22+$0x2CA0]  }
0x89: {  	v49 =	vmul.f32 v49, v48;
	v5 =	vadd.f32 v14, v5;
	v14 =	vld [tilespmem:s22+$0x2D60]  }
0x8a: {  	v24 =	vmul.f32 v41, v40;
	v40 =	vmul.f32 v51, v50;
	[tilespmem:$0x1FE30] =	vst v8;
	v8 =	vld [tilespmem:s22+$0xAD70]  }
0x8b: {  	v15 =	vmul.f32 v23, v15;
	v23 =	vadd.f32 v26, v31;
	v26 =	vld [tilespmem:s22+$0x2D90]  }
0x8c: {  	v41 =	vadd.f32 v40, v49;
	v40 =	vld [tilespmem:s22+$0xAD50]  }
0x8d: {  	v31 =	vmul.f32 v57, v56;
	v56 =	vld [tilespmem:$0x1FD60]  }
0x8e: {  	v24 =	vadd.f32 v43, v24;
	v43 =	vmul.f32 v59, v58;
	v58 =	vmul.f32 v53, v52;
	v52 =	vld [tilespmem:s22+$0x2D10]  }
0x8f: {  	[tilespmem:$0x1FE40] =	vst v8;
	v8 =	vld [tilespmem:s22+$0x2DA0]  }
0x90: {  	v59 =	vmul.f32 v55, v54;
	v54 =	vld [tilespmem:s22+$0xAD10]  }
0x91: {  	v53 =	vld [tilespmem:s22+$0xAC10]  }
0x92: {  	v34 =	vmul.f32 v35, v34;
	v35 =	vld [tilespmem:s22+$0xAC20];
	v4 =	vadd.f32 v4, v5;
	v5 =	vadd.f32 v30, v24  }
0x93: {  	v63 =	vmul.f32 v63, v62;
	v24 =	vld [tilespmem:s22+$0x2CF0]  }
0x94: {  	v5 =	vadd.f32 v15, v5;
	v15 =	vperm.xlane v4, v0;
	[tilespmem:$0x1FDF0] =	vst v8;
	v8 =	vld [tilespmem:s22+$0xADA0]  }
0x95: {  	v9 =	vmul.f32 v9, v12;
	v12 =	vadd.f32 v22, v63;
	v6 =	vadd.f32 v6, v23;
	v23 =	vld [tilespmem:s22+$0x2D20]  }
0x96: {  	v4 =	vadd.f32 v4, v15;
	v15 =	vadd.f32 v43, v31;
	v31 =	vmul.f32 v47, v46;
	v46 =	vld [tilespmem:s22+$0x2D00]  }
0x97: {  	v30 =	vadd.f32 v42, v41;
	v43 =	vmul.f32 v45, v56;
	v45 =	vld [tilespmem:s22+$0x2C90]  }
0x98: {  	v12 =	vadd.f32 v59, v12;
	v15 =	vadd.f32 v31, v15;
	v31 =	vmul.f32 v37, v36;
	v37 =	vld [tilespmem:s22+$0x2CE0]  }
0x99: {  	v28 =	vadd.f32 v28, v30;
	[tilespmem:$0x1FE00] =	vst v8;
	v8 =	vld [tilespmem:s22+$0x2DC0]  }
0x9a: {  	v12 =	vadd.f32 v43, v12;
	v43 =	vld [tilespmem:s22+$0x2C00]  }
0x9b: {  	v9 =	vadd.f32 v9, v11;
	v30 =	vperm.xlane v5, v0;
	v49 =	vperm.xlane v28, v0;
	v11 =	vld [tilespmem:$0x1FD70]  }
0x9c: {  	v21 =	vld [tilespmem:$0x1FD80]  }
0x9d: {  	v5 =	vadd.f32 v5, v30;
	v30 =	vperm.xlane v4, v1;
	v28 =	vadd.f32 v28, v49;
	v49 =	vld [tilespmem:s22+$0x2C10]  }
0x9e: {  	v31 =	vadd.f32 v31, v15;
	v15 =	vld [tilespmem:s22+$0x2CB0];
	v7 =	vmul.f32 v7, v8;
	v8 =	vmul.f32 v27, v25  }
0x9f: {  	v4 =	vadd.f32 v4, v30;
	v30 =	vperm.xlane v28, v1;
	v22 =	vld [tilespmem:$0x1FDA0]  }
0xa0: {  	v48 =	vperm.xlane v6, v0;
	v50 =	vperm.xlane v5, v1;
	v7 =	vadd.f32 v8, v7;
	v8 =	vld [tilespmem:$0x1FD90]  }
0xa1: {  	v61 =	vmul.f32 v61, v60;
	v28 =	vadd.f32 v28, v30;
	v30 =	vld [tilespmem:s22+$0xACE0];
	v11 =	vmul.f32 v21, v11  }
0xa2: {  	v6 =	vadd.f32 v6, v48;
	v36 =	vadd.f32 v5, v50;
	v50 =	vld [tilespmem:s22+$0xAD00]  }
0xa3: {  	v18 =	vadd.f32 v61, v18;
	v10 =	vmul.f32 v13, v10;
	v9 =	vadd.f32 v11, v9;
	v11 =	vld [tilespmem:$0x1FDB0]  }
0xa4: {  	v33 =	vmul.f32 v33, v39;
	v51 =	vperm.xlane v6, v1;
	v25 =	vld [tilespmem:$0x1FDC0]  }
0xa5: {  	v20 =	vmul.f32 v20, v44;
	v18 =	vadd.f32 v58, v18;
	v55 =	vld [tilespmem:$0x1FDF0];
	v8 =	vmul.f32 v22, v8  }
0xa6: {  	v26 =	vmul.f32 v29, v26;
	v5 =	vadd.f32 v6, v51;
	v6 =	vperm.xlane v31, v0;
	v27 =	vld [tilespmem:$0x1FDE0]  }
0xa7: {  	v14 =	vmul.f32 v16, v14;
	v29 =	vperm.xlane v12, v0;
	v7 =	vadd.f32 v8, v7;
	v8 =	vld [tilespmem:$0x1FDD0]  }
0xa8: {  	v32 =	vmul.f32 v40, v32;
	v41 =	vperm.xlane v4, v2;
	v31 =	vadd.f32 v31, v6;
	v56 =	vld [tilespmem:$0x1FE00]  }
0xa9: {  	v12 =	vadd.f32 v12, v29;
	v42 =	vperm.xlane v36, v2;
	v29 =	vld [tilespmem:$0x1FE10];
	v11 =	vmul.f32 v25, v11  }
0xaa: {  	v26 =	vadd.f32 v26, v34;
	v4 =	vadd.f32 v4, v41;
	v41 =	vperm.xlane v31, v1;
	v59 =	vld [tilespmem:$0x1FE20]  }
0xab: {  	v57 =	vperm.xlane v5, v2;
	v6 =	vadd.f32 v36, v42;
	v42 =	vld [tilespmem:s22+$0x2C60];
	v9 =	vadd.f32 v11, v9  }
0xac: {  	v23 =	vmul.f32 v38, v23;
	v31 =	vadd.f32 v31, v41;
	v41 =	vld [tilespmem:s22+$0xAC00];
	v8 =	vmul.f32 v27, v8  }
0xad: {  	v5 =	vadd.f32 v5, v57;
	v21 =	vld [tilespmem:s22+$0x2CC0];
	v34 =	vmul.f32 v56, v55;
	v57 =	vperm.xlane v9, v0  }
0xae: {  	v61 =	vperm.xlane v12, v1;
	v63 =	vld [tilespmem:$0x1FE30];
	v7 =	vadd.f32 v8, v7;
	v8 =	vperm.xlane v18, v0  }
0xaf: {  	v29 =	vmul.f32 v59, v29;
	v26 =	vadd.f32 v34, v26;
	v34 =	vld [tilespmem:s22+$0xAC80];
	v9 =	vadd.f32 v9, v57  }
0xb0: {  	v48 =	vperm.xlane v28, v2;
	v12 =	vadd.f32 v12, v61;
	v25 =	vld [tilespmem:s22+$0x2CD0];
	v8 =	vadd.f32 v18, v8  }
0xb1: {  	v26 =	vadd.f32 v29, v26;
	v22 =	vld [tilespmem:s22+$0xACC0];
	v29 =	vperm.xlane v9, v1;
	v58 =	vperm.xlane v7, v0  }
0xb2: {  	v51 =	vperm.xlane v12, v2;
	v11 =	vld [tilespmem:s22+$0x2C20];
	v60 =	vperm.xlane v8, v1  }
0xb3: {  	v27 =	vld [tilespmem:s22+$0xACD0];
	v9 =	vadd.f32 v9, v29;
	v29 =	vperm.xlane v31, v2;
	v7 =	vadd.f32 v7, v58  }
0xb4: {  	v30 =	vmul.f32 v30, v37;
	v12 =	vadd.f32 v12, v51;
	v36 =	vadd.f32 v8, v60;
	v60 =	vld [tilespmem:$0x1FE40]  }
0xb5: {  	v51 =	vmul.f32 v54, v52;
	v29 =	vadd.f32 v31, v29;
	v31 =	vld [tilespmem:s22+$0x2C50];
	v62 =	vperm.xlane v7, v1  }
0xb6: {  	v54 =	vmul.f32 v53, v49;
	v18 =	vld [tilespmem:s22+$0x2C80];
	v8 =	vperm.xlane v26, v0  }
0xb7: {  	v21 =	vmul.f32 v22, v21;
	v61 =	vperm.xlane v9, v2;
	v7 =	vadd.f32 v7, v62;
	v62 =	vld [tilespmem:s22+$0x2C40]  }
0xb8: {  	v22 =	vmul.f32 v27, v25;
	v26 =	vadd.f32 v26, v8;
	v8 =	vadd.f32 v28, v48;
	v28 =	vld [tilespmem:s22+$0xAC40]  }
0xb9: {  	v27 =	vmul.f32 v41, v43;
	v55 =	vmul.f32 v60, v63;
	v63 =	vld [tilespmem:s22+$0xAC50]  }
0xba: {  	v50 =	vmul.f32 v50, v46;
	v48 =	vld [tilespmem:s22+$0xAC90];
	v13 =	vperm.xlane v7, v2  }
0xbb: {  	v52 =	vld [tilespmem:s22+$0xAC60];
	v11 =	vmul.f32 v35, v11;
	v9 =	vadd.f32 v9, v61;
	v27 =	vadd.f32 v54, v27  }
0xbc: {  	v25 =	vadd.f32 v32, v33;
	v16 =	vperm.xlane v26, v1;
	v7 =	vadd.f32 v7, v13;
	v13 =	vld [tilespmem:s22+$0xACA0]  }
0xbd: {  	v56 =	vld [tilespmem:s22+$0xAC70];
	v58 =	vadd.f32 v51, v50;
	v18 =	vmul.f32 v34, v18;
	v11 =	vadd.f32 v11, v27  }
0xbe: {  	v16 =	vadd.f32 v26, v16;
	v26 =	vmul.f32 v28, v62;
	v28 =	vmul.f32 v63, v31;
	v31 =	vld [tilespmem:s22+$0xACB0]  }
0xbf: {  	v57 =	vld [tilespmem:s22+$0xACF0];
	v14 =	vadd.f32 v14, v25;
	v47 =	vperm.xlane v36, v2;
	v25 =	vmul.f32 v48, v45  }
0xc0: {  	v11 =	vadd.f32 v20, v11;
	v26 =	vadd.f32 v28, v26;
	v28 =	vmul.f32 v52, v42  }
0xc1: {  	v36 =	vadd.f32 v36, v47;
	v18 =	vadd.f32 v25, v18;
	v13 =	vmul.f32 v13, v19  }
0xc2: {  	v17 =	vmul.f32 v56, v17;
	v19 =	vadd.f32 v22, v21;
	v21 =	vadd.f32 v28, v26  }
0xc3: {  	v14 =	vadd.f32 v55, v14;
	v13 =	vadd.f32 v13, v18;
	v15 =	vmul.f32 v31, v15  }
0xc4: {  	v18 =	vadd.f32 v30, v19;
	v19 =	vmul.f32 v57, v24;
	v17 =	vadd.f32 v17, v21  }
0xc5: {  	v20 =	vperm.xlane v16, v2;
	v13 =	vadd.f32 v15, v13;
	v15 =	vadd.f32 v23, v58  }
0xc6: {  	v18 =	vadd.f32 v19, v18;
	v21 =	vperm.xlane v11, v0;
	v22 =	vperm.xlane v17, v0  }
0xc7: {  	v16 =	vadd.f32 v16, v20;
	v19 =	vperm.xlane v13, v0;
	v10 =	vadd.f32 v10, v15  }
0xc8: {  	v11 =	vadd.f32 v11, v21;
	v15 =	vadd.f32 v17, v22;
	v17 =	vperm.xlane v18, v0  }
0xc9: {  	v21 =	vperm.xlane v14, v0;
	v13 =	vadd.f32 v13, v19;
	v19 =	vperm.xlane v10, v0  }
0xca: {  	v22 =	vperm.xlane v11, v1;
	v23 =	vperm.xlane v15, v1;
	v17 =	vadd.f32 v18, v17  }
0xcb: {  	v14 =	vadd.f32 v14, v21;
	v18 =	vperm.xlane v13, v1;
	v10 =	vadd.f32 v10, v19  }
0xcc: {  	v11 =	vadd.f32 v11, v22;
	v15 =	vadd.f32 v15, v23;
	v19 =	vperm.xlane v17, v1  }
0xcd: {  	v21 =	vperm.xlane v14, v1;
	v13 =	vadd.f32 v13, v18;
	v18 =	vperm.xlane v10, v1  }
0xce: {  	v22 =	vperm.xlane v11, v2;
	v23 =	vperm.xlane v15, v2;
	v17 =	vadd.f32 v17, v19  }
0xcf: {  	v14 =	vadd.f32 v14, v21;
	v19 =	vperm.xlane v13, v2;
	v10 =	vadd.f32 v10, v18  }
0xd0: {  	v20 =	vld [tilespmem:$0x1FF70];
	v11 =	vadd.f32 v11, v22;
	v15 =	vadd.f32 v15, v23;
	v18 =	vperm.xlane v17, v2  }
0xd1: {  	v21 =	vperm.xlane v14, v2;
	v13 =	vadd.f32 v13, v19;
	v19 =	vperm.xlane v10, v2  }
0xd2: {  	v22 =	vperm.xlane v11, v3;
	v23 =	vperm.xlane v15, v3;
	v17 =	vadd.f32 v17, v18  }
0xd3: {  	v14 =	vadd.f32 v14, v21;
	v18 =	vperm.xlane v13, v3;
	v10 =	vadd.f32 v10, v19  }
0xd4: {  	v11 =	vadd.f32 v11, v22;
	v15 =	vadd.f32 v15, v23;
	v19 =	vperm.xlane v17, v3  }
0xd5: {  	vm0 =	vnez.u8 v20;
	v13 =	vadd.f32 v13, v18;
	v18 =	vperm.xlane v10, v3  }
0xd6: {  	v11 =	vsel vm0, v11, v15;
	v15 =	vadd.f32 v17, v19;
	v17 =	vperm.xlane v14, v3  }
0xd7: {  	v11 =	vsel vm1, v11, v13;
	v10 =	vadd.f32 v10, v18;
	v13 =	vperm.xlane v16, v3  }
0xd8: {  	v11 =	vsel vm2, v11, v15;
	v14 =	vadd.f32 v14, v17;
	v15 =	vperm.xlane v7, v3  }
0xd9: {  	v10 =	vsel vm3, v11, v10;
	v11 =	vadd.f32 v16, v13;
	v13 =	vperm.xlane v9, v3  }
0xda: {  	v10 =	vsel vm4, v10, v14;
	v7 =	vadd.f32 v7, v15;
	v14 =	vperm.xlane v36, v3  }
0xdb: {  	v10 =	vsel vm5, v10, v11;
	v9 =	vadd.f32 v9, v13;
	v11 =	vperm.xlane v12, v3  }
0xdc: {  	v13 =	vperm.xlane v29, v3;
	v7 =	vsel vm6, v10, v7;
	v10 =	vadd.f32 v36, v14  }
0xdd: {  	v7 =	vsel vm7, v7, v9;
	v9 =	vadd.f32 v12, v11;
	v11 =	vperm.xlane v8, v3  }
0xde: {  	v12 =	vperm.xlane v6, v3;
	v7 =	vsel vm8, v7, v10;
	v10 =	vadd.f32 v29, v13  }
0xdf: {  	v7 =	vsel vm9, v7, v9;
	v8 =	vadd.f32 v8, v11;
	v9 =	vperm.xlane v5, v3  }
0xe0: {  	v6 =	vadd.f32 v6, v12;
	v7 =	vsel vm10, v7, v10;
	v10 =	vperm.xlane v4, v3  }
0xe1: {  	v7 =	vsel vm11, v7, v8;
	v5 =	vadd.f32 v5, v9  }
0xe2: {  	v6 =	vsel vm12, v7, v6;
	v4 =	vadd.f32 v4, v10  }
0xe3: {  	v5 =	vsel vm13, v6, v5  }
0xe4: {  	v4 =	vsel vm14, v5, v4  }
0xe5: {  	s22 =	simm.s32 $0x400;
	[tilespmem:s19+$0x0] =	vst v4  }
0xe6: {  	v4 =	vld [tilespmem:s22+$0x2FF0]  }
0xe7: {  	v5 =	vld [tilespmem:s22+$0xAFF0]  }
0xe8: {  	v6 =	vld [tilespmem:s22+$0x2FB0]  }
0xe9: {  	v7 =	vld [tilespmem:s22+$0xAFB0]  }
0xea: {  	v8 =	vld [tilespmem:s22+$0x2FE0]  }
0xeb: {  	v12 =	vld [tilespmem:s22+$0xAFE0]  }
0xec: {  	v13 =	vld [tilespmem:s22+$0x2F70]  }
0xed: {  	v14 =	vld [tilespmem:s22+$0xAF70]  }
0xee: {  	v11 =	vld [tilespmem:s22+$0x2FA0]  }
0xef: {  	v15 =	vld [tilespmem:s22+$0xAFA0]  }
0xf0: {  	v16 =	vld [tilespmem:s22+$0x2FC0]  }
0xf1: {  	v9 =	vld [tilespmem:s22+$0x2EF0]  }
0xf2: {  	v17 =	vld [tilespmem:s22+$0xAFC0]  }
0xf3: {  	v18 =	vld [tilespmem:s22+$0x2FD0]  }
0xf4: {  	v19 =	vld [tilespmem:s22+$0xAFD0]  }
0xf5: {  	v20 =	vld [tilespmem:s22+$0x2F30]  }
0xf6: {  	[tilespmem:$0x1FE50] =	vst v9;
	v9 =	vld [tilespmem:s22+$0x2EB0]  }
0xf7: {  	v21 =	vld [tilespmem:s22+$0xAF30]  }
0xf8: {  	v22 =	vld [tilespmem:s22+$0x2F60]  }
0xf9: {  	v23 =	vld [tilespmem:s22+$0xAF60]  }
0xfa: {  	v27 =	vld [tilespmem:s22+$0x2F80]  }
0xfb: {  	[tilespmem:$0x1FE60] =	vst v9;
	v9 =	vld [tilespmem:s22+$0xAEB0]  }
0xfc: {  	v29 =	vld [tilespmem:s22+$0xAF80]  }
0xfd: {  	v33 =	vld [tilespmem:s22+$0x2F90]  }
0xfe: {  	v34 =	vld [tilespmem:s22+$0xAF90]  }
0xff: {  	v45 =	vld [tilespmem:s22+$0xAEF0]  }
0x100: {  	[tilespmem:$0x1FE70] =	vst v9;
	v9 =	vld [tilespmem:s22+$0x2E30]  }
0x101: {  	v39 =	vld [tilespmem:s22+$0x2F20]  }
0x102: {  	v40 =	vld [tilespmem:s22+$0xAF20]  }
0x103: {  	v26 =	vld [tilespmem:s22+$0x2F40]  }
0x104: {  	v41 =	vld [tilespmem:s22+$0xAF40]  }
0x105: {  	[tilespmem:$0x1FED0] =	vst v9;
	v9 =	vld [tilespmem:s22+$0xAE30]  }
0x106: {  	v42 =	vld [tilespmem:s22+$0x2F50]  }
0x107: {  	v43 =	vld [tilespmem:s22+$0xAF50]  }
0x108: {  	v46 =	vld [tilespmem:s22+$0x2EE0]  }
0x109: {  	v47 =	vld [tilespmem:s22+$0xAEE0]  }
0x10a: {  	[tilespmem:$0x1FEE0] =	vst v9;
	v9 =	vld [tilespmem:s22+$0x2E90]  }
0x10b: {  	v48 =	vld [tilespmem:s22+$0x2F00]  }
0x10c: {  	v49 =	vld [tilespmem:s22+$0xAF00]  }
0x10d: {  	v50 =	vld [tilespmem:s22+$0x2F10]  }
0x10e: {  	v51 =	vld [tilespmem:s22+$0xAF10]  }
0x10f: {  	[tilespmem:$0x1FE80] =	vst v9;
	v9 =	vld [tilespmem:s22+$0x2DF0]  }
0x110: {  	v52 =	vld [tilespmem:s22+$0x2E70]  }
0x111: {  	v53 =	vld [tilespmem:s22+$0xAE70]  }
0x112: {  	v54 =	vld [tilespmem:s22+$0x2EA0]  }
0x113: {  	v55 =	vld [tilespmem:s22+$0xAEA0]  }
0x114: {  	[tilespmem:$0x1FEF0] =	vst v9;
	v9 =	vld [tilespmem:s22+$0xADF0]  }
0x115: {  	v56 =	vld [tilespmem:s22+$0x2EC0]  }
0x116: {  	v57 =	vld [tilespmem:s22+$0xAEC0]  }
0x117: {  	v58 =	vld [tilespmem:s22+$0x2ED0]  }
0x118: {  	v59 =	vld [tilespmem:s22+$0xAED0]  }
0x119: {  	[tilespmem:$0x1FF00] =	vst v9;
	v9 =	vld [tilespmem:s22+$0x2E20]  }
0x11a: {  	v60 =	vld [tilespmem:s22+$0x2E60]  }
0x11b: {  	v61 =	vld [tilespmem:s22+$0xAE60]  }
0x11c: {  	v62 =	vld [tilespmem:s22+$0x2E80]  }
0x11d: {  	v63 =	vld [tilespmem:s22+$0xAE80]  }
0x11e: {  	[tilespmem:$0x1FE90] =	vst v9;
	v9 =	vld [tilespmem:s22+$0xAE20]  }
0x11f: {  	v44 =	vld [tilespmem:s22+$0xAE90]  }
0x120: {  	v38 =	vld [tilespmem:s22+$0x2E40]  }
0x121: {  	v37 =	vld [tilespmem:s22+$0xAE40]  }
0x122: {  	v36 =	vld [tilespmem:s22+$0x2E50]  }
0x123: {  	[tilespmem:$0x1FEA0] =	vst v9;
	v9 =	vld [tilespmem:s22+$0x2DB0]  }
0x124: {  	v35 =	vld [tilespmem:s22+$0xAE50]  }
0x125: {  	v32 =	vld [tilespmem:s22+$0x2E00]  }
0x126: {  	v31 =	vld [tilespmem:s22+$0xAE00]  }
0x127: {  	v30 =	vld [tilespmem:s22+$0x2E10]  }
0x128: {  	[tilespmem:$0x1FF30] =	vst v9;
	v9 =	vld [tilespmem:s22+$0xADB0]  }
0x129: {  	v28 =	vld [tilespmem:s22+$0xAE10]  }
0x12a: {  	v25 =	vld [tilespmem:s22+$0x2DC0]  }
0x12b: {  	v24 =	vld [tilespmem:s22+$0xADC0]  }
0x12c: {  	v10 =	vld [tilespmem:s22+$0x2DD0];
	v6 =	vmul.f32 v7, v6  }
0x12d: {  	v4 =	vmul.f32 v5, v4;
	v5 =	vmul.f32 v17, v16;
	[tilespmem:$0x1FF40] =	vst v9;
	v9 =	vld [tilespmem:s22+$0x2DE0]  }
0x12e: {  	v7 =	vmul.f32 v19, v18;
	v15 =	vmul.f32 v15, v11;
	v11 =	vld [tilespmem:s22+$0x2D30]  }
0x12f: {  	v16 =	vmul.f32 v41, v26;
	v17 =	vmul.f32 v43, v42;
	v26 =	vld [tilespmem:s22+$0xAD30]  }
0x130: {  	v8 =	vmul.f32 v12, v8;
	v12 =	vmul.f32 v29, v27;
	v27 =	vld [tilespmem:s22+$0x2D60]  }
0x131: {  	v29 =	vld [tilespmem:s22+$0xAD60];
	v5 =	vadd.f32 v7, v5  }
0x132: {  	v7 =	vmul.f32 v34, v33;
	v16 =	vadd.f32 v17, v16;
	v17 =	vmul.f32 v23, v22;
	[tilespmem:$0x1FEB0] =	vst v9;
	v9 =	vld [tilespmem:s22+$0xADE0]  }
0x133: {  	v18 =	vmul.f32 v49, v48;
	v19 =	vmul.f32 v51, v50;
	v41 =	vld [tilespmem:s22+$0x2D80];
	v5 =	vadd.f32 v8, v5  }
0x134: {  	v42 =	vld [tilespmem:s22+$0xAD80];
	v7 =	vadd.f32 v7, v12;
	v8 =	vadd.f32 v17, v16;
	v12 =	vmul.f32 v14, v13  }
0x135: {  	v43 =	vld [tilespmem:s22+$0x2D20];
	v13 =	vadd.f32 v19, v18;
	v14 =	vmul.f32 v40, v39;
	v4 =	vadd.f32 v4, v5  }
0x136: {  	v48 =	vld [tilespmem:s22+$0xAD20];
	v5 =	vadd.f32 v15, v7;
	v15 =	vmul.f32 v21, v20;
	v8 =	vadd.f32 v12, v8  }
0x137: {  	v12 =	vadd.f32 v14, v13;
	v13 =	vmul.f32 v57, v56;
	v14 =	vmul.f32 v59, v58;
	[tilespmem:$0x1FEC0] =	vst v9;
	v9 =	vld [tilespmem:s22+$0x2D70]  }
0x138: {  	v35 =	vmul.f32 v35, v36;
	v36 =	vld [tilespmem:s22+$0x2C80]  }
0x139: {  	v22 =	vld [tilespmem:s22+$0x2C30];
	v15 =	vadd.f32 v15, v12;
	v12 =	vadd.f32 v14, v13;
	v13 =	vmul.f32 v47, v46  }
0x13a: {  	v33 =	vld [tilespmem:s22+$0x2CC0]  }
0x13b: {  	v13 =	vadd.f32 v13, v12;
	v12 =	vld [tilespmem:$0x1FE50]  }
0x13c: {  	v5 =	vadd.f32 v6, v5;
	v6 =	vperm.xlane v4, v0;
	v16 =	vperm.xlane v8, v0;
	[tilespmem:$0x1FF50] =	vst v9;
	v9 =	vld [tilespmem:s22+$0xAD70]  }
0x13d: {  	v34 =	vld [tilespmem:s22+$0x2CD0]  }
0x13e: {  	v39 =	vld [tilespmem:s22+$0x2D90];
	v4 =	vadd.f32 v4, v6;
	v6 =	vadd.f32 v8, v16;
	v8 =	vperm.xlane v15, v0  }
0x13f: {  	v40 =	vld [tilespmem:s22+$0xAD90]  }
0x140: {  	v18 =	vadd.f32 v15, v8;
	v8 =	vld [tilespmem:$0x1FE60];
	v16 =	vmul.f32 v45, v12  }
0x141: {  	[tilespmem:$0x1FF60] =	vst v9;
	v9 =	vld [tilespmem:s22+$0x2DA0]  }
0x142: {  	v19 =	vadd.f32 v16, v13;
	v16 =	vld [tilespmem:$0x1FE70]  }
0x143: {  	v17 =	vld [tilespmem:s22+$0xACE0];
	v14 =	vperm.xlane v5, v0  }
0x144: {  	v7 =	vld [tilespmem:s22+$0x2CF0]  }
0x145: {  	v57 =	vld [tilespmem:s22+$0x2D40];
	v5 =	vadd.f32 v5, v14;
	v14 =	vperm.xlane v4, v1  }
0x146: {  	v56 =	vmul.f32 v61, v60;
	v15 =	vperm.xlane v6, v1;
	[tilespmem:$0x1FF10] =	vst v9;
	v9 =	vld [tilespmem:s22+$0xADA0]  }
0x147: {  	v58 =	vld [tilespmem:s22+$0xAD40];
	v4 =	vadd.f32 v4, v14;
	v59 =	vmul.f32 v16, v8;
	v16 =	vperm.xlane v18, v1  }
0x148: {  	v21 =	vld [tilespmem:s22+$0xAD10];
	v60 =	vmul.f32 v42, v41;
	v14 =	vperm.xlane v5, v1  }
0x149: {  	v41 =	vld [tilespmem:s22+$0xAC00];
	v6 =	vadd.f32 v6, v15;
	v49 =	vadd.f32 v18, v16;
	v18 =	vperm.xlane v4, v2  }
0x14a: {  	v42 =	vld [tilespmem:s22+$0x2C00];
	v5 =	vadd.f32 v5, v14;
	v14 =	vperm.xlane v19, v0  }
0x14b: {  	v4 =	vadd.f32 v4, v18;
	v18 =	vperm.xlane v6, v2;
	[tilespmem:$0x1FF20] =	vst v9;
	v9 =	vld [tilespmem:s22+$0xADD0]  }
0x14c: {  	v40 =	vmul.f32 v40, v39;
	v39 =	vld [tilespmem:s22+$0xAC20];
	v47 =	vadd.f32 v19, v14;
	v14 =	vperm.xlane v5, v2  }
0x14d: {  	v28 =	vmul.f32 v28, v30;
	v15 =	vld [tilespmem:s22+$0x2CE0];
	v6 =	vadd.f32 v6, v18;
	v18 =	vmul.f32 v31, v32  }
0x14e: {  	v5 =	vadd.f32 v5, v14;
	v14 =	vmul.f32 v37, v38;
	v20 =	vld [tilespmem:$0x1FE80]  }
0x14f: {  	v24 =	vmul.f32 v24, v25;
	v25 =	vadd.f32 v28, v18;
	v18 =	vld [tilespmem:$0x1FEA0]  }
0x150: {  	v9 =	vmul.f32 v9, v10;
	v10 =	vadd.f32 v35, v14;
	v14 =	vld [tilespmem:$0x1FE90]  }
0x151: {  	v12 =	vld [tilespmem:s22+$0x2D50]  }
0x152: {  	v13 =	vld [tilespmem:s22+$0xAD50]  }
0x153: {  	v19 =	vld [tilespmem:s22+$0xAD00]  }
0x154: {  	v23 =	vmul.f32 v63, v62;
	v9 =	vadd.f32 v9, v24;
	v24 =	vld [tilespmem:$0x1FEC0]  }
0x155: {  	v44 =	vmul.f32 v44, v20;
	v28 =	vmul.f32 v18, v14;
	v18 =	vld [tilespmem:$0x1FEB0]  }
0x156: {  	v8 =	vld [tilespmem:s22+$0x2CB0];
	v38 =	vperm.xlane v47, v1  }
0x157: {  	v55 =	vmul.f32 v55, v54;
	v16 =	vld [tilespmem:s22+$0x2D00];
	v30 =	vadd.f32 v44, v23  }
0x158: {  	v38 =	vadd.f32 v47, v38;
	v47 =	vld [tilespmem:s22+$0xAC10]  }
0x159: {  	v31 =	vld [tilespmem:$0x1FEE0];
	v30 =	vadd.f32 v55, v30  }
0x15a: {  	v25 =	vadd.f32 v28, v25;
	v28 =	vld [tilespmem:$0x1FED0];
	v24 =	vmul.f32 v24, v18  }
0x15b: {  	v59 =	vadd.f32 v59, v30;
	v30 =	vld [tilespmem:$0x1FF00]  }
0x15c: {  	v9 =	vadd.f32 v24, v9;
	v24 =	vld [tilespmem:$0x1FEF0]  }
0x15d: {  	v53 =	vmul.f32 v53, v52;
	v20 =	vld [tilespmem:s22+$0x2D10];
	v10 =	vadd.f32 v56, v10  }
0x15e: {  	v52 =	vld [tilespmem:$0x1FF30]  }
0x15f: {  	v10 =	vadd.f32 v53, v10;
	v53 =	vld [tilespmem:$0x1FF40];
	v28 =	vmul.f32 v31, v28  }
0x160: {  	v62 =	vld [tilespmem:$0x1FF20]  }
0x161: {  	v28 =	vadd.f32 v28, v25;
	v25 =	vld [tilespmem:$0x1FF10];
	v24 =	vmul.f32 v30, v24  }
0x162: {  	v23 =	vld [tilespmem:s22+$0xAC30]  }
0x163: {  	v26 =	vmul.f32 v26, v11;
	v44 =	vld [tilespmem:s22+$0x2C10];
	v61 =	vperm.xlane v59, v0;
	v9 =	vadd.f32 v24, v9  }
0x164: {  	v35 =	vld [tilespmem:s22+$0xACC0];
	v54 =	vmul.f32 v53, v52;
	v24 =	vperm.xlane v10, v0  }
0x165: {  	v37 =	vadd.f32 v40, v60;
	v14 =	vld [tilespmem:s22+$0x2C70];
	v63 =	vperm.xlane v28, v0;
	v50 =	vperm.xlane v9, v0  }
0x166: {  	v53 =	vld [tilespmem:s22+$0x2C50];
	v40 =	vmul.f32 v62, v25;
	v10 =	vadd.f32 v10, v24;
	v24 =	vadd.f32 v59, v61  }
0x167: {  	v32 =	vperm.xlane v49, v2;
	v18 =	vld [tilespmem:s22+$0x2CA0];
	v28 =	vadd.f32 v28, v63;
	v9 =	vadd.f32 v9, v50  }
0x168: {  	v31 =	vld [tilespmem:s22+$0x2C20];
	v62 =	vperm.xlane v38, v2;
	v51 =	vadd.f32 v40, v37;
	v56 =	vperm.xlane v24, v1  }
0x169: {  	v30 =	vld [tilespmem:s22+$0xACD0];
	v59 =	vperm.xlane v28, v1;
	v60 =	vperm.xlane v9, v1  }
0x16a: {  	v55 =	vperm.xlane v10, v1;
	v45 =	vadd.f32 v54, v51;
	v61 =	vadd.f32 v24, v56;
	v24 =	vld [tilespmem:$0x1FF60]  }
0x16b: {  	v52 =	vadd.f32 v28, v59;
	v28 =	vmul.f32 v29, v27;
	v50 =	vadd.f32 v9, v60;
	v9 =	vld [tilespmem:$0x1FF50]  }
0x16c: {  	v25 =	vld [tilespmem:s22+$0x2C60];
	v27 =	vmul.f32 v48, v43;
	v51 =	vadd.f32 v10, v55;
	v10 =	vperm.xlane v45, v0  }
0x16d: {  	v37 =	vld [tilespmem:s22+$0xAC80];
	v56 =	vperm.xlane v52, v2;
	v63 =	vperm.xlane v61, v2  }
0x16e: {  	v40 =	vld [tilespmem:s22+$0x2C90];
	v54 =	vperm.xlane v51, v2;
	v46 =	vadd.f32 v45, v10;
	v10 =	vadd.f32 v38, v62  }
0x16f: {  	v29 =	vld [tilespmem:s22+$0xAC40];
	v38 =	vmul.f32 v58, v57;
	v55 =	vperm.xlane v50, v2;
	v11 =	vadd.f32 v61, v63  }
0x170: {  	s24 =	simm.s32 $0x2000;
	s23 =	simm.s32 $0x17C00;
	v24 =	vmul.f32 v24, v9;
	v9 =	vadd.f32 v49, v32;
	v49 =	vld [tilespmem:s22+$0x2C40];
	v32 =	vperm.xlane v46, v1  }
.LBB2_2:
0x171: {  	v43 =	vld [tilespmem:s22+$0xAC50];
	v15 =	vmul.f32 v17, v15;
	v17 =	vmul.f32 v13, v12  }
0x172: {  	v45 =	vld [tilespmem:s22+$0xAC90];
	v16 =	vmul.f32 v19, v16;
	v19 =	vmul.f32 v21, v20  }
0x173: {  	v12 =	vadd.f32 v51, v54;
	v20 =	vmul.f32 v23, v22;
	v21 =	vld [tilespmem:s22+$0xAC60];
	v22 =	vmul.f32 v35, v33  }
0x174: {  	v62 =	vld [tilespmem:s22+$0xACA0];
	v13 =	vadd.f32 v52, v56;
	v31 =	vmul.f32 v39, v31;
	v30 =	vmul.f32 v30, v34  }
0x175: {  	v48 =	vld [tilespmem:s22+$0xAC70];
	v63 =	vmul.f32 v41, v42;
	v47 =	vmul.f32 v47, v44;
	v17 =	vadd.f32 v17, v38  }
0x176: {  	v23 =	vadd.f32 v50, v55;
	v29 =	vmul.f32 v29, v49;
	v50 =	vld [tilespmem:s22+$0xACB0];
	v49 =	vmul.f32 v43, v53  }
0x177: {  	v51 =	vmul.f32 v45, v40;
	v17 =	vadd.f32 v28, v17;
	v28 =	vmul.f32 v37, v36  }
0x178: {  	v52 =	vld [tilespmem:s22+$0xACF0];
	v16 =	vadd.f32 v19, v16;
	v29 =	vadd.f32 v49, v29;
	v21 =	vmul.f32 v21, v25  }
0x179: {  	v18 =	vmul.f32 v62, v18;
	v19 =	vadd.f32 v47, v63;
	v25 =	vadd.f32 v51, v28  }
0x17a: {  	v14 =	vmul.f32 v48, v14;
	v22 =	vadd.f32 v30, v22;
	v21 =	vadd.f32 v21, v29  }
0x17b: {  	v19 =	vadd.f32 v31, v19;
	v8 =	vmul.f32 v50, v8;
	v18 =	vadd.f32 v18, v25  }
0x17c: {  	v16 =	vadd.f32 v27, v16;
	v14 =	vadd.f32 v14, v21  }
0x17d: {  	v15 =	vadd.f32 v15, v22;
	v7 =	vmul.f32 v52, v7;
	v8 =	vadd.f32 v8, v18  }
0x17e: {  	v19 =	vadd.f32 v20, v19;
	v16 =	vadd.f32 v26, v16;
	v21 =	vperm.xlane v14, v0  }
0x17f: {  	v17 =	vadd.f32 v24, v17;
	v7 =	vadd.f32 v7, v15;
	v15 =	vperm.xlane v8, v0  }
0x180: {  	v20 =	vperm.xlane v19, v0;
	v14 =	vadd.f32 v14, v21  }
0x181: {  	v21 =	vperm.xlane v17, v0;
	v8 =	vadd.f32 v8, v15;
	v15 =	vperm.xlane v16, v0  }
0x182: {  	v19 =	vadd.f32 v19, v20  }
0x183: {  	v20 =	vperm.xlane v7, v0;
	v15 =	vadd.f32 v16, v15;
	v16 =	vadd.f32 v17, v21  }
0x184: {  	v22 =	vperm.xlane v19, v1  }
0x185: {  	v7 =	vadd.f32 v7, v20;
	v24 =	vperm.xlane v14, v1;
	v21 =	vperm.xlane v16, v1  }
0x186: {  	v32 =	vadd.f32 v46, v32;
	v20 =	vperm.xlane v8, v1;
	v17 =	vadd.f32 v19, v22  }
0x187: {  	v19 =	vperm.xlane v7, v1;
	v14 =	vadd.f32 v14, v24;
	v16 =	vadd.f32 v16, v21  }
0x188: {  	v8 =	vadd.f32 v8, v20;
	v20 =	vperm.xlane v15, v1;
	v22 =	vperm.xlane v17, v2  }
0x189: {  	v7 =	vadd.f32 v7, v19;
	v24 =	vperm.xlane v14, v2;
	v21 =	vperm.xlane v16, v2  }
0x18a: {  	v19 =	vperm.xlane v8, v2;
	v15 =	vadd.f32 v15, v20;
	v17 =	vadd.f32 v17, v22  }
0x18b: {  	v20 =	vperm.xlane v7, v2;
	v14 =	vadd.f32 v14, v24;
	v16 =	vadd.f32 v16, v21;
	v21 =	vld [tilespmem:$0x1FF70]  }
0x18c: {  	v18 =	vperm.xlane v32, v2;
	v8 =	vadd.f32 v8, v19;
	v19 =	vperm.xlane v15, v2  }
0x18d: {  	v22 =	vperm.xlane v17, v3;
	v7 =	vadd.f32 v7, v20;
	v24 =	vperm.xlane v14, v3  }
0x18e: {  	v18 =	vadd.f32 v32, v18;
	v20 =	vperm.xlane v8, v3;
	v15 =	vadd.f32 v15, v19  }
0x18f: {  	v17 =	vadd.f32 v17, v22;
	v19 =	vperm.xlane v7, v3;
	v14 =	vadd.f32 v14, v24  }
0x190: {  	v8 =	vadd.f32 v8, v20;
	v20 =	vperm.xlane v15, v3;
	vm0 =	vnez.u8 v21  }
0x191: {  	v7 =	vadd.f32 v7, v19;
	v14 =	vsel vm0, v17, v14;
	v17 =	vperm.xlane v16, v3  }
0x192: {  	v8 =	vsel vm1, v14, v8;
	v14 =	vadd.f32 v15, v20;
	v15 =	vperm.xlane v18, v3  }
0x193: {  	v7 =	vsel vm2, v8, v7;
	v8 =	vadd.f32 v16, v17;
	v16 =	vperm.xlane v23, v3  }
0x194: {  	v7 =	vsel vm3, v7, v14;
	v14 =	vadd.f32 v18, v15;
	v15 =	vperm.xlane v13, v3  }
0x195: {  	v7 =	vsel vm4, v7, v8;
	v8 =	vadd.f32 v23, v16;
	v16 =	vperm.xlane v12, v3  }
0x196: {  	v7 =	vsel vm5, v7, v14;
	v13 =	vadd.f32 v13, v15;
	v14 =	vperm.xlane v11, v3  }
0x197: {  	v7 =	vsel vm6, v7, v8;
	v8 =	vadd.f32 v12, v16;
	v12 =	vperm.xlane v10, v3  }
0x198: {  	v7 =	vsel vm7, v7, v13;
	v11 =	vadd.f32 v11, v14;
	v13 =	vperm.xlane v9, v3  }
0x199: {  	v7 =	vsel vm8, v7, v8;
	v8 =	vadd.f32 v10, v12;
	v10 =	vperm.xlane v6, v3  }
0x19a: {  	v7 =	vsel vm9, v7, v11;
	v9 =	vadd.f32 v9, v13;
	v11 =	vperm.xlane v5, v3  }
0x19b: {  	v7 =	vsel vm10, v7, v8;
	v6 =	vadd.f32 v6, v10;
	v8 =	vperm.xlane v4, v3  }
0x19c: {  	v7 =	vsel vm11, v7, v9;
	v5 =	vadd.f32 v5, v11  }
0x19d: {  	v6 =	vsel vm12, v7, v6;
	v4 =	vadd.f32 v4, v8  }
0x19e: {  	v5 =	vsel vm13, v6, v5  }
0x19f: {  	s23 =	sadd.s32 $0x10, s23;
	v4 =	vsel vm14, v5, v4  }
0x1a0: {  	s22 =	sshra.s32 s24, $0x2;
	[tilespmem:s23+$0x0] =	vst v4  }
0x1a1: {  	v20 =	vld [tilespmem:s22+$0x2FF0]  }
0x1a2: {  	v27 =	vld [tilespmem:s22+$0xAFF0]  }
0x1a3: {  	v28 =	vld [tilespmem:s22+$0x2FB0]  }
0x1a4: {  	v29 =	vld [tilespmem:s22+$0xAFB0]  }
0x1a5: {  	v21 =	vld [tilespmem:s22+$0x2FE0]  }
0x1a6: {  	v19 =	vld [tilespmem:s22+$0xAFE0]  }
0x1a7: {  	v4 =	vld [tilespmem:s22+$0x2F70]  }
0x1a8: {  	v31 =	vld [tilespmem:s22+$0xAF70]  }
0x1a9: {  	v32 =	vld [tilespmem:s22+$0x2FA0]  }
0x1aa: {  	v51 =	vld [tilespmem:s22+$0xAFA0]  }
0x1ab: {  	v57 =	vld [tilespmem:s22+$0x2FC0]  }
0x1ac: {  	v59 =	vld [tilespmem:s22+$0xAFC0]  }
0x1ad: {  	v60 =	vld [tilespmem:s22+$0x2FD0]  }
0x1ae: {  	v61 =	vld [tilespmem:s22+$0xAFD0]  }
0x1af: {  	v26 =	vld [tilespmem:s22+$0x2F30]  }
0x1b0: {  	v25 =	vld [tilespmem:s22+$0xAF30]  }
0x1b1: {  	v38 =	vld [tilespmem:s22+$0x2F60]  }
0x1b2: {  	v43 =	vld [tilespmem:s22+$0xAF60]  }
0x1b3: {  	v63 =	vld [tilespmem:s22+$0x2F80]  }
0x1b4: {  	v18 =	vld [tilespmem:s22+$0xAF80]  }
0x1b5: {  	v17 =	vld [tilespmem:s22+$0x2F90]  }
0x1b6: {  	v16 =	vld [tilespmem:s22+$0xAF90]  }
0x1b7: {  	v56 =	vld [tilespmem:s22+$0x2F20]  }
0x1b8: {  	v58 =	vld [tilespmem:s22+$0xAF20]  }
0x1b9: {  	v14 =	vld [tilespmem:s22+$0x2F40]  }
0x1ba: {  	v12 =	vld [tilespmem:s22+$0xAF40]  }
0x1bb: {  	v10 =	vld [tilespmem:s22+$0x2F50]  }
0x1bc: {  	v8 =	vld [tilespmem:s22+$0xAF50]  }
0x1bd: {  	v45 =	vld [tilespmem:s22+$0x2EE0]  }
0x1be: {  	v48 =	vld [tilespmem:s22+$0xAEE0]  }
0x1bf: {  	v7 =	vld [tilespmem:s22+$0x2F00]  }
0x1c0: {  	v6 =	vld [tilespmem:s22+$0xAF00]  }
0x1c1: {  	v5 =	vld [tilespmem:s22+$0x2F10]  }
0x1c2: {  	v9 =	vld [tilespmem:s22+$0x2E70]  }
0x1c3: {  	v30 =	vld [tilespmem:s22+$0xAEA0]  }
0x1c4: {  	v15 =	vld [tilespmem:s22+$0x2EC0]  }
0x1c5: {  	v13 =	vld [tilespmem:s22+$0xAEC0]  }
0x1c6: {  	v11 =	vld [tilespmem:s22+$0x2ED0]  }
0x1c7: {  	v22 =	vld [tilespmem:s22+$0x2E30]  }
0x1c8: {  	v23 =	vld [tilespmem:s22+$0x2E60]  }
0x1c9: {  	v40 =	vld [tilespmem:s22+$0xAE60]  }
0x1ca: {  	v39 =	vld [tilespmem:s22+$0xAE80]  }
0x1cb: {  	v41 =	vld [tilespmem:s22+$0x2E90]  }
0x1cc: {  	v44 =	vld [tilespmem:s22+$0xAE90]  }
0x1cd: {  	v24 =	vld [tilespmem:s22+$0x2DF0]  }
0x1ce: {  	v33 =	vld [tilespmem:s22+$0x2E20]  }
0x1cf: {  	v34 =	vld [tilespmem:s22+$0xAE20]  }
0x1d0: {  	v46 =	vld [tilespmem:s22+$0x2E40]  }
0x1d1: {  	v47 =	vld [tilespmem:s22+$0xAE40]  }
0x1d2: {  	v49 =	vld [tilespmem:s22+$0x2E50]  }
0x1d3: {  	v50 =	vld [tilespmem:s22+$0xAE50]  }
0x1d4: {  	v35 =	vld [tilespmem:s22+$0x2DE0]  }
0x1d5: {  	v42 =	vld [tilespmem:s22+$0xADE0]  }
0x1d6: {  	v52 =	vld [tilespmem:s22+$0x2E00]  }
0x1d7: {  	v53 =	vld [tilespmem:s22+$0xAE00]  }
0x1d8: {  	v54 =	vld [tilespmem:s22+$0x2E10]  }
0x1d9: {  	v55 =	vld [tilespmem:s22+$0xAE10]  }
0x1da: {  	v36 =	vld [tilespmem:s22+$0x2DA0]  }
0x1db: {  	[tilespmem:$0x1FC60] =	vst v4;
	v4 =	vld [tilespmem:s22+$0x2EF0]  }
0x1dc: {  	v37 =	vld [tilespmem:s22+$0xADA0]  }
0x1dd: {  	v62 =	vld [tilespmem:s22+$0x2DC0]  }
0x1de: {  	[tilespmem:$0x1FCB0] =	vst v9;
	v9 =	vld [tilespmem:s22+$0xAE70]  }
0x1df: {  	[tilespmem:$0x1FCE0] =	vst v22;
	v22 =	vld [tilespmem:s22+$0xAE30]  }
0x1e0: {  	[tilespmem:$0x1FC70] =	vst v4;
	v4 =	vld [tilespmem:s22+$0xAEF0]  }
0x1e1: {  	[tilespmem:$0x1FD00] =	vst v24;
	v24 =	vld [tilespmem:s22+$0xADF0]  }
0x1e2: {  	v28 =	vmul.f32 v29, v28;
	v20 =	vmul.f32 v27, v20;
	v27 =	vld [tilespmem:s22+$0x2DD0]  }
0x1e3: {  	v29 =	vmul.f32 v59, v57;
	v59 =	vmul.f32 v61, v60;
	v60 =	vld [tilespmem:s22+$0xADD0]  }
0x1e4: {  	v57 =	vld [tilespmem:s22+$0x2D30]  }
0x1e5: {  	[tilespmem:$0x1FC80] =	vst v4;
	v4 =	vld [tilespmem:s22+$0x2EB0]  }
0x1e6: {  	v8 =	vmul.f32 v8, v10;
	v10 =	vld [tilespmem:s22+$0x2D60]  }
0x1e7: {  	[tilespmem:$0x1FCC0] =	vst v9;
	v9 =	vld [tilespmem:s22+$0x2EA0]  }
0x1e8: {  	v51 =	vmul.f32 v51, v32;
	v32 =	vld [tilespmem:s22+$0xAD60]  }
0x1e9: {  	v19 =	vmul.f32 v19, v21;
	v21 =	vld [tilespmem:s22+$0xAD10]  }
0x1ea: {  	v18 =	vmul.f32 v18, v63;
	v16 =	vmul.f32 v16, v17;
	[tilespmem:$0x1FC90] =	vst v4;
	v4 =	vld [tilespmem:s22+$0xAEB0]  }
0x1eb: {  	v12 =	vmul.f32 v12, v14;
	v40 =	vmul.f32 v40, v23;
	v23 =	vld [tilespmem:s22+$0xAC30]  }
0x1ec: {  	v6 =	vmul.f32 v6, v7;
	[tilespmem:$0x1FCD0] =	vst v9;
	v9 =	vld [tilespmem:s22+$0xAED0]  }
0x1ed: {  	v34 =	vmul.f32 v34, v33;
	v33 =	vld [tilespmem:s22+$0x2CC0];
	v7 =	vadd.f32 v8, v12;
	v12 =	vadd.f32 v16, v18  }
0x1ee: {  	v8 =	vmul.f32 v43, v38;
	[tilespmem:$0x1FD10] =	vst v24;
	v24 =	vld [tilespmem:s22+$0x2DB0]  }
0x1ef: {  	v12 =	vadd.f32 v51, v12;
	[tilespmem:$0x1FCA0] =	vst v4;
	v4 =	vld [tilespmem:s22+$0xAF10]  }
0x1f0: {  	v13 =	vmul.f32 v13, v15;
	v7 =	vadd.f32 v8, v7;
	v8 =	vld [tilespmem:$0x1FC60]  }
0x1f1: {  	v37 =	vmul.f32 v37, v36;
	v36 =	vld [tilespmem:s22+$0x2C80];
	v12 =	vadd.f32 v28, v12;
	v9 =	vmul.f32 v9, v11  }
0x1f2: {  	v17 =	vadd.f32 v59, v29;
	v29 =	vld [tilespmem:s22+$0xAD30]  }
0x1f3: {  	v59 =	vld [tilespmem:s22+$0x2D80];
	v11 =	vperm.xlane v12, v0;
	v9 =	vadd.f32 v9, v13;
	v13 =	vmul.f32 v48, v45  }
0x1f4: {  	[tilespmem:$0x1FD20] =	vst v24;
	v24 =	vld [tilespmem:s22+$0xADB0];
	v4 =	vmul.f32 v4, v5  }
0x1f5: {  	v8 =	vmul.f32 v31, v8;
	v11 =	vadd.f32 v12, v11;
	v12 =	vld [tilespmem:$0x1FC70];
	v9 =	vadd.f32 v13, v9  }
0x1f6: {  	v13 =	vld [tilespmem:$0x1FC80];
	v5 =	vadd.f32 v19, v17;
	v4 =	vadd.f32 v4, v6;
	v6 =	vmul.f32 v58, v56  }
0x1f7: {  	v38 =	vld [tilespmem:s22+$0x2D20];
	v8 =	vadd.f32 v8, v7  }
0x1f8: {  	v43 =	vld [tilespmem:s22+$0xAD20];
	v5 =	vadd.f32 v20, v5;
	v4 =	vadd.f32 v6, v4;
	v6 =	vmul.f32 v25, v26  }
0x1f9: {  	[tilespmem:$0x1FCF0] =	vst v22;
	v22 =	vld [tilespmem:s22+$0x2E80]  }
0x1fa: {  	[tilespmem:$0x1FD30] =	vst v24;
	v24 =	vld [tilespmem:s22+$0x2D70];
	v14 =	vperm.xlane v5, v0;
	v4 =	vadd.f32 v6, v4;
	v6 =	vperm.xlane v8, v0  }
0x1fb: {  	v15 =	vmul.f32 v13, v12;
	v19 =	vld [tilespmem:$0x1FC90]  }
0x1fc: {  	v20 =	vld [tilespmem:$0x1FCA0];
	v5 =	vadd.f32 v5, v14;
	v14 =	vperm.xlane v4, v0;
	v6 =	vadd.f32 v8, v6  }
0x1fd: {  	v31 =	vld [tilespmem:s22+$0x2D90]  }
0x1fe: {  	v7 =	vld [tilespmem:s22+$0x2CF0];
	v9 =	vadd.f32 v15, v9;
	v4 =	vadd.f32 v4, v14;
	v14 =	vperm.xlane v6, v1  }
0x1ff: {  	[tilespmem:$0x1FD40] =	vst v24;
	v24 =	vld [tilespmem:s22+$0xAD70]  }
0x200: {  	v45 =	vld [tilespmem:s22+$0x2D40];
	v6 =	vadd.f32 v6, v14;
	v14 =	vperm.xlane v9, v0  }
0x201: {  	v51 =	vmul.f32 v20, v19;
	v20 =	vld [tilespmem:$0x1FCC0]  }
0x202: {  	v9 =	vadd.f32 v9, v14;
	v14 =	vld [tilespmem:$0x1FCB0]  }
0x203: {  	v48 =	vld [tilespmem:s22+$0xAD40];
	v16 =	vperm.xlane v11, v1  }
0x204: {  	[tilespmem:$0x1FD50] =	vst v24;
	v24 =	vld [tilespmem:s22+$0xADC0]  }
0x205: {  	v11 =	vadd.f32 v11, v16;
	v16 =	vld [tilespmem:s22+$0x2D00]  }
0x206: {  	v12 =	vld [tilespmem:s22+$0x2D50]  }
0x207: {  	v61 =	vmul.f32 v20, v14;
	v14 =	vld [tilespmem:$0x1FCD0]  }
0x208: {  	v13 =	vld [tilespmem:s22+$0xAD50]  }
0x209: {  	v27 =	vmul.f32 v60, v27;
	v15 =	vld [tilespmem:s22+$0x2CE0];
	v24 =	vmul.f32 v24, v62  }
0x20a: {  	v56 =	vld [tilespmem:s22+$0xAD80];
	v8 =	vperm.xlane v5, v1  }
0x20b: {  	v25 =	vld [tilespmem:s22+$0xAD90];
	v24 =	vadd.f32 v27, v24;
	v27 =	vmul.f32 v42, v35  }
0x20c: {  	v19 =	vld [tilespmem:s22+$0xAD00];
	v5 =	vadd.f32 v5, v8;
	v17 =	vperm.xlane v4, v1;
	v30 =	vmul.f32 v30, v14  }
0x20d: {  	v35 =	vld [tilespmem:s22+$0xACC0];
	v14 =	vmul.f32 v39, v22;
	v39 =	vmul.f32 v44, v41  }
0x20e: {  	v42 =	vld [tilespmem:s22+$0x2C00];
	v28 =	vadd.f32 v4, v17;
	v4 =	vperm.xlane v5, v2  }
0x20f: {  	v26 =	vperm.xlane v11, v2;
	v24 =	vadd.f32 v27, v24;
	v27 =	vld [tilespmem:$0x1FD00];
	v39 =	vadd.f32 v39, v14  }
0x210: {  	v25 =	vmul.f32 v25, v31;
	v31 =	vld [tilespmem:s22+$0x2C20];
	v4 =	vadd.f32 v5, v4  }
0x211: {  	v5 =	vadd.f32 v11, v26;
	v11 =	vmul.f32 v47, v46;
	v47 =	vld [tilespmem:$0x1FCE0];
	v30 =	vadd.f32 v30, v39  }
0x212: {  	v26 =	vmul.f32 v50, v49;
	v49 =	vld [tilespmem:$0x1FCF0]  }
0x213: {  	v18 =	vperm.xlane v6, v2;
	v50 =	vadd.f32 v51, v30;
	v30 =	vld [tilespmem:$0x1FD10]  }
0x214: {  	v53 =	vmul.f32 v53, v52;
	v55 =	vmul.f32 v55, v54;
	v8 =	vld [tilespmem:s22+$0x2CB0]  }
0x215: {  	v17 =	vld [tilespmem:s22+$0xACE0];
	v6 =	vadd.f32 v6, v18  }
0x216: {  	v18 =	vld [tilespmem:s22+$0x2CA0];
	v11 =	vadd.f32 v26, v11;
	v26 =	vadd.f32 v55, v53  }
0x217: {  	v55 =	vld [tilespmem:$0x1FD20]  }
0x218: {  	v20 =	vld [tilespmem:s22+$0x2D10];
	v26 =	vadd.f32 v34, v26;
	v39 =	vmul.f32 v49, v47;
	v27 =	vmul.f32 v30, v27  }
0x219: {  	v11 =	vadd.f32 v40, v11;
	v34 =	vld [tilespmem:s22+$0x2CD0];
	v51 =	vmul.f32 v56, v59  }
0x21a: {  	v40 =	vld [tilespmem:s22+$0x2C90];
	v26 =	vadd.f32 v39, v26;
	v24 =	vadd.f32 v27, v24  }
0x21b: {  	v11 =	vadd.f32 v61, v11;
	v56 =	vld [tilespmem:$0x1FD30];
	v41 =	vadd.f32 v25, v51  }
0x21c: {  	v22 =	vld [tilespmem:s22+$0x2C30];
	v53 =	vperm.xlane v26, v0;
	v54 =	vperm.xlane v24, v0  }
0x21d: {  	v63 =	vperm.xlane v9, v1;
	v44 =	vld [tilespmem:s22+$0x2C10];
	v41 =	vadd.f32 v37, v41;
	v27 =	vperm.xlane v11, v0  }
0x21e: {  	v14 =	vld [tilespmem:s22+$0x2C70];
	v52 =	vperm.xlane v50, v0;
	v26 =	vadd.f32 v26, v53;
	v24 =	vadd.f32 v24, v54  }
0x21f: {  	v58 =	vperm.xlane v28, v2;
	v47 =	vld [tilespmem:s22+$0xAC10];
	v53 =	vadd.f32 v9, v63;
	v11 =	vadd.f32 v11, v27  }
0x220: {  	v39 =	vld [tilespmem:s22+$0xAC20];
	v59 =	vmul.f32 v56, v55;
	v27 =	vadd.f32 v50, v52;
	v9 =	vperm.xlane v24, v1  }
0x221: {  	v25 =	vld [tilespmem:s22+$0x2C60];
	v62 =	vperm.xlane v26, v1;
	v60 =	vperm.xlane v11, v1  }
0x222: {  	v49 =	vadd.f32 v59, v41;
	v61 =	vperm.xlane v27, v1;
	v50 =	vadd.f32 v24, v9;
	v9 =	vld [tilespmem:$0x1FD40]  }
0x223: {  	v59 =	vperm.xlane v53, v2;
	v52 =	vadd.f32 v26, v62;
	v51 =	vadd.f32 v11, v60;
	v24 =	vld [tilespmem:$0x1FD50]  }
0x224: {  	p0 =	sne.s32 s24, $0x1F000;
	v37 =	vld [tilespmem:s22+$0xAC80];
	v26 =	vmul.f32 v29, v57;
	v11 =	vadd.f32 v27, v61;
	v27 =	vperm.xlane v49, v0  }
.Ltmp0:
0x225: {  	v30 =	vld [tilespmem:s22+$0xACD0];
	v56 =	vperm.xlane v52, v2;
	v54 =	vperm.xlane v51, v2;
	(pc) =	sbr.rel @p0 .LBB2_2-.Ltmp0, $4  }
0x226: {  	v41 =	vld [tilespmem:s22+$0xAC00];
	v60 =	vperm.xlane v11, v2;
	v46 =	vadd.f32 v49, v27;
	v27 =	vmul.f32 v43, v38  }
0x227: {  	v29 =	vld [tilespmem:s22+$0xAC40];
	v38 =	vmul.f32 v48, v45;
	v55 =	vperm.xlane v50, v2  }
0x228: {  	v49 =	vld [tilespmem:s22+$0x2C40];
	v11 =	vadd.f32 v11, v60;
	v24 =	vmul.f32 v24, v9;
	v9 =	vadd.f32 v28, v58  }
0x229: {  	s24 =	sadd.s32 $0x1000, s24;
	v28 =	vmul.f32 v32, v10;
	v32 =	vperm.xlane v46, v1;
	v10 =	vadd.f32 v53, v59;
	v53 =	vld [tilespmem:s22+$0x2C50]  }
0x22a: {  	v15 =	vmul.f32 v17, v15  }
0x22b: {  	v43 =	vld [tilespmem:s22+$0xAC50];
	v12 =	vmul.f32 v13, v12;
	v16 =	vmul.f32 v19, v16  }
0x22c: {  	v13 =	vadd.f32 v51, v54;
	v63 =	vld [tilespmem:s22+$0xAC90];
	v45 =	vmul.f32 v21, v20;
	v48 =	vmul.f32 v23, v22  }
0x22d: {  	v20 =	vadd.f32 v52, v56;
	v51 =	vld [tilespmem:s22+$0xAC60];
	v52 =	vmul.f32 v35, v33;
	v31 =	vmul.f32 v39, v31  }
0x22e: {  	v33 =	vadd.f32 v50, v55;
	v54 =	vld [tilespmem:s22+$0xACA0];
	v30 =	vmul.f32 v30, v34;
	v56 =	vmul.f32 v47, v44  }
0x22f: {  	v57 =	vld [tilespmem:s22+$0xAC70];
	v55 =	vmul.f32 v41, v42;
	v32 =	vadd.f32 v46, v32;
	v12 =	vadd.f32 v12, v38  }
0x230: {  	v59 =	vld [tilespmem:s22+$0xACB0];
	v60 =	vmul.f32 v37, v36;
	v16 =	vadd.f32 v45, v16;
	v23 =	vadd.f32 v30, v52  }
0x231: {  	v61 =	vld [tilespmem:s22+$0xACF0];
	v29 =	vmul.f32 v29, v49;
	v62 =	vadd.f32 v56, v55;
	v58 =	vmul.f32 v43, v53  }
0x232: {  	v12 =	vadd.f32 v28, v12;
	v15 =	vadd.f32 v15, v23;
	v17 =	vmul.f32 v63, v40  }
0x233: {  	v16 =	vadd.f32 v27, v16;
	v22 =	vmul.f32 v51, v25;
	v29 =	vadd.f32 v58, v29  }
0x234: {  	v18 =	vmul.f32 v54, v18;
	v19 =	vadd.f32 v31, v62;
	v17 =	vadd.f32 v17, v60  }
0x235: {  	v14 =	vmul.f32 v57, v14;
	v8 =	vmul.f32 v59, v8;
	v22 =	vadd.f32 v22, v29  }
0x236: {  	v7 =	vmul.f32 v61, v7;
	v16 =	vadd.f32 v26, v16;
	v17 =	vadd.f32 v18, v17  }
0x237: {  	v25 =	vperm.xlane v32, v2;
	v63 =	vadd.f32 v48, v19;
	v14 =	vadd.f32 v14, v22  }
0x238: {  	v12 =	vadd.f32 v24, v12;
	v30 =	vperm.xlane v16, v0;
	v8 =	vadd.f32 v8, v17  }
0x239: {  	v7 =	vadd.f32 v7, v15;
	v19 =	vperm.xlane v63, v0;
	v27 =	vperm.xlane v14, v0  }
0x23a: {  	v31 =	vperm.xlane v12, v0;
	v15 =	vadd.f32 v16, v30;
	v28 =	vperm.xlane v8, v0  }
0x23b: {  	v29 =	vperm.xlane v7, v0;
	v18 =	vadd.f32 v63, v19;
	v14 =	vadd.f32 v14, v27  }
0x23c: {  	v12 =	vadd.f32 v12, v31;
	v39 =	vperm.xlane v15, v1;
	v8 =	vadd.f32 v8, v28  }
0x23d: {  	v7 =	vadd.f32 v7, v29;
	v34 =	vperm.xlane v18, v1;
	v35 =	vperm.xlane v14, v1  }
0x23e: {  	v21 =	vperm.xlane v12, v1;
	v15 =	vadd.f32 v15, v39;
	v36 =	vperm.xlane v8, v1  }
0x23f: {  	v38 =	vperm.xlane v7, v1;
	v37 =	vadd.f32 v18, v34;
	v14 =	vadd.f32 v14, v35  }
0x240: {  	v12 =	vadd.f32 v12, v21;
	v42 =	vperm.xlane v15, v2;
	v8 =	vadd.f32 v8, v36  }
0x241: {  	v7 =	vadd.f32 v7, v38;
	v22 =	vperm.xlane v37, v2;
	v23 =	vperm.xlane v14, v2  }
0x242: {  	v21 =	vperm.xlane v12, v2;
	v40 =	vperm.xlane v8, v2  }
0x243: {  	v41 =	vperm.xlane v7, v2;
	v16 =	vadd.f32 v37, v22;
	v2 =	vld [tilespmem:$0x1FF70];
	v14 =	vadd.f32 v14, v23  }
0x244: {  	v17 =	vadd.f32 v32, v25;
	v8 =	vadd.f32 v8, v40  }
0x245: {  	v7 =	vadd.f32 v7, v41;
	v22 =	vperm.xlane v16, v3;
	v23 =	vperm.xlane v14, v3  }
0x246: {  	v15 =	vadd.f32 v15, v42;
	v12 =	vadd.f32 v12, v21;
	v43 =	vperm.xlane v8, v3  }
0x247: {  	v44 =	vperm.xlane v7, v3;
	v16 =	vadd.f32 v16, v22;
	v14 =	vadd.f32 v14, v23  }
0x248: {  	v45 =	vperm.xlane v15, v3;
	vm0 =	vnez.u8 v2;
	v8 =	vadd.f32 v8, v43  }
0x249: {  	v46 =	vperm.xlane v12, v3;
	v7 =	vadd.f32 v7, v44;
	v14 =	vsel vm0, v16, v14  }
0x24a: {  	v48 =	vperm.xlane v17, v3;
	v47 =	vadd.f32 v15, v45;
	v8 =	vsel vm1, v14, v8  }
0x24b: {  	v50 =	vperm.xlane v33, v3;
	v49 =	vadd.f32 v12, v46;
	v7 =	vsel vm2, v8, v7  }
0x24c: {  	v52 =	vperm.xlane v20, v3;
	v51 =	vadd.f32 v17, v48;
	v7 =	vsel vm3, v7, v47  }
0x24d: {  	v53 =	vadd.f32 v33, v50;
	v54 =	vperm.xlane v13, v3;
	v7 =	vsel vm4, v7, v49  }
0x24e: {  	v56 =	vperm.xlane v11, v3;
	v55 =	vadd.f32 v20, v52;
	v7 =	vsel vm5, v7, v51  }
0x24f: {  	v57 =	vadd.f32 v13, v54;
	v58 =	vperm.xlane v10, v3;
	v7 =	vsel vm6, v7, v53  }
0x250: {  	v11 =	vadd.f32 v11, v56;
	v59 =	vperm.xlane v9, v3;
	v7 =	vsel vm7, v7, v55  }
0x251: {  	v61 =	vperm.xlane v6, v3;
	v60 =	vadd.f32 v10, v58;
	v7 =	vsel vm8, v7, v57  }
0x252: {  	v62 =	vperm.xlane v5, v3;
	v9 =	vadd.f32 v9, v59;
	v7 =	vsel vm9, v7, v11  }
0x253: {  	v6 =	vadd.f32 v6, v61;
	v63 =	vperm.xlane v4, v3;
	v7 =	vsel vm10, v7, v60  }
0x254: {  	v5 =	vadd.f32 v5, v62;
	v7 =	vsel vm11, v7, v9  }
0x255: {  	v4 =	vadd.f32 v4, v63;
	v6 =	vsel vm12, v7, v6  }
0x256: {  	v5 =	vsel vm13, v6, v5  }
0x257: {  	s31 =	sadd.s32 $0x10, s23;
	v4 =	vsel vm14, v5, v4  }
0x258: {  	s22 =	simm.s32 $0x0;
	s23 =	simm.s32 $0x17E00;
	s24 =	simm.s32 $0x2C20;
	vm1 =	vmmov vm15;
	[tilespmem:s31+$0x0] =	vst v4  }
.LBB2_4:
0x259: {  	s25 =	smul.u32 $0x500, s22;
	_ =	sdelay $0x1  }
0x25a: {  	s25 =	sshra.s32 s25, $0x2  }
0x25b: {  	s25 =	sadd.s32 $0x400, s25  }
0x25c: {  	[tilespmem:s18], [sflag:$0x1] =	stream.indirect.gather [hbm4b:s4+s17], $0x40, s25, s17, $0xb8;
	[tilespmem:$0x1BE00] =	vst v63  }
0x25d: {  	_ =	swait.ge [sflag:s15], $0x5000  }
0x25e: {  	[sflag:s15] =	ssyncset.done $0x0  }
0x25f: {  	s25 =	simm.s32 $0x12E80;
	[sflag:s15] =	ssyncadd.s32 $0xFFFFB000  }
0x260: {  	v6 =	vld [tilespmem:s25+$0x270]  }
0x261: {  	v8 =	vld [tilespmem:s25+$0x170]  }
0x262: {  	v5 =	vld [tilespmem:s25+$0x230]  }
0x263: {  	v13 =	vld [tilespmem:s25+$0x260]  }
0x264: {  	v9 =	vld [tilespmem:s25+$0x130]  }
0x265: {  	v14 =	vld [tilespmem:s25+$0x160]  }
0x266: {  	v4 =	vld [tilespmem:s25+$0x1F0]  }
0x267: {  	v15 =	vld [tilespmem:s25+$0x220]  }
0x268: {  	v16 =	vld [tilespmem:s25+$0x240]  }
0x269: {  	v17 =	vld [tilespmem:s25+$0x250]  }
0x26a: {  	v11 =	vld [tilespmem:s25+$0xF0]  }
0x26b: {  	v18 =	vld [tilespmem:s25+$0x120]  }
0x26c: {  	v19 =	vld [tilespmem:s25+$0x140]  }
0x26d: {  	v20 =	vld [tilespmem:s25+$0x150]  }
0x26e: {  	v7 =	vld [tilespmem:s25+$0x1B0]  }
0x26f: {  	v21 =	vld [tilespmem:s25+$0x1E0]  }
0x270: {  	v22 =	vld [tilespmem:s25+$0x200]  }
0x271: {  	v23 =	vld [tilespmem:s25+$0x210]  }
0x272: {  	v12 =	vld [tilespmem:s25+$0xB0]  }
0x273: {  	v25 =	vld [tilespmem:s25+$0x100]  }
0x274: {  	v26 =	vld [tilespmem:s25+$0x110]  }
0x275: {  	v28 =	vld [tilespmem:s25+$0x1C0]  }
0x276: {  	v29 =	vld [tilespmem:s25+$0x1D0]  }
0x277: {  	v30 =	vld [tilespmem:s25+$0xC0]  }
0x278: {  	v31 =	vld [tilespmem:s25+$0xD0]  }
0x279: {  	v32 =	vld [tilespmem:s25+$0x180]  }
0x27a: {  	v33 =	vld [tilespmem:s25+$0x190]  }
0x27b: {  	v34 =	vld [tilespmem:s25+$0x80]  }
0x27c: {  	v35 =	vld [tilespmem:s25+$0x40]  }
0x27d: {  	v36 =	vld [tilespmem:s25+$0x0]  }
0x27e: {  	v37 =	vld [tilespmem:s25+$0xFFFFFFC0]  }
0x27f: {  	v38 =	vld [tilespmem:s24+$0xFFFFFFE0]  }
0x280: {  	v39 =	vld [tilespmem:s25+$0xFFFFFF80]  }
0x281: {  	v40 =	vld [tilespmem:s25+$0xFFFFFF40]  }
0x282: {  	v41 =	vld [tilespmem:s25+$0xFFFFFF00]  }
0x283: {  	v42 =	vld [tilespmem:s25+$0xFFFFFEC0]  }
0x284: {  	v43 =	vld [tilespmem:s25+$0xFFFFFE80]  }
0x285: {  	v44 =	vld [tilespmem:s25+$0xFFFFFE40];
	v19 =	vmul.f32 v19, v38  }
0x286: {  	v45 =	vld [tilespmem:s25+$0xFFFFFE00];
	v16 =	vmul.f32 v16, v38;
	v25 =	vmul.f32 v25, v38  }
0x287: {  	v46 =	vld [tilespmem:s25+$0xFFFFFD80];
	v22 =	vmul.f32 v22, v38;
	v30 =	vmul.f32 v30, v38  }
0x288: {  	v47 =	vld [tilespmem:s25+$0xFFFFFDC0];
	v28 =	vmul.f32 v28, v38;
	v34 =	vmul.f32 v34, v38  }
0x289: {  	v48 =	vld [tilespmem:s24+$0xFFFFFFF0];
	v32 =	vmul.f32 v32, v38;
	v36 =	vmul.f32 v36, v38  }
0x28a: {  	v49 =	vld [tilespmem:s25+$0x90];
	v35 =	vmul.f32 v35, v38;
	v39 =	vmul.f32 v39, v38  }
0x28b: {  	v50 =	vld [tilespmem:s25+$0x50];
	v37 =	vmul.f32 v37, v38;
	v41 =	vmul.f32 v41, v38  }
0x28c: {  	v51 =	vld [tilespmem:s25+$0x10];
	v40 =	vmul.f32 v40, v38;
	v43 =	vmul.f32 v43, v38  }
0x28d: {  	v53 =	vld [tilespmem:s25+$0xFFFFFF90];
	v42 =	vmul.f32 v42, v38;
	v45 =	vmul.f32 v45, v38  }
0x28e: {  	v54 =	vld [tilespmem:s25+$0xFFFFFF50];
	v44 =	vmul.f32 v44, v38;
	v46 =	vmul.f32 v46, v38  }
0x28f: {  	v57 =	vld [tilespmem:s25+$0xFFFFFF10];
	v20 =	vmul.f32 v20, v48;
	v26 =	vmul.f32 v26, v48  }
0x290: {  	v52 =	vld [tilespmem:s25+$0xFFFFFFD0];
	v38 =	vmul.f32 v47, v38;
	v17 =	vmul.f32 v17, v48  }
0x291: {  	v59 =	vld [tilespmem:s25+$0xFFFFFE10];
	v23 =	vmul.f32 v23, v48;
	v29 =	vmul.f32 v29, v48  }
0x292: {  	v60 =	vld [tilespmem:s25+$0xFFFFFD90];
	v58 =	vmul.f32 v50, v48;
	v61 =	vmul.f32 v51, v48  }
0x293: {  	v2 =	vmov s23;
	v63 =	vld [tilespmem:s25+$0xFFFFFDD0];
	v62 =	vmul.f32 v54, v48;
	v54 =	vmul.f32 v53, v48  }
0x294: {  	v47 =	vmul.f32 v57, v48;
	v19 =	vadd.f32 v20, v19;
	v25 =	vadd.f32 v26, v25;
	v26 =	vld [tilespmem:s25+$0xFFFFFED0]  }
0x295: {  	v20 =	vmul.f32 v31, v48;
	v31 =	vmul.f32 v49, v48;
	v16 =	vadd.f32 v17, v16;
	v17 =	vld [tilespmem:s25+$0xFFFFFE90]  }
0x296: {  	v22 =	vadd.f32 v23, v22;
	v23 =	vmul.f32 v33, v48;
	v41 =	vadd.f32 v47, v41;
	v47 =	vld [tilespmem:s24+$0x10]  }
0x297: {  	v24 =	vld [tilespmem:s25+$0xE0];
	v28 =	vadd.f32 v29, v28;
	v29 =	vmul.f32 v52, v48;
	v36 =	vadd.f32 v61, v36  }
0x298: {  	v27 =	vld [tilespmem:s25+$0x1A0];
	v33 =	vmul.f32 v59, v48;
	v20 =	vadd.f32 v20, v30;
	v31 =	vadd.f32 v31, v34  }
0x299: {  	v30 =	vld [tilespmem:s25+$0xFFFFFE50];
	v34 =	vadd.f32 v58, v35;
	v23 =	vadd.f32 v23, v32;
	v35 =	vmul.f32 v60, v48  }
0x29a: {  	v29 =	vadd.f32 v29, v37;
	v37 =	vld [tilespmem:s24+$0x0];
	v32 =	vmul.f32 v63, v48;
	v26 =	vmul.f32 v26, v48  }
0x29b: {  	v10 =	vld [tilespmem:s25+$0x70];
	v40 =	vadd.f32 v62, v40;
	v17 =	vmul.f32 v17, v48;
	v8 =	vmul.f32 v8, v47  }
0x29c: {  	v55 =	vld [tilespmem:s25+$0xA0];
	v39 =	vadd.f32 v54, v39;
	v9 =	vmul.f32 v9, v47;
	v6 =	vmul.f32 v6, v47  }
0x29d: {  	v58 =	vld [tilespmem:s25+$0xFFFFFFE0];
	v33 =	vadd.f32 v33, v45;
	v11 =	vmul.f32 v11, v47;
	v5 =	vmul.f32 v5, v47  }
0x29e: {  	v57 =	vld [tilespmem:s25+$0x20];
	v35 =	vadd.f32 v35, v46;
	v4 =	vmul.f32 v4, v47;
	v30 =	vmul.f32 v30, v48  }
0x29f: {  	v60 =	vld [tilespmem:s25+$0xFFFFFF60];
	v32 =	vadd.f32 v32, v38;
	v14 =	vmul.f32 v14, v37;
	v18 =	vmul.f32 v18, v37  }
0x2a0: {  	v56 =	vld [tilespmem:s25+$0x60];
	v26 =	vadd.f32 v26, v42;
	v13 =	vmul.f32 v13, v37;
	v24 =	vmul.f32 v24, v37  }
0x2a1: {  	v50 =	vld [tilespmem:s25+$0xFFFFFEF0];
	v17 =	vadd.f32 v17, v43;
	v15 =	vmul.f32 v15, v37;
	v61 =	vmul.f32 v55, v37  }
0x2a2: {  	v59 =	vld [tilespmem:s25+$0xFFFFFFA0];
	v27 =	vmul.f32 v27, v37;
	v62 =	vmul.f32 v58, v37;
	v30 =	vadd.f32 v30, v44  }
0x2a3: {  	v49 =	vld [tilespmem:s25+$0xFFFFFF30];
	v63 =	vmul.f32 v57, v37;
	v14 =	vadd.f32 v14, v19;
	v18 =	vadd.f32 v18, v25  }
0x2a4: {  	v45 =	vld [tilespmem:s25+$0xFFFFFE20];
	v38 =	vmul.f32 v60, v37;
	v13 =	vadd.f32 v13, v16;
	v20 =	vadd.f32 v24, v20  }
0x2a5: {  	v46 =	vld [tilespmem:s25+$0xFFFFFDE0];
	v16 =	vmul.f32 v21, v37;
	v15 =	vadd.f32 v15, v22;
	v24 =	vadd.f32 v61, v31  }
0x2a6: {  	v48 =	vld [tilespmem:s25+$0x30];
	v22 =	vmul.f32 v56, v37;
	v23 =	vadd.f32 v27, v23;
	v29 =	vadd.f32 v62, v29  }
0x2a7: {  	v19 =	vld [tilespmem:s25+$0xFFFFFF20];
	v27 =	vmul.f32 v59, v37;
	v36 =	vadd.f32 v63, v36;
	v38 =	vadd.f32 v38, v40  }
0x2a8: {  	v7 =	vmul.f32 v7, v47;
	v25 =	vld [tilespmem:s25+$0xFFFFFEE0];
	v16 =	vadd.f32 v16, v28;
	v22 =	vadd.f32 v22, v34  }
0x2a9: {  	v10 =	vmul.f32 v10, v47;
	v21 =	vld [tilespmem:s25+$0xFFFFFEA0];
	v27 =	vadd.f32 v27, v39;
	v8 =	vadd.f32 v8, v14  }
0x2aa: {  	v31 =	vld [tilespmem:s25+$0xFFFFFE60];
	v34 =	vmul.f32 v45, v37;
	v9 =	vadd.f32 v9, v18;
	v13 =	vadd.f32 v6, v13  }
0x2ab: {  	v28 =	vld [tilespmem:s25+$0xFFFFFDA0];
	v6 =	vmul.f32 v12, v47;
	v12 =	vadd.f32 v11, v20;
	v5 =	vadd.f32 v5, v15  }
0x2ac: {  	v14 =	vld [tilespmem:s25+$0xFFFFFEB0];
	v7 =	vadd.f32 v7, v23;
	v18 =	vmul.f32 v48, v47;
	v33 =	vadd.f32 v34, v33  }
0x2ad: {  	v11 =	vld [tilespmem:s25+$0xFFFFFE70];
	v34 =	vmul.f32 v49, v47;
	v10 =	vadd.f32 v10, v22;
	v22 =	vmul.f32 v50, v47  }
0x2ae: {  	v15 =	vld [tilespmem:s25+$0xFFFFFE30];
	v20 =	vadd.f32 v6, v24;
	v53 =	vperm.xlane v7, v0;
	v25 =	vmul.f32 v25, v37  }
0x2af: {  	v6 =	vld [tilespmem:s25+$0xFFFFFDB0];
	v16 =	vadd.f32 v4, v16;
	v19 =	vmul.f32 v19, v37;
	v31 =	vmul.f32 v31, v37  }
0x2b0: {  	v21 =	vmul.f32 v21, v37;
	v18 =	vadd.f32 v18, v36;
	v52 =	vperm.xlane v20, v0  }
0x2b1: {  	v55 =	vperm.xlane v10, v0;
	v25 =	vadd.f32 v25, v26;
	v28 =	vmul.f32 v28, v37  }
0x2b2: {  	v19 =	vadd.f32 v19, v41;
	v30 =	vadd.f32 v31, v30;
	v31 =	vld [tilespmem:s25+$0xFFFFFFB0];
	v37 =	vmul.f32 v46, v37  }
0x2b3: {  	v26 =	vld [tilespmem:s25+$0xFFFFFFF0];
	v17 =	vadd.f32 v21, v17;
	v14 =	vmul.f32 v14, v47;
	v11 =	vmul.f32 v11, v47  }
0x2b4: {  	v15 =	vmul.f32 v15, v47;
	v21 =	vadd.f32 v28, v35;
	v6 =	vmul.f32 v6, v47  }
0x2b5: {  	v28 =	vld [tilespmem:s25+$0xFFFFFF70];
	v25 =	vadd.f32 v22, v25;
	v22 =	vperm.xlane v9, v0;
	v51 =	vadd.f32 v14, v17  }
0x2b6: {  	v14 =	vperm.xlane v12, v0;
	v17 =	vperm.xlane v16, v0;
	v30 =	vadd.f32 v11, v30  }
0x2b7: {  	v54 =	vadd.f32 v15, v33;
	v15 =	vperm.xlane v18, v0;
	v24 =	vmul.f32 v31, v47;
	v31 =	vld [tilespmem:s25+$0xFFFFFDF0]  }
0x2b8: {  	v21 =	vadd.f32 v6, v21;
	v59 =	vperm.xlane v51, v0;
	v26 =	vmul.f32 v26, v47  }
0x2b9: {  	v32 =	vadd.f32 v37, v32;
	v60 =	vperm.xlane v30, v0;
	v61 =	vperm.xlane v54, v0  }
0x2ba: {  	v62 =	vperm.xlane v21, v0;
	v28 =	vmul.f32 v28, v47;
	v23 =	vadd.f32 v26, v29  }
0x2bb: {  	v24 =	vadd.f32 v24, v27;
	v27 =	vadd.f32 v34, v19;
	v19 =	vperm.xlane v8, v0  }
0x2bc: {  	v29 =	vperm.xlane v13, v0;
	v28 =	vadd.f32 v28, v38;
	v26 =	vmul.f32 v31, v47  }
0x2bd: {  	v56 =	vperm.xlane v24, v0;
	v57 =	vperm.xlane v23, v0;
	v6 =	vadd.f32 v8, v19  }
0x2be: {  	v8 =	vadd.f32 v13, v29;
	v29 =	vperm.xlane v25, v0;
	v40 =	vadd.f32 v26, v32  }
0x2bf: {  	v31 =	vperm.xlane v5, v0;
	v58 =	vperm.xlane v28, v0  }
0x2c0: {  	[tilespmem:$0x1FC50] =	vst v2;
	v2 =	vmov v0;
	v26 =	vperm.xlane v27, v0;
	v63 =	vperm.xlane v40, v0;
	v0 =	vld [tilespmem:$0x1FF90];
	_ =	sdelay $0x4  }
0x2c1: {  	vm3 =	vmmov vm2;
	vm2 =	vnez.u8 v0;
	v0 =	vld [tilespmem:$0x1FFA0];
	_ =	sdelay $0x4  }
0x2c2: {  	vm5 =	vmmov vm4;
	vm4 =	vnez.u8 v0;
	v0 =	vld [tilespmem:$0x1FFB0];
	_ =	sdelay $0x4  }
0x2c3: {  	vm7 =	vmmov vm6;
	vm6 =	vnez.u8 v0;
	v0 =	vld [tilespmem:$0x1FFC0];
	_ =	sdelay $0x4  }
0x2c4: {  	vm9 =	vmmov vm8;
	vm8 =	vnez.u8 v0;
	v0 =	vld [tilespmem:$0x1FFD0];
	_ =	sdelay $0x2  }
0x2c5: {  	v9 =	vadd.f32 v9, v22;
	v21 =	vadd.f32 v21, v62  }
0x2c6: {  	vm11 =	vmmov vm10;
	v13 =	vadd.f32 v12, v14;
	v14 =	vadd.f32 v16, v17  }
0x2c7: {  	v16 =	vadd.f32 v20, v52;
	v17 =	vadd.f32 v7, v53;
	vm10 =	vnez.u8 v0;
	v0 =	vld [tilespmem:$0x1FFE0]  }
0x2c8: {  	v19 =	vadd.f32 v18, v15;
	v20 =	vadd.f32 v10, v55  }
0x2c9: {  	vm13 =	vmmov vm12;
	v12 =	vadd.f32 v51, v59;
	v15 =	vadd.f32 v30, v60  }
0x2ca: {  	vm15 =	vmmov vm14;
	v18 =	vadd.f32 v54, v61;
	v22 =	vadd.f32 v24, v56  }
0x2cb: {  	v10 =	vadd.f32 v25, v29;
	v29 =	vperm.xlane v13, v1;
	v30 =	vperm.xlane v16, v1  }
0x2cc: {  	v34 =	vperm.xlane v14, v1;
	v25 =	vperm.xlane v20, v1;
	vm12 =	vnez.u8 v0;
	v0 =	vld [tilespmem:$0x1FFF0]  }
0x2cd: {  	v23 =	vadd.f32 v23, v57;
	v35 =	vperm.xlane v17, v1;
	v36 =	vperm.xlane v19, v1  }
0x2ce: {  	v11 =	vadd.f32 v5, v31;
	v31 =	vperm.xlane v6, v1;
	v32 =	vperm.xlane v8, v1  }
0x2cf: {  	v7 =	vadd.f32 v28, v58;
	v28 =	vperm.xlane v9, v1;
	v37 =	vperm.xlane v22, v1  }
0x2d0: {  	v5 =	vadd.f32 v27, v26;
	v33 =	vperm.xlane v11, v1;
	v26 =	vperm.xlane v23, v1  }
0x2d1: {  	s28 =	simm.s32 $0x80;
	s26 =	simm.s32 $0x0;
	s29 =	smov.u32 s24;
	v48 =	vmovc v3;
	v3 =	vld [tilespmem:$0x1FF80];
	v27 =	vperm.xlane v7, v1;
	v24 =	vadd.f32 v40, v63;
	vm14 =	vnez.u8 v0  }
.LBB2_5:
0x2d2: {  	v38 =	vperm.xlane v5, v1;
	v6 =	vadd.f32 v6, v31  }
0x2d3: {  	v8 =	vadd.f32 v8, v32;
	v31 =	vperm.xlane v10, v1;
	v9 =	vadd.f32 v9, v28  }
0x2d4: {  	v11 =	vadd.f32 v11, v33;
	v28 =	vperm.xlane v12, v1;
	v13 =	vadd.f32 v13, v29  }
0x2d5: {  	v14 =	vadd.f32 v14, v34;
	v29 =	vperm.xlane v15, v1;
	v16 =	vadd.f32 v16, v30  }
0x2d6: {  	v17 =	vadd.f32 v17, v35;
	v30 =	vperm.xlane v18, v1;
	v19 =	vadd.f32 v19, v36  }
0x2d7: {  	v20 =	vadd.f32 v20, v25;
	v25 =	vperm.xlane v21, v1;
	v22 =	vadd.f32 v22, v37  }
0x2d8: {  	v23 =	vadd.f32 v23, v26;
	v26 =	vperm.xlane v24, v1;
	v7 =	vadd.f32 v7, v27  }
0x2d9: {  	v5 =	vadd.f32 v5, v38;
	v10 =	vadd.f32 v10, v31;
	v27 =	vperm.xlane v6, v3  }
0x2da: {  	v31 =	vperm.xlane v8, v3;
	v12 =	vadd.f32 v12, v28;
	v28 =	vperm.xlane v9, v3  }
0x2db: {  	v53 =	vperm.xlane v11, v3;
	v15 =	vadd.f32 v15, v29;
	v29 =	vperm.xlane v13, v3  }
0x2dc: {  	v54 =	vperm.xlane v14, v3;
	v18 =	vadd.f32 v18, v30;
	v30 =	vperm.xlane v16, v3  }
0x2dd: {  	v55 =	vperm.xlane v17, v3;
	v21 =	vadd.f32 v21, v25;
	v25 =	vperm.xlane v19, v3  }
0x2de: {  	v56 =	vperm.xlane v20, v3;
	v24 =	vadd.f32 v24, v26;
	v26 =	vperm.xlane v22, v3  }
0x2df: {  	v57 =	vperm.xlane v23, v3;
	v58 =	vperm.xlane v7, v3;
	v6 =	vadd.f32 v6, v27  }
0x2e0: {  	v8 =	vadd.f32 v8, v31;
	v27 =	vperm.xlane v5, v3;
	v9 =	vadd.f32 v9, v28  }
0x2e1: {  	v11 =	vadd.f32 v11, v53;
	v28 =	vperm.xlane v10, v3;
	v13 =	vadd.f32 v13, v29  }
0x2e2: {  	v14 =	vadd.f32 v14, v54;
	v29 =	vperm.xlane v12, v3;
	v16 =	vadd.f32 v16, v30  }
0x2e3: {  	v17 =	vadd.f32 v17, v55;
	v30 =	vperm.xlane v15, v3;
	v19 =	vadd.f32 v19, v25  }
0x2e4: {  	v20 =	vadd.f32 v20, v56;
	v25 =	vperm.xlane v21, v3;
	v22 =	vadd.f32 v22, v26  }
0x2e5: {  	v23 =	vadd.f32 v23, v57;
	v26 =	vperm.xlane v24, v3;
	v7 =	vadd.f32 v7, v58  }
0x2e6: {  	v0 =	vld [tilespmem:$0x1FF70];
	v5 =	vadd.f32 v5, v27;
	v21 =	vadd.f32 v21, v25;
	v25 =	vperm.xlane v18, v3  }
0x2e7: {  	v10 =	vadd.f32 v10, v28;
	v24 =	vadd.f32 v24, v26;
	v26 =	vperm.xlane v6, v48  }
0x2e8: {  	v27 =	vperm.xlane v8, v48;
	v28 =	vperm.xlane v11, v48;
	v12 =	vadd.f32 v12, v29  }
0x2e9: {  	v29 =	vperm.xlane v13, v48;
	v60 =	vperm.xlane v14, v48;
	v18 =	vadd.f32 v18, v25  }
0x2ea: {  	v15 =	vadd.f32 v15, v30;
	v31 =	vperm.xlane v21, v48;
	v59 =	vperm.xlane v24, v48  }
0x2eb: {  	vm0 =	vnez.u8 v0;
	v25 =	vperm.xlane v9, v48;
	v30 =	vperm.xlane v18, v48  }
0x2ec: {  	v21 =	vadd.f32 v21, v31;
	v24 =	vadd.f32 v24, v59;
	v31 =	vperm.xlane v15, v48  }
0x2ed: {  	v6 =	vadd.f32 v6, v26;
	v18 =	vadd.f32 v18, v30;
	v30 =	vperm.xlane v12, v48  }
0x2ee: {  	v21 =	vsel vm0, v21, v24;
	v15 =	vadd.f32 v15, v31;
	v24 =	vperm.xlane v10, v48  }
0x2ef: {  	v18 =	vsel vm2, v21, v18;
	v12 =	vadd.f32 v12, v30;
	v21 =	vperm.xlane v5, v48  }
0x2f0: {  	v10 =	vadd.f32 v10, v24;
	v15 =	vsel vm3, v18, v15;
	v18 =	vperm.xlane v7, v48  }
0x2f1: {  	v12 =	vsel vm4, v15, v12;
	v5 =	vadd.f32 v5, v21;
	v15 =	vperm.xlane v22, v48  }
0x2f2: {  	v10 =	vsel vm5, v12, v10;
	v7 =	vadd.f32 v7, v18;
	v12 =	vperm.xlane v23, v48  }
0x2f3: {  	v5 =	vsel vm6, v10, v5;
	v10 =	vadd.f32 v22, v15;
	v15 =	vperm.xlane v19, v48  }
0x2f4: {  	v5 =	vsel vm7, v5, v7;
	v7 =	vadd.f32 v23, v12;
	v12 =	vperm.xlane v20, v48  }
0x2f5: {  	v0 =	vld [tilespmem:$0x1FC50];
	v5 =	vsel vm8, v5, v10;
	v10 =	vadd.f32 v19, v15;
	v15 =	vperm.xlane v16, v48  }
0x2f6: {  	v5 =	vsel vm9, v5, v7;
	v7 =	vadd.f32 v20, v12;
	v12 =	vperm.xlane v17, v48  }
0x2f7: {  	v11 =	vadd.f32 v11, v28;
	v5 =	vsel vm10, v5, v10;
	v10 =	vadd.f32 v16, v15  }
0x2f8: {  	v5 =	vsel vm11, v5, v7;
	v7 =	vadd.f32 v13, v29;
	v12 =	vadd.f32 v17, v12  }
0x2f9: {  	v9 =	vadd.f32 v9, v25;
	v5 =	vsel vm12, v5, v10;
	v10 =	vadd.f32 v14, v60  }
0x2fa: {  	v5 =	vsel vm13, v5, v7;
	v7 =	vnsel vm0, $0x0, v12;
	vm0 =	vcmask $0x310  }
0x2fb: {  	v8 =	vadd.f32 v8, v27;
	v5 =	vsel vm14, v5, v9;
	v7 =	vsel vm0, v7, v10  }
0x2fc: {  	s30 =	sshra.s32 s26, $0x2;
	vm0 =	vcmask $0xB10;
	v5 =	vsel vm15, v5, v6;
	v6 =	vsel vm1, v7, v11  }
0x2fd: {  	v6 =	vsel vm0, v6, v8;
	[tilespmem:v0+s30+$0x0 ss:$0x1] =	vst.idx.msk $0xffff, v5  }
0x2fe: {  	s25 =	sadd.s32 $0x500, s25;
	[tilespmem:v0+s30+$0x10 ss:$0x1] =	vst.idx.msk $0xffff, v6  }
0x2ff: {  	v6 =	vld [tilespmem:s25+$0x270]  }
0x300: {  	v7 =	vld [tilespmem:s25+$0x170]  }
0x301: {  	v8 =	vld [tilespmem:s25+$0x230]  }
0x302: {  	v19 =	vld [tilespmem:s25+$0x260]  }
0x303: {  	v9 =	vld [tilespmem:s25+$0x130]  }
0x304: {  	v21 =	vld [tilespmem:s25+$0x160]  }
0x305: {  	v12 =	vld [tilespmem:s25+$0x1F0]  }
0x306: {  	v22 =	vld [tilespmem:s25+$0x220]  }
0x307: {  	v32 =	vld [tilespmem:s25+$0x240]  }
0x308: {  	v20 =	vld [tilespmem:s25+$0x250]  }
0x309: {  	v23 =	vld [tilespmem:s25+$0x120]  }
0x30a: {  	v61 =	vld [tilespmem:s25+$0x140]  }
0x30b: {  	v29 =	vld [tilespmem:s25+$0x150]  }
0x30c: {  	v16 =	vld [tilespmem:s25+$0x1B0]  }
0x30d: {  	v25 =	vld [tilespmem:s25+$0x1E0]  }
0x30e: {  	v62 =	vld [tilespmem:s25+$0x200]  }
0x30f: {  	v31 =	vld [tilespmem:s25+$0x210]  }
0x310: {  	v17 =	vld [tilespmem:s25+$0xB0]  }
0x311: {  	v26 =	vld [tilespmem:s25+$0xE0]  }
0x312: {  	v57 =	vld [tilespmem:s25+$0x100]  }
0x313: {  	v36 =	vld [tilespmem:s25+$0x110]  }
0x314: {  	v58 =	vld [tilespmem:s25+$0x1A0]  }
0x315: {  	v59 =	vld [tilespmem:s25+$0x1C0]  }
0x316: {  	v39 =	vld [tilespmem:s25+$0x1D0]  }
0x317: {  	v24 =	vld [tilespmem:s25+$0x70]  }
0x318: {  	v40 =	vld [tilespmem:s25+$0xA0]  }
0x319: {  	v41 =	vld [tilespmem:s25+$0xC0]  }
0x31a: {  	s29 =	sadd.s32 $0x40, s29;
	v43 =	vld [tilespmem:s25+$0x180]  }
0x31b: {  	v5 =	vld [tilespmem:s29+$0x10]  }
0x31c: {  	v27 =	vld [tilespmem:s25+$0x30]  }
0x31d: {  	v45 =	vld [tilespmem:s25+$0x60]  }
0x31e: {  	v46 =	vld [tilespmem:s25+$0x80]  }
0x31f: {  	v28 =	vld [tilespmem:s25+$0xFFFFFFF0]  }
0x320: {  	v30 =	vld [tilespmem:s25+$0xFFFFFFB0]  }
0x321: {  	v18 =	vld [tilespmem:s29+$0x0];
	v15 =	vmul.f32 v7, v5;
	v11 =	vmul.f32 v6, v5  }
0x322: {  	v47 =	vld [tilespmem:s25+$0x20];
	v14 =	vmul.f32 v9, v5;
	v10 =	vmul.f32 v8, v5  }
0x323: {  	v0 =	vld [tilespmem:s25+$0x40];
	v9 =	vmul.f32 v12, v5;
	v12 =	vmul.f32 v17, v5  }
0x324: {  	v49 =	vld [tilespmem:s25+$0x0];
	v8 =	vmul.f32 v16, v5;
	v4 =	vmul.f32 v27, v5  }
0x325: {  	v51 =	vld [tilespmem:s29+$0xFFFFFFE0];
	v17 =	vmul.f32 v24, v5;
	v16 =	vmul.f32 v28, v5  }
0x326: {  	v50 =	vld [tilespmem:s25+$0xFFFFFFC0];
	v24 =	vmul.f32 v19, v18;
	v28 =	vmul.f32 v23, v18  }
0x327: {  	v52 =	vld [tilespmem:s25+$0xFFFFFF80];
	v23 =	vmul.f32 v22, v18;
	v27 =	vmul.f32 v26, v18  }
0x328: {  	v53 =	vld [tilespmem:s25+$0xFFFFFF40];
	v22 =	vmul.f32 v25, v18;
	v26 =	vmul.f32 v40, v18  }
0x329: {  	v54 =	vld [tilespmem:s25+$0xFFFFFF00];
	v19 =	vmul.f32 v47, v18;
	v25 =	vmul.f32 v45, v18  }
0x32a: {  	v63 =	vld [tilespmem:s25+$0xFFFFFEC0];
	v33 =	vmul.f32 v61, v51;
	v32 =	vmul.f32 v32, v51  }
0x32b: {  	v60 =	vld [tilespmem:s25+$0xFFFFFE80];
	v35 =	vmul.f32 v57, v51;
	v34 =	vmul.f32 v62, v51  }
0x32c: {  	v55 =	vld [tilespmem:s25+$0xFFFFFD80];
	v41 =	vmul.f32 v41, v51;
	v38 =	vmul.f32 v59, v51  }
0x32d: {  	v56 =	vld [tilespmem:s25+$0xFFFFFDC0];
	v46 =	vmul.f32 v46, v51;
	v43 =	vmul.f32 v43, v51  }
0x32e: {  	v61 =	vld [tilespmem:s25+$0xFFFFFE40];
	v49 =	vmul.f32 v49, v51;
	v6 =	vmul.f32 v0, v51  }
0x32f: {  	v62 =	vld [tilespmem:s25+$0xFFFFFE00];
	v52 =	vmul.f32 v52, v51;
	v50 =	vmul.f32 v50, v51  }
0x330: {  	v57 =	vld [tilespmem:s29+$0xFFFFFFF0];
	v7 =	vmul.f32 v54, v51;
	v53 =	vmul.f32 v53, v51  }
0x331: {  	v42 =	vld [tilespmem:s25+$0xD0];
	v40 =	vmul.f32 v60, v51;
	v37 =	vmul.f32 v63, v51  }
0x332: {  	v44 =	vld [tilespmem:s25+$0x190];
	v55 =	vmul.f32 v55, v51;
	[tilespmem:$0x1FC30] =	vst v4;
	v4 =	vmul.f32 v30, v5  }
0x333: {  	v59 =	vld [tilespmem:s25+$0x50];
	v30 =	vmul.f32 v21, v18;
	v21 =	vmul.f32 v58, v18  }
0x334: {  	v60 =	vld [tilespmem:s25+$0x10];
	v47 =	vmul.f32 v62, v51;
	v45 =	vmul.f32 v61, v51  }
0x335: {  	v0 =	vld [tilespmem:s25+$0xFFFFFE90];
	v51 =	vmul.f32 v56, v51;
	v29 =	vmul.f32 v29, v57  }
0x336: {  	v54 =	vmov v1;
	v1 =	vld [tilespmem:s25+$0xFFFFFE50];
	v20 =	vmul.f32 v20, v57;
	v36 =	vmul.f32 v36, v57  }
0x337: {  	v58 =	vld [tilespmem:s25+$0x90];
	v31 =	vmul.f32 v31, v57;
	v42 =	vmul.f32 v42, v57  }
0x338: {  	v63 =	vld [tilespmem:s25+$0xFFFFFF10];
	v39 =	vmul.f32 v39, v57;
	v44 =	vmul.f32 v44, v57  }
0x339: {  	v60 =	vmul.f32 v60, v57;
	v59 =	vmul.f32 v59, v57;
	v29 =	vadd.f32 v29, v33  }
0x33a: {  	v0 =	vmul.f32 v0, v57;
	v35 =	vadd.f32 v36, v35;
	v20 =	vadd.f32 v20, v32  }
0x33b: {  	v13 =	vld [tilespmem:s25+$0xF0];
	v1 =	vmul.f32 v1, v57;
	v41 =	vadd.f32 v42, v41;
	v31 =	vadd.f32 v31, v34  }
0x33c: {  	[tilespmem:$0x1FC40] =	vst v4;
	v4 =	vld [tilespmem:s25+$0xFFFFFED0];
	v58 =	vmul.f32 v58, v57;
	v38 =	vadd.f32 v39, v38;
	v43 =	vadd.f32 v44, v43  }
0x33d: {  	v56 =	vld [tilespmem:s25+$0xFFFFFFD0];
	v36 =	vmul.f32 v63, v57;
	v49 =	vadd.f32 v60, v49;
	v1 =	vadd.f32 v1, v45  }
0x33e: {  	v61 =	vld [tilespmem:s25+$0xFFFFFF90];
	v0 =	vadd.f32 v0, v40;
	v42 =	vadd.f32 v58, v46  }
0x33f: {  	v62 =	vld [tilespmem:s25+$0xFFFFFF50];
	v46 =	vadd.f32 v59, v6;
	v36 =	vadd.f32 v36, v7  }
0x340: {  	v33 =	vld [tilespmem:s25+$0xFFFFFE10];
	v29 =	vadd.f32 v30, v29;
	v28 =	vadd.f32 v28, v35  }
0x341: {  	v32 =	vld [tilespmem:s25+$0xFFFFFD90];
	v20 =	vadd.f32 v24, v20;
	v27 =	vadd.f32 v27, v41  }
0x342: {  	v34 =	vld [tilespmem:s25+$0xFFFFFDD0];
	v4 =	vmul.f32 v4, v57;
	v23 =	vadd.f32 v23, v31;
	v22 =	vadd.f32 v22, v38  }
0x343: {  	v39 =	vld [tilespmem:s25+$0xFFFFFFE0];
	v21 =	vadd.f32 v21, v43;
	v19 =	vadd.f32 v19, v49  }
0x344: {  	v13 =	vmul.f32 v13, v5;
	v63 =	vld [tilespmem:s25+$0xFFFFFFA0];
	v4 =	vadd.f32 v4, v37;
	v26 =	vadd.f32 v26, v42  }
0x345: {  	v60 =	vld [tilespmem:s25+$0xFFFFFEE0];
	v61 =	vmul.f32 v61, v57;
	v25 =	vadd.f32 v25, v46;
	v15 =	vadd.f32 v15, v29  }
0x346: {  	v58 =	vld [tilespmem:s25+$0xFFFFFF60];
	v56 =	vmul.f32 v56, v57;
	v14 =	vadd.f32 v14, v28;
	v11 =	vadd.f32 v11, v20  }
0x347: {  	v59 =	vld [tilespmem:s25+$0xFFFFFF20];
	v62 =	vmul.f32 v62, v57;
	v13 =	vadd.f32 v13, v27;
	v10 =	vadd.f32 v10, v23  }
0x348: {  	v30 =	vld [tilespmem:s25+$0xFFFFFE20];
	v22 =	vadd.f32 v9, v22;
	v6 =	vadd.f32 v56, v50;
	v33 =	vmul.f32 v33, v57  }
0x349: {  	v24 =	vld [tilespmem:s25+$0xFFFFFDA0];
	v50 =	vadd.f32 v62, v53;
	v52 =	vadd.f32 v61, v52;
	v32 =	vmul.f32 v32, v57  }
0x34a: {  	v41 =	vld [tilespmem:s25+$0xFFFFFE30];
	v34 =	vmul.f32 v34, v57;
	v39 =	vmul.f32 v39, v18;
	v12 =	vadd.f32 v12, v26  }
0x34b: {  	v49 =	vld [tilespmem:s25+$0xFFFFFDB0];
	v44 =	vmul.f32 v63, v18;
	v25 =	vadd.f32 v17, v25;
	v17 =	vadd.f32 v8, v21  }
0x34c: {  	v31 =	vld [tilespmem:s25+$0xFFFFFDE0];
	v56 =	vmul.f32 v60, v18;
	v32 =	vadd.f32 v32, v55;
	v33 =	vadd.f32 v33, v47  }
0x34d: {  	v61 =	vld [tilespmem:s25+$0xFFFFFEA0];
	v34 =	vadd.f32 v34, v51;
	v63 =	vmul.f32 v58, v18;
	v55 =	vmul.f32 v59, v18  }
0x34e: {  	v62 =	vld [tilespmem:s25+$0xFFFFFE60];
	v39 =	vadd.f32 v39, v6;
	v30 =	vmul.f32 v30, v18;
	v44 =	vadd.f32 v44, v52  }
0x34f: {  	v60 =	vld [tilespmem:s25+$0xFFFFFF30];
	v24 =	vmul.f32 v24, v18;
	v4 =	vadd.f32 v56, v4;
	v9 =	vmul.f32 v41, v5  }
0x350: {  	v58 =	vld [tilespmem:s25+$0xFFFFFF70];
	v8 =	vmul.f32 v49, v5;
	v52 =	vperm.xlane v17, v2;
	v35 =	vadd.f32 v55, v36  }
0x351: {  	v6 =	vld [tilespmem:$0x1FC30];
	v24 =	vadd.f32 v24, v32;
	v21 =	vadd.f32 v16, v39;
	v16 =	vperm.xlane v11, v2  }
0x352: {  	v30 =	vadd.f32 v30, v33;
	v55 =	vperm.xlane v25, v2;
	v57 =	vmul.f32 v61, v18  }
0x353: {  	v59 =	vmul.f32 v62, v18;
	v61 =	vld [tilespmem:s25+$0xFFFFFEF0];
	v62 =	vadd.f32 v63, v50;
	v17 =	vadd.f32 v17, v52  }
0x354: {  	v63 =	vld [tilespmem:s25+$0xFFFFFEB0];
	v18 =	vmul.f32 v31, v18;
	v53 =	vadd.f32 v9, v30;
	v24 =	vadd.f32 v8, v24  }
0x355: {  	v31 =	vld [tilespmem:s25+$0xFFFFFE70];
	v50 =	vmul.f32 v60, v5;
	v8 =	vadd.f32 v11, v16;
	v0 =	vadd.f32 v57, v0  }
0x356: {  	v29 =	vld [tilespmem:s25+$0xFFFFFDF0];
	v47 =	vmul.f32 v58, v5;
	v7 =	vadd.f32 v6, v19;
	v19 =	vperm.xlane v14, v2  }
0x357: {  	v28 =	vadd.f32 v50, v35;
	v57 =	vperm.xlane v21, v2;
	v35 =	vperm.xlane v17, v54  }
0x358: {  	v1 =	vadd.f32 v59, v1;
	v6 =	vld [tilespmem:$0x1FC40];
	v32 =	vperm.xlane v8, v54;
	v30 =	vperm.xlane v7, v2  }
0x359: {  	v26 =	vadd.f32 v47, v62;
	v62 =	vperm.xlane v24, v2;
	v51 =	vmul.f32 v61, v5  }
0x35a: {  	v18 =	vadd.f32 v18, v34;
	v20 =	vmul.f32 v63, v5;
	v23 =	vmul.f32 v31, v5  }
0x35b: {  	v9 =	vadd.f32 v14, v19;
	v5 =	vmul.f32 v29, v5;
	v29 =	vperm.xlane v10, v2  }
0x35c: {  	v31 =	vperm.xlane v22, v2;
	v61 =	vperm.xlane v53, v2;
	v19 =	vadd.f32 v7, v30  }
0x35d: {  	v27 =	vadd.f32 v6, v44;
	v6 =	vperm.xlane v15, v2;
	v4 =	vadd.f32 v51, v4  }
0x35e: {  	v0 =	vadd.f32 v20, v0;
	v20 =	vperm.xlane v13, v2;
	v1 =	vadd.f32 v23, v1  }
0x35f: {  	v23 =	vperm.xlane v12, v2;
	v58 =	vadd.f32 v5, v18;
	v5 =	vperm.xlane v28, v2  }
0x360: {  	v18 =	vperm.xlane v26, v2;
	v11 =	vadd.f32 v10, v29;
	v36 =	vperm.xlane v19, v54  }
0x361: {  	v14 =	vadd.f32 v22, v31;
	v56 =	vperm.xlane v27, v2;
	v59 =	vperm.xlane v4, v2  }
0x362: {  	v6 =	vadd.f32 v15, v6;
	v15 =	vperm.xlane v0, v2;
	v13 =	vadd.f32 v13, v20  }
0x363: {  	v60 =	vperm.xlane v1, v2;
	v16 =	vadd.f32 v12, v23;
	v20 =	vadd.f32 v25, v55  }
0x364: {  	v63 =	vperm.xlane v58, v2;
	v23 =	vadd.f32 v21, v57;
	v5 =	vadd.f32 v28, v5  }
0x365: {  	p0 =	sne.s32 s28, $0x780;
	v7 =	vadd.f32 v26, v18;
	v28 =	vperm.xlane v9, v54;
	v33 =	vperm.xlane v11, v54  }
.Ltmp1:
0x366: {  	v34 =	vperm.xlane v14, v54;
	v18 =	vadd.f32 v53, v61;
	v21 =	vadd.f32 v24, v62;
	(pc) =	sbr.rel @p0 .LBB2_5-.Ltmp1, $4  }
0x367: {  	v22 =	vadd.f32 v27, v56;
	v31 =	vperm.xlane v6, v54;
	v10 =	vadd.f32 v4, v59  }
0x368: {  	v12 =	vadd.f32 v0, v15;
	v29 =	vperm.xlane v13, v54;
	v30 =	vperm.xlane v16, v54  }
0x369: {  	v15 =	vadd.f32 v1, v60;
	v25 =	vperm.xlane v20, v54;
	v26 =	vperm.xlane v23, v54  }
0x36a: {  	s26 =	smov.u32 s28;
	s28 =	sadd.s32 $0x80, s28;
	v1 =	vmovc v54;
	v24 =	vadd.f32 v58, v63;
	v27 =	vperm.xlane v7, v54;
	v37 =	vperm.xlane v22, v54  }
0x36b: {  	v0 =	vperm.xlane v5, v1;
	v1 =	vadd.f32 v6, v31  }
0x36c: {  	v4 =	vadd.f32 v8, v32;
	v62 =	vperm.xlane v10, v54;
	v63 =	vadd.f32 v9, v28  }
0x36d: {  	v38 =	vadd.f32 v11, v33;
	v39 =	vperm.xlane v12, v54;
	v13 =	vadd.f32 v13, v29  }
0x36e: {  	v14 =	vadd.f32 v14, v34;
	v40 =	vperm.xlane v15, v54;
	v16 =	vadd.f32 v16, v30  }
0x36f: {  	v17 =	vadd.f32 v17, v35;
	v41 =	vperm.xlane v18, v54;
	v19 =	vadd.f32 v19, v36  }
0x370: {  	v20 =	vadd.f32 v20, v25;
	v42 =	vperm.xlane v21, v54;
	v23 =	vadd.f32 v23, v26  }
0x371: {  	v22 =	vadd.f32 v22, v37;
	v43 =	vperm.xlane v24, v54;
	v0 =	vadd.f32 v5, v0  }
0x372: {  	v5 =	vadd.f32 v7, v27;
	v6 =	vadd.f32 v10, v62;
	v44 =	vperm.xlane v1, v3  }
0x373: {  	v45 =	vperm.xlane v4, v3;
	v11 =	vadd.f32 v12, v39;
	v46 =	vperm.xlane v63, v3  }
0x374: {  	v47 =	vperm.xlane v38, v3;
	v15 =	vadd.f32 v15, v40;
	v49 =	vperm.xlane v13, v3  }
0x375: {  	v50 =	vperm.xlane v14, v3;
	v18 =	vadd.f32 v18, v41;
	v51 =	vperm.xlane v16, v3  }
0x376: {  	v52 =	vperm.xlane v17, v3;
	v21 =	vadd.f32 v21, v42;
	v53 =	vperm.xlane v19, v3  }
0x377: {  	v55 =	vperm.xlane v20, v3;
	v57 =	vperm.xlane v23, v3;
	v24 =	vadd.f32 v24, v43  }
0x378: {  	v56 =	vperm.xlane v22, v3;
	v58 =	vperm.xlane v5, v3;
	v1 =	vadd.f32 v1, v44  }
0x379: {  	v4 =	vadd.f32 v4, v45;
	v59 =	vperm.xlane v0, v3;
	v8 =	vadd.f32 v63, v46  }
0x37a: {  	v9 =	vadd.f32 v38, v47;
	v60 =	vperm.xlane v6, v3;
	v61 =	vadd.f32 v13, v49  }
0x37b: {  	v13 =	vadd.f32 v14, v50;
	v62 =	vperm.xlane v11, v3;
	v16 =	vadd.f32 v16, v51  }
0x37c: {  	v17 =	vadd.f32 v17, v52;
	v63 =	vperm.xlane v15, v3;
	v19 =	vadd.f32 v19, v53  }
0x37d: {  	v20 =	vadd.f32 v20, v55;
	v30 =	vperm.xlane v21, v3;
	v23 =	vadd.f32 v23, v57  }
0x37e: {  	v33 =	vperm.xlane v18, v3;
	v22 =	vadd.f32 v22, v56;
	v0 =	vadd.f32 v0, v59  }
0x37f: {  	v31 =	vperm.xlane v24, v3;
	v5 =	vadd.f32 v5, v58;
	v32 =	vadd.f32 v21, v30  }
0x380: {  	v6 =	vadd.f32 v6, v60;
	v35 =	vperm.xlane v1, v48;
	v36 =	vperm.xlane v4, v48  }
0x381: {  	v3 =	vld [tilespmem:$0x1FF70];
	v37 =	vperm.xlane v8, v48;
	v38 =	vperm.xlane v9, v48;
	v34 =	vadd.f32 v24, v31  }
0x382: {  	v18 =	vadd.f32 v18, v33;
	v42 =	vperm.xlane v61, v48;
	v45 =	vperm.xlane v13, v48  }
0x383: {  	v15 =	vadd.f32 v15, v63;
	v39 =	vperm.xlane v32, v48;
	v40 =	vperm.xlane v34, v48  }
0x384: {  	v11 =	vadd.f32 v11, v62;
	v52 =	vperm.xlane v23, v48;
	v41 =	vperm.xlane v18, v48  }
0x385: {  	v43 =	vperm.xlane v15, v48;
	v7 =	vadd.f32 v32, v39;
	v10 =	vadd.f32 v34, v40  }
0x386: {  	v44 =	vperm.xlane v11, v48;
	v18 =	vadd.f32 v18, v41;
	vm0 =	vnez.u8 v3  }
0x387: {  	v47 =	vperm.xlane v6, v48;
	v46 =	vadd.f32 v15, v43;
	v7 =	vsel vm0, v7, v10  }
0x388: {  	v49 =	vperm.xlane v0, v48;
	v11 =	vadd.f32 v11, v44;
	v7 =	vsel vm2, v7, v18  }
0x389: {  	v50 =	vperm.xlane v5, v48;
	v6 =	vadd.f32 v6, v47;
	v7 =	vsel vm3, v7, v46  }
0x38a: {  	v51 =	vperm.xlane v22, v48;
	v0 =	vadd.f32 v0, v49;
	v7 =	vsel vm4, v7, v11  }
0x38b: {  	v55 =	vperm.xlane v19, v48;
	v5 =	vadd.f32 v5, v50;
	v6 =	vsel vm5, v7, v6  }
0x38c: {  	v56 =	vperm.xlane v20, v48;
	v53 =	vadd.f32 v22, v51;
	v0 =	vsel vm6, v6, v0  }
0x38d: {  	v58 =	vperm.xlane v16, v48;
	v0 =	vsel vm7, v0, v5;
	v5 =	vadd.f32 v23, v52  }
0x38e: {  	v59 =	vperm.xlane v17, v48;
	v57 =	vadd.f32 v19, v55;
	v0 =	vsel vm8, v0, v53  }
0x38f: {  	v60 =	vadd.f32 v16, v58;
	v0 =	vsel vm9, v0, v5;
	v5 =	vadd.f32 v20, v56  }
0x390: {  	v1 =	vadd.f32 v1, v35;
	v62 =	vadd.f32 v13, v45;
	v3 =	vld [tilespmem:$0x1FC50];
	v0 =	vsel vm10, v0, v57  }
0x391: {  	v7 =	vadd.f32 v17, v59;
	v0 =	vsel vm11, v0, v5;
	v5 =	vadd.f32 v61, v42  }
0x392: {  	v63 =	vadd.f32 v9, v38;
	v61 =	vadd.f32 v8, v37;
	v0 =	vsel vm12, v0, v60  }
0x393: {  	s22 =	sadd.s32 $0x1, s22;
	vm2 =	vcmask $0x310;
	v0 =	vsel vm13, v0, v5;
	v5 =	vnsel vm0, $0x0, v7  }
0x394: {  	p0 =	sne.s32 s22, $0x20;
	v4 =	vadd.f32 v4, v36;
	v0 =	vsel vm14, v0, v61;
	v5 =	vsel vm2, v5, v62  }
.Ltmp2:
0x395: {  	vm0 =	vcmask $0xB10;
	v0 =	vsel vm15, v0, v1;
	v1 =	vsel vm1, v5, v63;
	(pc) =	sbr.rel @p0 .LBB2_4-.Ltmp2, $4  }
0x396: {  	v1 =	vsel vm0, v1, v4  }
0x397: {  	s25 =	sshra.s32 s26, $0x2;
	vm4 =	vmmov vm5;
	vm6 =	vmmov vm7  }
0x398: {  	vm8 =	vmmov vm9;
	vm10 =	vmmov vm11;
	vm12 =	vmmov vm13;
	[tilespmem:v3+s25+$0x0 ss:$0x1] =	vst.idx.msk $0xffff, v0  }
0x399: {  	s23 =	sadd.s32 $0x200, s23;
	s24 =	sadd.s32 $0x400, s24;
	vm2 =	vmmov vm3;
	vm14 =	vmmov vm15;
	[tilespmem:v3+s25+$0x10 ss:$0x1] =	vst.idx.msk $0xffff, v1;
	v3 =	vmovc v48;
	v0 =	vmovc v2;
	v1 =	vmov v54  }
0x39a: {  	[hbm4b:s8+s2] =	stream.linear.scatter [tilespmem:s19], [sflag:$0x2], $0x200, $0x38;
	[tilespmem:$0x1BE00] =	vst v63  }
0x39b: {  	_ =	swait.ge [sflag:s11], $0x200  }
0x39c: {  	[sflag:s11] =	ssyncset.done $0x0  }
0x39d: {  	[sflag:s11] =	ssyncadd.s32 $0xFFFFFE00  }
0x39e: {  	[hbm4b:s9+s2] =	stream.linear.scatter [tilespmem:s20], [sflag:$0x2], $0x4000, $0x38;
	[tilespmem:$0x1BE00] =	vst v63  }
0x39f: {  	_ =	swait.ge [sflag:s11], $0x4000  }
0x3a0: {  	v4 =	vld [tilespmem:$0x1FF90];
	_ =	sdelay $0x4  }
0x3a1: {  	vm15 =	vmmov vm1;
	vm1 =	vnez.u8 v4;
	v4 =	vld [tilespmem:$0x1FFA0];
	_ =	sdelay $0x4  }
0x3a2: {  	vm3 =	vnez.u8 v4;
	v4 =	vld [tilespmem:$0x1FFB0];
	_ =	sdelay $0x4  }
0x3a3: {  	vm5 =	vnez.u8 v4;
	v4 =	vld [tilespmem:$0x1FFC0];
	_ =	sdelay $0x4  }
0x3a4: {  	vm7 =	vnez.u8 v4;
	v4 =	vld [tilespmem:$0x1FFD0];
	_ =	sdelay $0x4  }
0x3a5: {  	vm9 =	vnez.u8 v4;
	v4 =	vld [tilespmem:$0x1FFE0];
	_ =	sdelay $0x3  }
0x3a6: {  	s21 =	sadd.s32 $0x1, s21  }
0x3a7: {  	p0 =	sne.s32 s21, s10;
	vm11 =	vnez.u8 v4;
	v4 =	vld [tilespmem:$0x1FFF0]  }
.Ltmp3:
0x3a8: {  	_ = 	snop;
	(pc) =	sbr.rel @p0 .LBB2_1-.Ltmp3, $3  }
0x3a9: {  	_ =	sdelay $0x1  }
0x3aa: {  	[sflag:s11] =	ssyncset.done $0x0  }
0x3ab: {  	v2 =	vld [tilespmem:$0x1FF80];
	[sflag:s11] =	ssyncadd.s32 $0xFFFFC000;
	vm13 =	vnez.u8 v4  }
0x3ac: {  	_ =	sfence.sel $0x180000  }
0x3ad: {  	[bflag:$0x0] =	sbarrier.arrive $0xFFFF  }
0x3ae: {  	p0 =	sne.s32 s0, $0x0;
	_ =	strace $0x90000047  }
0x3af: {  	s0 =	sadd.s32 @!p0 $0x100000, s1;
	[bflag:$0x2] =	sbarrier.arrive $0xFFFF  }
0x3b0: {  	[sflag:s0] =	ssyncadd.tile.s32 @!p0 $0x1;
	_ =	shalt  }
.Lfunc_end2:
_tile_overlayer_lowered:
.L_overlay_start_2:
0x3b1: {  	(tag) =	ssettag $0x2  }
0x3b2: {  	s0 =	rddreg [dreg:$0x0];
	s2 =	stileid.u32  }
0x3b3: {  	s1 =	rddreg [dreg:$0x1];
	p0 =	sne.s32 s2, $0x0  }
0x3b4: {  	s3 =	rddreg [dreg:$0x2];
	[bflag:$0x3] =	sbarrier.arrive $0xFFFF;
	s2 =	simm.s32 @!p0 $0x1C02  }
0x3b5: {  	[timem:s3], [sflag:s2] =	dma.local @!p0 [hbm:s0], s1  }
0x3b6: {  	s0 =	simm.s32 @!p0 $0x2  }
0x3b7: {  	_ =	swait.ge @!p0 [sflag:s0], s1  }
0x3b8: {  	s1 =	ssub.s32 @!p0 $0x0, s1;
	[sflag:s0] =	ssyncset.done @!p0 $0x0  }
0x3b9: {  	[sflag:s0] =	ssyncadd.s32 @!p0 s1  }
0x3ba: {  	[bflag:$0x3] =	sbarrier.arrive $0xFFFF  }
0x3bb: {  	_ =	shalt  }

</sc_bundles>
